<compile_context>
chip_gen: v7x
topology: tpu7x:2x2x1
jax: 0.10.2.dev20260603
libtpu: 0.0.44.dev20260713+nightly
codegen_flags: <defaults>
</compile_context>

<pallas_src>
import functools

import jax
import jax.numpy as jnp
from jax import lax
from jax.experimental import pallas as pl
from jax.experimental.pallas import tpu as pltpu
from jax.experimental.pallas import tpu_sc as plsc

B = 16384
D = 128
NC = 2
NS = 16
L = 16
NW = NC * NS
BPW = B // NW
CH = 64
NCHUNK = BPW // CH


@functools.cache
def _build_sc_scores():
  mesh = plsc.VectorSubcoreMesh(core_axis_name="c", subcore_axis_name="s")

  @functools.partial(
    pl.kernel,
    mesh=mesh,
    out_type=jax.ShapeDtypeStruct((NW, BPW, L), jnp.float32),
    compiler_params=pltpu.CompilerParams(use_tc_tiling_on_sc=False),
    scratch_types=[
        pltpu.VMEM((3, NCHUNK, CH), jnp.int32),
        pltpu.VMEM((CH, D), jnp.float32),
        pltpu.VMEM((CH, D), jnp.float32),
        pltpu.VMEM((CH, D), jnp.float32),
        pltpu.VMEM((CH, D), jnp.float32),
        pltpu.VMEM((CH, D), jnp.float32),
        pltpu.VMEM((CH, D), jnp.float32),
        pltpu.VMEM((CH, D), jnp.float32),
        pltpu.VMEM((CH, D), jnp.float32),
        pltpu.VMEM((CH, D), jnp.float32),
        pltpu.VMEM((CH, D), jnp.float32),
        pltpu.VMEM((BPW, L), jnp.float32),
        pltpu.SemaphoreType.DMA,
        pltpu.SemaphoreType.DMA,
    ],
  )
  def _sc_scores(idx_hbm, re_ent, im_ent, rel, out_hbm,
                 iv,
                 rh0, ih0, rt0, it0, rr0,
                 rh1, ih1, rt1, it1, rr1,
                 outv, sem0, sem1):
    wid = lax.axis_index("s") * NC + lax.axis_index("c")
    bufs = ((rh0, ih0, rt0, it0, rr0), (rh1, ih1, rt1, it1, rr1))
    sems = (sem0, sem1)

    pltpu.sync_copy(idx_hbm.at[wid], iv)

    def start(c):
        rh, ih, rt, it, rr = bufs[c % 2]
        sem = sems[c % 2]
        hs, rs, ts = iv.at[0, c], iv.at[1, c], iv.at[2, c]
        return [
            pltpu.async_copy(re_ent.at[hs], rh, sem),
            pltpu.async_copy(im_ent.at[hs], ih, sem),
            pltpu.async_copy(re_ent.at[ts], rt, sem),
            pltpu.async_copy(im_ent.at[ts], it, sem),
            pltpu.async_copy(rel.at[rs], rr, sem),
        ]

    def compute(c):
        rh, ih, rt, it, rr = bufs[c % 2]

        def body(cc, carry):
            acc = [jnp.zeros((L,), jnp.float32), jnp.zeros((L,), jnp.float32)]
            for j in range(D // L):
                sl = pl.ds(j * L, L)
                rhv = rh[cc, sl]
                ihv = ih[cc, sl]
                rtv = rt[cc, sl]
                itv = it[cc, sl]
                rrv = rr[cc, sl]
                acc[j % 2] = acc[j % 2] + rrv * (
                    (rhv - ihv) * rtv + (rhv + ihv) * itv)
            outv[c * CH + cc, :] = acc[0] + acc[1]
            return carry

        lax.fori_loop(0, CH, body, 0)

    pending = start(0)
    for c in range(NCHUNK):
        nxt = start(c + 1) if c + 1 < NCHUNK else None
        for cp in pending:
            cp.wait()
        compute(c)
        pending = nxt

    pltpu.sync_copy(outv, out_hbm.at[wid])

  return _sc_scores


def _bce_body(s_ref, t_ref, o_ref):
    p = s_ref[...]
    grp = (jax.lax.broadcasted_iota(jnp.int32, (D, 8), 0) // L
           == jax.lax.broadcasted_iota(jnp.int32, (D, 8), 1))
    s = jnp.dot(p, grp.astype(jnp.float32),
                preferred_element_type=jnp.float32)
    x = jnp.clip(-s, 0.0, 1.0)
    bce = jnp.maximum(x, 0.0) - x * t_ref[...] + jnp.log1p(jnp.exp(-jnp.abs(x)))
    o_ref[0, 0] = jnp.sum(bce) * (1.0 / B)


_bce_call = pl.pallas_call(
    _bce_body,
    out_shape=jax.ShapeDtypeStruct((1, 1), jnp.float32),
    out_specs=pl.BlockSpec(memory_space=pltpu.SMEM),
)


def kernel(triples, re_ent, im_ent, re_rel, im_rel):
    del im_rel
    idx = triples[:, :3].T.reshape(3, NW, NCHUNK, CH).transpose(1, 0, 2, 3)
    tgt = triples[:, 3].astype(jnp.float32).reshape(B // 8, 8)
    partials = _build_sc_scores()(idx, re_ent, im_ent, re_rel)
    loss = _bce_call(partials.reshape(B // 8, D), tgt)
    return loss[0, 0]

# --- scband reference (transcript-rebuilt; emitter-appended) ---
"""Pipeline reference for scband-complex-59622736003795 (READ-ONLY COPY).

The authoritative reference and input builder live on the scoring server;
editing this copy changes nothing except your own understanding.
"""

import jax, jax.numpy as jnp
import numpy as np

DIM = 128
ENT_NUM = 100000
REL_NUM = 1000
BATCH = 16384

def _xavier_uniform(key, shape):
    fan_in, fan_out = shape[0], shape[1]
    lim = float(np.sqrt(6.0 / (fan_in + fan_out)))
    return jax.random.uniform(key, shape, dtype=jnp.float32, minval=-lim, maxval=lim)

def setup_inputs(seed: int = 0) -> dict:
    key = jax.random.key(seed)
    k0, k1, k2, k3, k4 = jax.random.split(key, 5)
    triples = jax.random.randint(k0, (BATCH, 4), 0, 1000, dtype=jnp.int64) if jax.config.jax_enable_x64 else jax.random.randint(k0, (BATCH, 4), 0, 1000).astype(jnp.int32)
    re_ent = _xavier_uniform(k1, (ENT_NUM + 1, DIM))
    im_ent = _xavier_uniform(k2, (ENT_NUM + 1, DIM))
    re_rel = _xavier_uniform(k3, (REL_NUM + 1, DIM))
    im_rel = _xavier_uniform(k4, (REL_NUM + 1, DIM))
    return {"triples": triples, "re_ent": re_ent, "im_ent": im_ent, "re_rel": re_rel, "im_rel": im_rel}

def reference(triples, re_ent, im_ent, re_rel, im_rel):
    # triples: [B, 4] -> transpose to [4, B]
    t = jnp.transpose(triples, (1, 0))
    head_idx = t[0]
    rel_idx = t[1]
    tail_idx = t[2]
    target = t[3].astype(jnp.float32)
    # score (faithful to original, including the im_rel = re_rel(rel_idx) quirk)
    re_head = jnp.take(re_ent, head_idx, axis=0)
    im_head = jnp.take(im_ent, head_idx, axis=0)
    re_rel_e = jnp.take(re_rel, rel_idx, axis=0)
    im_rel_e = jnp.take(re_rel, rel_idx, axis=0)  # original code uses re_rel here too
    re_tail = jnp.take(re_ent, tail_idx, axis=0)
    im_tail = jnp.take(im_ent, tail_idx, axis=0)
    pred = -jnp.sum(
        re_head * re_tail * re_rel_e
        + im_head * im_tail * re_rel_e
        + re_head * im_tail * im_rel_e
        - im_head * re_tail * im_rel_e,
        axis=-1,
    )
    # pointwise_bce: BCEWithLogitsLoss(clamp(pred, 0, 1), target)
    x = jnp.clip(pred, 0.0, 1.0)
    bce = jnp.maximum(x, 0.0) - x * target + jnp.log1p(jnp.exp(-jnp.abs(x)))
    loss = jnp.mean(bce)
    return loss

if __name__ == "__main__":
    import jax
    _d = setup_inputs()
    print(jax.jit(kernel)(*tuple(_d.values())))

</pallas_src>

<mosaic_0001>
#map = affine_map<(d0, d1) -> (0, 0, 0, 0)>
#map1 = affine_map<(d0, d1) -> (0, 0)>
#map2 = affine_map<(d0, d1) -> (0, 0, 0)>
module attributes {stable_mosaic.version = 14 : i64} {
  func.func @_sc_scores(%arg0: i32, %arg1: i32, %arg2: memref<32x3x8x64xi32, #tpu.memory_space<hbm>>, %arg3: memref<100001x128xf32, #tpu.memory_space<hbm>>, %arg4: memref<100001x128xf32, #tpu.memory_space<hbm>>, %arg5: memref<1001x128xf32, #tpu.memory_space<hbm>>, %arg6: memref<32x512x16xf32, #tpu.memory_space<hbm>>, %arg7: memref<3x8x64xi32, #tpu.memory_space<vmem>>, %arg8: memref<64x128xf32, #tpu.memory_space<vmem>>, %arg9: memref<64x128xf32, #tpu.memory_space<vmem>>, %arg10: memref<64x128xf32, #tpu.memory_space<vmem>>, %arg11: memref<64x128xf32, #tpu.memory_space<vmem>>, %arg12: memref<64x128xf32, #tpu.memory_space<vmem>>, %arg13: memref<64x128xf32, #tpu.memory_space<vmem>>, %arg14: memref<64x128xf32, #tpu.memory_space<vmem>>, %arg15: memref<64x128xf32, #tpu.memory_space<vmem>>, %arg16: memref<64x128xf32, #tpu.memory_space<vmem>>, %arg17: memref<64x128xf32, #tpu.memory_space<vmem>>, %arg18: memref<512x16xf32, #tpu.memory_space<vmem>>, %arg19: memref<!tpu.dma_semaphore, #tpu.memory_space<semaphore_mem>>, %arg20: memref<!tpu.dma_semaphore, #tpu.memory_space<semaphore_mem>>) attributes {dimension_semantics = [#tpu.dimension_semantics<core_parallel>, #tpu.dimension_semantics<subcore_parallel>], iteration_bounds = array<i64: 2, 16>, scalar_prefetch = 0 : i64, scratch_operands = 14 : i64, tpu.core_type = #tpu.core_type<sc_vector_subcore>, window_params = [{transform_indices = #map}, {transform_indices = #map1}, {transform_indices = #map1}, {transform_indices = #map1}, {transform_indices = #map2}]} {
    %mul3A = arith.constant 2 : i32
    %mul3A_0 = arith.muli %arg1, %mul3A : i32
    %add3A = arith.addi %mul3A_0, %arg0 : i32
    "tpu.region"() ({
      %run_scoped3A = tpu.sem_alloc : memref<!tpu.dma_semaphore, #tpu.memory_space<semaphore_mem>>
      %dma_start3A_686 = arith.constant 0 : i32
      %dma_start3A_687 = arith.constant 0 : i32
      %dma_start3A_688 = arith.constant 0 : i32
      %dma_start3A_689 = tpu.memref_slice %arg2[%add3A, %dma_start3A_686, %dma_start3A_687, %dma_start3A_688] : memref<32x3x8x64xi32, #tpu.memory_space<hbm>> -> memref<1x3x8x64xi32, #tpu.memory_space<hbm>>
      %dma_start3A_690 = tpu.memref_squeeze %dma_start3A_689 : memref<1x3x8x64xi32, #tpu.memory_space<hbm>> -> memref<3x8x64xi32, #tpu.memory_space<hbm>>
      %dma_start3A_691 = arith.constant 0 : i32
      %dma_start3A_692 = arith.constant 0 : i32
      %dma_start3A_693 = arith.constant 0 : i32
      %dma_start3A_694 = tpu.memref_slice %arg2[%add3A, %dma_start3A_691, %dma_start3A_692, %dma_start3A_693] : memref<32x3x8x64xi32, #tpu.memory_space<hbm>> -> memref<1x3x8x64xi32, #tpu.memory_space<hbm>>
      %dma_start3A_695 = tpu.memref_squeeze %dma_start3A_694 : memref<1x3x8x64xi32, #tpu.memory_space<hbm>> -> memref<3x8x64xi32, #tpu.memory_space<hbm>>
      tpu.enqueue_dma source(%dma_start3A_695 : memref<3x8x64xi32, #tpu.memory_space<hbm>>) target(%arg7 : memref<3x8x64xi32, #tpu.memory_space<vmem>>) target_semaphore(%run_scoped3A : memref<!tpu.dma_semaphore, #tpu.memory_space<semaphore_mem>>)
      %dma_wait3A_696 = arith.constant 0 : i32
      %dma_wait3A_697 = arith.constant 0 : i32
      %dma_wait3A_698 = arith.constant 0 : i32
      %dma_wait3A_699 = tpu.memref_slice %arg2[%add3A, %dma_wait3A_696, %dma_wait3A_697, %dma_wait3A_698] : memref<32x3x8x64xi32, #tpu.memory_space<hbm>> -> memref<1x3x8x64xi32, #tpu.memory_space<hbm>>
      %dma_wait3A_700 = tpu.memref_squeeze %dma_wait3A_699 : memref<1x3x8x64xi32, #tpu.memory_space<hbm>> -> memref<3x8x64xi32, #tpu.memory_space<hbm>>
      %dma_wait3A_701 = arith.constant 0 : i32
      %dma_wait3A_702 = arith.constant 0 : i32
      %dma_wait3A_703 = arith.constant 0 : i32
      %dma_wait3A_704 = tpu.memref_slice %arg2[%add3A, %dma_wait3A_701, %dma_wait3A_702, %dma_wait3A_703] : memref<32x3x8x64xi32, #tpu.memory_space<hbm>> -> memref<1x3x8x64xi32, #tpu.memory_space<hbm>>
      %dma_wait3A_705 = tpu.memref_squeeze %dma_wait3A_704 : memref<1x3x8x64xi32, #tpu.memory_space<hbm>> -> memref<3x8x64xi32, #tpu.memory_space<hbm>>
      tpu.wait_dma2 semaphore(%run_scoped3A : memref<!tpu.dma_semaphore, #tpu.memory_space<semaphore_mem>>) src(%dma_wait3A_705 : memref<3x8x64xi32, #tpu.memory_space<hbm>>) dst(%arg7 : memref<3x8x64xi32, #tpu.memory_space<vmem>>)
      tpu.yield
    }) : () -> ()
    %dma_start3A = arith.constant 0 : i32
    %dma_start3A_1 = arith.constant 0 : i32
    %dma_start3A_2 = arith.constant 0 : i32
    %dma_start3A_3 = tpu.memref_slice %arg7[%dma_start3A, %dma_start3A_1, %dma_start3A_2] : memref<3x8x64xi32, #tpu.memory_space<vmem>> -> memref<1x1x64xi32, #tpu.memory_space<vmem>>
    %dma_start3A_4 = tpu.memref_squeeze %dma_start3A_3 : memref<1x1x64xi32, #tpu.memory_space<vmem>> -> memref<64xi32, #tpu.memory_space<vmem>>
    %dma_start3A_5 = arith.constant 0 : i32
    %dma_start3A_6 = arith.constant 0 : i32
    %dma_start3A_7 = tpu.memref_slice %arg3[%dma_start3A_5, %dma_start3A_6] : memref<100001x128xf32, #tpu.memory_space<hbm>> -> memref<100001x128xf32, #tpu.memory_space<hbm>>
    tpu.enqueue_indirect_dma source(%dma_start3A_7 : memref<100001x128xf32, #tpu.memory_space<hbm>>) target(%arg8 : memref<64x128xf32, #tpu.memory_space<vmem>>) offsets(%dma_start3A_4 : memref<64xi32, #tpu.memory_space<vmem>>) semaphore(%arg19 : memref<!tpu.dma_semaphore, #tpu.memory_space<semaphore_mem>>)
    %dma_start3A_8 = arith.constant 0 : i32
    %dma_start3A_9 = arith.constant 0 : i32
    %dma_start3A_10 = arith.constant 0 : i32
    %dma_start3A_11 = tpu.memref_slice %arg7[%dma_start3A_8, %dma_start3A_9, %dma_start3A_10] : memref<3x8x64xi32, #tpu.memory_space<vmem>> -> memref<1x1x64xi32, #tpu.memory_space<vmem>>
    %dma_start3A_12 = tpu.memref_squeeze %dma_start3A_11 : memref<1x1x64xi32, #tpu.memory_space<vmem>> -> memref<64xi32, #tpu.memory_space<vmem>>
    %dma_start3A_13 = arith.constant 0 : i32
    %dma_start3A_14 = arith.constant 0 : i32
    %dma_start3A_15 = tpu.memref_slice %arg4[%dma_start3A_13, %dma_start3A_14] : memref<100001x128xf32, #tpu.memory_space<hbm>> -> memref<100001x128xf32, #tpu.memory_space<hbm>>
    tpu.enqueue_indirect_dma source(%dma_start3A_15 : memref<100001x128xf32, #tpu.memory_space<hbm>>) target(%arg9 : memref<64x128xf32, #tpu.memory_space<vmem>>) offsets(%dma_start3A_12 : memref<64xi32, #tpu.memory_space<vmem>>) semaphore(%arg19 : memref<!tpu.dma_semaphore, #tpu.memory_space<semaphore_mem>>)
    %dma_start3A_16 = arith.constant 2 : i32
    %dma_start3A_17 = arith.constant 0 : i32
    %dma_start3A_18 = arith.constant 0 : i32
    %dma_start3A_19 = tpu.memref_slice %arg7[%dma_start3A_16, %dma_start3A_17, %dma_start3A_18] : memref<3x8x64xi32, #tpu.memory_space<vmem>> -> memref<1x1x64xi32, #tpu.memory_space<vmem>>
    %dma_start3A_20 = tpu.memref_squeeze %dma_start3A_19 : memref<1x1x64xi32, #tpu.memory_space<vmem>> -> memref<64xi32, #tpu.memory_space<vmem>>
    %dma_start3A_21 = arith.constant 0 : i32
    %dma_start3A_22 = arith.constant 0 : i32
    %dma_start3A_23 = tpu.memref_slice %arg3[%dma_start3A_21, %dma_start3A_22] : memref<100001x128xf32, #tpu.memory_space<hbm>> -> memref<100001x128xf32, #tpu.memory_space<hbm>>
    tpu.enqueue_indirect_dma source(%dma_start3A_23 : memref<100001x128xf32, #tpu.memory_space<hbm>>) target(%arg10 : memref<64x128xf32, #tpu.memory_space<vmem>>) offsets(%dma_start3A_20 : memref<64xi32, #tpu.memory_space<vmem>>) semaphore(%arg19 : memref<!tpu.dma_semaphore, #tpu.memory_space<semaphore_mem>>)
    %dma_start3A_24 = arith.constant 2 : i32
    %dma_start3A_25 = arith.constant 0 : i32
    %dma_start3A_26 = arith.constant 0 : i32
    %dma_start3A_27 = tpu.memref_slice %arg7[%dma_start3A_24, %dma_start3A_25, %dma_start3A_26] : memref<3x8x64xi32, #tpu.memory_space<vmem>> -> memref<1x1x64xi32, #tpu.memory_space<vmem>>
    %dma_start3A_28 = tpu.memref_squeeze %dma_start3A_27 : memref<1x1x64xi32, #tpu.memory_space<vmem>> -> memref<64xi32, #tpu.memory_space<vmem>>
    %dma_start3A_29 = arith.constant 0 : i32
    %dma_start3A_30 = arith.constant 0 : i32
    %dma_start3A_31 = tpu.memref_slice %arg4[%dma_start3A_29, %dma_start3A_30] : memref<100001x128xf32, #tpu.memory_space<hbm>> -> memref<100001x128xf32, #tpu.memory_space<hbm>>
    tpu.enqueue_indirect_dma source(%dma_start3A_31 : memref<100001x128xf32, #tpu.memory_space<hbm>>) target(%arg11 : memref<64x128xf32, #tpu.memory_space<vmem>>) offsets(%dma_start3A_28 : memref<64xi32, #tpu.memory_space<vmem>>) semaphore(%arg19 : memref<!tpu.dma_semaphore, #tpu.memory_space<semaphore_mem>>)
    %dma_start3A_32 = arith.constant 1 : i32
    %dma_start3A_33 = arith.constant 0 : i32
    %dma_start3A_34 = arith.constant 0 : i32
    %dma_start3A_35 = tpu.memref_slice %arg7[%dma_start3A_32, %dma_start3A_33, %dma_start3A_34] : memref<3x8x64xi32, #tpu.memory_space<vmem>> -> memref<1x1x64xi32, #tpu.memory_space<vmem>>
    %dma_start3A_36 = tpu.memref_squeeze %dma_start3A_35 : memref<1x1x64xi32, #tpu.memory_space<vmem>> -> memref<64xi32, #tpu.memory_space<vmem>>
    %dma_start3A_37 = arith.constant 0 : i32
    %dma_start3A_38 = arith.constant 0 : i32
    %dma_start3A_39 = tpu.memref_slice %arg5[%dma_start3A_37, %dma_start3A_38] : memref<1001x128xf32, #tpu.memory_space<hbm>> -> memref<1001x128xf32, #tpu.memory_space<hbm>>
    tpu.enqueue_indirect_dma source(%dma_start3A_39 : memref<1001x128xf32, #tpu.memory_space<hbm>>) target(%arg12 : memref<64x128xf32, #tpu.memory_space<vmem>>) offsets(%dma_start3A_36 : memref<64xi32, #tpu.memory_space<vmem>>) semaphore(%arg19 : memref<!tpu.dma_semaphore, #tpu.memory_space<semaphore_mem>>)
    %dma_start3A_40 = arith.constant 0 : i32
    %dma_start3A_41 = arith.constant 1 : i32
    %dma_start3A_42 = arith.constant 0 : i32
    %dma_start3A_43 = tpu.memref_slice %arg7[%dma_start3A_40, %dma_start3A_41, %dma_start3A_42] : memref<3x8x64xi32, #tpu.memory_space<vmem>> -> memref<1x1x64xi32, #tpu.memory_space<vmem>>
    %dma_start3A_44 = tpu.memref_squeeze %dma_start3A_43 : memref<1x1x64xi32, #tpu.memory_space<vmem>> -> memref<64xi32, #tpu.memory_space<vmem>>
    %dma_start3A_45 = arith.constant 0 : i32
    %dma_start3A_46 = arith.constant 0 : i32
    %dma_start3A_47 = tpu.memref_slice %arg3[%dma_start3A_45, %dma_start3A_46] : memref<100001x128xf32, #tpu.memory_space<hbm>> -> memref<100001x128xf32, #tpu.memory_space<hbm>>
    tpu.enqueue_indirect_dma source(%dma_start3A_47 : memref<100001x128xf32, #tpu.memory_space<hbm>>) target(%arg13 : memref<64x128xf32, #tpu.memory_space<vmem>>) offsets(%dma_start3A_44 : memref<64xi32, #tpu.memory_space<vmem>>) semaphore(%arg20 : memref<!tpu.dma_semaphore, #tpu.memory_space<semaphore_mem>>)
    %dma_start3A_48 = arith.constant 0 : i32
    %dma_start3A_49 = arith.constant 1 : i32
    %dma_start3A_50 = arith.constant 0 : i32
    %dma_start3A_51 = tpu.memref_slice %arg7[%dma_start3A_48, %dma_start3A_49, %dma_start3A_50] : memref<3x8x64xi32, #tpu.memory_space<vmem>> -> memref<1x1x64xi32, #tpu.memory_space<vmem>>
    %dma_start3A_52 = tpu.memref_squeeze %dma_start3A_51 : memref<1x1x64xi32, #tpu.memory_space<vmem>> -> memref<64xi32, #tpu.memory_space<vmem>>
    %dma_start3A_53 = arith.constant 0 : i32
    %dma_start3A_54 = arith.constant 0 : i32
    %dma_start3A_55 = tpu.memref_slice %arg4[%dma_start3A_53, %dma_start3A_54] : memref<100001x128xf32, #tpu.memory_space<hbm>> -> memref<100001x128xf32, #tpu.memory_space<hbm>>
    tpu.enqueue_indirect_dma source(%dma_start3A_55 : memref<100001x128xf32, #tpu.memory_space<hbm>>) target(%arg14 : memref<64x128xf32, #tpu.memory_space<vmem>>) offsets(%dma_start3A_52 : memref<64xi32, #tpu.memory_space<vmem>>) semaphore(%arg20 : memref<!tpu.dma_semaphore, #tpu.memory_space<semaphore_mem>>)
    %dma_start3A_56 = arith.constant 2 : i32
    %dma_start3A_57 = arith.constant 1 : i32
    %dma_start3A_58 = arith.constant 0 : i32
    %dma_start3A_59 = tpu.memref_slice %arg7[%dma_start3A_56, %dma_start3A_57, %dma_start3A_58] : memref<3x8x64xi32, #tpu.memory_space<vmem>> -> memref<1x1x64xi32, #tpu.memory_space<vmem>>
    %dma_start3A_60 = tpu.memref_squeeze %dma_start3A_59 : memref<1x1x64xi32, #tpu.memory_space<vmem>> -> memref<64xi32, #tpu.memory_space<vmem>>
    %dma_start3A_61 = arith.constant 0 : i32
    %dma_start3A_62 = arith.constant 0 : i32
    %dma_start3A_63 = tpu.memref_slice %arg3[%dma_start3A_61, %dma_start3A_62] : memref<100001x128xf32, #tpu.memory_space<hbm>> -> memref<100001x128xf32, #tpu.memory_space<hbm>>
    tpu.enqueue_indirect_dma source(%dma_start3A_63 : memref<100001x128xf32, #tpu.memory_space<hbm>>) target(%arg15 : memref<64x128xf32, #tpu.memory_space<vmem>>) offsets(%dma_start3A_60 : memref<64xi32, #tpu.memory_space<vmem>>) semaphore(%arg20 : memref<!tpu.dma_semaphore, #tpu.memory_space<semaphore_mem>>)
    %dma_start3A_64 = arith.constant 2 : i32
    %dma_start3A_65 = arith.constant 1 : i32
    %dma_start3A_66 = arith.constant 0 : i32
    %dma_start3A_67 = tpu.memref_slice %arg7[%dma_start3A_64, %dma_start3A_65, %dma_start3A_66] : memref<3x8x64xi32, #tpu.memory_space<vmem>> -> memref<1x1x64xi32, #tpu.memory_space<vmem>>
    %dma_start3A_68 = tpu.memref_squeeze %dma_start3A_67 : memref<1x1x64xi32, #tpu.memory_space<vmem>> -> memref<64xi32, #tpu.memory_space<vmem>>
    %dma_start3A_69 = arith.constant 0 : i32
    %dma_start3A_70 = arith.constant 0 : i32
    %dma_start3A_71 = tpu.memref_slice %arg4[%dma_start3A_69, %dma_start3A_70] : memref<100001x128xf32, #tpu.memory_space<hbm>> -> memref<100001x128xf32, #tpu.memory_space<hbm>>
    tpu.enqueue_indirect_dma source(%dma_start3A_71 : memref<100001x128xf32, #tpu.memory_space<hbm>>) target(%arg16 : memref<64x128xf32, #tpu.memory_space<vmem>>) offsets(%dma_start3A_68 : memref<64xi32, #tpu.memory_space<vmem>>) semaphore(%arg20 : memref<!tpu.dma_semaphore, #tpu.memory_space<semaphore_mem>>)
    %dma_start3A_72 = arith.constant 1 : i32
    %dma_start3A_73 = arith.constant 1 : i32
    %dma_start3A_74 = arith.constant 0 : i32
    %dma_start3A_75 = tpu.memref_slice %arg7[%dma_start3A_72, %dma_start3A_73, %dma_start3A_74] : memref<3x8x64xi32, #tpu.memory_space<vmem>> -> memref<1x1x64xi32, #tpu.memory_space<vmem>>
    %dma_start3A_76 = tpu.memref_squeeze %dma_start3A_75 : memref<1x1x64xi32, #tpu.memory_space<vmem>> -> memref<64xi32, #tpu.memory_space<vmem>>
    %dma_start3A_77 = arith.constant 0 : i32
    %dma_start3A_78 = arith.constant 0 : i32
    %dma_start3A_79 = tpu.memref_slice %arg5[%dma_start3A_77, %dma_start3A_78] : memref<1001x128xf32, #tpu.memory_space<hbm>> -> memref<1001x128xf32, #tpu.memory_space<hbm>>
    tpu.enqueue_indirect_dma source(%dma_start3A_79 : memref<1001x128xf32, #tpu.memory_space<hbm>>) target(%arg17 : memref<64x128xf32, #tpu.memory_space<vmem>>) offsets(%dma_start3A_76 : memref<64xi32, #tpu.memory_space<vmem>>) semaphore(%arg20 : memref<!tpu.dma_semaphore, #tpu.memory_space<semaphore_mem>>)
    %dma_wait3A = arith.constant 0 : i32
    %dma_wait3A_80 = arith.constant 0 : i32
    %dma_wait3A_81 = arith.constant 0 : i32
    %dma_wait3A_82 = tpu.memref_slice %arg7[%dma_wait3A, %dma_wait3A_80, %dma_wait3A_81] : memref<3x8x64xi32, #tpu.memory_space<vmem>> -> memref<1x1x64xi32, #tpu.memory_space<vmem>>
    %dma_wait3A_83 = tpu.memref_squeeze %dma_wait3A_82 : memref<1x1x64xi32, #tpu.memory_space<vmem>> -> memref<64xi32, #tpu.memory_space<vmem>>
    %dma_wait3A_84 = arith.constant 0 : i32
    %dma_wait3A_85 = arith.constant 0 : i32
    %dma_wait3A_86 = tpu.memref_slice %arg3[%dma_wait3A_84, %dma_wait3A_85] : memref<100001x128xf32, #tpu.memory_space<hbm>> -> memref<100001x128xf32, #tpu.memory_space<hbm>>
    tpu.wait_indirect_dma semaphore(%arg19 : memref<!tpu.dma_semaphore, #tpu.memory_space<semaphore_mem>>) src(%dma_wait3A_86 : memref<100001x128xf32, #tpu.memory_space<hbm>>) dst(%arg8 : memref<64x128xf32, #tpu.memory_space<vmem>>)
    %dma_wait3A_87 = arith.constant 0 : i32
    %dma_wait3A_88 = arith.constant 0 : i32
    %dma_wait3A_89 = arith.constant 0 : i32
    %dma_wait3A_90 = tpu.memref_slice %arg7[%dma_wait3A_87, %dma_wait3A_88, %dma_wait3A_89] : memref<3x8x64xi32, #tpu.memory_space<vmem>> -> memref<1x1x64xi32, #tpu.memory_space<vmem>>
    %dma_wait3A_91 = tpu.memref_squeeze %dma_wait3A_90 : memref<1x1x64xi32, #tpu.memory_space<vmem>> -> memref<64xi32, #tpu.memory_space<vmem>>
    %dma_wait3A_92 = arith.constant 0 : i32
    %dma_wait3A_93 = arith.constant 0 : i32
    %dma_wait3A_94 = tpu.memref_slice %arg4[%dma_wait3A_92, %dma_wait3A_93] : memref<100001x128xf32, #tpu.memory_space<hbm>> -> memref<100001x128xf32, #tpu.memory_space<hbm>>
    tpu.wait_indirect_dma semaphore(%arg19 : memref<!tpu.dma_semaphore, #tpu.memory_space<semaphore_mem>>) src(%dma_wait3A_94 : memref<100001x128xf32, #tpu.memory_space<hbm>>) dst(%arg9 : memref<64x128xf32, #tpu.memory_space<vmem>>)
    %dma_wait3A_95 = arith.constant 2 : i32
    %dma_wait3A_96 = arith.constant 0 : i32
    %dma_wait3A_97 = arith.constant 0 : i32
    %dma_wait3A_98 = tpu.memref_slice %arg7[%dma_wait3A_95, %dma_wait3A_96, %dma_wait3A_97] : memref<3x8x64xi32, #tpu.memory_space<vmem>> -> memref<1x1x64xi32, #tpu.memory_space<vmem>>
    %dma_wait3A_99 = tpu.memref_squeeze %dma_wait3A_98 : memref<1x1x64xi32, #tpu.memory_space<vmem>> -> memref<64xi32, #tpu.memory_space<vmem>>
    %dma_wait3A_100 = arith.constant 0 : i32
    %dma_wait3A_101 = arith.constant 0 : i32
    %dma_wait3A_102 = tpu.memref_slice %arg3[%dma_wait3A_100, %dma_wait3A_101] : memref<100001x128xf32, #tpu.memory_space<hbm>> -> memref<100001x128xf32, #tpu.memory_space<hbm>>
    tpu.wait_indirect_dma semaphore(%arg19 : memref<!tpu.dma_semaphore, #tpu.memory_space<semaphore_mem>>) src(%dma_wait3A_102 : memref<100001x128xf32, #tpu.memory_space<hbm>>) dst(%arg10 : memref<64x128xf32, #tpu.memory_space<vmem>>)
    %dma_wait3A_103 = arith.constant 2 : i32
    %dma_wait3A_104 = arith.constant 0 : i32
    %dma_wait3A_105 = arith.constant 0 : i32
    %dma_wait3A_106 = tpu.memref_slice %arg7[%dma_wait3A_103, %dma_wait3A_104, %dma_wait3A_105] : memref<3x8x64xi32, #tpu.memory_space<vmem>> -> memref<1x1x64xi32, #tpu.memory_space<vmem>>
    %dma_wait3A_107 = tpu.memref_squeeze %dma_wait3A_106 : memref<1x1x64xi32, #tpu.memory_space<vmem>> -> memref<64xi32, #tpu.memory_space<vmem>>
    %dma_wait3A_108 = arith.constant 0 : i32
    %dma_wait3A_109 = arith.constant 0 : i32
    %dma_wait3A_110 = tpu.memref_slice %arg4[%dma_wait3A_108, %dma_wait3A_109] : memref<100001x128xf32, #tpu.memory_space<hbm>> -> memref<100001x128xf32, #tpu.memory_space<hbm>>
    tpu.wait_indirect_dma semaphore(%arg19 : memref<!tpu.dma_semaphore, #tpu.memory_space<semaphore_mem>>) src(%dma_wait3A_110 : memref<100001x128xf32, #tpu.memory_space<hbm>>) dst(%arg11 : memref<64x128xf32, #tpu.memory_space<vmem>>)
    %dma_wait3A_111 = arith.constant 1 : i32
    %dma_wait3A_112 = arith.constant 0 : i32
    %dma_wait3A_113 = arith.constant 0 : i32
    %dma_wait3A_114 = tpu.memref_slice %arg7[%dma_wait3A_111, %dma_wait3A_112, %dma_wait3A_113] : memref<3x8x64xi32, #tpu.memory_space<vmem>> -> memref<1x1x64xi32, #tpu.memory_space<vmem>>
    %dma_wait3A_115 = tpu.memref_squeeze %dma_wait3A_114 : memref<1x1x64xi32, #tpu.memory_space<vmem>> -> memref<64xi32, #tpu.memory_space<vmem>>
    %dma_wait3A_116 = arith.constant 0 : i32
    %dma_wait3A_117 = arith.constant 0 : i32
    %dma_wait3A_118 = tpu.memref_slice %arg5[%dma_wait3A_116, %dma_wait3A_117] : memref<1001x128xf32, #tpu.memory_space<hbm>> -> memref<1001x128xf32, #tpu.memory_space<hbm>>
    tpu.wait_indirect_dma semaphore(%arg19 : memref<!tpu.dma_semaphore, #tpu.memory_space<semaphore_mem>>) src(%dma_wait3A_118 : memref<1001x128xf32, #tpu.memory_space<hbm>>) dst(%arg12 : memref<64x128xf32, #tpu.memory_space<vmem>>)
    %scan3A = arith.constant 0 : i32
    %scan3A_119 = arith.constant 0 : i32
    %scan3A_120 = arith.constant 64 : i32
    %scan3A_121 = arith.addi %scan3A_119, %scan3A_120 : i32
    %scan3A_122 = arith.constant 1 : i32
    scf.for %scan3A_686 = %scan3A_119 to %scan3A_121 step %scan3A_122  : i32 {
      %broadcast_in_dim3A = arith.constant 0.000000e+00 : f32
      %broadcast_in_dim3A_687 = vector.broadcast %broadcast_in_dim3A : f32 to vector<16xf32>
      %broadcast_in_dim3A_688 = arith.constant 0.000000e+00 : f32
      %broadcast_in_dim3A_689 = vector.broadcast %broadcast_in_dim3A_688 : f32 to vector<16xf32>
      %get3A = arith.index_cast %scan3A_686 : i32 to index
      %get3A_690 = arith.constant 0 : index
      %get3A_691 = tpu.vector_load %arg8[%get3A, %get3A_690] {strides = array<i32>} : memref<64x128xf32, #tpu.memory_space<vmem>>, vector<1x16xf32>,
      %get3A_692 = vector.shape_cast %get3A_691 : vector<1x16xf32> to vector<16xf32>
      %get3A_693 = arith.index_cast %scan3A_686 : i32 to index
      %get3A_694 = arith.constant 0 : index
      %get3A_695 = tpu.vector_load %arg9[%get3A_693, %get3A_694] {strides = array<i32>} : memref<64x128xf32, #tpu.memory_space<vmem>>, vector<1x16xf32>,
      %get3A_696 = vector.shape_cast %get3A_695 : vector<1x16xf32> to vector<16xf32>
      %get3A_697 = arith.index_cast %scan3A_686 : i32 to index
      %get3A_698 = arith.constant 0 : index
      %get3A_699 = tpu.vector_load %arg10[%get3A_697, %get3A_698] {strides = array<i32>} : memref<64x128xf32, #tpu.memory_space<vmem>>, vector<1x16xf32>,
      %get3A_700 = vector.shape_cast %get3A_699 : vector<1x16xf32> to vector<16xf32>
      %get3A_701 = arith.index_cast %scan3A_686 : i32 to index
      %get3A_702 = arith.constant 0 : index
      %get3A_703 = tpu.vector_load %arg11[%get3A_701, %get3A_702] {strides = array<i32>} : memref<64x128xf32, #tpu.memory_space<vmem>>, vector<1x16xf32>,
      %get3A_704 = vector.shape_cast %get3A_703 : vector<1x16xf32> to vector<16xf32>
      %get3A_705 = arith.index_cast %scan3A_686 : i32 to index
      %get3A_706 = arith.constant 0 : index
      %get3A_707 = tpu.vector_load %arg12[%get3A_705, %get3A_706] {strides = array<i32>} : memref<64x128xf32, #tpu.memory_space<vmem>>, vector<1x16xf32>,
      %get3A_708 = vector.shape_cast %get3A_707 : vector<1x16xf32> to vector<16xf32>
      %sub3A = arith.subf %get3A_692, %get3A_696 : vector<16xf32>
      %mul3A_709 = arith.mulf %sub3A, %get3A_700 : vector<16xf32>
      %add3A_710 = arith.addf %get3A_692, %get3A_696 : vector<16xf32>
      %mul3A_711 = arith.mulf %add3A_710, %get3A_704 : vector<16xf32>
      %add3A_712 = arith.addf %mul3A_709, %mul3A_711 : vector<16xf32>
      %mul3A_713 = arith.mulf %get3A_708, %add3A_712 : vector<16xf32>
      %add3A_714 = arith.addf %broadcast_in_dim3A_687, %mul3A_713 : vector<16xf32>
      %get3A_715 = arith.index_cast %scan3A_686 : i32 to index
      %get3A_716 = arith.constant 16 : index
      %get3A_717 = tpu.vector_load %arg8[%get3A_715, %get3A_716] {strides = array<i32>} : memref<64x128xf32, #tpu.memory_space<vmem>>, vector<1x16xf32>,
      %get3A_718 = vector.shape_cast %get3A_717 : vector<1x16xf32> to vector<16xf32>
      %get3A_719 = arith.index_cast %scan3A_686 : i32 to index
      %get3A_720 = arith.constant 16 : index
      %get3A_721 = tpu.vector_load %arg9[%get3A_719, %get3A_720] {strides = array<i32>} : memref<64x128xf32, #tpu.memory_space<vmem>>, vector<1x16xf32>,
      %get3A_722 = vector.shape_cast %get3A_721 : vector<1x16xf32> to vector<16xf32>
      %get3A_723 = arith.index_cast %scan3A_686 : i32 to index
      %get3A_724 = arith.constant 16 : index
      %get3A_725 = tpu.vector_load %arg10[%get3A_723, %get3A_724] {strides = array<i32>} : memref<64x128xf32, #tpu.memory_space<vmem>>, vector<1x16xf32>,
      %get3A_726 = vector.shape_cast %get3A_725 : vector<1x16xf32> to vector<16xf32>
      %get3A_727 = arith.index_cast %scan3A_686 : i32 to index
      %get3A_728 = arith.constant 16 : index
      %get3A_729 = tpu.vector_load %arg11[%get3A_727, %get3A_728] {strides = array<i32>} : memref<64x128xf32, #tpu.memory_space<vmem>>, vector<1x16xf32>,
      %get3A_730 = vector.shape_cast %get3A_729 : vector<1x16xf32> to vector<16xf32>
      %get3A_731 = arith.index_cast %scan3A_686 : i32 to index
      %get3A_732 = arith.constant 16 : index
      %get3A_733 = tpu.vector_load %arg12[%get3A_731, %get3A_732] {strides = array<i32>} : memref<64x128xf32, #tpu.memory_space<vmem>>, vector<1x16xf32>,
      %get3A_734 = vector.shape_cast %get3A_733 : vector<1x16xf32> to vector<16xf32>
      %sub3A_735 = arith.subf %get3A_718, %get3A_722 : vector<16xf32>
      %mul3A_736 = arith.mulf %sub3A_735, %get3A_726 : vector<16xf32>
      %add3A_737 = arith.addf %get3A_718, %get3A_722 : vector<16xf32>
      %mul3A_738 = arith.mulf %add3A_737, %get3A_730 : vector<16xf32>
      %add3A_739 = arith.addf %mul3A_736, %mul3A_738 : vector<16xf32>
      %mul3A_740 = arith.mulf %get3A_734, %add3A_739 : vector<16xf32>
      %add3A_741 = arith.addf %broadcast_in_dim3A_689, %mul3A_740 : vector<16xf32>
      %get3A_742 = arith.index_cast %scan3A_686 : i32 to index
      %get3A_743 = arith.constant 32 : index
      %get3A_744 = tpu.vector_load %arg8[%get3A_742, %get3A_743] {strides = array<i32>} : memref<64x128xf32, #tpu.memory_space<vmem>>, vector<1x16xf32>,
      %get3A_745 = vector.shape_cast %get3A_744 : vector<1x16xf32> to vector<16xf32>
      %get3A_746 = arith.index_cast %scan3A_686 : i32 to index
      %get3A_747 = arith.constant 32 : index
      %get3A_748 = tpu.vector_load %arg9[%get3A_746, %get3A_747] {strides = array<i32>} : memref<64x128xf32, #tpu.memory_space<vmem>>, vector<1x16xf32>,
      %get3A_749 = vector.shape_cast %get3A_748 : vector<1x16xf32> to vector<16xf32>
      %get3A_750 = arith.index_cast %scan3A_686 : i32 to index
      %get3A_751 = arith.constant 32 : index
      %get3A_752 = tpu.vector_load %arg10[%get3A_750, %get3A_751] {strides = array<i32>} : memref<64x128xf32, #tpu.memory_space<vmem>>, vector<1x16xf32>,
      %get3A_753 = vector.shape_cast %get3A_752 : vector<1x16xf32> to vector<16xf32>
      %get3A_754 = arith.index_cast %scan3A_686 : i32 to index
      %get3A_755 = arith.constant 32 : index
      %get3A_756 = tpu.vector_load %arg11[%get3A_754, %get3A_755] {strides = array<i32>} : memref<64x128xf32, #tpu.memory_space<vmem>>, vector<1x16xf32>,
      %get3A_757 = vector.shape_cast %get3A_756 : vector<1x16xf32> to vector<16xf32>
      %get3A_758 = arith.index_cast %scan3A_686 : i32 to index
      %get3A_759 = arith.constant 32 : index
      %get3A_760 = tpu.vector_load %arg12[%get3A_758, %get3A_759] {strides = array<i32>} : memref<64x128xf32, #tpu.memory_space<vmem>>, vector<1x16xf32>,
      %get3A_761 = vector.shape_cast %get3A_760 : vector<1x16xf32> to vector<16xf32>
      %sub3A_762 = arith.subf %get3A_745, %get3A_749 : vector<16xf32>
      %mul3A_763 = arith.mulf %sub3A_762, %get3A_753 : vector<16xf32>
      %add3A_764 = arith.addf %get3A_745, %get3A_749 : vector<16xf32>
      %mul3A_765 = arith.mulf %add3A_764, %get3A_757 : vector<16xf32>
      %add3A_766 = arith.addf %mul3A_763, %mul3A_765 : vector<16xf32>
      %mul3A_767 = arith.mulf %get3A_761, %add3A_766 : vector<16xf32>
      %add3A_768 = arith.addf %add3A_714, %mul3A_767 : vector<16xf32>
      %get3A_769 = arith.index_cast %scan3A_686 : i32 to index
      %get3A_770 = arith.constant 48 : index
      %get3A_771 = tpu.vector_load %arg8[%get3A_769, %get3A_770] {strides = array<i32>} : memref<64x128xf32, #tpu.memory_space<vmem>>, vector<1x16xf32>,
      %get3A_772 = vector.shape_cast %get3A_771 : vector<1x16xf32> to vector<16xf32>
      %get3A_773 = arith.index_cast %scan3A_686 : i32 to index
      %get3A_774 = arith.constant 48 : index
      %get3A_775 = tpu.vector_load %arg9[%get3A_773, %get3A_774] {strides = array<i32>} : memref<64x128xf32, #tpu.memory_space<vmem>>, vector<1x16xf32>,
      %get3A_776 = vector.shape_cast %get3A_775 : vector<1x16xf32> to vector<16xf32>
      %get3A_777 = arith.index_cast %scan3A_686 : i32 to index
      %get3A_778 = arith.constant 48 : index
      %get3A_779 = tpu.vector_load %arg10[%get3A_777, %get3A_778] {strides = array<i32>} : memref<64x128xf32, #tpu.memory_space<vmem>>, vector<1x16xf32>,
      %get3A_780 = vector.shape_cast %get3A_779 : vector<1x16xf32> to vector<16xf32>
      %get3A_781 = arith.index_cast %scan3A_686 : i32 to index
      %get3A_782 = arith.constant 48 : index
      %get3A_783 = tpu.vector_load %arg11[%get3A_781, %get3A_782] {strides = array<i32>} : memref<64x128xf32, #tpu.memory_space<vmem>>, vector<1x16xf32>,
      %get3A_784 = vector.shape_cast %get3A_783 : vector<1x16xf32> to vector<16xf32>
      %get3A_785 = arith.index_cast %scan3A_686 : i32 to index
      %get3A_786 = arith.constant 48 : index
      %get3A_787 = tpu.vector_load %arg12[%get3A_785, %get3A_786] {strides = array<i32>} : memref<64x128xf32, #tpu.memory_space<vmem>>, vector<1x16xf32>,
      %get3A_788 = vector.shape_cast %get3A_787 : vector<1x16xf32> to vector<16xf32>
      %sub3A_789 = arith.subf %get3A_772, %get3A_776 : vector<16xf32>
      %mul3A_790 = arith.mulf %sub3A_789, %get3A_780 : vector<16xf32>
      %add3A_791 = arith.addf %get3A_772, %get3A_776 : vector<16xf32>
      %mul3A_792 = arith.mulf %add3A_791, %get3A_784 : vector<16xf32>
      %add3A_793 = arith.addf %mul3A_790, %mul3A_792 : vector<16xf32>
      %mul3A_794 = arith.mulf %get3A_788, %add3A_793 : vector<16xf32>
      %add3A_795 = arith.addf %add3A_741, %mul3A_794 : vector<16xf32>
      %get3A_796 = arith.index_cast %scan3A_686 : i32 to index
      %get3A_797 = arith.constant 64 : index
      %get3A_798 = tpu.vector_load %arg8[%get3A_796, %get3A_797] {strides = array<i32>} : memref<64x128xf32, #tpu.memory_space<vmem>>, vector<1x16xf32>,
      %get3A_799 = vector.shape_cast %get3A_798 : vector<1x16xf32> to vector<16xf32>
      %get3A_800 = arith.index_cast %scan3A_686 : i32 to index
      %get3A_801 = arith.constant 64 : index
      %get3A_802 = tpu.vector_load %arg9[%get3A_800, %get3A_801] {strides = array<i32>} : memref<64x128xf32, #tpu.memory_space<vmem>>, vector<1x16xf32>,
      %get3A_803 = vector.shape_cast %get3A_802 : vector<1x16xf32> to vector<16xf32>
      %get3A_804 = arith.index_cast %scan3A_686 : i32 to index
      %get3A_805 = arith.constant 64 : index
      %get3A_806 = tpu.vector_load %arg10[%get3A_804, %get3A_805] {strides = array<i32>} : memref<64x128xf32, #tpu.memory_space<vmem>>, vector<1x16xf32>,
      %get3A_807 = vector.shape_cast %get3A_806 : vector<1x16xf32> to vector<16xf32>
      %get3A_808 = arith.index_cast %scan3A_686 : i32 to index
      %get3A_809 = arith.constant 64 : index
      %get3A_810 = tpu.vector_load %arg11[%get3A_808, %get3A_809] {strides = array<i32>} : memref<64x128xf32, #tpu.memory_space<vmem>>, vector<1x16xf32>,
      %get3A_811 = vector.shape_cast %get3A_810 : vector<1x16xf32> to vector<16xf32>
      %get3A_812 = arith.index_cast %scan3A_686 : i32 to index
      %get3A_813 = arith.constant 64 : index
      %get3A_814 = tpu.vector_load %arg12[%get3A_812, %get3A_813] {strides = array<i32>} : memref<64x128xf32, #tpu.memory_space<vmem>>, vector<1x16xf32>,
      %get3A_815 = vector.shape_cast %get3A_814 : vector<1x16xf32> to vector<16xf32>
      %sub3A_816 = arith.subf %get3A_799, %get3A_803 : vector<16xf32>
      %mul3A_817 = arith.mulf %sub3A_816, %get3A_807 : vector<16xf32>
      %add3A_818 = arith.addf %get3A_799, %get3A_803 : vector<16xf32>
      %mul3A_819 = arith.mulf %add3A_818, %get3A_811 : vector<16xf32>
      %add3A_820 = arith.addf %mul3A_817, %mul3A_819 : vector<16xf32>
      %mul3A_821 = arith.mulf %get3A_815, %add3A_820 : vector<16xf32>
      %add3A_822 = arith.addf %add3A_768, %mul3A_821 : vector<16xf32>
      %get3A_823 = arith.index_cast %scan3A_686 : i32 to index
      %get3A_824 = arith.constant 80 : index
      %get3A_825 = tpu.vector_load %arg8[%get3A_823, %get3A_824] {strides = array<i32>} : memref<64x128xf32, #tpu.memory_space<vmem>>, vector<1x16xf32>,
      %get3A_826 = vector.shape_cast %get3A_825 : vector<1x16xf32> to vector<16xf32>
      %get3A_827 = arith.index_cast %scan3A_686 : i32 to index
      %get3A_828 = arith.constant 80 : index
      %get3A_829 = tpu.vector_load %arg9[%get3A_827, %get3A_828] {strides = array<i32>} : memref<64x128xf32, #tpu.memory_space<vmem>>, vector<1x16xf32>,
      %get3A_830 = vector.shape_cast %get3A_829 : vector<1x16xf32> to vector<16xf32>
      %get3A_831 = arith.index_cast %scan3A_686 : i32 to index
      %get3A_832 = arith.constant 80 : index
      %get3A_833 = tpu.vector_load %arg10[%get3A_831, %get3A_832] {strides = array<i32>} : memref<64x128xf32, #tpu.memory_space<vmem>>, vector<1x16xf32>,
      %get3A_834 = vector.shape_cast %get3A_833 : vector<1x16xf32> to vector<16xf32>
      %get3A_835 = arith.index_cast %scan3A_686 : i32 to index
      %get3A_836 = arith.constant 80 : index
      %get3A_837 = tpu.vector_load %arg11[%get3A_835, %get3A_836] {strides = array<i32>} : memref<64x128xf32, #tpu.memory_space<vmem>>, vector<1x16xf32>,
      %get3A_838 = vector.shape_cast %get3A_837 : vector<1x16xf32> to vector<16xf32>
      %get3A_839 = arith.index_cast %scan3A_686 : i32 to index
      %get3A_840 = arith.constant 80 : index
      %get3A_841 = tpu.vector_load %arg12[%get3A_839, %get3A_840] {strides = array<i32>} : memref<64x128xf32, #tpu.memory_space<vmem>>, vector<1x16xf32>,
      %get3A_842 = vector.shape_cast %get3A_841 : vector<1x16xf32> to vector<16xf32>
      %sub3A_843 = arith.subf %get3A_826, %get3A_830 : vector<16xf32>
      %mul3A_844 = arith.mulf %sub3A_843, %get3A_834 : vector<16xf32>
      %add3A_845 = arith.addf %get3A_826, %get3A_830 : vector<16xf32>
      %mul3A_846 = arith.mulf %add3A_845, %get3A_838 : vector<16xf32>
      %add3A_847 = arith.addf %mul3A_844, %mul3A_846 : vector<16xf32>
      %mul3A_848 = arith.mulf %get3A_842, %add3A_847 : vector<16xf32>
      %add3A_849 = arith.addf %add3A_795, %mul3A_848 : vector<16xf32>
      %get3A_850 = arith.index_cast %scan3A_686 : i32 to index
      %get3A_851 = arith.constant 96 : index
      %get3A_852 = tpu.vector_load %arg8[%get3A_850, %get3A_851] {strides = array<i32>} : memref<64x128xf32, #tpu.memory_space<vmem>>, vector<1x16xf32>,
      %get3A_853 = vector.shape_cast %get3A_852 : vector<1x16xf32> to vector<16xf32>
      %get3A_854 = arith.index_cast %scan3A_686 : i32 to index
      %get3A_855 = arith.constant 96 : index
      %get3A_856 = tpu.vector_load %arg9[%get3A_854, %get3A_855] {strides = array<i32>} : memref<64x128xf32, #tpu.memory_space<vmem>>, vector<1x16xf32>,
      %get3A_857 = vector.shape_cast %get3A_856 : vector<1x16xf32> to vector<16xf32>
      %get3A_858 = arith.index_cast %scan3A_686 : i32 to index
      %get3A_859 = arith.constant 96 : index
      %get3A_860 = tpu.vector_load %arg10[%get3A_858, %get3A_859] {strides = array<i32>} : memref<64x128xf32, #tpu.memory_space<vmem>>, vector<1x16xf32>,
      %get3A_861 = vector.shape_cast %get3A_860 : vector<1x16xf32> to vector<16xf32>
      %get3A_862 = arith.index_cast %scan3A_686 : i32 to index
      %get3A_863 = arith.constant 96 : index
      %get3A_864 = tpu.vector_load %arg11[%get3A_862, %get3A_863] {strides = array<i32>} : memref<64x128xf32, #tpu.memory_space<vmem>>, vector<1x16xf32>,
      %get3A_865 = vector.shape_cast %get3A_864 : vector<1x16xf32> to vector<16xf32>
      %get3A_866 = arith.index_cast %scan3A_686 : i32 to index
      %get3A_867 = arith.constant 96 : index
      %get3A_868 = tpu.vector_load %arg12[%get3A_866, %get3A_867] {strides = array<i32>} : memref<64x128xf32, #tpu.memory_space<vmem>>, vector<1x16xf32>,
      %get3A_869 = vector.shape_cast %get3A_868 : vector<1x16xf32> to vector<16xf32>
      %sub3A_870 = arith.subf %get3A_853, %get3A_857 : vector<16xf32>
      %mul3A_871 = arith.mulf %sub3A_870, %get3A_861 : vector<16xf32>
      %add3A_872 = arith.addf %get3A_853, %get3A_857 : vector<16xf32>
      %mul3A_873 = arith.mulf %add3A_872, %get3A_865 : vector<16xf32>
      %add3A_874 = arith.addf %mul3A_871, %mul3A_873 : vector<16xf32>
      %mul3A_875 = arith.mulf %get3A_869, %add3A_874 : vector<16xf32>
      %add3A_876 = arith.addf %add3A_822, %mul3A_875 : vector<16xf32>
      %get3A_877 = arith.index_cast %scan3A_686 : i32 to index
      %get3A_878 = arith.constant 112 : index
      %get3A_879 = tpu.vector_load %arg8[%get3A_877, %get3A_878] {strides = array<i32>} : memref<64x128xf32, #tpu.memory_space<vmem>>, vector<1x16xf32>,
      %get3A_880 = vector.shape_cast %get3A_879 : vector<1x16xf32> to vector<16xf32>
      %get3A_881 = arith.index_cast %scan3A_686 : i32 to index
      %get3A_882 = arith.constant 112 : index
      %get3A_883 = tpu.vector_load %arg9[%get3A_881, %get3A_882] {strides = array<i32>} : memref<64x128xf32, #tpu.memory_space<vmem>>, vector<1x16xf32>,
      %get3A_884 = vector.shape_cast %get3A_883 : vector<1x16xf32> to vector<16xf32>
      %get3A_885 = arith.index_cast %scan3A_686 : i32 to index
      %get3A_886 = arith.constant 112 : index
      %get3A_887 = tpu.vector_load %arg10[%get3A_885, %get3A_886] {strides = array<i32>} : memref<64x128xf32, #tpu.memory_space<vmem>>, vector<1x16xf32>,
      %get3A_888 = vector.shape_cast %get3A_887 : vector<1x16xf32> to vector<16xf32>
      %get3A_889 = arith.index_cast %scan3A_686 : i32 to index
      %get3A_890 = arith.constant 112 : index
      %get3A_891 = tpu.vector_load %arg11[%get3A_889, %get3A_890] {strides = array<i32>} : memref<64x128xf32, #tpu.memory_space<vmem>>, vector<1x16xf32>,
      %get3A_892 = vector.shape_cast %get3A_891 : vector<1x16xf32> to vector<16xf32>
      %get3A_893 = arith.index_cast %scan3A_686 : i32 to index
      %get3A_894 = arith.constant 112 : index
      %get3A_895 = tpu.vector_load %arg12[%get3A_893, %get3A_894] {strides = array<i32>} : memref<64x128xf32, #tpu.memory_space<vmem>>, vector<1x16xf32>,
      %get3A_896 = vector.shape_cast %get3A_895 : vector<1x16xf32> to vector<16xf32>
      %sub3A_897 = arith.subf %get3A_880, %get3A_884 : vector<16xf32>
      %mul3A_898 = arith.mulf %sub3A_897, %get3A_888 : vector<16xf32>
      %add3A_899 = arith.addf %get3A_880, %get3A_884 : vector<16xf32>
      %mul3A_900 = arith.mulf %add3A_899, %get3A_892 : vector<16xf32>
      %add3A_901 = arith.addf %mul3A_898, %mul3A_900 : vector<16xf32>
      %mul3A_902 = arith.mulf %get3A_896, %add3A_901 : vector<16xf32>
      %add3A_903 = arith.addf %add3A_849, %mul3A_902 : vector<16xf32>
      %add3A_904 = arith.addf %add3A_876, %add3A_903 : vector<16xf32>
      %add3A_905 = arith.constant 0 : i32
      %add3A_906 = arith.addi %add3A_905, %scan3A_686 : i32
      %swap3A = arith.index_cast %add3A_906 : i32 to index
      %swap3A_907 = arith.constant 0 : index
      %swap3A_908 = tpu.vector_load %arg18[%swap3A, %swap3A_907] {strides = array<i32>} : memref<512x16xf32, #tpu.memory_space<vmem>>, vector<1x16xf32>,
      %swap3A_909 = vector.shape_cast %swap3A_908 : vector<1x16xf32> to vector<16xf32>
      %swap3A_910 = vector.shape_cast %add3A_904 : vector<16xf32> to vector<1x16xf32>
      tpu.vector_store %arg18[%swap3A, %swap3A_907], %swap3A_910 {strides = array<i32>} : memref<512x16xf32, #tpu.memory_space<vmem>>, vector<1x16xf32>,
    }
    %scan3A_123 = arith.constant 64 : i32
    %dma_start3A_124 = arith.constant 0 : i32
    %dma_start3A_125 = arith.constant 2 : i32
    %dma_start3A_126 = arith.constant 0 : i32
    %dma_start3A_127 = tpu.memref_slice %arg7[%dma_start3A_124, %dma_start3A_125, %dma_start3A_126] : memref<3x8x64xi32, #tpu.memory_space<vmem>> -> memref<1x1x64xi32, #tpu.memory_space<vmem>>
    %dma_start3A_128 = tpu.memref_squeeze %dma_start3A_127 : memref<1x1x64xi32, #tpu.memory_space<vmem>> -> memref<64xi32, #tpu.memory_space<vmem>>
    %dma_start3A_129 = arith.constant 0 : i32
    %dma_start3A_130 = arith.constant 0 : i32
    %dma_start3A_131 = tpu.memref_slice %arg3[%dma_start3A_129, %dma_start3A_130] : memref<100001x128xf32, #tpu.memory_space<hbm>> -> memref<100001x128xf32, #tpu.memory_space<hbm>>
    tpu.enqueue_indirect_dma source(%dma_start3A_131 : memref<100001x128xf32, #tpu.memory_space<hbm>>) target(%arg8 : memref<64x128xf32, #tpu.memory_space<vmem>>) offsets(%dma_start3A_128 : memref<64xi32, #tpu.memory_space<vmem>>) semaphore(%arg19 : memref<!tpu.dma_semaphore, #tpu.memory_space<semaphore_mem>>)
    %dma_start3A_132 = arith.constant 0 : i32
    %dma_start3A_133 = arith.constant 2 : i32
    %dma_start3A_134 = arith.constant 0 : i32
    %dma_start3A_135 = tpu.memref_slice %arg7[%dma_start3A_132, %dma_start3A_133, %dma_start3A_134] : memref<3x8x64xi32, #tpu.memory_space<vmem>> -> memref<1x1x64xi32, #tpu.memory_space<vmem>>
    %dma_start3A_136 = tpu.memref_squeeze %dma_start3A_135 : memref<1x1x64xi32, #tpu.memory_space<vmem>> -> memref<64xi32, #tpu.memory_space<vmem>>
    %dma_start3A_137 = arith.constant 0 : i32
    %dma_start3A_138 = arith.constant 0 : i32
    %dma_start3A_139 = tpu.memref_slice %arg4[%dma_start3A_137, %dma_start3A_138] : memref<100001x128xf32, #tpu.memory_space<hbm>> -> memref<100001x128xf32, #tpu.memory_space<hbm>>
    tpu.enqueue_indirect_dma source(%dma_start3A_139 : memref<100001x128xf32, #tpu.memory_space<hbm>>) target(%arg9 : memref<64x128xf32, #tpu.memory_space<vmem>>) offsets(%dma_start3A_136 : memref<64xi32, #tpu.memory_space<vmem>>) semaphore(%arg19 : memref<!tpu.dma_semaphore, #tpu.memory_space<semaphore_mem>>)
    %dma_start3A_140 = arith.constant 2 : i32
    %dma_start3A_141 = arith.constant 2 : i32
    %dma_start3A_142 = arith.constant 0 : i32
    %dma_start3A_143 = tpu.memref_slice %arg7[%dma_start3A_140, %dma_start3A_141, %dma_start3A_142] : memref<3x8x64xi32, #tpu.memory_space<vmem>> -> memref<1x1x64xi32, #tpu.memory_space<vmem>>
    %dma_start3A_144 = tpu.memref_squeeze %dma_start3A_143 : memref<1x1x64xi32, #tpu.memory_space<vmem>> -> memref<64xi32, #tpu.memory_space<vmem>>
    %dma_start3A_145 = arith.constant 0 : i32
    %dma_start3A_146 = arith.constant 0 : i32
    %dma_start3A_147 = tpu.memref_slice %arg3[%dma_start3A_145, %dma_start3A_146] : memref<100001x128xf32, #tpu.memory_space<hbm>> -> memref<100001x128xf32, #tpu.memory_space<hbm>>
    tpu.enqueue_indirect_dma source(%dma_start3A_147 : memref<100001x128xf32, #tpu.memory_space<hbm>>) target(%arg10 : memref<64x128xf32, #tpu.memory_space<vmem>>) offsets(%dma_start3A_144 : memref<64xi32, #tpu.memory_space<vmem>>) semaphore(%arg19 : memref<!tpu.dma_semaphore, #tpu.memory_space<semaphore_mem>>)
    %dma_start3A_148 = arith.constant 2 : i32
    %dma_start3A_149 = arith.constant 2 : i32
    %dma_start3A_150 = arith.constant 0 : i32
    %dma_start3A_151 = tpu.memref_slice %arg7[%dma_start3A_148, %dma_start3A_149, %dma_start3A_150] : memref<3x8x64xi32, #tpu.memory_space<vmem>> -> memref<1x1x64xi32, #tpu.memory_space<vmem>>
    %dma_start3A_152 = tpu.memref_squeeze %dma_start3A_151 : memref<1x1x64xi32, #tpu.memory_space<vmem>> -> memref<64xi32, #tpu.memory_space<vmem>>
    %dma_start3A_153 = arith.constant 0 : i32
    %dma_start3A_154 = arith.constant 0 : i32
    %dma_start3A_155 = tpu.memref_slice %arg4[%dma_start3A_153, %dma_start3A_154] : memref<100001x128xf32, #tpu.memory_space<hbm>> -> memref<100001x128xf32, #tpu.memory_space<hbm>>
    tpu.enqueue_indirect_dma source(%dma_start3A_155 : memref<100001x128xf32, #tpu.memory_space<hbm>>) target(%arg11 : memref<64x128xf32, #tpu.memory_space<vmem>>) offsets(%dma_start3A_152 : memref<64xi32, #tpu.memory_space<vmem>>) semaphore(%arg19 : memref<!tpu.dma_semaphore, #tpu.memory_space<semaphore_mem>>)
    %dma_start3A_156 = arith.constant 1 : i32
    %dma_start3A_157 = arith.constant 2 : i32
    %dma_start3A_158 = arith.constant 0 : i32
    %dma_start3A_159 = tpu.memref_slice %arg7[%dma_start3A_156, %dma_start3A_157, %dma_start3A_158] : memref<3x8x64xi32, #tpu.memory_space<vmem>> -> memref<1x1x64xi32, #tpu.memory_space<vmem>>
    %dma_start3A_160 = tpu.memref_squeeze %dma_start3A_159 : memref<1x1x64xi32, #tpu.memory_space<vmem>> -> memref<64xi32, #tpu.memory_space<vmem>>
    %dma_start3A_161 = arith.constant 0 : i32
    %dma_start3A_162 = arith.constant 0 : i32
    %dma_start3A_163 = tpu.memref_slice %arg5[%dma_start3A_161, %dma_start3A_162] : memref<1001x128xf32, #tpu.memory_space<hbm>> -> memref<1001x128xf32, #tpu.memory_space<hbm>>
    tpu.enqueue_indirect_dma source(%dma_start3A_163 : memref<1001x128xf32, #tpu.memory_space<hbm>>) target(%arg12 : memref<64x128xf32, #tpu.memory_space<vmem>>) offsets(%dma_start3A_160 : memref<64xi32, #tpu.memory_space<vmem>>) semaphore(%arg19 : memref<!tpu.dma_semaphore, #tpu.memory_space<semaphore_mem>>)
    %dma_wait3A_164 = arith.constant 0 : i32
    %dma_wait3A_165 = arith.constant 1 : i32
    %dma_wait3A_166 = arith.constant 0 : i32
    %dma_wait3A_167 = tpu.memref_slice %arg7[%dma_wait3A_164, %dma_wait3A_165, %dma_wait3A_166] : memref<3x8x64xi32, #tpu.memory_space<vmem>> -> memref<1x1x64xi32, #tpu.memory_space<vmem>>
    %dma_wait3A_168 = tpu.memref_squeeze %dma_wait3A_167 : memref<1x1x64xi32, #tpu.memory_space<vmem>> -> memref<64xi32, #tpu.memory_space<vmem>>
    %dma_wait3A_169 = arith.constant 0 : i32
    %dma_wait3A_170 = arith.constant 0 : i32
    %dma_wait3A_171 = tpu.memref_slice %arg3[%dma_wait3A_169, %dma_wait3A_170] : memref<100001x128xf32, #tpu.memory_space<hbm>> -> memref<100001x128xf32, #tpu.memory_space<hbm>>
    tpu.wait_indirect_dma semaphore(%arg20 : memref<!tpu.dma_semaphore, #tpu.memory_space<semaphore_mem>>) src(%dma_wait3A_171 : memref<100001x128xf32, #tpu.memory_space<hbm>>) dst(%arg13 : memref<64x128xf32, #tpu.memory_space<vmem>>)
    %dma_wait3A_172 = arith.constant 0 : i32
    %dma_wait3A_173 = arith.constant 1 : i32
    %dma_wait3A_174 = arith.constant 0 : i32
    %dma_wait3A_175 = tpu.memref_slice %arg7[%dma_wait3A_172, %dma_wait3A_173, %dma_wait3A_174] : memref<3x8x64xi32, #tpu.memory_space<vmem>> -> memref<1x1x64xi32, #tpu.memory_space<vmem>>
    %dma_wait3A_176 = tpu.memref_squeeze %dma_wait3A_175 : memref<1x1x64xi32, #tpu.memory_space<vmem>> -> memref<64xi32, #tpu.memory_space<vmem>>
    %dma_wait3A_177 = arith.constant 0 : i32
    %dma_wait3A_178 = arith.constant 0 : i32
    %dma_wait3A_179 = tpu.memref_slice %arg4[%dma_wait3A_177, %dma_wait3A_178] : memref<100001x128xf32, #tpu.memory_space<hbm>> -> memref<100001x128xf32, #tpu.memory_space<hbm>>
    tpu.wait_indirect_dma semaphore(%arg20 : memref<!tpu.dma_semaphore, #tpu.memory_space<semaphore_mem>>) src(%dma_wait3A_179 : memref<100001x128xf32, #tpu.memory_space<hbm>>) dst(%arg14 : memref<64x128xf32, #tpu.memory_space<vmem>>)
    %dma_wait3A_180 = arith.constant 2 : i32
    %dma_wait3A_181 = arith.constant 1 : i32
    %dma_wait3A_182 = arith.constant 0 : i32
    %dma_wait3A_183 = tpu.memref_slice %arg7[%dma_wait3A_180, %dma_wait3A_181, %dma_wait3A_182] : memref<3x8x64xi32, #tpu.memory_space<vmem>> -> memref<1x1x64xi32, #tpu.memory_space<vmem>>
    %dma_wait3A_184 = tpu.memref_squeeze %dma_wait3A_183 : memref<1x1x64xi32, #tpu.memory_space<vmem>> -> memref<64xi32, #tpu.memory_space<vmem>>
    %dma_wait3A_185 = arith.constant 0 : i32
    %dma_wait3A_186 = arith.constant 0 : i32
    %dma_wait3A_187 = tpu.memref_slice %arg3[%dma_wait3A_185, %dma_wait3A_186] : memref<100001x128xf32, #tpu.memory_space<hbm>> -> memref<100001x128xf32, #tpu.memory_space<hbm>>
    tpu.wait_indirect_dma semaphore(%arg20 : memref<!tpu.dma_semaphore, #tpu.memory_space<semaphore_mem>>) src(%dma_wait3A_187 : memref<100001x128xf32, #tpu.memory_space<hbm>>) dst(%arg15 : memref<64x128xf32, #tpu.memory_space<vmem>>)
    %dma_wait3A_188 = arith.constant 2 : i32
    %dma_wait3A_189 = arith.constant 1 : i32
    %dma_wait3A_190 = arith.constant 0 : i32
    %dma_wait3A_191 = tpu.memref_slice %arg7[%dma_wait3A_188, %dma_wait3A_189, %dma_wait3A_190] : memref<3x8x64xi32, #tpu.memory_space<vmem>> -> memref<1x1x64xi32, #tpu.memory_space<vmem>>
    %dma_wait3A_192 = tpu.memref_squeeze %dma_wait3A_191 : memref<1x1x64xi32, #tpu.memory_space<vmem>> -> memref<64xi32, #tpu.memory_space<vmem>>
    %dma_wait3A_193 = arith.constant 0 : i32
    %dma_wait3A_194 = arith.constant 0 : i32
    %dma_wait3A_195 = tpu.memref_slice %arg4[%dma_wait3A_193, %dma_wait3A_194] : memref<100001x128xf32, #tpu.memory_space<hbm>> -> memref<100001x128xf32, #tpu.memory_space<hbm>>
    tpu.wait_indirect_dma semaphore(%arg20 : memref<!tpu.dma_semaphore, #tpu.memory_space<semaphore_mem>>) src(%dma_wait3A_195 : memref<100001x128xf32, #tpu.memory_space<hbm>>) dst(%arg16 : memref<64x128xf32, #tpu.memory_space<vmem>>)
    %dma_wait3A_196 = arith.constant 1 : i32
    %dma_wait3A_197 = arith.constant 1 : i32
    %dma_wait3A_198 = arith.constant 0 : i32
    %dma_wait3A_199 = tpu.memref_slice %arg7[%dma_wait3A_196, %dma_wait3A_197, %dma_wait3A_198] : memref<3x8x64xi32, #tpu.memory_space<vmem>> -> memref<1x1x64xi32, #tpu.memory_space<vmem>>
    %dma_wait3A_200 = tpu.memref_squeeze %dma_wait3A_199 : memref<1x1x64xi32, #tpu.memory_space<vmem>> -> memref<64xi32, #tpu.memory_space<vmem>>
    %dma_wait3A_201 = arith.constant 0 : i32
    %dma_wait3A_202 = arith.constant 0 : i32
    %dma_wait3A_203 = tpu.memref_slice %arg5[%dma_wait3A_201, %dma_wait3A_202] : memref<1001x128xf32, #tpu.memory_space<hbm>> -> memref<1001x128xf32, #tpu.memory_space<hbm>>
    tpu.wait_indirect_dma semaphore(%arg20 : memref<!tpu.dma_semaphore, #tpu.memory_space<semaphore_mem>>) src(%dma_wait3A_203 : memref<1001x128xf32, #tpu.memory_space<hbm>>) dst(%arg17 : memref<64x128xf32, #tpu.memory_space<vmem>>)
    %scan3A_204 = arith.constant 0 : i32
    %scan3A_205 = arith.constant 0 : i32
    %scan3A_206 = arith.constant 64 : i32
    %scan3A_207 = arith.addi %scan3A_205, %scan3A_206 : i32
    %scan3A_208 = arith.constant 1 : i32
    scf.for %scan3A_686 = %scan3A_205 to %scan3A_207 step %scan3A_208  : i32 {
      %broadcast_in_dim3A = arith.constant 0.000000e+00 : f32
      %broadcast_in_dim3A_687 = vector.broadcast %broadcast_in_dim3A : f32 to vector<16xf32>
      %broadcast_in_dim3A_688 = arith.constant 0.000000e+00 : f32
      %broadcast_in_dim3A_689 = vector.broadcast %broadcast_in_dim3A_688 : f32 to vector<16xf32>
      %get3A = arith.index_cast %scan3A_686 : i32 to index
      %get3A_690 = arith.constant 0 : index
      %get3A_691 = tpu.vector_load %arg13[%get3A, %get3A_690] {strides = array<i32>} : memref<64x128xf32, #tpu.memory_space<vmem>>, vector<1x16xf32>,
      %get3A_692 = vector.shape_cast %get3A_691 : vector<1x16xf32> to vector<16xf32>
      %get3A_693 = arith.index_cast %scan3A_686 : i32 to index
      %get3A_694 = arith.constant 0 : index
      %get3A_695 = tpu.vector_load %arg14[%get3A_693, %get3A_694] {strides = array<i32>} : memref<64x128xf32, #tpu.memory_space<vmem>>, vector<1x16xf32>,
      %get3A_696 = vector.shape_cast %get3A_695 : vector<1x16xf32> to vector<16xf32>
      %get3A_697 = arith.index_cast %scan3A_686 : i32 to index
      %get3A_698 = arith.constant 0 : index
      %get3A_699 = tpu.vector_load %arg15[%get3A_697, %get3A_698] {strides = array<i32>} : memref<64x128xf32, #tpu.memory_space<vmem>>, vector<1x16xf32>,
      %get3A_700 = vector.shape_cast %get3A_699 : vector<1x16xf32> to vector<16xf32>
      %get3A_701 = arith.index_cast %scan3A_686 : i32 to index
      %get3A_702 = arith.constant 0 : index
      %get3A_703 = tpu.vector_load %arg16[%get3A_701, %get3A_702] {strides = array<i32>} : memref<64x128xf32, #tpu.memory_space<vmem>>, vector<1x16xf32>,
      %get3A_704 = vector.shape_cast %get3A_703 : vector<1x16xf32> to vector<16xf32>
      %get3A_705 = arith.index_cast %scan3A_686 : i32 to index
      %get3A_706 = arith.constant 0 : index
      %get3A_707 = tpu.vector_load %arg17[%get3A_705, %get3A_706] {strides = array<i32>} : memref<64x128xf32, #tpu.memory_space<vmem>>, vector<1x16xf32>,
      %get3A_708 = vector.shape_cast %get3A_707 : vector<1x16xf32> to vector<16xf32>
      %sub3A = arith.subf %get3A_692, %get3A_696 : vector<16xf32>
      %mul3A_709 = arith.mulf %sub3A, %get3A_700 : vector<16xf32>
      %add3A_710 = arith.addf %get3A_692, %get3A_696 : vector<16xf32>
      %mul3A_711 = arith.mulf %add3A_710, %get3A_704 : vector<16xf32>
      %add3A_712 = arith.addf %mul3A_709, %mul3A_711 : vector<16xf32>
      %mul3A_713 = arith.mulf %get3A_708, %add3A_712 : vector<16xf32>
      %add3A_714 = arith.addf %broadcast_in_dim3A_687, %mul3A_713 : vector<16xf32>
      %get3A_715 = arith.index_cast %scan3A_686 : i32 to index
      %get3A_716 = arith.constant 16 : index
      %get3A_717 = tpu.vector_load %arg13[%get3A_715, %get3A_716] {strides = array<i32>} : memref<64x128xf32, #tpu.memory_space<vmem>>, vector<1x16xf32>,
      %get3A_718 = vector.shape_cast %get3A_717 : vector<1x16xf32> to vector<16xf32>
      %get3A_719 = arith.index_cast %scan3A_686 : i32 to index
      %get3A_720 = arith.constant 16 : index
      %get3A_721 = tpu.vector_load %arg14[%get3A_719, %get3A_720] {strides = array<i32>} : memref<64x128xf32, #tpu.memory_space<vmem>>, vector<1x16xf32>,
      %get3A_722 = vector.shape_cast %get3A_721 : vector<1x16xf32> to vector<16xf32>
      %get3A_723 = arith.index_cast %scan3A_686 : i32 to index
      %get3A_724 = arith.constant 16 : index
      %get3A_725 = tpu.vector_load %arg15[%get3A_723, %get3A_724] {strides = array<i32>} : memref<64x128xf32, #tpu.memory_space<vmem>>, vector<1x16xf32>,
      %get3A_726 = vector.shape_cast %get3A_725 : vector<1x16xf32> to vector<16xf32>
      %get3A_727 = arith.index_cast %scan3A_686 : i32 to index
      %get3A_728 = arith.constant 16 : index
      %get3A_729 = tpu.vector_load %arg16[%get3A_727, %get3A_728] {strides = array<i32>} : memref<64x128xf32, #tpu.memory_space<vmem>>, vector<1x16xf32>,
      %get3A_730 = vector.shape_cast %get3A_729 : vector<1x16xf32> to vector<16xf32>
      %get3A_731 = arith.index_cast %scan3A_686 : i32 to index
      %get3A_732 = arith.constant 16 : index
      %get3A_733 = tpu.vector_load %arg17[%get3A_731, %get3A_732] {strides = array<i32>} : memref<64x128xf32, #tpu.memory_space<vmem>>, vector<1x16xf32>,
      %get3A_734 = vector.shape_cast %get3A_733 : vector<1x16xf32> to vector<16xf32>
      %sub3A_735 = arith.subf %get3A_718, %get3A_722 : vector<16xf32>
      %mul3A_736 = arith.mulf %sub3A_735, %get3A_726 : vector<16xf32>
      %add3A_737 = arith.addf %get3A_718, %get3A_722 : vector<16xf32>
      %mul3A_738 = arith.mulf %add3A_737, %get3A_730 : vector<16xf32>
      %add3A_739 = arith.addf %mul3A_736, %mul3A_738 : vector<16xf32>
      %mul3A_740 = arith.mulf %get3A_734, %add3A_739 : vector<16xf32>
      %add3A_741 = arith.addf %broadcast_in_dim3A_689, %mul3A_740 : vector<16xf32>
      %get3A_742 = arith.index_cast %scan3A_686 : i32 to index
      %get3A_743 = arith.constant 32 : index
      %get3A_744 = tpu.vector_load %arg13[%get3A_742, %get3A_743] {strides = array<i32>} : memref<64x128xf32, #tpu.memory_space<vmem>>, vector<1x16xf32>,
      %get3A_745 = vector.shape_cast %get3A_744 : vector<1x16xf32> to vector<16xf32>
      %get3A_746 = arith.index_cast %scan3A_686 : i32 to index
      %get3A_747 = arith.constant 32 : index
      %get3A_748 = tpu.vector_load %arg14[%get3A_746, %get3A_747] {strides = array<i32>} : memref<64x128xf32, #tpu.memory_space<vmem>>, vector<1x16xf32>,
      %get3A_749 = vector.shape_cast %get3A_748 : vector<1x16xf32> to vector<16xf32>
      %get3A_750 = arith.index_cast %scan3A_686 : i32 to index
      %get3A_751 = arith.constant 32 : index
      %get3A_752 = tpu.vector_load %arg15[%get3A_750, %get3A_751] {strides = array<i32>} : memref<64x128xf32, #tpu.memory_space<vmem>>, vector<1x16xf32>,
      %get3A_753 = vector.shape_cast %get3A_752 : vector<1x16xf32> to vector<16xf32>
      %get3A_754 = arith.index_cast %scan3A_686 : i32 to index
      %get3A_755 = arith.constant 32 : index
      %get3A_756 = tpu.vector_load %arg16[%get3A_754, %get3A_755] {strides = array<i32>} : memref<64x128xf32, #tpu.memory_space<vmem>>, vector<1x16xf32>,
      %get3A_757 = vector.shape_cast %get3A_756 : vector<1x16xf32> to vector<16xf32>
      %get3A_758 = arith.index_cast %scan3A_686 : i32 to index
      %get3A_759 = arith.constant 32 : index
      %get3A_760 = tpu.vector_load %arg17[%get3A_758, %get3A_759] {strides = array<i32>} : memref<64x128xf32, #tpu.memory_space<vmem>>, vector<1x16xf32>,
      %get3A_761 = vector.shape_cast %get3A_760 : vector<1x16xf32> to vector<16xf32>
      %sub3A_762 = arith.subf %get3A_745, %get3A_749 : vector<16xf32>
      %mul3A_763 = arith.mulf %sub3A_762, %get3A_753 : vector<16xf32>
      %add3A_764 = arith.addf %get3A_745, %get3A_749 : vector<16xf32>
      %mul3A_765 = arith.mulf %add3A_764, %get3A_757 : vector<16xf32>
      %add3A_766 = arith.addf %mul3A_763, %mul3A_765 : vector<16xf32>
      %mul3A_767 = arith.mulf %get3A_761, %add3A_766 : vector<16xf32>
      %add3A_768 = arith.addf %add3A_714, %mul3A_767 : vector<16xf32>
      %get3A_769 = arith.index_cast %scan3A_686 : i32 to index
      %get3A_770 = arith.constant 48 : index
      %get3A_771 = tpu.vector_load %arg13[%get3A_769, %get3A_770] {strides = array<i32>} : memref<64x128xf32, #tpu.memory_space<vmem>>, vector<1x16xf32>,
      %get3A_772 = vector.shape_cast %get3A_771 : vector<1x16xf32> to vector<16xf32>
      %get3A_773 = arith.index_cast %scan3A_686 : i32 to index
      %get3A_774 = arith.constant 48 : index
      %get3A_775 = tpu.vector_load %arg14[%get3A_773, %get3A_774] {strides = array<i32>} : memref<64x128xf32, #tpu.memory_space<vmem>>, vector<1x16xf32>,
      %get3A_776 = vector.shape_cast %get3A_775 : vector<1x16xf32> to vector<16xf32>
      %get3A_777 = arith.index_cast %scan3A_686 : i32 to index
      %get3A_778 = arith.constant 48 : index
      %get3A_779 = tpu.vector_load %arg15[%get3A_777, %get3A_778] {strides = array<i32>} : memref<64x128xf32, #tpu.memory_space<vmem>>, vector<1x16xf32>,
      %get3A_780 = vector.shape_cast %get3A_779 : vector<1x16xf32> to vector<16xf32>
      %get3A_781 = arith.index_cast %scan3A_686 : i32 to index
      %get3A_782 = arith.constant 48 : index
      %get3A_783 = tpu.vector_load %arg16[%get3A_781, %get3A_782] {strides = array<i32>} : memref<64x128xf32, #tpu.memory_space<vmem>>, vector<1x16xf32>,
      %get3A_784 = vector.shape_cast %get3A_783 : vector<1x16xf32> to vector<16xf32>
      %get3A_785 = arith.index_cast %scan3A_686 : i32 to index
      %get3A_786 = arith.constant 48 : index
      %get3A_787 = tpu.vector_load %arg17[%get3A_785, %get3A_786] {strides = array<i32>} : memref<64x128xf32, #tpu.memory_space<vmem>>, vector<1x16xf32>,
      %get3A_788 = vector.shape_cast %get3A_787 : vector<1x16xf32> to vector<16xf32>
      %sub3A_789 = arith.subf %get3A_772, %get3A_776 : vector<16xf32>
      %mul3A_790 = arith.mulf %sub3A_789, %get3A_780 : vector<16xf32>
      %add3A_791 = arith.addf %get3A_772, %get3A_776 : vector<16xf32>
      %mul3A_792 = arith.mulf %add3A_791, %get3A_784 : vector<16xf32>
      %add3A_793 = arith.addf %mul3A_790, %mul3A_792 : vector<16xf32>
      %mul3A_794 = arith.mulf %get3A_788, %add3A_793 : vector<16xf32>
      %add3A_795 = arith.addf %add3A_741, %mul3A_794 : vector<16xf32>
      %get3A_796 = arith.index_cast %scan3A_686 : i32 to index
      %get3A_797 = arith.constant 64 : index
      %get3A_798 = tpu.vector_load %arg13[%get3A_796, %get3A_797] {strides = array<i32>} : memref<64x128xf32, #tpu.memory_space<vmem>>, vector<1x16xf32>,
      %get3A_799 = vector.shape_cast %get3A_798 : vector<1x16xf32> to vector<16xf32>
      %get3A_800 = arith.index_cast %scan3A_686 : i32 to index
      %get3A_801 = arith.constant 64 : index
      %get3A_802 = tpu.vector_load %arg14[%get3A_800, %get3A_801] {strides = array<i32>} : memref<64x128xf32, #tpu.memory_space<vmem>>, vector<1x16xf32>,
      %get3A_803 = vector.shape_cast %get3A_802 : vector<1x16xf32> to vector<16xf32>
      %get3A_804 = arith.index_cast %scan3A_686 : i32 to index
      %get3A_805 = arith.constant 64 : index
      %get3A_806 = tpu.vector_load %arg15[%get3A_804, %get3A_805] {strides = array<i32>} : memref<64x128xf32, #tpu.memory_space<vmem>>, vector<1x16xf32>,
      %get3A_807 = vector.shape_cast %get3A_806 : vector<1x16xf32> to vector<16xf32>
      %get3A_808 = arith.index_cast %scan3A_686 : i32 to index
      %get3A_809 = arith.constant 64 : index
      %get3A_810 = tpu.vector_load %arg16[%get3A_808, %get3A_809] {strides = array<i32>} : memref<64x128xf32, #tpu.memory_space<vmem>>, vector<1x16xf32>,
      %get3A_811 = vector.shape_cast %get3A_810 : vector<1x16xf32> to vector<16xf32>
      %get3A_812 = arith.index_cast %scan3A_686 : i32 to index
      %get3A_813 = arith.constant 64 : index
      %get3A_814 = tpu.vector_load %arg17[%get3A_812, %get3A_813] {strides = array<i32>} : memref<64x128xf32, #tpu.memory_space<vmem>>, vector<1x16xf32>,
      %get3A_815 = vector.shape_cast %get3A_814 : vector<1x16xf32> to vector<16xf32>
      %sub3A_816 = arith.subf %get3A_799, %get3A_803 : vector<16xf32>
      %mul3A_817 = arith.mulf %sub3A_816, %get3A_807 : vector<16xf32>
      %add3A_818 = arith.addf %get3A_799, %get3A_803 : vector<16xf32>
      %mul3A_819 = arith.mulf %add3A_818, %get3A_811 : vector<16xf32>
      %add3A_820 = arith.addf %mul3A_817, %mul3A_819 : vector<16xf32>
      %mul3A_821 = arith.mulf %get3A_815, %add3A_820 : vector<16xf32>
      %add3A_822 = arith.addf %add3A_768, %mul3A_821 : vector<16xf32>
      %get3A_823 = arith.index_cast %scan3A_686 : i32 to index
      %get3A_824 = arith.constant 80 : index
      %get3A_825 = tpu.vector_load %arg13[%get3A_823, %get3A_824] {strides = array<i32>} : memref<64x128xf32, #tpu.memory_space<vmem>>, vector<1x16xf32>,
      %get3A_826 = vector.shape_cast %get3A_825 : vector<1x16xf32> to vector<16xf32>
      %get3A_827 = arith.index_cast %scan3A_686 : i32 to index
      %get3A_828 = arith.constant 80 : index
      %get3A_829 = tpu.vector_load %arg14[%get3A_827, %get3A_828] {strides = array<i32>} : memref<64x128xf32, #tpu.memory_space<vmem>>, vector<1x16xf32>,
      %get3A_830 = vector.shape_cast %get3A_829 : vector<1x16xf32> to vector<16xf32>
      %get3A_831 = arith.index_cast %scan3A_686 : i32 to index
      %get3A_832 = arith.constant 80 : index
      %get3A_833 = tpu.vector_load %arg15[%get3A_831, %get3A_832] {strides = array<i32>} : memref<64x128xf32, #tpu.memory_space<vmem>>, vector<1x16xf32>,
      %get3A_834 = vector.shape_cast %get3A_833 : vector<1x16xf32> to vector<16xf32>
      %get3A_835 = arith.index_cast %scan3A_686 : i32 to index
      %get3A_836 = arith.constant 80 : index
      %get3A_837 = tpu.vector_load %arg16[%get3A_835, %get3A_836] {strides = array<i32>} : memref<64x128xf32, #tpu.memory_space<vmem>>, vector<1x16xf32>,
      %get3A_838 = vector.shape_cast %get3A_837 : vector<1x16xf32> to vector<16xf32>
      %get3A_839 = arith.index_cast %scan3A_686 : i32 to index
      %get3A_840 = arith.constant 80 : index
      %get3A_841 = tpu.vector_load %arg17[%get3A_839, %get3A_840] {strides = array<i32>} : memref<64x128xf32, #tpu.memory_space<vmem>>, vector<1x16xf32>,
      %get3A_842 = vector.shape_cast %get3A_841 : vector<1x16xf32> to vector<16xf32>
      %sub3A_843 = arith.subf %get3A_826, %get3A_830 : vector<16xf32>
      %mul3A_844 = arith.mulf %sub3A_843, %get3A_834 : vector<16xf32>
      %add3A_845 = arith.addf %get3A_826, %get3A_830 : vector<16xf32>
      %mul3A_846 = arith.mulf %add3A_845, %get3A_838 : vector<16xf32>
      %add3A_847 = arith.addf %mul3A_844, %mul3A_846 : vector<16xf32>
      %mul3A_848 = arith.mulf %get3A_842, %add3A_847 : vector<16xf32>
      %add3A_849 = arith.addf %add3A_795, %mul3A_848 : vector<16xf32>
      %get3A_850 = arith.index_cast %scan3A_686 : i32 to index
      %get3A_851 = arith.constant 96 : index
      %get3A_852 = tpu.vector_load %arg13[%get3A_850, %get3A_851] {strides = array<i32>} : memref<64x128xf32, #tpu.memory_space<vmem>>, vector<1x16xf32>,
      %get3A_853 = vector.shape_cast %get3A_852 : vector<1x16xf32> to vector<16xf32>
      %get3A_854 = arith.index_cast %scan3A_686 : i32 to index
      %get3A_855 = arith.constant 96 : index
      %get3A_856 = tpu.vector_load %arg14[%get3A_854, %get3A_855] {strides = array<i32>} : memref<64x128xf32, #tpu.memory_space<vmem>>, vector<1x16xf32>,
      %get3A_857 = vector.shape_cast %get3A_856 : vector<1x16xf32> to vector<16xf32>
      %get3A_858 = arith.index_cast %scan3A_686 : i32 to index
      %get3A_859 = arith.constant 96 : index
      %get3A_860 = tpu.vector_load %arg15[%get3A_858, %get3A_859] {strides = array<i32>} : memref<64x128xf32, #tpu.memory_space<vmem>>, vector<1x16xf32>,
      %get3A_861 = vector.shape_cast %get3A_860 : vector<1x16xf32> to vector<16xf32>
      %get3A_862 = arith.index_cast %scan3A_686 : i32 to index
      %get3A_863 = arith.constant 96 : index
      %get3A_864 = tpu.vector_load %arg16[%get3A_862, %get3A_863] {strides = array<i32>} : memref<64x128xf32, #tpu.memory_space<vmem>>, vector<1x16xf32>,
      %get3A_865 = vector.shape_cast %get3A_864 : vector<1x16xf32> to vector<16xf32>
      %get3A_866 = arith.index_cast %scan3A_686 : i32 to index
      %get3A_867 = arith.constant 96 : index
      %get3A_868 = tpu.vector_load %arg17[%get3A_866, %get3A_867] {strides = array<i32>} : memref<64x128xf32, #tpu.memory_space<vmem>>, vector<1x16xf32>,
      %get3A_869 = vector.shape_cast %get3A_868 : vector<1x16xf32> to vector<16xf32>
      %sub3A_870 = arith.subf %get3A_853, %get3A_857 : vector<16xf32>
      %mul3A_871 = arith.mulf %sub3A_870, %get3A_861 : vector<16xf32>
      %add3A_872 = arith.addf %get3A_853, %get3A_857 : vector<16xf32>
      %mul3A_873 = arith.mulf %add3A_872, %get3A_865 : vector<16xf32>
      %add3A_874 = arith.addf %mul3A_871, %mul3A_873 : vector<16xf32>
      %mul3A_875 = arith.mulf %get3A_869, %add3A_874 : vector<16xf32>
      %add3A_876 = arith.addf %add3A_822, %mul3A_875 : vector<16xf32>
      %get3A_877 = arith.index_cast %scan3A_686 : i32 to index
      %get3A_878 = arith.constant 112 : index
      %get3A_879 = tpu.vector_load %arg13[%get3A_877, %get3A_878] {strides = array<i32>} : memref<64x128xf32, #tpu.memory_space<vmem>>, vector<1x16xf32>,
      %get3A_880 = vector.shape_cast %get3A_879 : vector<1x16xf32> to vector<16xf32>
      %get3A_881 = arith.index_cast %scan3A_686 : i32 to index
      %get3A_882 = arith.constant 112 : index
      %get3A_883 = tpu.vector_load %arg14[%get3A_881, %get3A_882] {strides = array<i32>} : memref<64x128xf32, #tpu.memory_space<vmem>>, vector<1x16xf32>,
      %get3A_884 = vector.shape_cast %get3A_883 : vector<1x16xf32> to vector<16xf32>
      %get3A_885 = arith.index_cast %scan3A_686 : i32 to index
      %get3A_886 = arith.constant 112 : index
      %get3A_887 = tpu.vector_load %arg15[%get3A_885, %get3A_886] {strides = array<i32>} : memref<64x128xf32, #tpu.memory_space<vmem>>, vector<1x16xf32>,
      %get3A_888 = vector.shape_cast %get3A_887 : vector<1x16xf32> to vector<16xf32>
      %get3A_889 = arith.index_cast %scan3A_686 : i32 to index
      %get3A_890 = arith.constant 112 : index
      %get3A_891 = tpu.vector_load %arg16[%get3A_889, %get3A_890] {strides = array<i32>} : memref<64x128xf32, #tpu.memory_space<vmem>>, vector<1x16xf32>,
      %get3A_892 = vector.shape_cast %get3A_891 : vector<1x16xf32> to vector<16xf32>
      %get3A_893 = arith.index_cast %scan3A_686 : i32 to index
      %get3A_894 = arith.constant 112 : index
      %get3A_895 = tpu.vector_load %arg17[%get3A_893, %get3A_894] {strides = array<i32>} : memref<64x128xf32, #tpu.memory_space<vmem>>, vector<1x16xf32>,
      %get3A_896 = vector.shape_cast %get3A_895 : vector<1x16xf32> to vector<16xf32>
      %sub3A_897 = arith.subf %get3A_880, %get3A_884 : vector<16xf32>
      %mul3A_898 = arith.mulf %sub3A_897, %get3A_888 : vector<16xf32>
      %add3A_899 = arith.addf %get3A_880, %get3A_884 : vector<16xf32>
      %mul3A_900 = arith.mulf %add3A_899, %get3A_892 : vector<16xf32>
      %add3A_901 = arith.addf %mul3A_898, %mul3A_900 : vector<16xf32>
      %mul3A_902 = arith.mulf %get3A_896, %add3A_901 : vector<16xf32>
      %add3A_903 = arith.addf %add3A_849, %mul3A_902 : vector<16xf32>
      %add3A_904 = arith.addf %add3A_876, %add3A_903 : vector<16xf32>
      %add3A_905 = arith.constant 64 : i32
      %add3A_906 = arith.addi %add3A_905, %scan3A_686 : i32
      %swap3A = arith.index_cast %add3A_906 : i32 to index
      %swap3A_907 = arith.constant 0 : index
      %swap3A_908 = tpu.vector_load %arg18[%swap3A, %swap3A_907] {strides = array<i32>} : memref<512x16xf32, #tpu.memory_space<vmem>>, vector<1x16xf32>,
      %swap3A_909 = vector.shape_cast %swap3A_908 : vector<1x16xf32> to vector<16xf32>
      %swap3A_910 = vector.shape_cast %add3A_904 : vector<16xf32> to vector<1x16xf32>
      tpu.vector_store %arg18[%swap3A, %swap3A_907], %swap3A_910 {strides = array<i32>} : memref<512x16xf32, #tpu.memory_space<vmem>>, vector<1x16xf32>,
    }
    %scan3A_209 = arith.constant 64 : i32
    %dma_start3A_210 = arith.constant 0 : i32
    %dma_start3A_211 = arith.constant 3 : i32
    %dma_start3A_212 = arith.constant 0 : i32
    %dma_start3A_213 = tpu.memref_slice %arg7[%dma_start3A_210, %dma_start3A_211, %dma_start3A_212] : memref<3x8x64xi32, #tpu.memory_space<vmem>> -> memref<1x1x64xi32, #tpu.memory_space<vmem>>
    %dma_start3A_214 = tpu.memref_squeeze %dma_start3A_213 : memref<1x1x64xi32, #tpu.memory_space<vmem>> -> memref<64xi32, #tpu.memory_space<vmem>>
    %dma_start3A_215 = arith.constant 0 : i32
    %dma_start3A_216 = arith.constant 0 : i32
    %dma_start3A_217 = tpu.memref_slice %arg3[%dma_start3A_215, %dma_start3A_216] : memref<100001x128xf32, #tpu.memory_space<hbm>> -> memref<100001x128xf32, #tpu.memory_space<hbm>>
    tpu.enqueue_indirect_dma source(%dma_start3A_217 : memref<100001x128xf32, #tpu.memory_space<hbm>>) target(%arg13 : memref<64x128xf32, #tpu.memory_space<vmem>>) offsets(%dma_start3A_214 : memref<64xi32, #tpu.memory_space<vmem>>) semaphore(%arg20 : memref<!tpu.dma_semaphore, #tpu.memory_space<semaphore_mem>>)
    %dma_start3A_218 = arith.constant 0 : i32
    %dma_start3A_219 = arith.constant 3 : i32
    %dma_start3A_220 = arith.constant 0 : i32
    %dma_start3A_221 = tpu.memref_slice %arg7[%dma_start3A_218, %dma_start3A_219, %dma_start3A_220] : memref<3x8x64xi32, #tpu.memory_space<vmem>> -> memref<1x1x64xi32, #tpu.memory_space<vmem>>
    %dma_start3A_222 = tpu.memref_squeeze %dma_start3A_221 : memref<1x1x64xi32, #tpu.memory_space<vmem>> -> memref<64xi32, #tpu.memory_space<vmem>>
    %dma_start3A_223 = arith.constant 0 : i32
    %dma_start3A_224 = arith.constant 0 : i32
    %dma_start3A_225 = tpu.memref_slice %arg4[%dma_start3A_223, %dma_start3A_224] : memref<100001x128xf32, #tpu.memory_space<hbm>> -> memref<100001x128xf32, #tpu.memory_space<hbm>>
    tpu.enqueue_indirect_dma source(%dma_start3A_225 : memref<100001x128xf32, #tpu.memory_space<hbm>>) target(%arg14 : memref<64x128xf32, #tpu.memory_space<vmem>>) offsets(%dma_start3A_222 : memref<64xi32, #tpu.memory_space<vmem>>) semaphore(%arg20 : memref<!tpu.dma_semaphore, #tpu.memory_space<semaphore_mem>>)
    %dma_start3A_226 = arith.constant 2 : i32
    %dma_start3A_227 = arith.constant 3 : i32
    %dma_start3A_228 = arith.constant 0 : i32
    %dma_start3A_229 = tpu.memref_slice %arg7[%dma_start3A_226, %dma_start3A_227, %dma_start3A_228] : memref<3x8x64xi32, #tpu.memory_space<vmem>> -> memref<1x1x64xi32, #tpu.memory_space<vmem>>
    %dma_start3A_230 = tpu.memref_squeeze %dma_start3A_229 : memref<1x1x64xi32, #tpu.memory_space<vmem>> -> memref<64xi32, #tpu.memory_space<vmem>>
    %dma_start3A_231 = arith.constant 0 : i32
    %dma_start3A_232 = arith.constant 0 : i32
    %dma_start3A_233 = tpu.memref_slice %arg3[%dma_start3A_231, %dma_start3A_232] : memref<100001x128xf32, #tpu.memory_space<hbm>> -> memref<100001x128xf32, #tpu.memory_space<hbm>>
    tpu.enqueue_indirect_dma source(%dma_start3A_233 : memref<100001x128xf32, #tpu.memory_space<hbm>>) target(%arg15 : memref<64x128xf32, #tpu.memory_space<vmem>>) offsets(%dma_start3A_230 : memref<64xi32, #tpu.memory_space<vmem>>) semaphore(%arg20 : memref<!tpu.dma_semaphore, #tpu.memory_space<semaphore_mem>>)
    %dma_start3A_234 = arith.constant 2 : i32
    %dma_start3A_235 = arith.constant 3 : i32
    %dma_start3A_236 = arith.constant 0 : i32
    %dma_start3A_237 = tpu.memref_slice %arg7[%dma_start3A_234, %dma_start3A_235, %dma_start3A_236] : memref<3x8x64xi32, #tpu.memory_space<vmem>> -> memref<1x1x64xi32, #tpu.memory_space<vmem>>
    %dma_start3A_238 = tpu.memref_squeeze %dma_start3A_237 : memref<1x1x64xi32, #tpu.memory_space<vmem>> -> memref<64xi32, #tpu.memory_space<vmem>>
    %dma_start3A_239 = arith.constant 0 : i32
    %dma_start3A_240 = arith.constant 0 : i32
    %dma_start3A_241 = tpu.memref_slice %arg4[%dma_start3A_239, %dma_start3A_240] : memref<100001x128xf32, #tpu.memory_space<hbm>> -> memref<100001x128xf32, #tpu.memory_space<hbm>>
    tpu.enqueue_indirect_dma source(%dma_start3A_241 : memref<100001x128xf32, #tpu.memory_space<hbm>>) target(%arg16 : memref<64x128xf32, #tpu.memory_space<vmem>>) offsets(%dma_start3A_238 : memref<64xi32, #tpu.memory_space<vmem>>) semaphore(%arg20 : memref<!tpu.dma_semaphore, #tpu.memory_space<semaphore_mem>>)
    %dma_start3A_242 = arith.constant 1 : i32
    %dma_start3A_243 = arith.constant 3 : i32
    %dma_start3A_244 = arith.constant 0 : i32
    %dma_start3A_245 = tpu.memref_slice %arg7[%dma_start3A_242, %dma_start3A_243, %dma_start3A_244] : memref<3x8x64xi32, #tpu.memory_space<vmem>> -> memref<1x1x64xi32, #tpu.memory_space<vmem>>
    %dma_start3A_246 = tpu.memref_squeeze %dma_start3A_245 : memref<1x1x64xi32, #tpu.memory_space<vmem>> -> memref<64xi32, #tpu.memory_space<vmem>>
    %dma_start3A_247 = arith.constant 0 : i32
    %dma_start3A_248 = arith.constant 0 : i32
    %dma_start3A_249 = tpu.memref_slice %arg5[%dma_start3A_247, %dma_start3A_248] : memref<1001x128xf32, #tpu.memory_space<hbm>> -> memref<1001x128xf32, #tpu.memory_space<hbm>>
    tpu.enqueue_indirect_dma source(%dma_start3A_249 : memref<1001x128xf32, #tpu.memory_space<hbm>>) target(%arg17 : memref<64x128xf32, #tpu.memory_space<vmem>>) offsets(%dma_start3A_246 : memref<64xi32, #tpu.memory_space<vmem>>) semaphore(%arg20 : memref<!tpu.dma_semaphore, #tpu.memory_space<semaphore_mem>>)
    %dma_wait3A_250 = arith.constant 0 : i32
    %dma_wait3A_251 = arith.constant 2 : i32
    %dma_wait3A_252 = arith.constant 0 : i32
    %dma_wait3A_253 = tpu.memref_slice %arg7[%dma_wait3A_250, %dma_wait3A_251, %dma_wait3A_252] : memref<3x8x64xi32, #tpu.memory_space<vmem>> -> memref<1x1x64xi32, #tpu.memory_space<vmem>>
    %dma_wait3A_254 = tpu.memref_squeeze %dma_wait3A_253 : memref<1x1x64xi32, #tpu.memory_space<vmem>> -> memref<64xi32, #tpu.memory_space<vmem>>
    %dma_wait3A_255 = arith.constant 0 : i32
    %dma_wait3A_256 = arith.constant 0 : i32
    %dma_wait3A_257 = tpu.memref_slice %arg3[%dma_wait3A_255, %dma_wait3A_256] : memref<100001x128xf32, #tpu.memory_space<hbm>> -> memref<100001x128xf32, #tpu.memory_space<hbm>>
    tpu.wait_indirect_dma semaphore(%arg19 : memref<!tpu.dma_semaphore, #tpu.memory_space<semaphore_mem>>) src(%dma_wait3A_257 : memref<100001x128xf32, #tpu.memory_space<hbm>>) dst(%arg8 : memref<64x128xf32, #tpu.memory_space<vmem>>)
    %dma_wait3A_258 = arith.constant 0 : i32
    %dma_wait3A_259 = arith.constant 2 : i32
    %dma_wait3A_260 = arith.constant 0 : i32
    %dma_wait3A_261 = tpu.memref_slice %arg7[%dma_wait3A_258, %dma_wait3A_259, %dma_wait3A_260] : memref<3x8x64xi32, #tpu.memory_space<vmem>> -> memref<1x1x64xi32, #tpu.memory_space<vmem>>
    %dma_wait3A_262 = tpu.memref_squeeze %dma_wait3A_261 : memref<1x1x64xi32, #tpu.memory_space<vmem>> -> memref<64xi32, #tpu.memory_space<vmem>>
    %dma_wait3A_263 = arith.constant 0 : i32
    %dma_wait3A_264 = arith.constant 0 : i32
    %dma_wait3A_265 = tpu.memref_slice %arg4[%dma_wait3A_263, %dma_wait3A_264] : memref<100001x128xf32, #tpu.memory_space<hbm>> -> memref<100001x128xf32, #tpu.memory_space<hbm>>
    tpu.wait_indirect_dma semaphore(%arg19 : memref<!tpu.dma_semaphore, #tpu.memory_space<semaphore_mem>>) src(%dma_wait3A_265 : memref<100001x128xf32, #tpu.memory_space<hbm>>) dst(%arg9 : memref<64x128xf32, #tpu.memory_space<vmem>>)
    %dma_wait3A_266 = arith.constant 2 : i32
    %dma_wait3A_267 = arith.constant 2 : i32
    %dma_wait3A_268 = arith.constant 0 : i32
    %dma_wait3A_269 = tpu.memref_slice %arg7[%dma_wait3A_266, %dma_wait3A_267, %dma_wait3A_268] : memref<3x8x64xi32, #tpu.memory_space<vmem>> -> memref<1x1x64xi32, #tpu.memory_space<vmem>>
    %dma_wait3A_270 = tpu.memref_squeeze %dma_wait3A_269 : memref<1x1x64xi32, #tpu.memory_space<vmem>> -> memref<64xi32, #tpu.memory_space<vmem>>
    %dma_wait3A_271 = arith.constant 0 : i32
    %dma_wait3A_272 = arith.constant 0 : i32
    %dma_wait3A_273 = tpu.memref_slice %arg3[%dma_wait3A_271, %dma_wait3A_272] : memref<100001x128xf32, #tpu.memory_space<hbm>> -> memref<100001x128xf32, #tpu.memory_space<hbm>>
    tpu.wait_indirect_dma semaphore(%arg19 : memref<!tpu.dma_semaphore, #tpu.memory_space<semaphore_mem>>) src(%dma_wait3A_273 : memref<100001x128xf32, #tpu.memory_space<hbm>>) dst(%arg10 : memref<64x128xf32, #tpu.memory_space<vmem>>)
    %dma_wait3A_274 = arith.constant 2 : i32
    %dma_wait3A_275 = arith.constant 2 : i32
    %dma_wait3A_276 = arith.constant 0 : i32
    %dma_wait3A_277 = tpu.memref_slice %arg7[%dma_wait3A_274, %dma_wait3A_275, %dma_wait3A_276] : memref<3x8x64xi32, #tpu.memory_space<vmem>> -> memref<1x1x64xi32, #tpu.memory_space<vmem>>
    %dma_wait3A_278 = tpu.memref_squeeze %dma_wait3A_277 : memref<1x1x64xi32, #tpu.memory_space<vmem>> -> memref<64xi32, #tpu.memory_space<vmem>>
    %dma_wait3A_279 = arith.constant 0 : i32
    %dma_wait3A_280 = arith.constant 0 : i32
    %dma_wait3A_281 = tpu.memref_slice %arg4[%dma_wait3A_279, %dma_wait3A_280] : memref<100001x128xf32, #tpu.memory_space<hbm>> -> memref<100001x128xf32, #tpu.memory_space<hbm>>
    tpu.wait_indirect_dma semaphore(%arg19 : memref<!tpu.dma_semaphore, #tpu.memory_space<semaphore_mem>>) src(%dma_wait3A_281 : memref<100001x128xf32, #tpu.memory_space<hbm>>) dst(%arg11 : memref<64x128xf32, #tpu.memory_space<vmem>>)
    %dma_wait3A_282 = arith.constant 1 : i32
    %dma_wait3A_283 = arith.constant 2 : i32
    %dma_wait3A_284 = arith.constant 0 : i32
    %dma_wait3A_285 = tpu.memref_slice %arg7[%dma_wait3A_282, %dma_wait3A_283, %dma_wait3A_284] : memref<3x8x64xi32, #tpu.memory_space<vmem>> -> memref<1x1x64xi32, #tpu.memory_space<vmem>>
    %dma_wait3A_286 = tpu.memref_squeeze %dma_wait3A_285 : memref<1x1x64xi32, #tpu.memory_space<vmem>> -> memref<64xi32, #tpu.memory_space<vmem>>
    %dma_wait3A_287 = arith.constant 0 : i32
    %dma_wait3A_288 = arith.constant 0 : i32
    %dma_wait3A_289 = tpu.memref_slice %arg5[%dma_wait3A_287, %dma_wait3A_288] : memref<1001x128xf32, #tpu.memory_space<hbm>> -> memref<1001x128xf32, #tpu.memory_space<hbm>>
    tpu.wait_indirect_dma semaphore(%arg19 : memref<!tpu.dma_semaphore, #tpu.memory_space<semaphore_mem>>) src(%dma_wait3A_289 : memref<1001x128xf32, #tpu.memory_space<hbm>>) dst(%arg12 : memref<64x128xf32, #tpu.memory_space<vmem>>)
    %scan3A_290 = arith.constant 0 : i32
    %scan3A_291 = arith.constant 0 : i32
    %scan3A_292 = arith.constant 64 : i32
    %scan3A_293 = arith.addi %scan3A_291, %scan3A_292 : i32
    %scan3A_294 = arith.constant 1 : i32
    scf.for %scan3A_686 = %scan3A_291 to %scan3A_293 step %scan3A_294  : i32 {
      %broadcast_in_dim3A = arith.constant 0.000000e+00 : f32
      %broadcast_in_dim3A_687 = vector.broadcast %broadcast_in_dim3A : f32 to vector<16xf32>
      %broadcast_in_dim3A_688 = arith.constant 0.000000e+00 : f32
      %broadcast_in_dim3A_689 = vector.broadcast %broadcast_in_dim3A_688 : f32 to vector<16xf32>
      %get3A = arith.index_cast %scan3A_686 : i32 to index
      %get3A_690 = arith.constant 0 : index
      %get3A_691 = tpu.vector_load %arg8[%get3A, %get3A_690] {strides = array<i32>} : memref<64x128xf32, #tpu.memory_space<vmem>>, vector<1x16xf32>,
      %get3A_692 = vector.shape_cast %get3A_691 : vector<1x16xf32> to vector<16xf32>
      %get3A_693 = arith.index_cast %scan3A_686 : i32 to index
      %get3A_694 = arith.constant 0 : index
      %get3A_695 = tpu.vector_load %arg9[%get3A_693, %get3A_694] {strides = array<i32>} : memref<64x128xf32, #tpu.memory_space<vmem>>, vector<1x16xf32>,
      %get3A_696 = vector.shape_cast %get3A_695 : vector<1x16xf32> to vector<16xf32>
      %get3A_697 = arith.index_cast %scan3A_686 : i32 to index
      %get3A_698 = arith.constant 0 : index
      %get3A_699 = tpu.vector_load %arg10[%get3A_697, %get3A_698] {strides = array<i32>} : memref<64x128xf32, #tpu.memory_space<vmem>>, vector<1x16xf32>,
      %get3A_700 = vector.shape_cast %get3A_699 : vector<1x16xf32> to vector<16xf32>
      %get3A_701 = arith.index_cast %scan3A_686 : i32 to index
      %get3A_702 = arith.constant 0 : index
      %get3A_703 = tpu.vector_load %arg11[%get3A_701, %get3A_702] {strides = array<i32>} : memref<64x128xf32, #tpu.memory_space<vmem>>, vector<1x16xf32>,
      %get3A_704 = vector.shape_cast %get3A_703 : vector<1x16xf32> to vector<16xf32>
      %get3A_705 = arith.index_cast %scan3A_686 : i32 to index
      %get3A_706 = arith.constant 0 : index
      %get3A_707 = tpu.vector_load %arg12[%get3A_705, %get3A_706] {strides = array<i32>} : memref<64x128xf32, #tpu.memory_space<vmem>>, vector<1x16xf32>,
      %get3A_708 = vector.shape_cast %get3A_707 : vector<1x16xf32> to vector<16xf32>
      %sub3A = arith.subf %get3A_692, %get3A_696 : vector<16xf32>
      %mul3A_709 = arith.mulf %sub3A, %get3A_700 : vector<16xf32>
      %add3A_710 = arith.addf %get3A_692, %get3A_696 : vector<16xf32>
      %mul3A_711 = arith.mulf %add3A_710, %get3A_704 : vector<16xf32>
      %add3A_712 = arith.addf %mul3A_709, %mul3A_711 : vector<16xf32>
      %mul3A_713 = arith.mulf %get3A_708, %add3A_712 : vector<16xf32>
      %add3A_714 = arith.addf %broadcast_in_dim3A_687, %mul3A_713 : vector<16xf32>
      %get3A_715 = arith.index_cast %scan3A_686 : i32 to index
      %get3A_716 = arith.constant 16 : index
      %get3A_717 = tpu.vector_load %arg8[%get3A_715, %get3A_716] {strides = array<i32>} : memref<64x128xf32, #tpu.memory_space<vmem>>, vector<1x16xf32>,
      %get3A_718 = vector.shape_cast %get3A_717 : vector<1x16xf32> to vector<16xf32>
      %get3A_719 = arith.index_cast %scan3A_686 : i32 to index
      %get3A_720 = arith.constant 16 : index
      %get3A_721 = tpu.vector_load %arg9[%get3A_719, %get3A_720] {strides = array<i32>} : memref<64x128xf32, #tpu.memory_space<vmem>>, vector<1x16xf32>,
      %get3A_722 = vector.shape_cast %get3A_721 : vector<1x16xf32> to vector<16xf32>
      %get3A_723 = arith.index_cast %scan3A_686 : i32 to index
      %get3A_724 = arith.constant 16 : index
      %get3A_725 = tpu.vector_load %arg10[%get3A_723, %get3A_724] {strides = array<i32>} : memref<64x128xf32, #tpu.memory_space<vmem>>, vector<1x16xf32>,
      %get3A_726 = vector.shape_cast %get3A_725 : vector<1x16xf32> to vector<16xf32>
      %get3A_727 = arith.index_cast %scan3A_686 : i32 to index
      %get3A_728 = arith.constant 16 : index
      %get3A_729 = tpu.vector_load %arg11[%get3A_727, %get3A_728] {strides = array<i32>} : memref<64x128xf32, #tpu.memory_space<vmem>>, vector<1x16xf32>,
      %get3A_730 = vector.shape_cast %get3A_729 : vector<1x16xf32> to vector<16xf32>
      %get3A_731 = arith.index_cast %scan3A_686 : i32 to index
      %get3A_732 = arith.constant 16 : index
      %get3A_733 = tpu.vector_load %arg12[%get3A_731, %get3A_732] {strides = array<i32>} : memref<64x128xf32, #tpu.memory_space<vmem>>, vector<1x16xf32>,
      %get3A_734 = vector.shape_cast %get3A_733 : vector<1x16xf32> to vector<16xf32>
      %sub3A_735 = arith.subf %get3A_718, %get3A_722 : vector<16xf32>
      %mul3A_736 = arith.mulf %sub3A_735, %get3A_726 : vector<16xf32>
      %add3A_737 = arith.addf %get3A_718, %get3A_722 : vector<16xf32>
      %mul3A_738 = arith.mulf %add3A_737, %get3A_730 : vector<16xf32>
      %add3A_739 = arith.addf %mul3A_736, %mul3A_738 : vector<16xf32>
      %mul3A_740 = arith.mulf %get3A_734, %add3A_739 : vector<16xf32>
      %add3A_741 = arith.addf %broadcast_in_dim3A_689, %mul3A_740 : vector<16xf32>
      %get3A_742 = arith.index_cast %scan3A_686 : i32 to index
      %get3A_743 = arith.constant 32 : index
      %get3A_744 = tpu.vector_load %arg8[%get3A_742, %get3A_743] {strides = array<i32>} : memref<64x128xf32, #tpu.memory_space<vmem>>, vector<1x16xf32>,
      %get3A_745 = vector.shape_cast %get3A_744 : vector<1x16xf32> to vector<16xf32>
      %get3A_746 = arith.index_cast %scan3A_686 : i32 to index
      %get3A_747 = arith.constant 32 : index
      %get3A_748 = tpu.vector_load %arg9[%get3A_746, %get3A_747] {strides = array<i32>} : memref<64x128xf32, #tpu.memory_space<vmem>>, vector<1x16xf32>,
      %get3A_749 = vector.shape_cast %get3A_748 : vector<1x16xf32> to vector<16xf32>
      %get3A_750 = arith.index_cast %scan3A_686 : i32 to index
      %get3A_751 = arith.constant 32 : index
      %get3A_752 = tpu.vector_load %arg10[%get3A_750, %get3A_751] {strides = array<i32>} : memref<64x128xf32, #tpu.memory_space<vmem>>, vector<1x16xf32>,
      %get3A_753 = vector.shape_cast %get3A_752 : vector<1x16xf32> to vector<16xf32>
      %get3A_754 = arith.index_cast %scan3A_686 : i32 to index
      %get3A_755 = arith.constant 32 : index
      %get3A_756 = tpu.vector_load %arg11[%get3A_754, %get3A_755] {strides = array<i32>} : memref<64x128xf32, #tpu.memory_space<vmem>>, vector<1x16xf32>,
      %get3A_757 = vector.shape_cast %get3A_756 : vector<1x16xf32> to vector<16xf32>
      %get3A_758 = arith.index_cast %scan3A_686 : i32 to index
      %get3A_759 = arith.constant 32 : index
      %get3A_760 = tpu.vector_load %arg12[%get3A_758, %get3A_759] {strides = array<i32>} : memref<64x128xf32, #tpu.memory_space<vmem>>, vector<1x16xf32>,
      %get3A_761 = vector.shape_cast %get3A_760 : vector<1x16xf32> to vector<16xf32>
      %sub3A_762 = arith.subf %get3A_745, %get3A_749 : vector<16xf32>
      %mul3A_763 = arith.mulf %sub3A_762, %get3A_753 : vector<16xf32>
      %add3A_764 = arith.addf %get3A_745, %get3A_749 : vector<16xf32>
      %mul3A_765 = arith.mulf %add3A_764, %get3A_757 : vector<16xf32>
      %add3A_766 = arith.addf %mul3A_763, %mul3A_765 : vector<16xf32>
      %mul3A_767 = arith.mulf %get3A_761, %add3A_766 : vector<16xf32>
      %add3A_768 = arith.addf %add3A_714, %mul3A_767 : vector<16xf32>
      %get3A_769 = arith.index_cast %scan3A_686 : i32 to index
      %get3A_770 = arith.constant 48 : index
      %get3A_771 = tpu.vector_load %arg8[%get3A_769, %get3A_770] {strides = array<i32>} : memref<64x128xf32, #tpu.memory_space<vmem>>, vector<1x16xf32>,
      %get3A_772 = vector.shape_cast %get3A_771 : vector<1x16xf32> to vector<16xf32>
      %get3A_773 = arith.index_cast %scan3A_686 : i32 to index
      %get3A_774 = arith.constant 48 : index
      %get3A_775 = tpu.vector_load %arg9[%get3A_773, %get3A_774] {strides = array<i32>} : memref<64x128xf32, #tpu.memory_space<vmem>>, vector<1x16xf32>,
      %get3A_776 = vector.shape_cast %get3A_775 : vector<1x16xf32> to vector<16xf32>
      %get3A_777 = arith.index_cast %scan3A_686 : i32 to index
      %get3A_778 = arith.constant 48 : index
      %get3A_779 = tpu.vector_load %arg10[%get3A_777, %get3A_778] {strides = array<i32>} : memref<64x128xf32, #tpu.memory_space<vmem>>, vector<1x16xf32>,
      %get3A_780 = vector.shape_cast %get3A_779 : vector<1x16xf32> to vector<16xf32>
      %get3A_781 = arith.index_cast %scan3A_686 : i32 to index
      %get3A_782 = arith.constant 48 : index
      %get3A_783 = tpu.vector_load %arg11[%get3A_781, %get3A_782] {strides = array<i32>} : memref<64x128xf32, #tpu.memory_space<vmem>>, vector<1x16xf32>,
      %get3A_784 = vector.shape_cast %get3A_783 : vector<1x16xf32> to vector<16xf32>
      %get3A_785 = arith.index_cast %scan3A_686 : i32 to index
      %get3A_786 = arith.constant 48 : index
      %get3A_787 = tpu.vector_load %arg12[%get3A_785, %get3A_786] {strides = array<i32>} : memref<64x128xf32, #tpu.memory_space<vmem>>, vector<1x16xf32>,
      %get3A_788 = vector.shape_cast %get3A_787 : vector<1x16xf32> to vector<16xf32>
      %sub3A_789 = arith.subf %get3A_772, %get3A_776 : vector<16xf32>
      %mul3A_790 = arith.mulf %sub3A_789, %get3A_780 : vector<16xf32>
      %add3A_791 = arith.addf %get3A_772, %get3A_776 : vector<16xf32>
      %mul3A_792 = arith.mulf %add3A_791, %get3A_784 : vector<16xf32>
      %add3A_793 = arith.addf %mul3A_790, %mul3A_792 : vector<16xf32>
      %mul3A_794 = arith.mulf %get3A_788, %add3A_793 : vector<16xf32>
      %add3A_795 = arith.addf %add3A_741, %mul3A_794 : vector<16xf32>
      %get3A_796 = arith.index_cast %scan3A_686 : i32 to index
      %get3A_797 = arith.constant 64 : index
      %get3A_798 = tpu.vector_load %arg8[%get3A_796, %get3A_797] {strides = array<i32>} : memref<64x128xf32, #tpu.memory_space<vmem>>, vector<1x16xf32>,
      %get3A_799 = vector.shape_cast %get3A_798 : vector<1x16xf32> to vector<16xf32>
      %get3A_800 = arith.index_cast %scan3A_686 : i32 to index
      %get3A_801 = arith.constant 64 : index
      %get3A_802 = tpu.vector_load %arg9[%get3A_800, %get3A_801] {strides = array<i32>} : memref<64x128xf32, #tpu.memory_space<vmem>>, vector<1x16xf32>,
      %get3A_803 = vector.shape_cast %get3A_802 : vector<1x16xf32> to vector<16xf32>
      %get3A_804 = arith.index_cast %scan3A_686 : i32 to index
      %get3A_805 = arith.constant 64 : index
      %get3A_806 = tpu.vector_load %arg10[%get3A_804, %get3A_805] {strides = array<i32>} : memref<64x128xf32, #tpu.memory_space<vmem>>, vector<1x16xf32>,
      %get3A_807 = vector.shape_cast %get3A_806 : vector<1x16xf32> to vector<16xf32>
      %get3A_808 = arith.index_cast %scan3A_686 : i32 to index
      %get3A_809 = arith.constant 64 : index
      %get3A_810 = tpu.vector_load %arg11[%get3A_808, %get3A_809] {strides = array<i32>} : memref<64x128xf32, #tpu.memory_space<vmem>>, vector<1x16xf32>,
      %get3A_811 = vector.shape_cast %get3A_810 : vector<1x16xf32> to vector<16xf32>
      %get3A_812 = arith.index_cast %scan3A_686 : i32 to index
      %get3A_813 = arith.constant 64 : index
      %get3A_814 = tpu.vector_load %arg12[%get3A_812, %get3A_813] {strides = array<i32>} : memref<64x128xf32, #tpu.memory_space<vmem>>, vector<1x16xf32>,
      %get3A_815 = vector.shape_cast %get3A_814 : vector<1x16xf32> to vector<16xf32>
      %sub3A_816 = arith.subf %get3A_799, %get3A_803 : vector<16xf32>
      %mul3A_817 = arith.mulf %sub3A_816, %get3A_807 : vector<16xf32>
      %add3A_818 = arith.addf %get3A_799, %get3A_803 : vector<16xf32>
      %mul3A_819 = arith.mulf %add3A_818, %get3A_811 : vector<16xf32>
      %add3A_820 = arith.addf %mul3A_817, %mul3A_819 : vector<16xf32>
      %mul3A_821 = arith.mulf %get3A_815, %add3A_820 : vector<16xf32>
      %add3A_822 = arith.addf %add3A_768, %mul3A_821 : vector<16xf32>
      %get3A_823 = arith.index_cast %scan3A_686 : i32 to index
      %get3A_824 = arith.constant 80 : index
      %get3A_825 = tpu.vector_load %arg8[%get3A_823, %get3A_824] {strides = array<i32>} : memref<64x128xf32, #tpu.memory_space<vmem>>, vector<1x16xf32>,
      %get3A_826 = vector.shape_cast %get3A_825 : vector<1x16xf32> to vector<16xf32>
      %get3A_827 = arith.index_cast %scan3A_686 : i32 to index
      %get3A_828 = arith.constant 80 : index
      %get3A_829 = tpu.vector_load %arg9[%get3A_827, %get3A_828] {strides = array<i32>} : memref<64x128xf32, #tpu.memory_space<vmem>>, vector<1x16xf32>,
      %get3A_830 = vector.shape_cast %get3A_829 : vector<1x16xf32> to vector<16xf32>
      %get3A_831 = arith.index_cast %scan3A_686 : i32 to index
      %get3A_832 = arith.constant 80 : index
      %get3A_833 = tpu.vector_load %arg10[%get3A_831, %get3A_832] {strides = array<i32>} : memref<64x128xf32, #tpu.memory_space<vmem>>, vector<1x16xf32>,
      %get3A_834 = vector.shape_cast %get3A_833 : vector<1x16xf32> to vector<16xf32>
      %get3A_835 = arith.index_cast %scan3A_686 : i32 to index
      %get3A_836 = arith.constant 80 : index
      %get3A_837 = tpu.vector_load %arg11[%get3A_835, %get3A_836] {strides = array<i32>} : memref<64x128xf32, #tpu.memory_space<vmem>>, vector<1x16xf32>,
      %get3A_838 = vector.shape_cast %get3A_837 : vector<1x16xf32> to vector<16xf32>
      %get3A_839 = arith.index_cast %scan3A_686 : i32 to index
      %get3A_840 = arith.constant 80 : index
      %get3A_841 = tpu.vector_load %arg12[%get3A_839, %get3A_840] {strides = array<i32>} : memref<64x128xf32, #tpu.memory_space<vmem>>, vector<1x16xf32>,
      %get3A_842 = vector.shape_cast %get3A_841 : vector<1x16xf32> to vector<16xf32>
      %sub3A_843 = arith.subf %get3A_826, %get3A_830 : vector<16xf32>
      %mul3A_844 = arith.mulf %sub3A_843, %get3A_834 : vector<16xf32>
      %add3A_845 = arith.addf %get3A_826, %get3A_830 : vector<16xf32>
      %mul3A_846 = arith.mulf %add3A_845, %get3A_838 : vector<16xf32>
      %add3A_847 = arith.addf %mul3A_844, %mul3A_846 : vector<16xf32>
      %mul3A_848 = arith.mulf %get3A_842, %add3A_847 : vector<16xf32>
      %add3A_849 = arith.addf %add3A_795, %mul3A_848 : vector<16xf32>
      %get3A_850 = arith.index_cast %scan3A_686 : i32 to index
      %get3A_851 = arith.constant 96 : index
      %get3A_852 = tpu.vector_load %arg8[%get3A_850, %get3A_851] {strides = array<i32>} : memref<64x128xf32, #tpu.memory_space<vmem>>, vector<1x16xf32>,
      %get3A_853 = vector.shape_cast %get3A_852 : vector<1x16xf32> to vector<16xf32>
      %get3A_854 = arith.index_cast %scan3A_686 : i32 to index
      %get3A_855 = arith.constant 96 : index
      %get3A_856 = tpu.vector_load %arg9[%get3A_854, %get3A_855] {strides = array<i32>} : memref<64x128xf32, #tpu.memory_space<vmem>>, vector<1x16xf32>,
      %get3A_857 = vector.shape_cast %get3A_856 : vector<1x16xf32> to vector<16xf32>
      %get3A_858 = arith.index_cast %scan3A_686 : i32 to index
      %get3A_859 = arith.constant 96 : index
      %get3A_860 = tpu.vector_load %arg10[%get3A_858, %get3A_859] {strides = array<i32>} : memref<64x128xf32, #tpu.memory_space<vmem>>, vector<1x16xf32>,
      %get3A_861 = vector.shape_cast %get3A_860 : vector<1x16xf32> to vector<16xf32>
      %get3A_862 = arith.index_cast %scan3A_686 : i32 to index
      %get3A_863 = arith.constant 96 : index
      %get3A_864 = tpu.vector_load %arg11[%get3A_862, %get3A_863] {strides = array<i32>} : memref<64x128xf32, #tpu.memory_space<vmem>>, vector<1x16xf32>,
      %get3A_865 = vector.shape_cast %get3A_864 : vector<1x16xf32> to vector<16xf32>
      %get3A_866 = arith.index_cast %scan3A_686 : i32 to index
      %get3A_867 = arith.constant 96 : index
      %get3A_868 = tpu.vector_load %arg12[%get3A_866, %get3A_867] {strides = array<i32>} : memref<64x128xf32, #tpu.memory_space<vmem>>, vector<1x16xf32>,
      %get3A_869 = vector.shape_cast %get3A_868 : vector<1x16xf32> to vector<16xf32>
      %sub3A_870 = arith.subf %get3A_853, %get3A_857 : vector<16xf32>
      %mul3A_871 = arith.mulf %sub3A_870, %get3A_861 : vector<16xf32>
      %add3A_872 = arith.addf %get3A_853, %get3A_857 : vector<16xf32>
      %mul3A_873 = arith.mulf %add3A_872, %get3A_865 : vector<16xf32>
      %add3A_874 = arith.addf %mul3A_871, %mul3A_873 : vector<16xf32>
      %mul3A_875 = arith.mulf %get3A_869, %add3A_874 : vector<16xf32>
      %add3A_876 = arith.addf %add3A_822, %mul3A_875 : vector<16xf32>
      %get3A_877 = arith.index_cast %scan3A_686 : i32 to index
      %get3A_878 = arith.constant 112 : index
      %get3A_879 = tpu.vector_load %arg8[%get3A_877, %get3A_878] {strides = array<i32>} : memref<64x128xf32, #tpu.memory_space<vmem>>, vector<1x16xf32>,
      %get3A_880 = vector.shape_cast %get3A_879 : vector<1x16xf32> to vector<16xf32>
      %get3A_881 = arith.index_cast %scan3A_686 : i32 to index
      %get3A_882 = arith.constant 112 : index
      %get3A_883 = tpu.vector_load %arg9[%get3A_881, %get3A_882] {strides = array<i32>} : memref<64x128xf32, #tpu.memory_space<vmem>>, vector<1x16xf32>,
      %get3A_884 = vector.shape_cast %get3A_883 : vector<1x16xf32> to vector<16xf32>
      %get3A_885 = arith.index_cast %scan3A_686 : i32 to index
      %get3A_886 = arith.constant 112 : index
      %get3A_887 = tpu.vector_load %arg10[%get3A_885, %get3A_886] {strides = array<i32>} : memref<64x128xf32, #tpu.memory_space<vmem>>, vector<1x16xf32>,
      %get3A_888 = vector.shape_cast %get3A_887 : vector<1x16xf32> to vector<16xf32>
      %get3A_889 = arith.index_cast %scan3A_686 : i32 to index
      %get3A_890 = arith.constant 112 : index
      %get3A_891 = tpu.vector_load %arg11[%get3A_889, %get3A_890] {strides = array<i32>} : memref<64x128xf32, #tpu.memory_space<vmem>>, vector<1x16xf32>,
      %get3A_892 = vector.shape_cast %get3A_891 : vector<1x16xf32> to vector<16xf32>
      %get3A_893 = arith.index_cast %scan3A_686 : i32 to index
      %get3A_894 = arith.constant 112 : index
      %get3A_895 = tpu.vector_load %arg12[%get3A_893, %get3A_894] {strides = array<i32>} : memref<64x128xf32, #tpu.memory_space<vmem>>, vector<1x16xf32>,
      %get3A_896 = vector.shape_cast %get3A_895 : vector<1x16xf32> to vector<16xf32>
      %sub3A_897 = arith.subf %get3A_880, %get3A_884 : vector<16xf32>
      %mul3A_898 = arith.mulf %sub3A_897, %get3A_888 : vector<16xf32>
      %add3A_899 = arith.addf %get3A_880, %get3A_884 : vector<16xf32>
      %mul3A_900 = arith.mulf %add3A_899, %get3A_892 : vector<16xf32>
      %add3A_901 = arith.addf %mul3A_898, %mul3A_900 : vector<16xf32>
      %mul3A_902 = arith.mulf %get3A_896, %add3A_901 : vector<16xf32>
      %add3A_903 = arith.addf %add3A_849, %mul3A_902 : vector<16xf32>
      %add3A_904 = arith.addf %add3A_876, %add3A_903 : vector<16xf32>
      %add3A_905 = arith.constant 128 : i32
      %add3A_906 = arith.addi %add3A_905, %scan3A_686 : i32
      %swap3A = arith.index_cast %add3A_906 : i32 to index
      %swap3A_907 = arith.constant 0 : index
      %swap3A_908 = tpu.vector_load %arg18[%swap3A, %swap3A_907] {strides = array<i32>} : memref<512x16xf32, #tpu.memory_space<vmem>>, vector<1x16xf32>,
      %swap3A_909 = vector.shape_cast %swap3A_908 : vector<1x16xf32> to vector<16xf32>
      %swap3A_910 = vector.shape_cast %add3A_904 : vector<16xf32> to vector<1x16xf32>
      tpu.vector_store %arg18[%swap3A, %swap3A_907], %swap3A_910 {strides = array<i32>} : memref<512x16xf32, #tpu.memory_space<vmem>>, vector<1x16xf32>,
    }
    %scan3A_295 = arith.constant 64 : i32
    %dma_start3A_296 = arith.constant 0 : i32
    %dma_start3A_297 = arith.constant 4 : i32
    %dma_start3A_298 = arith.constant 0 : i32
    %dma_start3A_299 = tpu.memref_slice %arg7[%dma_start3A_296, %dma_start3A_297, %dma_start3A_298] : memref<3x8x64xi32, #tpu.memory_space<vmem>> -> memref<1x1x64xi32, #tpu.memory_space<vmem>>
    %dma_start3A_300 = tpu.memref_squeeze %dma_start3A_299 : memref<1x1x64xi32, #tpu.memory_space<vmem>> -> memref<64xi32, #tpu.memory_space<vmem>>
    %dma_start3A_301 = arith.constant 0 : i32
    %dma_start3A_302 = arith.constant 0 : i32
    %dma_start3A_303 = tpu.memref_slice %arg3[%dma_start3A_301, %dma_start3A_302] : memref<100001x128xf32, #tpu.memory_space<hbm>> -> memref<100001x128xf32, #tpu.memory_space<hbm>>
    tpu.enqueue_indirect_dma source(%dma_start3A_303 : memref<100001x128xf32, #tpu.memory_space<hbm>>) target(%arg8 : memref<64x128xf32, #tpu.memory_space<vmem>>) offsets(%dma_start3A_300 : memref<64xi32, #tpu.memory_space<vmem>>) semaphore(%arg19 : memref<!tpu.dma_semaphore, #tpu.memory_space<semaphore_mem>>)
    %dma_start3A_304 = arith.constant 0 : i32
    %dma_start3A_305 = arith.constant 4 : i32
    %dma_start3A_306 = arith.constant 0 : i32
    %dma_start3A_307 = tpu.memref_slice %arg7[%dma_start3A_304, %dma_start3A_305, %dma_start3A_306] : memref<3x8x64xi32, #tpu.memory_space<vmem>> -> memref<1x1x64xi32, #tpu.memory_space<vmem>>
    %dma_start3A_308 = tpu.memref_squeeze %dma_start3A_307 : memref<1x1x64xi32, #tpu.memory_space<vmem>> -> memref<64xi32, #tpu.memory_space<vmem>>
    %dma_start3A_309 = arith.constant 0 : i32
    %dma_start3A_310 = arith.constant 0 : i32
    %dma_start3A_311 = tpu.memref_slice %arg4[%dma_start3A_309, %dma_start3A_310] : memref<100001x128xf32, #tpu.memory_space<hbm>> -> memref<100001x128xf32, #tpu.memory_space<hbm>>
    tpu.enqueue_indirect_dma source(%dma_start3A_311 : memref<100001x128xf32, #tpu.memory_space<hbm>>) target(%arg9 : memref<64x128xf32, #tpu.memory_space<vmem>>) offsets(%dma_start3A_308 : memref<64xi32, #tpu.memory_space<vmem>>) semaphore(%arg19 : memref<!tpu.dma_semaphore, #tpu.memory_space<semaphore_mem>>)
    %dma_start3A_312 = arith.constant 2 : i32
    %dma_start3A_313 = arith.constant 4 : i32
    %dma_start3A_314 = arith.constant 0 : i32
    %dma_start3A_315 = tpu.memref_slice %arg7[%dma_start3A_312, %dma_start3A_313, %dma_start3A_314] : memref<3x8x64xi32, #tpu.memory_space<vmem>> -> memref<1x1x64xi32, #tpu.memory_space<vmem>>
    %dma_start3A_316 = tpu.memref_squeeze %dma_start3A_315 : memref<1x1x64xi32, #tpu.memory_space<vmem>> -> memref<64xi32, #tpu.memory_space<vmem>>
    %dma_start3A_317 = arith.constant 0 : i32
    %dma_start3A_318 = arith.constant 0 : i32
    %dma_start3A_319 = tpu.memref_slice %arg3[%dma_start3A_317, %dma_start3A_318] : memref<100001x128xf32, #tpu.memory_space<hbm>> -> memref<100001x128xf32, #tpu.memory_space<hbm>>
    tpu.enqueue_indirect_dma source(%dma_start3A_319 : memref<100001x128xf32, #tpu.memory_space<hbm>>) target(%arg10 : memref<64x128xf32, #tpu.memory_space<vmem>>) offsets(%dma_start3A_316 : memref<64xi32, #tpu.memory_space<vmem>>) semaphore(%arg19 : memref<!tpu.dma_semaphore, #tpu.memory_space<semaphore_mem>>)
    %dma_start3A_320 = arith.constant 2 : i32
    %dma_start3A_321 = arith.constant 4 : i32
    %dma_start3A_322 = arith.constant 0 : i32
    %dma_start3A_323 = tpu.memref_slice %arg7[%dma_start3A_320, %dma_start3A_321, %dma_start3A_322] : memref<3x8x64xi32, #tpu.memory_space<vmem>> -> memref<1x1x64xi32, #tpu.memory_space<vmem>>
    %dma_start3A_324 = tpu.memref_squeeze %dma_start3A_323 : memref<1x1x64xi32, #tpu.memory_space<vmem>> -> memref<64xi32, #tpu.memory_space<vmem>>
    %dma_start3A_325 = arith.constant 0 : i32
    %dma_start3A_326 = arith.constant 0 : i32
    %dma_start3A_327 = tpu.memref_slice %arg4[%dma_start3A_325, %dma_start3A_326] : memref<100001x128xf32, #tpu.memory_space<hbm>> -> memref<100001x128xf32, #tpu.memory_space<hbm>>
    tpu.enqueue_indirect_dma source(%dma_start3A_327 : memref<100001x128xf32, #tpu.memory_space<hbm>>) target(%arg11 : memref<64x128xf32, #tpu.memory_space<vmem>>) offsets(%dma_start3A_324 : memref<64xi32, #tpu.memory_space<vmem>>) semaphore(%arg19 : memref<!tpu.dma_semaphore, #tpu.memory_space<semaphore_mem>>)
    %dma_start3A_328 = arith.constant 1 : i32
    %dma_start3A_329 = arith.constant 4 : i32
    %dma_start3A_330 = arith.constant 0 : i32
    %dma_start3A_331 = tpu.memref_slice %arg7[%dma_start3A_328, %dma_start3A_329, %dma_start3A_330] : memref<3x8x64xi32, #tpu.memory_space<vmem>> -> memref<1x1x64xi32, #tpu.memory_space<vmem>>
    %dma_start3A_332 = tpu.memref_squeeze %dma_start3A_331 : memref<1x1x64xi32, #tpu.memory_space<vmem>> -> memref<64xi32, #tpu.memory_space<vmem>>
    %dma_start3A_333 = arith.constant 0 : i32
    %dma_start3A_334 = arith.constant 0 : i32
    %dma_start3A_335 = tpu.memref_slice %arg5[%dma_start3A_333, %dma_start3A_334] : memref<1001x128xf32, #tpu.memory_space<hbm>> -> memref<1001x128xf32, #tpu.memory_space<hbm>>
    tpu.enqueue_indirect_dma source(%dma_start3A_335 : memref<1001x128xf32, #tpu.memory_space<hbm>>) target(%arg12 : memref<64x128xf32, #tpu.memory_space<vmem>>) offsets(%dma_start3A_332 : memref<64xi32, #tpu.memory_space<vmem>>) semaphore(%arg19 : memref<!tpu.dma_semaphore, #tpu.memory_space<semaphore_mem>>)
    %dma_wait3A_336 = arith.constant 0 : i32
    %dma_wait3A_337 = arith.constant 3 : i32
    %dma_wait3A_338 = arith.constant 0 : i32
    %dma_wait3A_339 = tpu.memref_slice %arg7[%dma_wait3A_336, %dma_wait3A_337, %dma_wait3A_338] : memref<3x8x64xi32, #tpu.memory_space<vmem>> -> memref<1x1x64xi32, #tpu.memory_space<vmem>>
    %dma_wait3A_340 = tpu.memref_squeeze %dma_wait3A_339 : memref<1x1x64xi32, #tpu.memory_space<vmem>> -> memref<64xi32, #tpu.memory_space<vmem>>
    %dma_wait3A_341 = arith.constant 0 : i32
    %dma_wait3A_342 = arith.constant 0 : i32
    %dma_wait3A_343 = tpu.memref_slice %arg3[%dma_wait3A_341, %dma_wait3A_342] : memref<100001x128xf32, #tpu.memory_space<hbm>> -> memref<100001x128xf32, #tpu.memory_space<hbm>>
    tpu.wait_indirect_dma semaphore(%arg20 : memref<!tpu.dma_semaphore, #tpu.memory_space<semaphore_mem>>) src(%dma_wait3A_343 : memref<100001x128xf32, #tpu.memory_space<hbm>>) dst(%arg13 : memref<64x128xf32, #tpu.memory_space<vmem>>)
    %dma_wait3A_344 = arith.constant 0 : i32
    %dma_wait3A_345 = arith.constant 3 : i32
    %dma_wait3A_346 = arith.constant 0 : i32
    %dma_wait3A_347 = tpu.memref_slice %arg7[%dma_wait3A_344, %dma_wait3A_345, %dma_wait3A_346] : memref<3x8x64xi32, #tpu.memory_space<vmem>> -> memref<1x1x64xi32, #tpu.memory_space<vmem>>
    %dma_wait3A_348 = tpu.memref_squeeze %dma_wait3A_347 : memref<1x1x64xi32, #tpu.memory_space<vmem>> -> memref<64xi32, #tpu.memory_space<vmem>>
    %dma_wait3A_349 = arith.constant 0 : i32
    %dma_wait3A_350 = arith.constant 0 : i32
    %dma_wait3A_351 = tpu.memref_slice %arg4[%dma_wait3A_349, %dma_wait3A_350] : memref<100001x128xf32, #tpu.memory_space<hbm>> -> memref<100001x128xf32, #tpu.memory_space<hbm>>
    tpu.wait_indirect_dma semaphore(%arg20 : memref<!tpu.dma_semaphore, #tpu.memory_space<semaphore_mem>>) src(%dma_wait3A_351 : memref<100001x128xf32, #tpu.memory_space<hbm>>) dst(%arg14 : memref<64x128xf32, #tpu.memory_space<vmem>>)
    %dma_wait3A_352 = arith.constant 2 : i32
    %dma_wait3A_353 = arith.constant 3 : i32
    %dma_wait3A_354 = arith.constant 0 : i32
    %dma_wait3A_355 = tpu.memref_slice %arg7[%dma_wait3A_352, %dma_wait3A_353, %dma_wait3A_354] : memref<3x8x64xi32, #tpu.memory_space<vmem>> -> memref<1x1x64xi32, #tpu.memory_space<vmem>>
    %dma_wait3A_356 = tpu.memref_squeeze %dma_wait3A_355 : memref<1x1x64xi32, #tpu.memory_space<vmem>> -> memref<64xi32, #tpu.memory_space<vmem>>
    %dma_wait3A_357 = arith.constant 0 : i32
    %dma_wait3A_358 = arith.constant 0 : i32
    %dma_wait3A_359 = tpu.memref_slice %arg3[%dma_wait3A_357, %dma_wait3A_358] : memref<100001x128xf32, #tpu.memory_space<hbm>> -> memref<100001x128xf32, #tpu.memory_space<hbm>>
    tpu.wait_indirect_dma semaphore(%arg20 : memref<!tpu.dma_semaphore, #tpu.memory_space<semaphore_mem>>) src(%dma_wait3A_359 : memref<100001x128xf32, #tpu.memory_space<hbm>>) dst(%arg15 : memref<64x128xf32, #tpu.memory_space<vmem>>)
    %dma_wait3A_360 = arith.constant 2 : i32
    %dma_wait3A_361 = arith.constant 3 : i32
    %dma_wait3A_362 = arith.constant 0 : i32
    %dma_wait3A_363 = tpu.memref_slice %arg7[%dma_wait3A_360, %dma_wait3A_361, %dma_wait3A_362] : memref<3x8x64xi32, #tpu.memory_space<vmem>> -> memref<1x1x64xi32, #tpu.memory_space<vmem>>
    %dma_wait3A_364 = tpu.memref_squeeze %dma_wait3A_363 : memref<1x1x64xi32, #tpu.memory_space<vmem>> -> memref<64xi32, #tpu.memory_space<vmem>>
    %dma_wait3A_365 = arith.constant 0 : i32
    %dma_wait3A_366 = arith.constant 0 : i32
    %dma_wait3A_367 = tpu.memref_slice %arg4[%dma_wait3A_365, %dma_wait3A_366] : memref<100001x128xf32, #tpu.memory_space<hbm>> -> memref<100001x128xf32, #tpu.memory_space<hbm>>
    tpu.wait_indirect_dma semaphore(%arg20 : memref<!tpu.dma_semaphore, #tpu.memory_space<semaphore_mem>>) src(%dma_wait3A_367 : memref<100001x128xf32, #tpu.memory_space<hbm>>) dst(%arg16 : memref<64x128xf32, #tpu.memory_space<vmem>>)
    %dma_wait3A_368 = arith.constant 1 : i32
    %dma_wait3A_369 = arith.constant 3 : i32
    %dma_wait3A_370 = arith.constant 0 : i32
    %dma_wait3A_371 = tpu.memref_slice %arg7[%dma_wait3A_368, %dma_wait3A_369, %dma_wait3A_370] : memref<3x8x64xi32, #tpu.memory_space<vmem>> -> memref<1x1x64xi32, #tpu.memory_space<vmem>>
    %dma_wait3A_372 = tpu.memref_squeeze %dma_wait3A_371 : memref<1x1x64xi32, #tpu.memory_space<vmem>> -> memref<64xi32, #tpu.memory_space<vmem>>
    %dma_wait3A_373 = arith.constant 0 : i32
    %dma_wait3A_374 = arith.constant 0 : i32
    %dma_wait3A_375 = tpu.memref_slice %arg5[%dma_wait3A_373, %dma_wait3A_374] : memref<1001x128xf32, #tpu.memory_space<hbm>> -> memref<1001x128xf32, #tpu.memory_space<hbm>>
    tpu.wait_indirect_dma semaphore(%arg20 : memref<!tpu.dma_semaphore, #tpu.memory_space<semaphore_mem>>) src(%dma_wait3A_375 : memref<1001x128xf32, #tpu.memory_space<hbm>>) dst(%arg17 : memref<64x128xf32, #tpu.memory_space<vmem>>)
    %scan3A_376 = arith.constant 0 : i32
    %scan3A_377 = arith.constant 0 : i32
    %scan3A_378 = arith.constant 64 : i32
    %scan3A_379 = arith.addi %scan3A_377, %scan3A_378 : i32
    %scan3A_380 = arith.constant 1 : i32
    scf.for %scan3A_686 = %scan3A_377 to %scan3A_379 step %scan3A_380  : i32 {
      %broadcast_in_dim3A = arith.constant 0.000000e+00 : f32
      %broadcast_in_dim3A_687 = vector.broadcast %broadcast_in_dim3A : f32 to vector<16xf32>
      %broadcast_in_dim3A_688 = arith.constant 0.000000e+00 : f32
      %broadcast_in_dim3A_689 = vector.broadcast %broadcast_in_dim3A_688 : f32 to vector<16xf32>
      %get3A = arith.index_cast %scan3A_686 : i32 to index
      %get3A_690 = arith.constant 0 : index
      %get3A_691 = tpu.vector_load %arg13[%get3A, %get3A_690] {strides = array<i32>} : memref<64x128xf32, #tpu.memory_space<vmem>>, vector<1x16xf32>,
      %get3A_692 = vector.shape_cast %get3A_691 : vector<1x16xf32> to vector<16xf32>
      %get3A_693 = arith.index_cast %scan3A_686 : i32 to index
      %get3A_694 = arith.constant 0 : index
      %get3A_695 = tpu.vector_load %arg14[%get3A_693, %get3A_694] {strides = array<i32>} : memref<64x128xf32, #tpu.memory_space<vmem>>, vector<1x16xf32>,
      %get3A_696 = vector.shape_cast %get3A_695 : vector<1x16xf32> to vector<16xf32>
      %get3A_697 = arith.index_cast %scan3A_686 : i32 to index
      %get3A_698 = arith.constant 0 : index
      %get3A_699 = tpu.vector_load %arg15[%get3A_697, %get3A_698] {strides = array<i32>} : memref<64x128xf32, #tpu.memory_space<vmem>>, vector<1x16xf32>,
      %get3A_700 = vector.shape_cast %get3A_699 : vector<1x16xf32> to vector<16xf32>
      %get3A_701 = arith.index_cast %scan3A_686 : i32 to index
      %get3A_702 = arith.constant 0 : index
      %get3A_703 = tpu.vector_load %arg16[%get3A_701, %get3A_702] {strides = array<i32>} : memref<64x128xf32, #tpu.memory_space<vmem>>, vector<1x16xf32>,
      %get3A_704 = vector.shape_cast %get3A_703 : vector<1x16xf32> to vector<16xf32>
      %get3A_705 = arith.index_cast %scan3A_686 : i32 to index
      %get3A_706 = arith.constant 0 : index
      %get3A_707 = tpu.vector_load %arg17[%get3A_705, %get3A_706] {strides = array<i32>} : memref<64x128xf32, #tpu.memory_space<vmem>>, vector<1x16xf32>,
      %get3A_708 = vector.shape_cast %get3A_707 : vector<1x16xf32> to vector<16xf32>
      %sub3A = arith.subf %get3A_692, %get3A_696 : vector<16xf32>
      %mul3A_709 = arith.mulf %sub3A, %get3A_700 : vector<16xf32>
      %add3A_710 = arith.addf %get3A_692, %get3A_696 : vector<16xf32>
      %mul3A_711 = arith.mulf %add3A_710, %get3A_704 : vector<16xf32>
      %add3A_712 = arith.addf %mul3A_709, %mul3A_711 : vector<16xf32>
      %mul3A_713 = arith.mulf %get3A_708, %add3A_712 : vector<16xf32>
      %add3A_714 = arith.addf %broadcast_in_dim3A_687, %mul3A_713 : vector<16xf32>
      %get3A_715 = arith.index_cast %scan3A_686 : i32 to index
      %get3A_716 = arith.constant 16 : index
      %get3A_717 = tpu.vector_load %arg13[%get3A_715, %get3A_716] {strides = array<i32>} : memref<64x128xf32, #tpu.memory_space<vmem>>, vector<1x16xf32>,
      %get3A_718 = vector.shape_cast %get3A_717 : vector<1x16xf32> to vector<16xf32>
      %get3A_719 = arith.index_cast %scan3A_686 : i32 to index
      %get3A_720 = arith.constant 16 : index
      %get3A_721 = tpu.vector_load %arg14[%get3A_719, %get3A_720] {strides = array<i32>} : memref<64x128xf32, #tpu.memory_space<vmem>>, vector<1x16xf32>,
      %get3A_722 = vector.shape_cast %get3A_721 : vector<1x16xf32> to vector<16xf32>
      %get3A_723 = arith.index_cast %scan3A_686 : i32 to index
      %get3A_724 = arith.constant 16 : index
      %get3A_725 = tpu.vector_load %arg15[%get3A_723, %get3A_724] {strides = array<i32>} : memref<64x128xf32, #tpu.memory_space<vmem>>, vector<1x16xf32>,
      %get3A_726 = vector.shape_cast %get3A_725 : vector<1x16xf32> to vector<16xf32>
      %get3A_727 = arith.index_cast %scan3A_686 : i32 to index
      %get3A_728 = arith.constant 16 : index
      %get3A_729 = tpu.vector_load %arg16[%get3A_727, %get3A_728] {strides = array<i32>} : memref<64x128xf32, #tpu.memory_space<vmem>>, vector<1x16xf32>,
      %get3A_730 = vector.shape_cast %get3A_729 : vector<1x16xf32> to vector<16xf32>
      %get3A_731 = arith.index_cast %scan3A_686 : i32 to index
      %get3A_732 = arith.constant 16 : index
      %get3A_733 = tpu.vector_load %arg17[%get3A_731, %get3A_732] {strides = array<i32>} : memref<64x128xf32, #tpu.memory_space<vmem>>, vector<1x16xf32>,
      %get3A_734 = vector.shape_cast %get3A_733 : vector<1x16xf32> to vector<16xf32>
      %sub3A_735 = arith.subf %get3A_718, %get3A_722 : vector<16xf32>
      %mul3A_736 = arith.mulf %sub3A_735, %get3A_726 : vector<16xf32>
      %add3A_737 = arith.addf %get3A_718, %get3A_722 : vector<16xf32>
      %mul3A_738 = arith.mulf %add3A_737, %get3A_730 : vector<16xf32>
      %add3A_739 = arith.addf %mul3A_736, %mul3A_738 : vector<16xf32>
      %mul3A_740 = arith.mulf %get3A_734, %add3A_739 : vector<16xf32>
      %add3A_741 = arith.addf %broadcast_in_dim3A_689, %mul3A_740 : vector<16xf32>
      %get3A_742 = arith.index_cast %scan3A_686 : i32 to index
      %get3A_743 = arith.constant 32 : index
      %get3A_744 = tpu.vector_load %arg13[%get3A_742, %get3A_743] {strides = array<i32>} : memref<64x128xf32, #tpu.memory_space<vmem>>, vector<1x16xf32>,
      %get3A_745 = vector.shape_cast %get3A_744 : vector<1x16xf32> to vector<16xf32>
      %get3A_746 = arith.index_cast %scan3A_686 : i32 to index
      %get3A_747 = arith.constant 32 : index
      %get3A_748 = tpu.vector_load %arg14[%get3A_746, %get3A_747] {strides = array<i32>} : memref<64x128xf32, #tpu.memory_space<vmem>>, vector<1x16xf32>,
      %get3A_749 = vector.shape_cast %get3A_748 : vector<1x16xf32> to vector<16xf32>
      %get3A_750 = arith.index_cast %scan3A_686 : i32 to index
      %get3A_751 = arith.constant 32 : index
      %get3A_752 = tpu.vector_load %arg15[%get3A_750, %get3A_751] {strides = array<i32>} : memref<64x128xf32, #tpu.memory_space<vmem>>, vector<1x16xf32>,
      %get3A_753 = vector.shape_cast %get3A_752 : vector<1x16xf32> to vector<16xf32>
      %get3A_754 = arith.index_cast %scan3A_686 : i32 to index
      %get3A_755 = arith.constant 32 : index
      %get3A_756 = tpu.vector_load %arg16[%get3A_754, %get3A_755] {strides = array<i32>} : memref<64x128xf32, #tpu.memory_space<vmem>>, vector<1x16xf32>,
      %get3A_757 = vector.shape_cast %get3A_756 : vector<1x16xf32> to vector<16xf32>
      %get3A_758 = arith.index_cast %scan3A_686 : i32 to index
      %get3A_759 = arith.constant 32 : index
      %get3A_760 = tpu.vector_load %arg17[%get3A_758, %get3A_759] {strides = array<i32>} : memref<64x128xf32, #tpu.memory_space<vmem>>, vector<1x16xf32>,
      %get3A_761 = vector.shape_cast %get3A_760 : vector<1x16xf32> to vector<16xf32>
      %sub3A_762 = arith.subf %get3A_745, %get3A_749 : vector<16xf32>
      %mul3A_763 = arith.mulf %sub3A_762, %get3A_753 : vector<16xf32>
      %add3A_764 = arith.addf %get3A_745, %get3A_749 : vector<16xf32>
      %mul3A_765 = arith.mulf %add3A_764, %get3A_757 : vector<16xf32>
      %add3A_766 = arith.addf %mul3A_763, %mul3A_765 : vector<16xf32>
      %mul3A_767 = arith.mulf %get3A_761, %add3A_766 : vector<16xf32>
      %add3A_768 = arith.addf %add3A_714, %mul3A_767 : vector<16xf32>
      %get3A_769 = arith.index_cast %scan3A_686 : i32 to index
      %get3A_770 = arith.constant 48 : index
      %get3A_771 = tpu.vector_load %arg13[%get3A_769, %get3A_770] {strides = array<i32>} : memref<64x128xf32, #tpu.memory_space<vmem>>, vector<1x16xf32>,
      %get3A_772 = vector.shape_cast %get3A_771 : vector<1x16xf32> to vector<16xf32>
      %get3A_773 = arith.index_cast %scan3A_686 : i32 to index
      %get3A_774 = arith.constant 48 : index
      %get3A_775 = tpu.vector_load %arg14[%get3A_773, %get3A_774] {strides = array<i32>} : memref<64x128xf32, #tpu.memory_space<vmem>>, vector<1x16xf32>,
      %get3A_776 = vector.shape_cast %get3A_775 : vector<1x16xf32> to vector<16xf32>
      %get3A_777 = arith.index_cast %scan3A_686 : i32 to index
      %get3A_778 = arith.constant 48 : index
      %get3A_779 = tpu.vector_load %arg15[%get3A_777, %get3A_778] {strides = array<i32>} : memref<64x128xf32, #tpu.memory_space<vmem>>, vector<1x16xf32>,
      %get3A_780 = vector.shape_cast %get3A_779 : vector<1x16xf32> to vector<16xf32>
      %get3A_781 = arith.index_cast %scan3A_686 : i32 to index
      %get3A_782 = arith.constant 48 : index
      %get3A_783 = tpu.vector_load %arg16[%get3A_781, %get3A_782] {strides = array<i32>} : memref<64x128xf32, #tpu.memory_space<vmem>>, vector<1x16xf32>,
      %get3A_784 = vector.shape_cast %get3A_783 : vector<1x16xf32> to vector<16xf32>
      %get3A_785 = arith.index_cast %scan3A_686 : i32 to index
      %get3A_786 = arith.constant 48 : index
      %get3A_787 = tpu.vector_load %arg17[%get3A_785, %get3A_786] {strides = array<i32>} : memref<64x128xf32, #tpu.memory_space<vmem>>, vector<1x16xf32>,
      %get3A_788 = vector.shape_cast %get3A_787 : vector<1x16xf32> to vector<16xf32>
      %sub3A_789 = arith.subf %get3A_772, %get3A_776 : vector<16xf32>
      %mul3A_790 = arith.mulf %sub3A_789, %get3A_780 : vector<16xf32>
      %add3A_791 = arith.addf %get3A_772, %get3A_776 : vector<16xf32>
      %mul3A_792 = arith.mulf %add3A_791, %get3A_784 : vector<16xf32>
      %add3A_793 = arith.addf %mul3A_790, %mul3A_792 : vector<16xf32>
      %mul3A_794 = arith.mulf %get3A_788, %add3A_793 : vector<16xf32>
      %add3A_795 = arith.addf %add3A_741, %mul3A_794 : vector<16xf32>
      %get3A_796 = arith.index_cast %scan3A_686 : i32 to index
      %get3A_797 = arith.constant 64 : index
      %get3A_798 = tpu.vector_load %arg13[%get3A_796, %get3A_797] {strides = array<i32>} : memref<64x128xf32, #tpu.memory_space<vmem>>, vector<1x16xf32>,
      %get3A_799 = vector.shape_cast %get3A_798 : vector<1x16xf32> to vector<16xf32>
      %get3A_800 = arith.index_cast %scan3A_686 : i32 to index
      %get3A_801 = arith.constant 64 : index
      %get3A_802 = tpu.vector_load %arg14[%get3A_800, %get3A_801] {strides = array<i32>} : memref<64x128xf32, #tpu.memory_space<vmem>>, vector<1x16xf32>,
      %get3A_803 = vector.shape_cast %get3A_802 : vector<1x16xf32> to vector<16xf32>
      %get3A_804 = arith.index_cast %scan3A_686 : i32 to index
      %get3A_805 = arith.constant 64 : index
      %get3A_806 = tpu.vector_load %arg15[%get3A_804, %get3A_805] {strides = array<i32>} : memref<64x128xf32, #tpu.memory_space<vmem>>, vector<1x16xf32>,
      %get3A_807 = vector.shape_cast %get3A_806 : vector<1x16xf32> to vector<16xf32>
      %get3A_808 = arith.index_cast %scan3A_686 : i32 to index
      %get3A_809 = arith.constant 64 : index
      %get3A_810 = tpu.vector_load %arg16[%get3A_808, %get3A_809] {strides = array<i32>} : memref<64x128xf32, #tpu.memory_space<vmem>>, vector<1x16xf32>,
      %get3A_811 = vector.shape_cast %get3A_810 : vector<1x16xf32> to vector<16xf32>
      %get3A_812 = arith.index_cast %scan3A_686 : i32 to index
      %get3A_813 = arith.constant 64 : index
      %get3A_814 = tpu.vector_load %arg17[%get3A_812, %get3A_813] {strides = array<i32>} : memref<64x128xf32, #tpu.memory_space<vmem>>, vector<1x16xf32>,
      %get3A_815 = vector.shape_cast %get3A_814 : vector<1x16xf32> to vector<16xf32>
      %sub3A_816 = arith.subf %get3A_799, %get3A_803 : vector<16xf32>
      %mul3A_817 = arith.mulf %sub3A_816, %get3A_807 : vector<16xf32>
      %add3A_818 = arith.addf %get3A_799, %get3A_803 : vector<16xf32>
      %mul3A_819 = arith.mulf %add3A_818, %get3A_811 : vector<16xf32>
      %add3A_820 = arith.addf %mul3A_817, %mul3A_819 : vector<16xf32>
      %mul3A_821 = arith.mulf %get3A_815, %add3A_820 : vector<16xf32>
      %add3A_822 = arith.addf %add3A_768, %mul3A_821 : vector<16xf32>
      %get3A_823 = arith.index_cast %scan3A_686 : i32 to index
      %get3A_824 = arith.constant 80 : index
      %get3A_825 = tpu.vector_load %arg13[%get3A_823, %get3A_824] {strides = array<i32>} : memref<64x128xf32, #tpu.memory_space<vmem>>, vector<1x16xf32>,
      %get3A_826 = vector.shape_cast %get3A_825 : vector<1x16xf32> to vector<16xf32>
      %get3A_827 = arith.index_cast %scan3A_686 : i32 to index
      %get3A_828 = arith.constant 80 : index
      %get3A_829 = tpu.vector_load %arg14[%get3A_827, %get3A_828] {strides = array<i32>} : memref<64x128xf32, #tpu.memory_space<vmem>>, vector<1x16xf32>,
      %get3A_830 = vector.shape_cast %get3A_829 : vector<1x16xf32> to vector<16xf32>
      %get3A_831 = arith.index_cast %scan3A_686 : i32 to index
      %get3A_832 = arith.constant 80 : index
      %get3A_833 = tpu.vector_load %arg15[%get3A_831, %get3A_832] {strides = array<i32>} : memref<64x128xf32, #tpu.memory_space<vmem>>, vector<1x16xf32>,
      %get3A_834 = vector.shape_cast %get3A_833 : vector<1x16xf32> to vector<16xf32>
      %get3A_835 = arith.index_cast %scan3A_686 : i32 to index
      %get3A_836 = arith.constant 80 : index
      %get3A_837 = tpu.vector_load %arg16[%get3A_835, %get3A_836] {strides = array<i32>} : memref<64x128xf32, #tpu.memory_space<vmem>>, vector<1x16xf32>,
      %get3A_838 = vector.shape_cast %get3A_837 : vector<1x16xf32> to vector<16xf32>
      %get3A_839 = arith.index_cast %scan3A_686 : i32 to index
      %get3A_840 = arith.constant 80 : index
      %get3A_841 = tpu.vector_load %arg17[%get3A_839, %get3A_840] {strides = array<i32>} : memref<64x128xf32, #tpu.memory_space<vmem>>, vector<1x16xf32>,
      %get3A_842 = vector.shape_cast %get3A_841 : vector<1x16xf32> to vector<16xf32>
      %sub3A_843 = arith.subf %get3A_826, %get3A_830 : vector<16xf32>
      %mul3A_844 = arith.mulf %sub3A_843, %get3A_834 : vector<16xf32>
      %add3A_845 = arith.addf %get3A_826, %get3A_830 : vector<16xf32>
      %mul3A_846 = arith.mulf %add3A_845, %get3A_838 : vector<16xf32>
      %add3A_847 = arith.addf %mul3A_844, %mul3A_846 : vector<16xf32>
      %mul3A_848 = arith.mulf %get3A_842, %add3A_847 : vector<16xf32>
      %add3A_849 = arith.addf %add3A_795, %mul3A_848 : vector<16xf32>
      %get3A_850 = arith.index_cast %scan3A_686 : i32 to index
      %get3A_851 = arith.constant 96 : index
      %get3A_852 = tpu.vector_load %arg13[%get3A_850, %get3A_851] {strides = array<i32>} : memref<64x128xf32, #tpu.memory_space<vmem>>, vector<1x16xf32>,
      %get3A_853 = vector.shape_cast %get3A_852 : vector<1x16xf32> to vector<16xf32>
      %get3A_854 = arith.index_cast %scan3A_686 : i32 to index
      %get3A_855 = arith.constant 96 : index
      %get3A_856 = tpu.vector_load %arg14[%get3A_854, %get3A_855] {strides = array<i32>} : memref<64x128xf32, #tpu.memory_space<vmem>>, vector<1x16xf32>,
      %get3A_857 = vector.shape_cast %get3A_856 : vector<1x16xf32> to vector<16xf32>
      %get3A_858 = arith.index_cast %scan3A_686 : i32 to index
      %get3A_859 = arith.constant 96 : index
      %get3A_860 = tpu.vector_load %arg15[%get3A_858, %get3A_859] {strides = array<i32>} : memref<64x128xf32, #tpu.memory_space<vmem>>, vector<1x16xf32>,
      %get3A_861 = vector.shape_cast %get3A_860 : vector<1x16xf32> to vector<16xf32>
      %get3A_862 = arith.index_cast %scan3A_686 : i32 to index
      %get3A_863 = arith.constant 96 : index
      %get3A_864 = tpu.vector_load %arg16[%get3A_862, %get3A_863] {strides = array<i32>} : memref<64x128xf32, #tpu.memory_space<vmem>>, vector<1x16xf32>,
      %get3A_865 = vector.shape_cast %get3A_864 : vector<1x16xf32> to vector<16xf32>
      %get3A_866 = arith.index_cast %scan3A_686 : i32 to index
      %get3A_867 = arith.constant 96 : index
      %get3A_868 = tpu.vector_load %arg17[%get3A_866, %get3A_867] {strides = array<i32>} : memref<64x128xf32, #tpu.memory_space<vmem>>, vector<1x16xf32>,
      %get3A_869 = vector.shape_cast %get3A_868 : vector<1x16xf32> to vector<16xf32>
      %sub3A_870 = arith.subf %get3A_853, %get3A_857 : vector<16xf32>
      %mul3A_871 = arith.mulf %sub3A_870, %get3A_861 : vector<16xf32>
      %add3A_872 = arith.addf %get3A_853, %get3A_857 : vector<16xf32>
      %mul3A_873 = arith.mulf %add3A_872, %get3A_865 : vector<16xf32>
      %add3A_874 = arith.addf %mul3A_871, %mul3A_873 : vector<16xf32>
      %mul3A_875 = arith.mulf %get3A_869, %add3A_874 : vector<16xf32>
      %add3A_876 = arith.addf %add3A_822, %mul3A_875 : vector<16xf32>
      %get3A_877 = arith.index_cast %scan3A_686 : i32 to index
      %get3A_878 = arith.constant 112 : index
      %get3A_879 = tpu.vector_load %arg13[%get3A_877, %get3A_878] {strides = array<i32>} : memref<64x128xf32, #tpu.memory_space<vmem>>, vector<1x16xf32>,
      %get3A_880 = vector.shape_cast %get3A_879 : vector<1x16xf32> to vector<16xf32>
      %get3A_881 = arith.index_cast %scan3A_686 : i32 to index
      %get3A_882 = arith.constant 112 : index
      %get3A_883 = tpu.vector_load %arg14[%get3A_881, %get3A_882] {strides = array<i32>} : memref<64x128xf32, #tpu.memory_space<vmem>>, vector<1x16xf32>,
      %get3A_884 = vector.shape_cast %get3A_883 : vector<1x16xf32> to vector<16xf32>
      %get3A_885 = arith.index_cast %scan3A_686 : i32 to index
      %get3A_886 = arith.constant 112 : index
      %get3A_887 = tpu.vector_load %arg15[%get3A_885, %get3A_886] {strides = array<i32>} : memref<64x128xf32, #tpu.memory_space<vmem>>, vector<1x16xf32>,
      %get3A_888 = vector.shape_cast %get3A_887 : vector<1x16xf32> to vector<16xf32>
      %get3A_889 = arith.index_cast %scan3A_686 : i32 to index
      %get3A_890 = arith.constant 112 : index
      %get3A_891 = tpu.vector_load %arg16[%get3A_889, %get3A_890] {strides = array<i32>} : memref<64x128xf32, #tpu.memory_space<vmem>>, vector<1x16xf32>,
      %get3A_892 = vector.shape_cast %get3A_891 : vector<1x16xf32> to vector<16xf32>
      %get3A_893 = arith.index_cast %scan3A_686 : i32 to index
      %get3A_894 = arith.constant 112 : index
      %get3A_895 = tpu.vector_load %arg17[%get3A_893, %get3A_894] {strides = array<i32>} : memref<64x128xf32, #tpu.memory_space<vmem>>, vector<1x16xf32>,
      %get3A_896 = vector.shape_cast %get3A_895 : vector<1x16xf32> to vector<16xf32>
      %sub3A_897 = arith.subf %get3A_880, %get3A_884 : vector<16xf32>
      %mul3A_898 = arith.mulf %sub3A_897, %get3A_888 : vector<16xf32>
      %add3A_899 = arith.addf %get3A_880, %get3A_884 : vector<16xf32>
      %mul3A_900 = arith.mulf %add3A_899, %get3A_892 : vector<16xf32>
      %add3A_901 = arith.addf %mul3A_898, %mul3A_900 : vector<16xf32>
      %mul3A_902 = arith.mulf %get3A_896, %add3A_901 : vector<16xf32>
      %add3A_903 = arith.addf %add3A_849, %mul3A_902 : vector<16xf32>
      %add3A_904 = arith.addf %add3A_876, %add3A_903 : vector<16xf32>
      %add3A_905 = arith.constant 192 : i32
      %add3A_906 = arith.addi %add3A_905, %scan3A_686 : i32
      %swap3A = arith.index_cast %add3A_906 : i32 to index
      %swap3A_907 = arith.constant 0 : index
      %swap3A_908 = tpu.vector_load %arg18[%swap3A, %swap3A_907] {strides = array<i32>} : memref<512x16xf32, #tpu.memory_space<vmem>>, vector<1x16xf32>,
      %swap3A_909 = vector.shape_cast %swap3A_908 : vector<1x16xf32> to vector<16xf32>
      %swap3A_910 = vector.shape_cast %add3A_904 : vector<16xf32> to vector<1x16xf32>
      tpu.vector_store %arg18[%swap3A, %swap3A_907], %swap3A_910 {strides = array<i32>} : memref<512x16xf32, #tpu.memory_space<vmem>>, vector<1x16xf32>,
    }
    %scan3A_381 = arith.constant 64 : i32
    %dma_start3A_382 = arith.constant 0 : i32
    %dma_start3A_383 = arith.constant 5 : i32
    %dma_start3A_384 = arith.constant 0 : i32
    %dma_start3A_385 = tpu.memref_slice %arg7[%dma_start3A_382, %dma_start3A_383, %dma_start3A_384] : memref<3x8x64xi32, #tpu.memory_space<vmem>> -> memref<1x1x64xi32, #tpu.memory_space<vmem>>
    %dma_start3A_386 = tpu.memref_squeeze %dma_start3A_385 : memref<1x1x64xi32, #tpu.memory_space<vmem>> -> memref<64xi32, #tpu.memory_space<vmem>>
    %dma_start3A_387 = arith.constant 0 : i32
    %dma_start3A_388 = arith.constant 0 : i32
    %dma_start3A_389 = tpu.memref_slice %arg3[%dma_start3A_387, %dma_start3A_388] : memref<100001x128xf32, #tpu.memory_space<hbm>> -> memref<100001x128xf32, #tpu.memory_space<hbm>>
    tpu.enqueue_indirect_dma source(%dma_start3A_389 : memref<100001x128xf32, #tpu.memory_space<hbm>>) target(%arg13 : memref<64x128xf32, #tpu.memory_space<vmem>>) offsets(%dma_start3A_386 : memref<64xi32, #tpu.memory_space<vmem>>) semaphore(%arg20 : memref<!tpu.dma_semaphore, #tpu.memory_space<semaphore_mem>>)
    %dma_start3A_390 = arith.constant 0 : i32
    %dma_start3A_391 = arith.constant 5 : i32
    %dma_start3A_392 = arith.constant 0 : i32
    %dma_start3A_393 = tpu.memref_slice %arg7[%dma_start3A_390, %dma_start3A_391, %dma_start3A_392] : memref<3x8x64xi32, #tpu.memory_space<vmem>> -> memref<1x1x64xi32, #tpu.memory_space<vmem>>
    %dma_start3A_394 = tpu.memref_squeeze %dma_start3A_393 : memref<1x1x64xi32, #tpu.memory_space<vmem>> -> memref<64xi32, #tpu.memory_space<vmem>>
    %dma_start3A_395 = arith.constant 0 : i32
    %dma_start3A_396 = arith.constant 0 : i32
    %dma_start3A_397 = tpu.memref_slice %arg4[%dma_start3A_395, %dma_start3A_396] : memref<100001x128xf32, #tpu.memory_space<hbm>> -> memref<100001x128xf32, #tpu.memory_space<hbm>>
    tpu.enqueue_indirect_dma source(%dma_start3A_397 : memref<100001x128xf32, #tpu.memory_space<hbm>>) target(%arg14 : memref<64x128xf32, #tpu.memory_space<vmem>>) offsets(%dma_start3A_394 : memref<64xi32, #tpu.memory_space<vmem>>) semaphore(%arg20 : memref<!tpu.dma_semaphore, #tpu.memory_space<semaphore_mem>>)
    %dma_start3A_398 = arith.constant 2 : i32
    %dma_start3A_399 = arith.constant 5 : i32
    %dma_start3A_400 = arith.constant 0 : i32
    %dma_start3A_401 = tpu.memref_slice %arg7[%dma_start3A_398, %dma_start3A_399, %dma_start3A_400] : memref<3x8x64xi32, #tpu.memory_space<vmem>> -> memref<1x1x64xi32, #tpu.memory_space<vmem>>
    %dma_start3A_402 = tpu.memref_squeeze %dma_start3A_401 : memref<1x1x64xi32, #tpu.memory_space<vmem>> -> memref<64xi32, #tpu.memory_space<vmem>>
    %dma_start3A_403 = arith.constant 0 : i32
    %dma_start3A_404 = arith.constant 0 : i32
    %dma_start3A_405 = tpu.memref_slice %arg3[%dma_start3A_403, %dma_start3A_404] : memref<100001x128xf32, #tpu.memory_space<hbm>> -> memref<100001x128xf32, #tpu.memory_space<hbm>>
    tpu.enqueue_indirect_dma source(%dma_start3A_405 : memref<100001x128xf32, #tpu.memory_space<hbm>>) target(%arg15 : memref<64x128xf32, #tpu.memory_space<vmem>>) offsets(%dma_start3A_402 : memref<64xi32, #tpu.memory_space<vmem>>) semaphore(%arg20 : memref<!tpu.dma_semaphore, #tpu.memory_space<semaphore_mem>>)
    %dma_start3A_406 = arith.constant 2 : i32
    %dma_start3A_407 = arith.constant 5 : i32
    %dma_start3A_408 = arith.constant 0 : i32
    %dma_start3A_409 = tpu.memref_slice %arg7[%dma_start3A_406, %dma_start3A_407, %dma_start3A_408] : memref<3x8x64xi32, #tpu.memory_space<vmem>> -> memref<1x1x64xi32, #tpu.memory_space<vmem>>
    %dma_start3A_410 = tpu.memref_squeeze %dma_start3A_409 : memref<1x1x64xi32, #tpu.memory_space<vmem>> -> memref<64xi32, #tpu.memory_space<vmem>>
    %dma_start3A_411 = arith.constant 0 : i32
    %dma_start3A_412 = arith.constant 0 : i32
    %dma_start3A_413 = tpu.memref_slice %arg4[%dma_start3A_411, %dma_start3A_412] : memref<100001x128xf32, #tpu.memory_space<hbm>> -> memref<100001x128xf32, #tpu.memory_space<hbm>>
    tpu.enqueue_indirect_dma source(%dma_start3A_413 : memref<100001x128xf32, #tpu.memory_space<hbm>>) target(%arg16 : memref<64x128xf32, #tpu.memory_space<vmem>>) offsets(%dma_start3A_410 : memref<64xi32, #tpu.memory_space<vmem>>) semaphore(%arg20 : memref<!tpu.dma_semaphore, #tpu.memory_space<semaphore_mem>>)
    %dma_start3A_414 = arith.constant 1 : i32
    %dma_start3A_415 = arith.constant 5 : i32
    %dma_start3A_416 = arith.constant 0 : i32
    %dma_start3A_417 = tpu.memref_slice %arg7[%dma_start3A_414, %dma_start3A_415, %dma_start3A_416] : memref<3x8x64xi32, #tpu.memory_space<vmem>> -> memref<1x1x64xi32, #tpu.memory_space<vmem>>
    %dma_start3A_418 = tpu.memref_squeeze %dma_start3A_417 : memref<1x1x64xi32, #tpu.memory_space<vmem>> -> memref<64xi32, #tpu.memory_space<vmem>>
    %dma_start3A_419 = arith.constant 0 : i32
    %dma_start3A_420 = arith.constant 0 : i32
    %dma_start3A_421 = tpu.memref_slice %arg5[%dma_start3A_419, %dma_start3A_420] : memref<1001x128xf32, #tpu.memory_space<hbm>> -> memref<1001x128xf32, #tpu.memory_space<hbm>>
    tpu.enqueue_indirect_dma source(%dma_start3A_421 : memref<1001x128xf32, #tpu.memory_space<hbm>>) target(%arg17 : memref<64x128xf32, #tpu.memory_space<vmem>>) offsets(%dma_start3A_418 : memref<64xi32, #tpu.memory_space<vmem>>) semaphore(%arg20 : memref<!tpu.dma_semaphore, #tpu.memory_space<semaphore_mem>>)
    %dma_wait3A_422 = arith.constant 0 : i32
    %dma_wait3A_423 = arith.constant 4 : i32
    %dma_wait3A_424 = arith.constant 0 : i32
    %dma_wait3A_425 = tpu.memref_slice %arg7[%dma_wait3A_422, %dma_wait3A_423, %dma_wait3A_424] : memref<3x8x64xi32, #tpu.memory_space<vmem>> -> memref<1x1x64xi32, #tpu.memory_space<vmem>>
    %dma_wait3A_426 = tpu.memref_squeeze %dma_wait3A_425 : memref<1x1x64xi32, #tpu.memory_space<vmem>> -> memref<64xi32, #tpu.memory_space<vmem>>
    %dma_wait3A_427 = arith.constant 0 : i32
    %dma_wait3A_428 = arith.constant 0 : i32
    %dma_wait3A_429 = tpu.memref_slice %arg3[%dma_wait3A_427, %dma_wait3A_428] : memref<100001x128xf32, #tpu.memory_space<hbm>> -> memref<100001x128xf32, #tpu.memory_space<hbm>>
    tpu.wait_indirect_dma semaphore(%arg19 : memref<!tpu.dma_semaphore, #tpu.memory_space<semaphore_mem>>) src(%dma_wait3A_429 : memref<100001x128xf32, #tpu.memory_space<hbm>>) dst(%arg8 : memref<64x128xf32, #tpu.memory_space<vmem>>)
    %dma_wait3A_430 = arith.constant 0 : i32
    %dma_wait3A_431 = arith.constant 4 : i32
    %dma_wait3A_432 = arith.constant 0 : i32
    %dma_wait3A_433 = tpu.memref_slice %arg7[%dma_wait3A_430, %dma_wait3A_431, %dma_wait3A_432] : memref<3x8x64xi32, #tpu.memory_space<vmem>> -> memref<1x1x64xi32, #tpu.memory_space<vmem>>
    %dma_wait3A_434 = tpu.memref_squeeze %dma_wait3A_433 : memref<1x1x64xi32, #tpu.memory_space<vmem>> -> memref<64xi32, #tpu.memory_space<vmem>>
    %dma_wait3A_435 = arith.constant 0 : i32
    %dma_wait3A_436 = arith.constant 0 : i32
    %dma_wait3A_437 = tpu.memref_slice %arg4[%dma_wait3A_435, %dma_wait3A_436] : memref<100001x128xf32, #tpu.memory_space<hbm>> -> memref<100001x128xf32, #tpu.memory_space<hbm>>
    tpu.wait_indirect_dma semaphore(%arg19 : memref<!tpu.dma_semaphore, #tpu.memory_space<semaphore_mem>>) src(%dma_wait3A_437 : memref<100001x128xf32, #tpu.memory_space<hbm>>) dst(%arg9 : memref<64x128xf32, #tpu.memory_space<vmem>>)
    %dma_wait3A_438 = arith.constant 2 : i32
    %dma_wait3A_439 = arith.constant 4 : i32
    %dma_wait3A_440 = arith.constant 0 : i32
    %dma_wait3A_441 = tpu.memref_slice %arg7[%dma_wait3A_438, %dma_wait3A_439, %dma_wait3A_440] : memref<3x8x64xi32, #tpu.memory_space<vmem>> -> memref<1x1x64xi32, #tpu.memory_space<vmem>>
    %dma_wait3A_442 = tpu.memref_squeeze %dma_wait3A_441 : memref<1x1x64xi32, #tpu.memory_space<vmem>> -> memref<64xi32, #tpu.memory_space<vmem>>
    %dma_wait3A_443 = arith.constant 0 : i32
    %dma_wait3A_444 = arith.constant 0 : i32
    %dma_wait3A_445 = tpu.memref_slice %arg3[%dma_wait3A_443, %dma_wait3A_444] : memref<100001x128xf32, #tpu.memory_space<hbm>> -> memref<100001x128xf32, #tpu.memory_space<hbm>>
    tpu.wait_indirect_dma semaphore(%arg19 : memref<!tpu.dma_semaphore, #tpu.memory_space<semaphore_mem>>) src(%dma_wait3A_445 : memref<100001x128xf32, #tpu.memory_space<hbm>>) dst(%arg10 : memref<64x128xf32, #tpu.memory_space<vmem>>)
    %dma_wait3A_446 = arith.constant 2 : i32
    %dma_wait3A_447 = arith.constant 4 : i32
    %dma_wait3A_448 = arith.constant 0 : i32
    %dma_wait3A_449 = tpu.memref_slice %arg7[%dma_wait3A_446, %dma_wait3A_447, %dma_wait3A_448] : memref<3x8x64xi32, #tpu.memory_space<vmem>> -> memref<1x1x64xi32, #tpu.memory_space<vmem>>
    %dma_wait3A_450 = tpu.memref_squeeze %dma_wait3A_449 : memref<1x1x64xi32, #tpu.memory_space<vmem>> -> memref<64xi32, #tpu.memory_space<vmem>>
    %dma_wait3A_451 = arith.constant 0 : i32
    %dma_wait3A_452 = arith.constant 0 : i32
    %dma_wait3A_453 = tpu.memref_slice %arg4[%dma_wait3A_451, %dma_wait3A_452] : memref<100001x128xf32, #tpu.memory_space<hbm>> -> memref<100001x128xf32, #tpu.memory_space<hbm>>
    tpu.wait_indirect_dma semaphore(%arg19 : memref<!tpu.dma_semaphore, #tpu.memory_space<semaphore_mem>>) src(%dma_wait3A_453 : memref<100001x128xf32, #tpu.memory_space<hbm>>) dst(%arg11 : memref<64x128xf32, #tpu.memory_space<vmem>>)
    %dma_wait3A_454 = arith.constant 1 : i32
    %dma_wait3A_455 = arith.constant 4 : i32
    %dma_wait3A_456 = arith.constant 0 : i32
    %dma_wait3A_457 = tpu.memref_slice %arg7[%dma_wait3A_454, %dma_wait3A_455, %dma_wait3A_456] : memref<3x8x64xi32, #tpu.memory_space<vmem>> -> memref<1x1x64xi32, #tpu.memory_space<vmem>>
    %dma_wait3A_458 = tpu.memref_squeeze %dma_wait3A_457 : memref<1x1x64xi32, #tpu.memory_space<vmem>> -> memref<64xi32, #tpu.memory_space<vmem>>
    %dma_wait3A_459 = arith.constant 0 : i32
    %dma_wait3A_460 = arith.constant 0 : i32
    %dma_wait3A_461 = tpu.memref_slice %arg5[%dma_wait3A_459, %dma_wait3A_460] : memref<1001x128xf32, #tpu.memory_space<hbm>> -> memref<1001x128xf32, #tpu.memory_space<hbm>>
    tpu.wait_indirect_dma semaphore(%arg19 : memref<!tpu.dma_semaphore, #tpu.memory_space<semaphore_mem>>) src(%dma_wait3A_461 : memref<1001x128xf32, #tpu.memory_space<hbm>>) dst(%arg12 : memref<64x128xf32, #tpu.memory_space<vmem>>)
    %scan3A_462 = arith.constant 0 : i32
    %scan3A_463 = arith.constant 0 : i32
    %scan3A_464 = arith.constant 64 : i32
    %scan3A_465 = arith.addi %scan3A_463, %scan3A_464 : i32
    %scan3A_466 = arith.constant 1 : i32
    scf.for %scan3A_686 = %scan3A_463 to %scan3A_465 step %scan3A_466  : i32 {
      %broadcast_in_dim3A = arith.constant 0.000000e+00 : f32
      %broadcast_in_dim3A_687 = vector.broadcast %broadcast_in_dim3A : f32 to vector<16xf32>
      %broadcast_in_dim3A_688 = arith.constant 0.000000e+00 : f32
      %broadcast_in_dim3A_689 = vector.broadcast %broadcast_in_dim3A_688 : f32 to vector<16xf32>
      %get3A = arith.index_cast %scan3A_686 : i32 to index
      %get3A_690 = arith.constant 0 : index
      %get3A_691 = tpu.vector_load %arg8[%get3A, %get3A_690] {strides = array<i32>} : memref<64x128xf32, #tpu.memory_space<vmem>>, vector<1x16xf32>,
      %get3A_692 = vector.shape_cast %get3A_691 : vector<1x16xf32> to vector<16xf32>
      %get3A_693 = arith.index_cast %scan3A_686 : i32 to index
      %get3A_694 = arith.constant 0 : index
      %get3A_695 = tpu.vector_load %arg9[%get3A_693, %get3A_694] {strides = array<i32>} : memref<64x128xf32, #tpu.memory_space<vmem>>, vector<1x16xf32>,
      %get3A_696 = vector.shape_cast %get3A_695 : vector<1x16xf32> to vector<16xf32>
      %get3A_697 = arith.index_cast %scan3A_686 : i32 to index
      %get3A_698 = arith.constant 0 : index
      %get3A_699 = tpu.vector_load %arg10[%get3A_697, %get3A_698] {strides = array<i32>} : memref<64x128xf32, #tpu.memory_space<vmem>>, vector<1x16xf32>,
      %get3A_700 = vector.shape_cast %get3A_699 : vector<1x16xf32> to vector<16xf32>
      %get3A_701 = arith.index_cast %scan3A_686 : i32 to index
      %get3A_702 = arith.constant 0 : index
      %get3A_703 = tpu.vector_load %arg11[%get3A_701, %get3A_702] {strides = array<i32>} : memref<64x128xf32, #tpu.memory_space<vmem>>, vector<1x16xf32>,
      %get3A_704 = vector.shape_cast %get3A_703 : vector<1x16xf32> to vector<16xf32>
      %get3A_705 = arith.index_cast %scan3A_686 : i32 to index
      %get3A_706 = arith.constant 0 : index
      %get3A_707 = tpu.vector_load %arg12[%get3A_705, %get3A_706] {strides = array<i32>} : memref<64x128xf32, #tpu.memory_space<vmem>>, vector<1x16xf32>,
      %get3A_708 = vector.shape_cast %get3A_707 : vector<1x16xf32> to vector<16xf32>
      %sub3A = arith.subf %get3A_692, %get3A_696 : vector<16xf32>
      %mul3A_709 = arith.mulf %sub3A, %get3A_700 : vector<16xf32>
      %add3A_710 = arith.addf %get3A_692, %get3A_696 : vector<16xf32>
      %mul3A_711 = arith.mulf %add3A_710, %get3A_704 : vector<16xf32>
      %add3A_712 = arith.addf %mul3A_709, %mul3A_711 : vector<16xf32>
      %mul3A_713 = arith.mulf %get3A_708, %add3A_712 : vector<16xf32>
      %add3A_714 = arith.addf %broadcast_in_dim3A_687, %mul3A_713 : vector<16xf32>
      %get3A_715 = arith.index_cast %scan3A_686 : i32 to index
      %get3A_716 = arith.constant 16 : index
      %get3A_717 = tpu.vector_load %arg8[%get3A_715, %get3A_716] {strides = array<i32>} : memref<64x128xf32, #tpu.memory_space<vmem>>, vector<1x16xf32>,
      %get3A_718 = vector.shape_cast %get3A_717 : vector<1x16xf32> to vector<16xf32>
      %get3A_719 = arith.index_cast %scan3A_686 : i32 to index
      %get3A_720 = arith.constant 16 : index
      %get3A_721 = tpu.vector_load %arg9[%get3A_719, %get3A_720] {strides = array<i32>} : memref<64x128xf32, #tpu.memory_space<vmem>>, vector<1x16xf32>,
      %get3A_722 = vector.shape_cast %get3A_721 : vector<1x16xf32> to vector<16xf32>
      %get3A_723 = arith.index_cast %scan3A_686 : i32 to index
      %get3A_724 = arith.constant 16 : index
      %get3A_725 = tpu.vector_load %arg10[%get3A_723, %get3A_724] {strides = array<i32>} : memref<64x128xf32, #tpu.memory_space<vmem>>, vector<1x16xf32>,
      %get3A_726 = vector.shape_cast %get3A_725 : vector<1x16xf32> to vector<16xf32>
      %get3A_727 = arith.index_cast %scan3A_686 : i32 to index
      %get3A_728 = arith.constant 16 : index
      %get3A_729 = tpu.vector_load %arg11[%get3A_727, %get3A_728] {strides = array<i32>} : memref<64x128xf32, #tpu.memory_space<vmem>>, vector<1x16xf32>,
      %get3A_730 = vector.shape_cast %get3A_729 : vector<1x16xf32> to vector<16xf32>
      %get3A_731 = arith.index_cast %scan3A_686 : i32 to index
      %get3A_732 = arith.constant 16 : index
      %get3A_733 = tpu.vector_load %arg12[%get3A_731, %get3A_732] {strides = array<i32>} : memref<64x128xf32, #tpu.memory_space<vmem>>, vector<1x16xf32>,
      %get3A_734 = vector.shape_cast %get3A_733 : vector<1x16xf32> to vector<16xf32>
      %sub3A_735 = arith.subf %get3A_718, %get3A_722 : vector<16xf32>
      %mul3A_736 = arith.mulf %sub3A_735, %get3A_726 : vector<16xf32>
      %add3A_737 = arith.addf %get3A_718, %get3A_722 : vector<16xf32>
      %mul3A_738 = arith.mulf %add3A_737, %get3A_730 : vector<16xf32>
      %add3A_739 = arith.addf %mul3A_736, %mul3A_738 : vector<16xf32>
      %mul3A_740 = arith.mulf %get3A_734, %add3A_739 : vector<16xf32>
      %add3A_741 = arith.addf %broadcast_in_dim3A_689, %mul3A_740 : vector<16xf32>
      %get3A_742 = arith.index_cast %scan3A_686 : i32 to index
      %get3A_743 = arith.constant 32 : index
      %get3A_744 = tpu.vector_load %arg8[%get3A_742, %get3A_743] {strides = array<i32>} : memref<64x128xf32, #tpu.memory_space<vmem>>, vector<1x16xf32>,
      %get3A_745 = vector.shape_cast %get3A_744 : vector<1x16xf32> to vector<16xf32>
      %get3A_746 = arith.index_cast %scan3A_686 : i32 to index
      %get3A_747 = arith.constant 32 : index
      %get3A_748 = tpu.vector_load %arg9[%get3A_746, %get3A_747] {strides = array<i32>} : memref<64x128xf32, #tpu.memory_space<vmem>>, vector<1x16xf32>,
      %get3A_749 = vector.shape_cast %get3A_748 : vector<1x16xf32> to vector<16xf32>
      %get3A_750 = arith.index_cast %scan3A_686 : i32 to index
      %get3A_751 = arith.constant 32 : index
      %get3A_752 = tpu.vector_load %arg10[%get3A_750, %get3A_751] {strides = array<i32>} : memref<64x128xf32, #tpu.memory_space<vmem>>, vector<1x16xf32>,
      %get3A_753 = vector.shape_cast %get3A_752 : vector<1x16xf32> to vector<16xf32>
      %get3A_754 = arith.index_cast %scan3A_686 : i32 to index
      %get3A_755 = arith.constant 32 : index
      %get3A_756 = tpu.vector_load %arg11[%get3A_754, %get3A_755] {strides = array<i32>} : memref<64x128xf32, #tpu.memory_space<vmem>>, vector<1x16xf32>,
      %get3A_757 = vector.shape_cast %get3A_756 : vector<1x16xf32> to vector<16xf32>
      %get3A_758 = arith.index_cast %scan3A_686 : i32 to index
      %get3A_759 = arith.constant 32 : index
      %get3A_760 = tpu.vector_load %arg12[%get3A_758, %get3A_759] {strides = array<i32>} : memref<64x128xf32, #tpu.memory_space<vmem>>, vector<1x16xf32>,
      %get3A_761 = vector.shape_cast %get3A_760 : vector<1x16xf32> to vector<16xf32>
      %sub3A_762 = arith.subf %get3A_745, %get3A_749 : vector<16xf32>
      %mul3A_763 = arith.mulf %sub3A_762, %get3A_753 : vector<16xf32>
      %add3A_764 = arith.addf %get3A_745, %get3A_749 : vector<16xf32>
      %mul3A_765 = arith.mulf %add3A_764, %get3A_757 : vector<16xf32>
      %add3A_766 = arith.addf %mul3A_763, %mul3A_765 : vector<16xf32>
      %mul3A_767 = arith.mulf %get3A_761, %add3A_766 : vector<16xf32>
      %add3A_768 = arith.addf %add3A_714, %mul3A_767 : vector<16xf32>
      %get3A_769 = arith.index_cast %scan3A_686 : i32 to index
      %get3A_770 = arith.constant 48 : index
      %get3A_771 = tpu.vector_load %arg8[%get3A_769, %get3A_770] {strides = array<i32>} : memref<64x128xf32, #tpu.memory_space<vmem>>, vector<1x16xf32>,
      %get3A_772 = vector.shape_cast %get3A_771 : vector<1x16xf32> to vector<16xf32>
      %get3A_773 = arith.index_cast %scan3A_686 : i32 to index
      %get3A_774 = arith.constant 48 : index
      %get3A_775 = tpu.vector_load %arg9[%get3A_773, %get3A_774] {strides = array<i32>} : memref<64x128xf32, #tpu.memory_space<vmem>>, vector<1x16xf32>,
      %get3A_776 = vector.shape_cast %get3A_775 : vector<1x16xf32> to vector<16xf32>
      %get3A_777 = arith.index_cast %scan3A_686 : i32 to index
      %get3A_778 = arith.constant 48 : index
      %get3A_779 = tpu.vector_load %arg10[%get3A_777, %get3A_778] {strides = array<i32>} : memref<64x128xf32, #tpu.memory_space<vmem>>, vector<1x16xf32>,
      %get3A_780 = vector.shape_cast %get3A_779 : vector<1x16xf32> to vector<16xf32>
      %get3A_781 = arith.index_cast %scan3A_686 : i32 to index
      %get3A_782 = arith.constant 48 : index
      %get3A_783 = tpu.vector_load %arg11[%get3A_781, %get3A_782] {strides = array<i32>} : memref<64x128xf32, #tpu.memory_space<vmem>>, vector<1x16xf32>,
      %get3A_784 = vector.shape_cast %get3A_783 : vector<1x16xf32> to vector<16xf32>
      %get3A_785 = arith.index_cast %scan3A_686 : i32 to index
      %get3A_786 = arith.constant 48 : index
      %get3A_787 = tpu.vector_load %arg12[%get3A_785, %get3A_786] {strides = array<i32>} : memref<64x128xf32, #tpu.memory_space<vmem>>, vector<1x16xf32>,
      %get3A_788 = vector.shape_cast %get3A_787 : vector<1x16xf32> to vector<16xf32>
      %sub3A_789 = arith.subf %get3A_772, %get3A_776 : vector<16xf32>
      %mul3A_790 = arith.mulf %sub3A_789, %get3A_780 : vector<16xf32>
      %add3A_791 = arith.addf %get3A_772, %get3A_776 : vector<16xf32>
      %mul3A_792 = arith.mulf %add3A_791, %get3A_784 : vector<16xf32>
      %add3A_793 = arith.addf %mul3A_790, %mul3A_792 : vector<16xf32>
      %mul3A_794 = arith.mulf %get3A_788, %add3A_793 : vector<16xf32>
      %add3A_795 = arith.addf %add3A_741, %mul3A_794 : vector<16xf32>
      %get3A_796 = arith.index_cast %scan3A_686 : i32 to index
      %get3A_797 = arith.constant 64 : index
      %get3A_798 = tpu.vector_load %arg8[%get3A_796, %get3A_797] {strides = array<i32>} : memref<64x128xf32, #tpu.memory_space<vmem>>, vector<1x16xf32>,
      %get3A_799 = vector.shape_cast %get3A_798 : vector<1x16xf32> to vector<16xf32>
      %get3A_800 = arith.index_cast %scan3A_686 : i32 to index
      %get3A_801 = arith.constant 64 : index
      %get3A_802 = tpu.vector_load %arg9[%get3A_800, %get3A_801] {strides = array<i32>} : memref<64x128xf32, #tpu.memory_space<vmem>>, vector<1x16xf32>,
      %get3A_803 = vector.shape_cast %get3A_802 : vector<1x16xf32> to vector<16xf32>
      %get3A_804 = arith.index_cast %scan3A_686 : i32 to index
      %get3A_805 = arith.constant 64 : index
      %get3A_806 = tpu.vector_load %arg10[%get3A_804, %get3A_805] {strides = array<i32>} : memref<64x128xf32, #tpu.memory_space<vmem>>, vector<1x16xf32>,
      %get3A_807 = vector.shape_cast %get3A_806 : vector<1x16xf32> to vector<16xf32>
      %get3A_808 = arith.index_cast %scan3A_686 : i32 to index
      %get3A_809 = arith.constant 64 : index
      %get3A_810 = tpu.vector_load %arg11[%get3A_808, %get3A_809] {strides = array<i32>} : memref<64x128xf32, #tpu.memory_space<vmem>>, vector<1x16xf32>,
      %get3A_811 = vector.shape_cast %get3A_810 : vector<1x16xf32> to vector<16xf32>
      %get3A_812 = arith.index_cast %scan3A_686 : i32 to index
      %get3A_813 = arith.constant 64 : index
      %get3A_814 = tpu.vector_load %arg12[%get3A_812, %get3A_813] {strides = array<i32>} : memref<64x128xf32, #tpu.memory_space<vmem>>, vector<1x16xf32>,
      %get3A_815 = vector.shape_cast %get3A_814 : vector<1x16xf32> to vector<16xf32>
      %sub3A_816 = arith.subf %get3A_799, %get3A_803 : vector<16xf32>
      %mul3A_817 = arith.mulf %sub3A_816, %get3A_807 : vector<16xf32>
      %add3A_818 = arith.addf %get3A_799, %get3A_803 : vector<16xf32>
      %mul3A_819 = arith.mulf %add3A_818, %get3A_811 : vector<16xf32>
      %add3A_820 = arith.addf %mul3A_817, %mul3A_819 : vector<16xf32>
      %mul3A_821 = arith.mulf %get3A_815, %add3A_820 : vector<16xf32>
      %add3A_822 = arith.addf %add3A_768, %mul3A_821 : vector<16xf32>
      %get3A_823 = arith.index_cast %scan3A_686 : i32 to index
      %get3A_824 = arith.constant 80 : index
      %get3A_825 = tpu.vector_load %arg8[%get3A_823, %get3A_824] {strides = array<i32>} : memref<64x128xf32, #tpu.memory_space<vmem>>, vector<1x16xf32>,
      %get3A_826 = vector.shape_cast %get3A_825 : vector<1x16xf32> to vector<16xf32>
      %get3A_827 = arith.index_cast %scan3A_686 : i32 to index
      %get3A_828 = arith.constant 80 : index
      %get3A_829 = tpu.vector_load %arg9[%get3A_827, %get3A_828] {strides = array<i32>} : memref<64x128xf32, #tpu.memory_space<vmem>>, vector<1x16xf32>,
      %get3A_830 = vector.shape_cast %get3A_829 : vector<1x16xf32> to vector<16xf32>
      %get3A_831 = arith.index_cast %scan3A_686 : i32 to index
      %get3A_832 = arith.constant 80 : index
      %get3A_833 = tpu.vector_load %arg10[%get3A_831, %get3A_832] {strides = array<i32>} : memref<64x128xf32, #tpu.memory_space<vmem>>, vector<1x16xf32>,
      %get3A_834 = vector.shape_cast %get3A_833 : vector<1x16xf32> to vector<16xf32>
      %get3A_835 = arith.index_cast %scan3A_686 : i32 to index
      %get3A_836 = arith.constant 80 : index
      %get3A_837 = tpu.vector_load %arg11[%get3A_835, %get3A_836] {strides = array<i32>} : memref<64x128xf32, #tpu.memory_space<vmem>>, vector<1x16xf32>,
      %get3A_838 = vector.shape_cast %get3A_837 : vector<1x16xf32> to vector<16xf32>
      %get3A_839 = arith.index_cast %scan3A_686 : i32 to index
      %get3A_840 = arith.constant 80 : index
      %get3A_841 = tpu.vector_load %arg12[%get3A_839, %get3A_840] {strides = array<i32>} : memref<64x128xf32, #tpu.memory_space<vmem>>, vector<1x16xf32>,
      %get3A_842 = vector.shape_cast %get3A_841 : vector<1x16xf32> to vector<16xf32>
      %sub3A_843 = arith.subf %get3A_826, %get3A_830 : vector<16xf32>
      %mul3A_844 = arith.mulf %sub3A_843, %get3A_834 : vector<16xf32>
      %add3A_845 = arith.addf %get3A_826, %get3A_830 : vector<16xf32>
      %mul3A_846 = arith.mulf %add3A_845, %get3A_838 : vector<16xf32>
      %add3A_847 = arith.addf %mul3A_844, %mul3A_846 : vector<16xf32>
      %mul3A_848 = arith.mulf %get3A_842, %add3A_847 : vector<16xf32>
      %add3A_849 = arith.addf %add3A_795, %mul3A_848 : vector<16xf32>
      %get3A_850 = arith.index_cast %scan3A_686 : i32 to index
      %get3A_851 = arith.constant 96 : index
      %get3A_852 = tpu.vector_load %arg8[%get3A_850, %get3A_851] {strides = array<i32>} : memref<64x128xf32, #tpu.memory_space<vmem>>, vector<1x16xf32>,
      %get3A_853 = vector.shape_cast %get3A_852 : vector<1x16xf32> to vector<16xf32>
      %get3A_854 = arith.index_cast %scan3A_686 : i32 to index
      %get3A_855 = arith.constant 96 : index
      %get3A_856 = tpu.vector_load %arg9[%get3A_854, %get3A_855] {strides = array<i32>} : memref<64x128xf32, #tpu.memory_space<vmem>>, vector<1x16xf32>,
      %get3A_857 = vector.shape_cast %get3A_856 : vector<1x16xf32> to vector<16xf32>
      %get3A_858 = arith.index_cast %scan3A_686 : i32 to index
      %get3A_859 = arith.constant 96 : index
      %get3A_860 = tpu.vector_load %arg10[%get3A_858, %get3A_859] {strides = array<i32>} : memref<64x128xf32, #tpu.memory_space<vmem>>, vector<1x16xf32>,
      %get3A_861 = vector.shape_cast %get3A_860 : vector<1x16xf32> to vector<16xf32>
      %get3A_862 = arith.index_cast %scan3A_686 : i32 to index
      %get3A_863 = arith.constant 96 : index
      %get3A_864 = tpu.vector_load %arg11[%get3A_862, %get3A_863] {strides = array<i32>} : memref<64x128xf32, #tpu.memory_space<vmem>>, vector<1x16xf32>,
      %get3A_865 = vector.shape_cast %get3A_864 : vector<1x16xf32> to vector<16xf32>
      %get3A_866 = arith.index_cast %scan3A_686 : i32 to index
      %get3A_867 = arith.constant 96 : index
      %get3A_868 = tpu.vector_load %arg12[%get3A_866, %get3A_867] {strides = array<i32>} : memref<64x128xf32, #tpu.memory_space<vmem>>, vector<1x16xf32>,
      %get3A_869 = vector.shape_cast %get3A_868 : vector<1x16xf32> to vector<16xf32>
      %sub3A_870 = arith.subf %get3A_853, %get3A_857 : vector<16xf32>
      %mul3A_871 = arith.mulf %sub3A_870, %get3A_861 : vector<16xf32>
      %add3A_872 = arith.addf %get3A_853, %get3A_857 : vector<16xf32>
      %mul3A_873 = arith.mulf %add3A_872, %get3A_865 : vector<16xf32>
      %add3A_874 = arith.addf %mul3A_871, %mul3A_873 : vector<16xf32>
      %mul3A_875 = arith.mulf %get3A_869, %add3A_874 : vector<16xf32>
      %add3A_876 = arith.addf %add3A_822, %mul3A_875 : vector<16xf32>
      %get3A_877 = arith.index_cast %scan3A_686 : i32 to index
      %get3A_878 = arith.constant 112 : index
      %get3A_879 = tpu.vector_load %arg8[%get3A_877, %get3A_878] {strides = array<i32>} : memref<64x128xf32, #tpu.memory_space<vmem>>, vector<1x16xf32>,
      %get3A_880 = vector.shape_cast %get3A_879 : vector<1x16xf32> to vector<16xf32>
      %get3A_881 = arith.index_cast %scan3A_686 : i32 to index
      %get3A_882 = arith.constant 112 : index
      %get3A_883 = tpu.vector_load %arg9[%get3A_881, %get3A_882] {strides = array<i32>} : memref<64x128xf32, #tpu.memory_space<vmem>>, vector<1x16xf32>,
      %get3A_884 = vector.shape_cast %get3A_883 : vector<1x16xf32> to vector<16xf32>
      %get3A_885 = arith.index_cast %scan3A_686 : i32 to index
      %get3A_886 = arith.constant 112 : index
      %get3A_887 = tpu.vector_load %arg10[%get3A_885, %get3A_886] {strides = array<i32>} : memref<64x128xf32, #tpu.memory_space<vmem>>, vector<1x16xf32>,
      %get3A_888 = vector.shape_cast %get3A_887 : vector<1x16xf32> to vector<16xf32>
      %get3A_889 = arith.index_cast %scan3A_686 : i32 to index
      %get3A_890 = arith.constant 112 : index
      %get3A_891 = tpu.vector_load %arg11[%get3A_889, %get3A_890] {strides = array<i32>} : memref<64x128xf32, #tpu.memory_space<vmem>>, vector<1x16xf32>,
      %get3A_892 = vector.shape_cast %get3A_891 : vector<1x16xf32> to vector<16xf32>
      %get3A_893 = arith.index_cast %scan3A_686 : i32 to index
      %get3A_894 = arith.constant 112 : index
      %get3A_895 = tpu.vector_load %arg12[%get3A_893, %get3A_894] {strides = array<i32>} : memref<64x128xf32, #tpu.memory_space<vmem>>, vector<1x16xf32>,
      %get3A_896 = vector.shape_cast %get3A_895 : vector<1x16xf32> to vector<16xf32>
      %sub3A_897 = arith.subf %get3A_880, %get3A_884 : vector<16xf32>
      %mul3A_898 = arith.mulf %sub3A_897, %get3A_888 : vector<16xf32>
      %add3A_899 = arith.addf %get3A_880, %get3A_884 : vector<16xf32>
      %mul3A_900 = arith.mulf %add3A_899, %get3A_892 : vector<16xf32>
      %add3A_901 = arith.addf %mul3A_898, %mul3A_900 : vector<16xf32>
      %mul3A_902 = arith.mulf %get3A_896, %add3A_901 : vector<16xf32>
      %add3A_903 = arith.addf %add3A_849, %mul3A_902 : vector<16xf32>
      %add3A_904 = arith.addf %add3A_876, %add3A_903 : vector<16xf32>
      %add3A_905 = arith.constant 256 : i32
      %add3A_906 = arith.addi %add3A_905, %scan3A_686 : i32
      %swap3A = arith.index_cast %add3A_906 : i32 to index
      %swap3A_907 = arith.constant 0 : index
      %swap3A_908 = tpu.vector_load %arg18[%swap3A, %swap3A_907] {strides = array<i32>} : memref<512x16xf32, #tpu.memory_space<vmem>>, vector<1x16xf32>,
      %swap3A_909 = vector.shape_cast %swap3A_908 : vector<1x16xf32> to vector<16xf32>
      %swap3A_910 = vector.shape_cast %add3A_904 : vector<16xf32> to vector<1x16xf32>
      tpu.vector_store %arg18[%swap3A, %swap3A_907], %swap3A_910 {strides = array<i32>} : memref<512x16xf32, #tpu.memory_space<vmem>>, vector<1x16xf32>,
    }
    %scan3A_467 = arith.constant 64 : i32
    %dma_start3A_468 = arith.constant 0 : i32
    %dma_start3A_469 = arith.constant 6 : i32
    %dma_start3A_470 = arith.constant 0 : i32
    %dma_start3A_471 = tpu.memref_slice %arg7[%dma_start3A_468, %dma_start3A_469, %dma_start3A_470] : memref<3x8x64xi32, #tpu.memory_space<vmem>> -> memref<1x1x64xi32, #tpu.memory_space<vmem>>
    %dma_start3A_472 = tpu.memref_squeeze %dma_start3A_471 : memref<1x1x64xi32, #tpu.memory_space<vmem>> -> memref<64xi32, #tpu.memory_space<vmem>>
    %dma_start3A_473 = arith.constant 0 : i32
    %dma_start3A_474 = arith.constant 0 : i32
    %dma_start3A_475 = tpu.memref_slice %arg3[%dma_start3A_473, %dma_start3A_474] : memref<100001x128xf32, #tpu.memory_space<hbm>> -> memref<100001x128xf32, #tpu.memory_space<hbm>>
    tpu.enqueue_indirect_dma source(%dma_start3A_475 : memref<100001x128xf32, #tpu.memory_space<hbm>>) target(%arg8 : memref<64x128xf32, #tpu.memory_space<vmem>>) offsets(%dma_start3A_472 : memref<64xi32, #tpu.memory_space<vmem>>) semaphore(%arg19 : memref<!tpu.dma_semaphore, #tpu.memory_space<semaphore_mem>>)
    %dma_start3A_476 = arith.constant 0 : i32
    %dma_start3A_477 = arith.constant 6 : i32
    %dma_start3A_478 = arith.constant 0 : i32
    %dma_start3A_479 = tpu.memref_slice %arg7[%dma_start3A_476, %dma_start3A_477, %dma_start3A_478] : memref<3x8x64xi32, #tpu.memory_space<vmem>> -> memref<1x1x64xi32, #tpu.memory_space<vmem>>
    %dma_start3A_480 = tpu.memref_squeeze %dma_start3A_479 : memref<1x1x64xi32, #tpu.memory_space<vmem>> -> memref<64xi32, #tpu.memory_space<vmem>>
    %dma_start3A_481 = arith.constant 0 : i32
    %dma_start3A_482 = arith.constant 0 : i32
    %dma_start3A_483 = tpu.memref_slice %arg4[%dma_start3A_481, %dma_start3A_482] : memref<100001x128xf32, #tpu.memory_space<hbm>> -> memref<100001x128xf32, #tpu.memory_space<hbm>>
    tpu.enqueue_indirect_dma source(%dma_start3A_483 : memref<100001x128xf32, #tpu.memory_space<hbm>>) target(%arg9 : memref<64x128xf32, #tpu.memory_space<vmem>>) offsets(%dma_start3A_480 : memref<64xi32, #tpu.memory_space<vmem>>) semaphore(%arg19 : memref<!tpu.dma_semaphore, #tpu.memory_space<semaphore_mem>>)
    %dma_start3A_484 = arith.constant 2 : i32
    %dma_start3A_485 = arith.constant 6 : i32
    %dma_start3A_486 = arith.constant 0 : i32
    %dma_start3A_487 = tpu.memref_slice %arg7[%dma_start3A_484, %dma_start3A_485, %dma_start3A_486] : memref<3x8x64xi32, #tpu.memory_space<vmem>> -> memref<1x1x64xi32, #tpu.memory_space<vmem>>
    %dma_start3A_488 = tpu.memref_squeeze %dma_start3A_487 : memref<1x1x64xi32, #tpu.memory_space<vmem>> -> memref<64xi32, #tpu.memory_space<vmem>>
    %dma_start3A_489 = arith.constant 0 : i32
    %dma_start3A_490 = arith.constant 0 : i32
    %dma_start3A_491 = tpu.memref_slice %arg3[%dma_start3A_489, %dma_start3A_490] : memref<100001x128xf32, #tpu.memory_space<hbm>> -> memref<100001x128xf32, #tpu.memory_space<hbm>>
    tpu.enqueue_indirect_dma source(%dma_start3A_491 : memref<100001x128xf32, #tpu.memory_space<hbm>>) target(%arg10 : memref<64x128xf32, #tpu.memory_space<vmem>>) offsets(%dma_start3A_488 : memref<64xi32, #tpu.memory_space<vmem>>) semaphore(%arg19 : memref<!tpu.dma_semaphore, #tpu.memory_space<semaphore_mem>>)
    %dma_start3A_492 = arith.constant 2 : i32
    %dma_start3A_493 = arith.constant 6 : i32
    %dma_start3A_494 = arith.constant 0 : i32
    %dma_start3A_495 = tpu.memref_slice %arg7[%dma_start3A_492, %dma_start3A_493, %dma_start3A_494] : memref<3x8x64xi32, #tpu.memory_space<vmem>> -> memref<1x1x64xi32, #tpu.memory_space<vmem>>
    %dma_start3A_496 = tpu.memref_squeeze %dma_start3A_495 : memref<1x1x64xi32, #tpu.memory_space<vmem>> -> memref<64xi32, #tpu.memory_space<vmem>>
    %dma_start3A_497 = arith.constant 0 : i32
    %dma_start3A_498 = arith.constant 0 : i32
    %dma_start3A_499 = tpu.memref_slice %arg4[%dma_start3A_497, %dma_start3A_498] : memref<100001x128xf32, #tpu.memory_space<hbm>> -> memref<100001x128xf32, #tpu.memory_space<hbm>>
    tpu.enqueue_indirect_dma source(%dma_start3A_499 : memref<100001x128xf32, #tpu.memory_space<hbm>>) target(%arg11 : memref<64x128xf32, #tpu.memory_space<vmem>>) offsets(%dma_start3A_496 : memref<64xi32, #tpu.memory_space<vmem>>) semaphore(%arg19 : memref<!tpu.dma_semaphore, #tpu.memory_space<semaphore_mem>>)
    %dma_start3A_500 = arith.constant 1 : i32
    %dma_start3A_501 = arith.constant 6 : i32
    %dma_start3A_502 = arith.constant 0 : i32
    %dma_start3A_503 = tpu.memref_slice %arg7[%dma_start3A_500, %dma_start3A_501, %dma_start3A_502] : memref<3x8x64xi32, #tpu.memory_space<vmem>> -> memref<1x1x64xi32, #tpu.memory_space<vmem>>
    %dma_start3A_504 = tpu.memref_squeeze %dma_start3A_503 : memref<1x1x64xi32, #tpu.memory_space<vmem>> -> memref<64xi32, #tpu.memory_space<vmem>>
    %dma_start3A_505 = arith.constant 0 : i32
    %dma_start3A_506 = arith.constant 0 : i32
    %dma_start3A_507 = tpu.memref_slice %arg5[%dma_start3A_505, %dma_start3A_506] : memref<1001x128xf32, #tpu.memory_space<hbm>> -> memref<1001x128xf32, #tpu.memory_space<hbm>>
    tpu.enqueue_indirect_dma source(%dma_start3A_507 : memref<1001x128xf32, #tpu.memory_space<hbm>>) target(%arg12 : memref<64x128xf32, #tpu.memory_space<vmem>>) offsets(%dma_start3A_504 : memref<64xi32, #tpu.memory_space<vmem>>) semaphore(%arg19 : memref<!tpu.dma_semaphore, #tpu.memory_space<semaphore_mem>>)
    %dma_wait3A_508 = arith.constant 0 : i32
    %dma_wait3A_509 = arith.constant 5 : i32
    %dma_wait3A_510 = arith.constant 0 : i32
    %dma_wait3A_511 = tpu.memref_slice %arg7[%dma_wait3A_508, %dma_wait3A_509, %dma_wait3A_510] : memref<3x8x64xi32, #tpu.memory_space<vmem>> -> memref<1x1x64xi32, #tpu.memory_space<vmem>>
    %dma_wait3A_512 = tpu.memref_squeeze %dma_wait3A_511 : memref<1x1x64xi32, #tpu.memory_space<vmem>> -> memref<64xi32, #tpu.memory_space<vmem>>
    %dma_wait3A_513 = arith.constant 0 : i32
    %dma_wait3A_514 = arith.constant 0 : i32
    %dma_wait3A_515 = tpu.memref_slice %arg3[%dma_wait3A_513, %dma_wait3A_514] : memref<100001x128xf32, #tpu.memory_space<hbm>> -> memref<100001x128xf32, #tpu.memory_space<hbm>>
    tpu.wait_indirect_dma semaphore(%arg20 : memref<!tpu.dma_semaphore, #tpu.memory_space<semaphore_mem>>) src(%dma_wait3A_515 : memref<100001x128xf32, #tpu.memory_space<hbm>>) dst(%arg13 : memref<64x128xf32, #tpu.memory_space<vmem>>)
    %dma_wait3A_516 = arith.constant 0 : i32
    %dma_wait3A_517 = arith.constant 5 : i32
    %dma_wait3A_518 = arith.constant 0 : i32
    %dma_wait3A_519 = tpu.memref_slice %arg7[%dma_wait3A_516, %dma_wait3A_517, %dma_wait3A_518] : memref<3x8x64xi32, #tpu.memory_space<vmem>> -> memref<1x1x64xi32, #tpu.memory_space<vmem>>
    %dma_wait3A_520 = tpu.memref_squeeze %dma_wait3A_519 : memref<1x1x64xi32, #tpu.memory_space<vmem>> -> memref<64xi32, #tpu.memory_space<vmem>>
    %dma_wait3A_521 = arith.constant 0 : i32
    %dma_wait3A_522 = arith.constant 0 : i32
    %dma_wait3A_523 = tpu.memref_slice %arg4[%dma_wait3A_521, %dma_wait3A_522] : memref<100001x128xf32, #tpu.memory_space<hbm>> -> memref<100001x128xf32, #tpu.memory_space<hbm>>
    tpu.wait_indirect_dma semaphore(%arg20 : memref<!tpu.dma_semaphore, #tpu.memory_space<semaphore_mem>>) src(%dma_wait3A_523 : memref<100001x128xf32, #tpu.memory_space<hbm>>) dst(%arg14 : memref<64x128xf32, #tpu.memory_space<vmem>>)
    %dma_wait3A_524 = arith.constant 2 : i32
    %dma_wait3A_525 = arith.constant 5 : i32
    %dma_wait3A_526 = arith.constant 0 : i32
    %dma_wait3A_527 = tpu.memref_slice %arg7[%dma_wait3A_524, %dma_wait3A_525, %dma_wait3A_526] : memref<3x8x64xi32, #tpu.memory_space<vmem>> -> memref<1x1x64xi32, #tpu.memory_space<vmem>>
    %dma_wait3A_528 = tpu.memref_squeeze %dma_wait3A_527 : memref<1x1x64xi32, #tpu.memory_space<vmem>> -> memref<64xi32, #tpu.memory_space<vmem>>
    %dma_wait3A_529 = arith.constant 0 : i32
    %dma_wait3A_530 = arith.constant 0 : i32
    %dma_wait3A_531 = tpu.memref_slice %arg3[%dma_wait3A_529, %dma_wait3A_530] : memref<100001x128xf32, #tpu.memory_space<hbm>> -> memref<100001x128xf32, #tpu.memory_space<hbm>>
    tpu.wait_indirect_dma semaphore(%arg20 : memref<!tpu.dma_semaphore, #tpu.memory_space<semaphore_mem>>) src(%dma_wait3A_531 : memref<100001x128xf32, #tpu.memory_space<hbm>>) dst(%arg15 : memref<64x128xf32, #tpu.memory_space<vmem>>)
    %dma_wait3A_532 = arith.constant 2 : i32
    %dma_wait3A_533 = arith.constant 5 : i32
    %dma_wait3A_534 = arith.constant 0 : i32
    %dma_wait3A_535 = tpu.memref_slice %arg7[%dma_wait3A_532, %dma_wait3A_533, %dma_wait3A_534] : memref<3x8x64xi32, #tpu.memory_space<vmem>> -> memref<1x1x64xi32, #tpu.memory_space<vmem>>
    %dma_wait3A_536 = tpu.memref_squeeze %dma_wait3A_535 : memref<1x1x64xi32, #tpu.memory_space<vmem>> -> memref<64xi32, #tpu.memory_space<vmem>>
    %dma_wait3A_537 = arith.constant 0 : i32
    %dma_wait3A_538 = arith.constant 0 : i32
    %dma_wait3A_539 = tpu.memref_slice %arg4[%dma_wait3A_537, %dma_wait3A_538] : memref<100001x128xf32, #tpu.memory_space<hbm>> -> memref<100001x128xf32, #tpu.memory_space<hbm>>
    tpu.wait_indirect_dma semaphore(%arg20 : memref<!tpu.dma_semaphore, #tpu.memory_space<semaphore_mem>>) src(%dma_wait3A_539 : memref<100001x128xf32, #tpu.memory_space<hbm>>) dst(%arg16 : memref<64x128xf32, #tpu.memory_space<vmem>>)
    %dma_wait3A_540 = arith.constant 1 : i32
    %dma_wait3A_541 = arith.constant 5 : i32
    %dma_wait3A_542 = arith.constant 0 : i32
    %dma_wait3A_543 = tpu.memref_slice %arg7[%dma_wait3A_540, %dma_wait3A_541, %dma_wait3A_542] : memref<3x8x64xi32, #tpu.memory_space<vmem>> -> memref<1x1x64xi32, #tpu.memory_space<vmem>>
    %dma_wait3A_544 = tpu.memref_squeeze %dma_wait3A_543 : memref<1x1x64xi32, #tpu.memory_space<vmem>> -> memref<64xi32, #tpu.memory_space<vmem>>
    %dma_wait3A_545 = arith.constant 0 : i32
    %dma_wait3A_546 = arith.constant 0 : i32
    %dma_wait3A_547 = tpu.memref_slice %arg5[%dma_wait3A_545, %dma_wait3A_546] : memref<1001x128xf32, #tpu.memory_space<hbm>> -> memref<1001x128xf32, #tpu.memory_space<hbm>>
    tpu.wait_indirect_dma semaphore(%arg20 : memref<!tpu.dma_semaphore, #tpu.memory_space<semaphore_mem>>) src(%dma_wait3A_547 : memref<1001x128xf32, #tpu.memory_space<hbm>>) dst(%arg17 : memref<64x128xf32, #tpu.memory_space<vmem>>)
    %scan3A_548 = arith.constant 0 : i32
    %scan3A_549 = arith.constant 0 : i32
    %scan3A_550 = arith.constant 64 : i32
    %scan3A_551 = arith.addi %scan3A_549, %scan3A_550 : i32
    %scan3A_552 = arith.constant 1 : i32
    scf.for %scan3A_686 = %scan3A_549 to %scan3A_551 step %scan3A_552  : i32 {
      %broadcast_in_dim3A = arith.constant 0.000000e+00 : f32
      %broadcast_in_dim3A_687 = vector.broadcast %broadcast_in_dim3A : f32 to vector<16xf32>
      %broadcast_in_dim3A_688 = arith.constant 0.000000e+00 : f32
      %broadcast_in_dim3A_689 = vector.broadcast %broadcast_in_dim3A_688 : f32 to vector<16xf32>
      %get3A = arith.index_cast %scan3A_686 : i32 to index
      %get3A_690 = arith.constant 0 : index
      %get3A_691 = tpu.vector_load %arg13[%get3A, %get3A_690] {strides = array<i32>} : memref<64x128xf32, #tpu.memory_space<vmem>>, vector<1x16xf32>,
      %get3A_692 = vector.shape_cast %get3A_691 : vector<1x16xf32> to vector<16xf32>
      %get3A_693 = arith.index_cast %scan3A_686 : i32 to index
      %get3A_694 = arith.constant 0 : index
      %get3A_695 = tpu.vector_load %arg14[%get3A_693, %get3A_694] {strides = array<i32>} : memref<64x128xf32, #tpu.memory_space<vmem>>, vector<1x16xf32>,
      %get3A_696 = vector.shape_cast %get3A_695 : vector<1x16xf32> to vector<16xf32>
      %get3A_697 = arith.index_cast %scan3A_686 : i32 to index
      %get3A_698 = arith.constant 0 : index
      %get3A_699 = tpu.vector_load %arg15[%get3A_697, %get3A_698] {strides = array<i32>} : memref<64x128xf32, #tpu.memory_space<vmem>>, vector<1x16xf32>,
      %get3A_700 = vector.shape_cast %get3A_699 : vector<1x16xf32> to vector<16xf32>
      %get3A_701 = arith.index_cast %scan3A_686 : i32 to index
      %get3A_702 = arith.constant 0 : index
      %get3A_703 = tpu.vector_load %arg16[%get3A_701, %get3A_702] {strides = array<i32>} : memref<64x128xf32, #tpu.memory_space<vmem>>, vector<1x16xf32>,
      %get3A_704 = vector.shape_cast %get3A_703 : vector<1x16xf32> to vector<16xf32>
      %get3A_705 = arith.index_cast %scan3A_686 : i32 to index
      %get3A_706 = arith.constant 0 : index
      %get3A_707 = tpu.vector_load %arg17[%get3A_705, %get3A_706] {strides = array<i32>} : memref<64x128xf32, #tpu.memory_space<vmem>>, vector<1x16xf32>,
      %get3A_708 = vector.shape_cast %get3A_707 : vector<1x16xf32> to vector<16xf32>
      %sub3A = arith.subf %get3A_692, %get3A_696 : vector<16xf32>
      %mul3A_709 = arith.mulf %sub3A, %get3A_700 : vector<16xf32>
      %add3A_710 = arith.addf %get3A_692, %get3A_696 : vector<16xf32>
      %mul3A_711 = arith.mulf %add3A_710, %get3A_704 : vector<16xf32>
      %add3A_712 = arith.addf %mul3A_709, %mul3A_711 : vector<16xf32>
      %mul3A_713 = arith.mulf %get3A_708, %add3A_712 : vector<16xf32>
      %add3A_714 = arith.addf %broadcast_in_dim3A_687, %mul3A_713 : vector<16xf32>
      %get3A_715 = arith.index_cast %scan3A_686 : i32 to index
      %get3A_716 = arith.constant 16 : index
      %get3A_717 = tpu.vector_load %arg13[%get3A_715, %get3A_716] {strides = array<i32>} : memref<64x128xf32, #tpu.memory_space<vmem>>, vector<1x16xf32>,
      %get3A_718 = vector.shape_cast %get3A_717 : vector<1x16xf32> to vector<16xf32>
      %get3A_719 = arith.index_cast %scan3A_686 : i32 to index
      %get3A_720 = arith.constant 16 : index
      %get3A_721 = tpu.vector_load %arg14[%get3A_719, %get3A_720] {strides = array<i32>} : memref<64x128xf32, #tpu.memory_space<vmem>>, vector<1x16xf32>,
      %get3A_722 = vector.shape_cast %get3A_721 : vector<1x16xf32> to vector<16xf32>
      %get3A_723 = arith.index_cast %scan3A_686 : i32 to index
      %get3A_724 = arith.constant 16 : index
      %get3A_725 = tpu.vector_load %arg15[%get3A_723, %get3A_724] {strides = array<i32>} : memref<64x128xf32, #tpu.memory_space<vmem>>, vector<1x16xf32>,
      %get3A_726 = vector.shape_cast %get3A_725 : vector<1x16xf32> to vector<16xf32>
      %get3A_727 = arith.index_cast %scan3A_686 : i32 to index
      %get3A_728 = arith.constant 16 : index
      %get3A_729 = tpu.vector_load %arg16[%get3A_727, %get3A_728] {strides = array<i32>} : memref<64x128xf32, #tpu.memory_space<vmem>>, vector<1x16xf32>,
      %get3A_730 = vector.shape_cast %get3A_729 : vector<1x16xf32> to vector<16xf32>
      %get3A_731 = arith.index_cast %scan3A_686 : i32 to index
      %get3A_732 = arith.constant 16 : index
      %get3A_733 = tpu.vector_load %arg17[%get3A_731, %get3A_732] {strides = array<i32>} : memref<64x128xf32, #tpu.memory_space<vmem>>, vector<1x16xf32>,
      %get3A_734 = vector.shape_cast %get3A_733 : vector<1x16xf32> to vector<16xf32>
      %sub3A_735 = arith.subf %get3A_718, %get3A_722 : vector<16xf32>
      %mul3A_736 = arith.mulf %sub3A_735, %get3A_726 : vector<16xf32>
      %add3A_737 = arith.addf %get3A_718, %get3A_722 : vector<16xf32>
      %mul3A_738 = arith.mulf %add3A_737, %get3A_730 : vector<16xf32>
      %add3A_739 = arith.addf %mul3A_736, %mul3A_738 : vector<16xf32>
      %mul3A_740 = arith.mulf %get3A_734, %add3A_739 : vector<16xf32>
      %add3A_741 = arith.addf %broadcast_in_dim3A_689, %mul3A_740 : vector<16xf32>
      %get3A_742 = arith.index_cast %scan3A_686 : i32 to index
      %get3A_743 = arith.constant 32 : index
      %get3A_744 = tpu.vector_load %arg13[%get3A_742, %get3A_743] {strides = array<i32>} : memref<64x128xf32, #tpu.memory_space<vmem>>, vector<1x16xf32>,
      %get3A_745 = vector.shape_cast %get3A_744 : vector<1x16xf32> to vector<16xf32>
      %get3A_746 = arith.index_cast %scan3A_686 : i32 to index
      %get3A_747 = arith.constant 32 : index
      %get3A_748 = tpu.vector_load %arg14[%get3A_746, %get3A_747] {strides = array<i32>} : memref<64x128xf32, #tpu.memory_space<vmem>>, vector<1x16xf32>,
      %get3A_749 = vector.shape_cast %get3A_748 : vector<1x16xf32> to vector<16xf32>
      %get3A_750 = arith.index_cast %scan3A_686 : i32 to index
      %get3A_751 = arith.constant 32 : index
      %get3A_752 = tpu.vector_load %arg15[%get3A_750, %get3A_751] {strides = array<i32>} : memref<64x128xf32, #tpu.memory_space<vmem>>, vector<1x16xf32>,
      %get3A_753 = vector.shape_cast %get3A_752 : vector<1x16xf32> to vector<16xf32>
      %get3A_754 = arith.index_cast %scan3A_686 : i32 to index
      %get3A_755 = arith.constant 32 : index
      %get3A_756 = tpu.vector_load %arg16[%get3A_754, %get3A_755] {strides = array<i32>} : memref<64x128xf32, #tpu.memory_space<vmem>>, vector<1x16xf32>,
      %get3A_757 = vector.shape_cast %get3A_756 : vector<1x16xf32> to vector<16xf32>
      %get3A_758 = arith.index_cast %scan3A_686 : i32 to index
      %get3A_759 = arith.constant 32 : index
      %get3A_760 = tpu.vector_load %arg17[%get3A_758, %get3A_759] {strides = array<i32>} : memref<64x128xf32, #tpu.memory_space<vmem>>, vector<1x16xf32>,
      %get3A_761 = vector.shape_cast %get3A_760 : vector<1x16xf32> to vector<16xf32>
      %sub3A_762 = arith.subf %get3A_745, %get3A_749 : vector<16xf32>
      %mul3A_763 = arith.mulf %sub3A_762, %get3A_753 : vector<16xf32>
      %add3A_764 = arith.addf %get3A_745, %get3A_749 : vector<16xf32>
      %mul3A_765 = arith.mulf %add3A_764, %get3A_757 : vector<16xf32>
      %add3A_766 = arith.addf %mul3A_763, %mul3A_765 : vector<16xf32>
      %mul3A_767 = arith.mulf %get3A_761, %add3A_766 : vector<16xf32>
      %add3A_768 = arith.addf %add3A_714, %mul3A_767 : vector<16xf32>
      %get3A_769 = arith.index_cast %scan3A_686 : i32 to index
      %get3A_770 = arith.constant 48 : index
      %get3A_771 = tpu.vector_load %arg13[%get3A_769, %get3A_770] {strides = array<i32>} : memref<64x128xf32, #tpu.memory_space<vmem>>, vector<1x16xf32>,
      %get3A_772 = vector.shape_cast %get3A_771 : vector<1x16xf32> to vector<16xf32>
      %get3A_773 = arith.index_cast %scan3A_686 : i32 to index
      %get3A_774 = arith.constant 48 : index
      %get3A_775 = tpu.vector_load %arg14[%get3A_773, %get3A_774] {strides = array<i32>} : memref<64x128xf32, #tpu.memory_space<vmem>>, vector<1x16xf32>,
      %get3A_776 = vector.shape_cast %get3A_775 : vector<1x16xf32> to vector<16xf32>
      %get3A_777 = arith.index_cast %scan3A_686 : i32 to index
      %get3A_778 = arith.constant 48 : index
      %get3A_779 = tpu.vector_load %arg15[%get3A_777, %get3A_778] {strides = array<i32>} : memref<64x128xf32, #tpu.memory_space<vmem>>, vector<1x16xf32>,
      %get3A_780 = vector.shape_cast %get3A_779 : vector<1x16xf32> to vector<16xf32>
      %get3A_781 = arith.index_cast %scan3A_686 : i32 to index
      %get3A_782 = arith.constant 48 : index
      %get3A_783 = tpu.vector_load %arg16[%get3A_781, %get3A_782] {strides = array<i32>} : memref<64x128xf32, #tpu.memory_space<vmem>>, vector<1x16xf32>,
      %get3A_784 = vector.shape_cast %get3A_783 : vector<1x16xf32> to vector<16xf32>
      %get3A_785 = arith.index_cast %scan3A_686 : i32 to index
      %get3A_786 = arith.constant 48 : index
      %get3A_787 = tpu.vector_load %arg17[%get3A_785, %get3A_786] {strides = array<i32>} : memref<64x128xf32, #tpu.memory_space<vmem>>, vector<1x16xf32>,
      %get3A_788 = vector.shape_cast %get3A_787 : vector<1x16xf32> to vector<16xf32>
      %sub3A_789 = arith.subf %get3A_772, %get3A_776 : vector<16xf32>
      %mul3A_790 = arith.mulf %sub3A_789, %get3A_780 : vector<16xf32>
      %add3A_791 = arith.addf %get3A_772, %get3A_776 : vector<16xf32>
      %mul3A_792 = arith.mulf %add3A_791, %get3A_784 : vector<16xf32>
      %add3A_793 = arith.addf %mul3A_790, %mul3A_792 : vector<16xf32>
      %mul3A_794 = arith.mulf %get3A_788, %add3A_793 : vector<16xf32>
      %add3A_795 = arith.addf %add3A_741, %mul3A_794 : vector<16xf32>
      %get3A_796 = arith.index_cast %scan3A_686 : i32 to index
      %get3A_797 = arith.constant 64 : index
      %get3A_798 = tpu.vector_load %arg13[%get3A_796, %get3A_797] {strides = array<i32>} : memref<64x128xf32, #tpu.memory_space<vmem>>, vector<1x16xf32>,
      %get3A_799 = vector.shape_cast %get3A_798 : vector<1x16xf32> to vector<16xf32>
      %get3A_800 = arith.index_cast %scan3A_686 : i32 to index
      %get3A_801 = arith.constant 64 : index
      %get3A_802 = tpu.vector_load %arg14[%get3A_800, %get3A_801] {strides = array<i32>} : memref<64x128xf32, #tpu.memory_space<vmem>>, vector<1x16xf32>,
      %get3A_803 = vector.shape_cast %get3A_802 : vector<1x16xf32> to vector<16xf32>
      %get3A_804 = arith.index_cast %scan3A_686 : i32 to index
      %get3A_805 = arith.constant 64 : index
      %get3A_806 = tpu.vector_load %arg15[%get3A_804, %get3A_805] {strides = array<i32>} : memref<64x128xf32, #tpu.memory_space<vmem>>, vector<1x16xf32>,
      %get3A_807 = vector.shape_cast %get3A_806 : vector<1x16xf32> to vector<16xf32>
      %get3A_808 = arith.index_cast %scan3A_686 : i32 to index
      %get3A_809 = arith.constant 64 : index
      %get3A_810 = tpu.vector_load %arg16[%get3A_808, %get3A_809] {strides = array<i32>} : memref<64x128xf32, #tpu.memory_space<vmem>>, vector<1x16xf32>,
      %get3A_811 = vector.shape_cast %get3A_810 : vector<1x16xf32> to vector<16xf32>
      %get3A_812 = arith.index_cast %scan3A_686 : i32 to index
      %get3A_813 = arith.constant 64 : index
      %get3A_814 = tpu.vector_load %arg17[%get3A_812, %get3A_813] {strides = array<i32>} : memref<64x128xf32, #tpu.memory_space<vmem>>, vector<1x16xf32>,
      %get3A_815 = vector.shape_cast %get3A_814 : vector<1x16xf32> to vector<16xf32>
      %sub3A_816 = arith.subf %get3A_799, %get3A_803 : vector<16xf32>
      %mul3A_817 = arith.mulf %sub3A_816, %get3A_807 : vector<16xf32>
      %add3A_818 = arith.addf %get3A_799, %get3A_803 : vector<16xf32>
      %mul3A_819 = arith.mulf %add3A_818, %get3A_811 : vector<16xf32>
      %add3A_820 = arith.addf %mul3A_817, %mul3A_819 : vector<16xf32>
      %mul3A_821 = arith.mulf %get3A_815, %add3A_820 : vector<16xf32>
      %add3A_822 = arith.addf %add3A_768, %mul3A_821 : vector<16xf32>
      %get3A_823 = arith.index_cast %scan3A_686 : i32 to index
      %get3A_824 = arith.constant 80 : index
      %get3A_825 = tpu.vector_load %arg13[%get3A_823, %get3A_824] {strides = array<i32>} : memref<64x128xf32, #tpu.memory_space<vmem>>, vector<1x16xf32>,
      %get3A_826 = vector.shape_cast %get3A_825 : vector<1x16xf32> to vector<16xf32>
      %get3A_827 = arith.index_cast %scan3A_686 : i32 to index
      %get3A_828 = arith.constant 80 : index
      %get3A_829 = tpu.vector_load %arg14[%get3A_827, %get3A_828] {strides = array<i32>} : memref<64x128xf32, #tpu.memory_space<vmem>>, vector<1x16xf32>,
      %get3A_830 = vector.shape_cast %get3A_829 : vector<1x16xf32> to vector<16xf32>
      %get3A_831 = arith.index_cast %scan3A_686 : i32 to index
      %get3A_832 = arith.constant 80 : index
      %get3A_833 = tpu.vector_load %arg15[%get3A_831, %get3A_832] {strides = array<i32>} : memref<64x128xf32, #tpu.memory_space<vmem>>, vector<1x16xf32>,
      %get3A_834 = vector.shape_cast %get3A_833 : vector<1x16xf32> to vector<16xf32>
      %get3A_835 = arith.index_cast %scan3A_686 : i32 to index
      %get3A_836 = arith.constant 80 : index
      %get3A_837 = tpu.vector_load %arg16[%get3A_835, %get3A_836] {strides = array<i32>} : memref<64x128xf32, #tpu.memory_space<vmem>>, vector<1x16xf32>,
      %get3A_838 = vector.shape_cast %get3A_837 : vector<1x16xf32> to vector<16xf32>
      %get3A_839 = arith.index_cast %scan3A_686 : i32 to index
      %get3A_840 = arith.constant 80 : index
      %get3A_841 = tpu.vector_load %arg17[%get3A_839, %get3A_840] {strides = array<i32>} : memref<64x128xf32, #tpu.memory_space<vmem>>, vector<1x16xf32>,
      %get3A_842 = vector.shape_cast %get3A_841 : vector<1x16xf32> to vector<16xf32>
      %sub3A_843 = arith.subf %get3A_826, %get3A_830 : vector<16xf32>
      %mul3A_844 = arith.mulf %sub3A_843, %get3A_834 : vector<16xf32>
      %add3A_845 = arith.addf %get3A_826, %get3A_830 : vector<16xf32>
      %mul3A_846 = arith.mulf %add3A_845, %get3A_838 : vector<16xf32>
      %add3A_847 = arith.addf %mul3A_844, %mul3A_846 : vector<16xf32>
      %mul3A_848 = arith.mulf %get3A_842, %add3A_847 : vector<16xf32>
      %add3A_849 = arith.addf %add3A_795, %mul3A_848 : vector<16xf32>
      %get3A_850 = arith.index_cast %scan3A_686 : i32 to index
      %get3A_851 = arith.constant 96 : index
      %get3A_852 = tpu.vector_load %arg13[%get3A_850, %get3A_851] {strides = array<i32>} : memref<64x128xf32, #tpu.memory_space<vmem>>, vector<1x16xf32>,
      %get3A_853 = vector.shape_cast %get3A_852 : vector<1x16xf32> to vector<16xf32>
      %get3A_854 = arith.index_cast %scan3A_686 : i32 to index
      %get3A_855 = arith.constant 96 : index
      %get3A_856 = tpu.vector_load %arg14[%get3A_854, %get3A_855] {strides = array<i32>} : memref<64x128xf32, #tpu.memory_space<vmem>>, vector<1x16xf32>,
      %get3A_857 = vector.shape_cast %get3A_856 : vector<1x16xf32> to vector<16xf32>
      %get3A_858 = arith.index_cast %scan3A_686 : i32 to index
      %get3A_859 = arith.constant 96 : index
      %get3A_860 = tpu.vector_load %arg15[%get3A_858, %get3A_859] {strides = array<i32>} : memref<64x128xf32, #tpu.memory_space<vmem>>, vector<1x16xf32>,
      %get3A_861 = vector.shape_cast %get3A_860 : vector<1x16xf32> to vector<16xf32>
      %get3A_862 = arith.index_cast %scan3A_686 : i32 to index
      %get3A_863 = arith.constant 96 : index
      %get3A_864 = tpu.vector_load %arg16[%get3A_862, %get3A_863] {strides = array<i32>} : memref<64x128xf32, #tpu.memory_space<vmem>>, vector<1x16xf32>,
      %get3A_865 = vector.shape_cast %get3A_864 : vector<1x16xf32> to vector<16xf32>
      %get3A_866 = arith.index_cast %scan3A_686 : i32 to index
      %get3A_867 = arith.constant 96 : index
      %get3A_868 = tpu.vector_load %arg17[%get3A_866, %get3A_867] {strides = array<i32>} : memref<64x128xf32, #tpu.memory_space<vmem>>, vector<1x16xf32>,
      %get3A_869 = vector.shape_cast %get3A_868 : vector<1x16xf32> to vector<16xf32>
      %sub3A_870 = arith.subf %get3A_853, %get3A_857 : vector<16xf32>
      %mul3A_871 = arith.mulf %sub3A_870, %get3A_861 : vector<16xf32>
      %add3A_872 = arith.addf %get3A_853, %get3A_857 : vector<16xf32>
      %mul3A_873 = arith.mulf %add3A_872, %get3A_865 : vector<16xf32>
      %add3A_874 = arith.addf %mul3A_871, %mul3A_873 : vector<16xf32>
      %mul3A_875 = arith.mulf %get3A_869, %add3A_874 : vector<16xf32>
      %add3A_876 = arith.addf %add3A_822, %mul3A_875 : vector<16xf32>
      %get3A_877 = arith.index_cast %scan3A_686 : i32 to index
      %get3A_878 = arith.constant 112 : index
      %get3A_879 = tpu.vector_load %arg13[%get3A_877, %get3A_878] {strides = array<i32>} : memref<64x128xf32, #tpu.memory_space<vmem>>, vector<1x16xf32>,
      %get3A_880 = vector.shape_cast %get3A_879 : vector<1x16xf32> to vector<16xf32>
      %get3A_881 = arith.index_cast %scan3A_686 : i32 to index
      %get3A_882 = arith.constant 112 : index
      %get3A_883 = tpu.vector_load %arg14[%get3A_881, %get3A_882] {strides = array<i32>} : memref<64x128xf32, #tpu.memory_space<vmem>>, vector<1x16xf32>,
      %get3A_884 = vector.shape_cast %get3A_883 : vector<1x16xf32> to vector<16xf32>
      %get3A_885 = arith.index_cast %scan3A_686 : i32 to index
      %get3A_886 = arith.constant 112 : index
      %get3A_887 = tpu.vector_load %arg15[%get3A_885, %get3A_886] {strides = array<i32>} : memref<64x128xf32, #tpu.memory_space<vmem>>, vector<1x16xf32>,
      %get3A_888 = vector.shape_cast %get3A_887 : vector<1x16xf32> to vector<16xf32>
      %get3A_889 = arith.index_cast %scan3A_686 : i32 to index
      %get3A_890 = arith.constant 112 : index
      %get3A_891 = tpu.vector_load %arg16[%get3A_889, %get3A_890] {strides = array<i32>} : memref<64x128xf32, #tpu.memory_space<vmem>>, vector<1x16xf32>,
      %get3A_892 = vector.shape_cast %get3A_891 : vector<1x16xf32> to vector<16xf32>
      %get3A_893 = arith.index_cast %scan3A_686 : i32 to index
      %get3A_894 = arith.constant 112 : index
      %get3A_895 = tpu.vector_load %arg17[%get3A_893, %get3A_894] {strides = array<i32>} : memref<64x128xf32, #tpu.memory_space<vmem>>, vector<1x16xf32>,
      %get3A_896 = vector.shape_cast %get3A_895 : vector<1x16xf32> to vector<16xf32>
      %sub3A_897 = arith.subf %get3A_880, %get3A_884 : vector<16xf32>
      %mul3A_898 = arith.mulf %sub3A_897, %get3A_888 : vector<16xf32>
      %add3A_899 = arith.addf %get3A_880, %get3A_884 : vector<16xf32>
      %mul3A_900 = arith.mulf %add3A_899, %get3A_892 : vector<16xf32>
      %add3A_901 = arith.addf %mul3A_898, %mul3A_900 : vector<16xf32>
      %mul3A_902 = arith.mulf %get3A_896, %add3A_901 : vector<16xf32>
      %add3A_903 = arith.addf %add3A_849, %mul3A_902 : vector<16xf32>
      %add3A_904 = arith.addf %add3A_876, %add3A_903 : vector<16xf32>
      %add3A_905 = arith.constant 320 : i32
      %add3A_906 = arith.addi %add3A_905, %scan3A_686 : i32
      %swap3A = arith.index_cast %add3A_906 : i32 to index
      %swap3A_907 = arith.constant 0 : index
      %swap3A_908 = tpu.vector_load %arg18[%swap3A, %swap3A_907] {strides = array<i32>} : memref<512x16xf32, #tpu.memory_space<vmem>>, vector<1x16xf32>,
      %swap3A_909 = vector.shape_cast %swap3A_908 : vector<1x16xf32> to vector<16xf32>
      %swap3A_910 = vector.shape_cast %add3A_904 : vector<16xf32> to vector<1x16xf32>
      tpu.vector_store %arg18[%swap3A, %swap3A_907], %swap3A_910 {strides = array<i32>} : memref<512x16xf32, #tpu.memory_space<vmem>>, vector<1x16xf32>,
    }
    %scan3A_553 = arith.constant 64 : i32
    %dma_start3A_554 = arith.constant 0 : i32
    %dma_start3A_555 = arith.constant 7 : i32
    %dma_start3A_556 = arith.constant 0 : i32
    %dma_start3A_557 = tpu.memref_slice %arg7[%dma_start3A_554, %dma_start3A_555, %dma_start3A_556] : memref<3x8x64xi32, #tpu.memory_space<vmem>> -> memref<1x1x64xi32, #tpu.memory_space<vmem>>
    %dma_start3A_558 = tpu.memref_squeeze %dma_start3A_557 : memref<1x1x64xi32, #tpu.memory_space<vmem>> -> memref<64xi32, #tpu.memory_space<vmem>>
    %dma_start3A_559 = arith.constant 0 : i32
    %dma_start3A_560 = arith.constant 0 : i32
    %dma_start3A_561 = tpu.memref_slice %arg3[%dma_start3A_559, %dma_start3A_560] : memref<100001x128xf32, #tpu.memory_space<hbm>> -> memref<100001x128xf32, #tpu.memory_space<hbm>>
    tpu.enqueue_indirect_dma source(%dma_start3A_561 : memref<100001x128xf32, #tpu.memory_space<hbm>>) target(%arg13 : memref<64x128xf32, #tpu.memory_space<vmem>>) offsets(%dma_start3A_558 : memref<64xi32, #tpu.memory_space<vmem>>) semaphore(%arg20 : memref<!tpu.dma_semaphore, #tpu.memory_space<semaphore_mem>>)
    %dma_start3A_562 = arith.constant 0 : i32
    %dma_start3A_563 = arith.constant 7 : i32
    %dma_start3A_564 = arith.constant 0 : i32
    %dma_start3A_565 = tpu.memref_slice %arg7[%dma_start3A_562, %dma_start3A_563, %dma_start3A_564] : memref<3x8x64xi32, #tpu.memory_space<vmem>> -> memref<1x1x64xi32, #tpu.memory_space<vmem>>
    %dma_start3A_566 = tpu.memref_squeeze %dma_start3A_565 : memref<1x1x64xi32, #tpu.memory_space<vmem>> -> memref<64xi32, #tpu.memory_space<vmem>>
    %dma_start3A_567 = arith.constant 0 : i32
    %dma_start3A_568 = arith.constant 0 : i32
    %dma_start3A_569 = tpu.memref_slice %arg4[%dma_start3A_567, %dma_start3A_568] : memref<100001x128xf32, #tpu.memory_space<hbm>> -> memref<100001x128xf32, #tpu.memory_space<hbm>>
    tpu.enqueue_indirect_dma source(%dma_start3A_569 : memref<100001x128xf32, #tpu.memory_space<hbm>>) target(%arg14 : memref<64x128xf32, #tpu.memory_space<vmem>>) offsets(%dma_start3A_566 : memref<64xi32, #tpu.memory_space<vmem>>) semaphore(%arg20 : memref<!tpu.dma_semaphore, #tpu.memory_space<semaphore_mem>>)
    %dma_start3A_570 = arith.constant 2 : i32
    %dma_start3A_571 = arith.constant 7 : i32
    %dma_start3A_572 = arith.constant 0 : i32
    %dma_start3A_573 = tpu.memref_slice %arg7[%dma_start3A_570, %dma_start3A_571, %dma_start3A_572] : memref<3x8x64xi32, #tpu.memory_space<vmem>> -> memref<1x1x64xi32, #tpu.memory_space<vmem>>
    %dma_start3A_574 = tpu.memref_squeeze %dma_start3A_573 : memref<1x1x64xi32, #tpu.memory_space<vmem>> -> memref<64xi32, #tpu.memory_space<vmem>>
    %dma_start3A_575 = arith.constant 0 : i32
    %dma_start3A_576 = arith.constant 0 : i32
    %dma_start3A_577 = tpu.memref_slice %arg3[%dma_start3A_575, %dma_start3A_576] : memref<100001x128xf32, #tpu.memory_space<hbm>> -> memref<100001x128xf32, #tpu.memory_space<hbm>>
    tpu.enqueue_indirect_dma source(%dma_start3A_577 : memref<100001x128xf32, #tpu.memory_space<hbm>>) target(%arg15 : memref<64x128xf32, #tpu.memory_space<vmem>>) offsets(%dma_start3A_574 : memref<64xi32, #tpu.memory_space<vmem>>) semaphore(%arg20 : memref<!tpu.dma_semaphore, #tpu.memory_space<semaphore_mem>>)
    %dma_start3A_578 = arith.constant 2 : i32
    %dma_start3A_579 = arith.constant 7 : i32
    %dma_start3A_580 = arith.constant 0 : i32
    %dma_start3A_581 = tpu.memref_slice %arg7[%dma_start3A_578, %dma_start3A_579, %dma_start3A_580] : memref<3x8x64xi32, #tpu.memory_space<vmem>> -> memref<1x1x64xi32, #tpu.memory_space<vmem>>
    %dma_start3A_582 = tpu.memref_squeeze %dma_start3A_581 : memref<1x1x64xi32, #tpu.memory_space<vmem>> -> memref<64xi32, #tpu.memory_space<vmem>>
    %dma_start3A_583 = arith.constant 0 : i32
    %dma_start3A_584 = arith.constant 0 : i32
    %dma_start3A_585 = tpu.memref_slice %arg4[%dma_start3A_583, %dma_start3A_584] : memref<100001x128xf32, #tpu.memory_space<hbm>> -> memref<100001x128xf32, #tpu.memory_space<hbm>>
    tpu.enqueue_indirect_dma source(%dma_start3A_585 : memref<100001x128xf32, #tpu.memory_space<hbm>>) target(%arg16 : memref<64x128xf32, #tpu.memory_space<vmem>>) offsets(%dma_start3A_582 : memref<64xi32, #tpu.memory_space<vmem>>) semaphore(%arg20 : memref<!tpu.dma_semaphore, #tpu.memory_space<semaphore_mem>>)
    %dma_start3A_586 = arith.constant 1 : i32
    %dma_start3A_587 = arith.constant 7 : i32
    %dma_start3A_588 = arith.constant 0 : i32
    %dma_start3A_589 = tpu.memref_slice %arg7[%dma_start3A_586, %dma_start3A_587, %dma_start3A_588] : memref<3x8x64xi32, #tpu.memory_space<vmem>> -> memref<1x1x64xi32, #tpu.memory_space<vmem>>
    %dma_start3A_590 = tpu.memref_squeeze %dma_start3A_589 : memref<1x1x64xi32, #tpu.memory_space<vmem>> -> memref<64xi32, #tpu.memory_space<vmem>>
    %dma_start3A_591 = arith.constant 0 : i32
    %dma_start3A_592 = arith.constant 0 : i32
    %dma_start3A_593 = tpu.memref_slice %arg5[%dma_start3A_591, %dma_start3A_592] : memref<1001x128xf32, #tpu.memory_space<hbm>> -> memref<1001x128xf32, #tpu.memory_space<hbm>>
    tpu.enqueue_indirect_dma source(%dma_start3A_593 : memref<1001x128xf32, #tpu.memory_space<hbm>>) target(%arg17 : memref<64x128xf32, #tpu.memory_space<vmem>>) offsets(%dma_start3A_590 : memref<64xi32, #tpu.memory_space<vmem>>) semaphore(%arg20 : memref<!tpu.dma_semaphore, #tpu.memory_space<semaphore_mem>>)
    %dma_wait3A_594 = arith.constant 0 : i32
    %dma_wait3A_595 = arith.constant 6 : i32
    %dma_wait3A_596 = arith.constant 0 : i32
    %dma_wait3A_597 = tpu.memref_slice %arg7[%dma_wait3A_594, %dma_wait3A_595, %dma_wait3A_596] : memref<3x8x64xi32, #tpu.memory_space<vmem>> -> memref<1x1x64xi32, #tpu.memory_space<vmem>>
    %dma_wait3A_598 = tpu.memref_squeeze %dma_wait3A_597 : memref<1x1x64xi32, #tpu.memory_space<vmem>> -> memref<64xi32, #tpu.memory_space<vmem>>
    %dma_wait3A_599 = arith.constant 0 : i32
    %dma_wait3A_600 = arith.constant 0 : i32
    %dma_wait3A_601 = tpu.memref_slice %arg3[%dma_wait3A_599, %dma_wait3A_600] : memref<100001x128xf32, #tpu.memory_space<hbm>> -> memref<100001x128xf32, #tpu.memory_space<hbm>>
    tpu.wait_indirect_dma semaphore(%arg19 : memref<!tpu.dma_semaphore, #tpu.memory_space<semaphore_mem>>) src(%dma_wait3A_601 : memref<100001x128xf32, #tpu.memory_space<hbm>>) dst(%arg8 : memref<64x128xf32, #tpu.memory_space<vmem>>)
    %dma_wait3A_602 = arith.constant 0 : i32
    %dma_wait3A_603 = arith.constant 6 : i32
    %dma_wait3A_604 = arith.constant 0 : i32
    %dma_wait3A_605 = tpu.memref_slice %arg7[%dma_wait3A_602, %dma_wait3A_603, %dma_wait3A_604] : memref<3x8x64xi32, #tpu.memory_space<vmem>> -> memref<1x1x64xi32, #tpu.memory_space<vmem>>
    %dma_wait3A_606 = tpu.memref_squeeze %dma_wait3A_605 : memref<1x1x64xi32, #tpu.memory_space<vmem>> -> memref<64xi32, #tpu.memory_space<vmem>>
    %dma_wait3A_607 = arith.constant 0 : i32
    %dma_wait3A_608 = arith.constant 0 : i32
    %dma_wait3A_609 = tpu.memref_slice %arg4[%dma_wait3A_607, %dma_wait3A_608] : memref<100001x128xf32, #tpu.memory_space<hbm>> -> memref<100001x128xf32, #tpu.memory_space<hbm>>
    tpu.wait_indirect_dma semaphore(%arg19 : memref<!tpu.dma_semaphore, #tpu.memory_space<semaphore_mem>>) src(%dma_wait3A_609 : memref<100001x128xf32, #tpu.memory_space<hbm>>) dst(%arg9 : memref<64x128xf32, #tpu.memory_space<vmem>>)
    %dma_wait3A_610 = arith.constant 2 : i32
    %dma_wait3A_611 = arith.constant 6 : i32
    %dma_wait3A_612 = arith.constant 0 : i32
    %dma_wait3A_613 = tpu.memref_slice %arg7[%dma_wait3A_610, %dma_wait3A_611, %dma_wait3A_612] : memref<3x8x64xi32, #tpu.memory_space<vmem>> -> memref<1x1x64xi32, #tpu.memory_space<vmem>>
    %dma_wait3A_614 = tpu.memref_squeeze %dma_wait3A_613 : memref<1x1x64xi32, #tpu.memory_space<vmem>> -> memref<64xi32, #tpu.memory_space<vmem>>
    %dma_wait3A_615 = arith.constant 0 : i32
    %dma_wait3A_616 = arith.constant 0 : i32
    %dma_wait3A_617 = tpu.memref_slice %arg3[%dma_wait3A_615, %dma_wait3A_616] : memref<100001x128xf32, #tpu.memory_space<hbm>> -> memref<100001x128xf32, #tpu.memory_space<hbm>>
    tpu.wait_indirect_dma semaphore(%arg19 : memref<!tpu.dma_semaphore, #tpu.memory_space<semaphore_mem>>) src(%dma_wait3A_617 : memref<100001x128xf32, #tpu.memory_space<hbm>>) dst(%arg10 : memref<64x128xf32, #tpu.memory_space<vmem>>)
    %dma_wait3A_618 = arith.constant 2 : i32
    %dma_wait3A_619 = arith.constant 6 : i32
    %dma_wait3A_620 = arith.constant 0 : i32
    %dma_wait3A_621 = tpu.memref_slice %arg7[%dma_wait3A_618, %dma_wait3A_619, %dma_wait3A_620] : memref<3x8x64xi32, #tpu.memory_space<vmem>> -> memref<1x1x64xi32, #tpu.memory_space<vmem>>
    %dma_wait3A_622 = tpu.memref_squeeze %dma_wait3A_621 : memref<1x1x64xi32, #tpu.memory_space<vmem>> -> memref<64xi32, #tpu.memory_space<vmem>>
    %dma_wait3A_623 = arith.constant 0 : i32
    %dma_wait3A_624 = arith.constant 0 : i32
    %dma_wait3A_625 = tpu.memref_slice %arg4[%dma_wait3A_623, %dma_wait3A_624] : memref<100001x128xf32, #tpu.memory_space<hbm>> -> memref<100001x128xf32, #tpu.memory_space<hbm>>
    tpu.wait_indirect_dma semaphore(%arg19 : memref<!tpu.dma_semaphore, #tpu.memory_space<semaphore_mem>>) src(%dma_wait3A_625 : memref<100001x128xf32, #tpu.memory_space<hbm>>) dst(%arg11 : memref<64x128xf32, #tpu.memory_space<vmem>>)
    %dma_wait3A_626 = arith.constant 1 : i32
    %dma_wait3A_627 = arith.constant 6 : i32
    %dma_wait3A_628 = arith.constant 0 : i32
    %dma_wait3A_629 = tpu.memref_slice %arg7[%dma_wait3A_626, %dma_wait3A_627, %dma_wait3A_628] : memref<3x8x64xi32, #tpu.memory_space<vmem>> -> memref<1x1x64xi32, #tpu.memory_space<vmem>>
    %dma_wait3A_630 = tpu.memref_squeeze %dma_wait3A_629 : memref<1x1x64xi32, #tpu.memory_space<vmem>> -> memref<64xi32, #tpu.memory_space<vmem>>
    %dma_wait3A_631 = arith.constant 0 : i32
    %dma_wait3A_632 = arith.constant 0 : i32
    %dma_wait3A_633 = tpu.memref_slice %arg5[%dma_wait3A_631, %dma_wait3A_632] : memref<1001x128xf32, #tpu.memory_space<hbm>> -> memref<1001x128xf32, #tpu.memory_space<hbm>>
    tpu.wait_indirect_dma semaphore(%arg19 : memref<!tpu.dma_semaphore, #tpu.memory_space<semaphore_mem>>) src(%dma_wait3A_633 : memref<1001x128xf32, #tpu.memory_space<hbm>>) dst(%arg12 : memref<64x128xf32, #tpu.memory_space<vmem>>)
    %scan3A_634 = arith.constant 0 : i32
    %scan3A_635 = arith.constant 0 : i32
    %scan3A_636 = arith.constant 64 : i32
    %scan3A_637 = arith.addi %scan3A_635, %scan3A_636 : i32
    %scan3A_638 = arith.constant 1 : i32
    scf.for %scan3A_686 = %scan3A_635 to %scan3A_637 step %scan3A_638  : i32 {
      %broadcast_in_dim3A = arith.constant 0.000000e+00 : f32
      %broadcast_in_dim3A_687 = vector.broadcast %broadcast_in_dim3A : f32 to vector<16xf32>
      %broadcast_in_dim3A_688 = arith.constant 0.000000e+00 : f32
      %broadcast_in_dim3A_689 = vector.broadcast %broadcast_in_dim3A_688 : f32 to vector<16xf32>
      %get3A = arith.index_cast %scan3A_686 : i32 to index
      %get3A_690 = arith.constant 0 : index
      %get3A_691 = tpu.vector_load %arg8[%get3A, %get3A_690] {strides = array<i32>} : memref<64x128xf32, #tpu.memory_space<vmem>>, vector<1x16xf32>,
      %get3A_692 = vector.shape_cast %get3A_691 : vector<1x16xf32> to vector<16xf32>
      %get3A_693 = arith.index_cast %scan3A_686 : i32 to index
      %get3A_694 = arith.constant 0 : index
      %get3A_695 = tpu.vector_load %arg9[%get3A_693, %get3A_694] {strides = array<i32>} : memref<64x128xf32, #tpu.memory_space<vmem>>, vector<1x16xf32>,
      %get3A_696 = vector.shape_cast %get3A_695 : vector<1x16xf32> to vector<16xf32>
      %get3A_697 = arith.index_cast %scan3A_686 : i32 to index
      %get3A_698 = arith.constant 0 : index
      %get3A_699 = tpu.vector_load %arg10[%get3A_697, %get3A_698] {strides = array<i32>} : memref<64x128xf32, #tpu.memory_space<vmem>>, vector<1x16xf32>,
      %get3A_700 = vector.shape_cast %get3A_699 : vector<1x16xf32> to vector<16xf32>
      %get3A_701 = arith.index_cast %scan3A_686 : i32 to index
      %get3A_702 = arith.constant 0 : index
      %get3A_703 = tpu.vector_load %arg11[%get3A_701, %get3A_702] {strides = array<i32>} : memref<64x128xf32, #tpu.memory_space<vmem>>, vector<1x16xf32>,
      %get3A_704 = vector.shape_cast %get3A_703 : vector<1x16xf32> to vector<16xf32>
      %get3A_705 = arith.index_cast %scan3A_686 : i32 to index
      %get3A_706 = arith.constant 0 : index
      %get3A_707 = tpu.vector_load %arg12[%get3A_705, %get3A_706] {strides = array<i32>} : memref<64x128xf32, #tpu.memory_space<vmem>>, vector<1x16xf32>,
      %get3A_708 = vector.shape_cast %get3A_707 : vector<1x16xf32> to vector<16xf32>
      %sub3A = arith.subf %get3A_692, %get3A_696 : vector<16xf32>
      %mul3A_709 = arith.mulf %sub3A, %get3A_700 : vector<16xf32>
      %add3A_710 = arith.addf %get3A_692, %get3A_696 : vector<16xf32>
      %mul3A_711 = arith.mulf %add3A_710, %get3A_704 : vector<16xf32>
      %add3A_712 = arith.addf %mul3A_709, %mul3A_711 : vector<16xf32>
      %mul3A_713 = arith.mulf %get3A_708, %add3A_712 : vector<16xf32>
      %add3A_714 = arith.addf %broadcast_in_dim3A_687, %mul3A_713 : vector<16xf32>
      %get3A_715 = arith.index_cast %scan3A_686 : i32 to index
      %get3A_716 = arith.constant 16 : index
      %get3A_717 = tpu.vector_load %arg8[%get3A_715, %get3A_716] {strides = array<i32>} : memref<64x128xf32, #tpu.memory_space<vmem>>, vector<1x16xf32>,
      %get3A_718 = vector.shape_cast %get3A_717 : vector<1x16xf32> to vector<16xf32>
      %get3A_719 = arith.index_cast %scan3A_686 : i32 to index
      %get3A_720 = arith.constant 16 : index
      %get3A_721 = tpu.vector_load %arg9[%get3A_719, %get3A_720] {strides = array<i32>} : memref<64x128xf32, #tpu.memory_space<vmem>>, vector<1x16xf32>,
      %get3A_722 = vector.shape_cast %get3A_721 : vector<1x16xf32> to vector<16xf32>
      %get3A_723 = arith.index_cast %scan3A_686 : i32 to index
      %get3A_724 = arith.constant 16 : index
      %get3A_725 = tpu.vector_load %arg10[%get3A_723, %get3A_724] {strides = array<i32>} : memref<64x128xf32, #tpu.memory_space<vmem>>, vector<1x16xf32>,
      %get3A_726 = vector.shape_cast %get3A_725 : vector<1x16xf32> to vector<16xf32>
      %get3A_727 = arith.index_cast %scan3A_686 : i32 to index
      %get3A_728 = arith.constant 16 : index
      %get3A_729 = tpu.vector_load %arg11[%get3A_727, %get3A_728] {strides = array<i32>} : memref<64x128xf32, #tpu.memory_space<vmem>>, vector<1x16xf32>,
      %get3A_730 = vector.shape_cast %get3A_729 : vector<1x16xf32> to vector<16xf32>
      %get3A_731 = arith.index_cast %scan3A_686 : i32 to index
      %get3A_732 = arith.constant 16 : index
      %get3A_733 = tpu.vector_load %arg12[%get3A_731, %get3A_732] {strides = array<i32>} : memref<64x128xf32, #tpu.memory_space<vmem>>, vector<1x16xf32>,
      %get3A_734 = vector.shape_cast %get3A_733 : vector<1x16xf32> to vector<16xf32>
      %sub3A_735 = arith.subf %get3A_718, %get3A_722 : vector<16xf32>
      %mul3A_736 = arith.mulf %sub3A_735, %get3A_726 : vector<16xf32>
      %add3A_737 = arith.addf %get3A_718, %get3A_722 : vector<16xf32>
      %mul3A_738 = arith.mulf %add3A_737, %get3A_730 : vector<16xf32>
      %add3A_739 = arith.addf %mul3A_736, %mul3A_738 : vector<16xf32>
      %mul3A_740 = arith.mulf %get3A_734, %add3A_739 : vector<16xf32>
      %add3A_741 = arith.addf %broadcast_in_dim3A_689, %mul3A_740 : vector<16xf32>
      %get3A_742 = arith.index_cast %scan3A_686 : i32 to index
      %get3A_743 = arith.constant 32 : index
      %get3A_744 = tpu.vector_load %arg8[%get3A_742, %get3A_743] {strides = array<i32>} : memref<64x128xf32, #tpu.memory_space<vmem>>, vector<1x16xf32>,
      %get3A_745 = vector.shape_cast %get3A_744 : vector<1x16xf32> to vector<16xf32>
      %get3A_746 = arith.index_cast %scan3A_686 : i32 to index
      %get3A_747 = arith.constant 32 : index
      %get3A_748 = tpu.vector_load %arg9[%get3A_746, %get3A_747] {strides = array<i32>} : memref<64x128xf32, #tpu.memory_space<vmem>>, vector<1x16xf32>,
      %get3A_749 = vector.shape_cast %get3A_748 : vector<1x16xf32> to vector<16xf32>
      %get3A_750 = arith.index_cast %scan3A_686 : i32 to index
      %get3A_751 = arith.constant 32 : index
      %get3A_752 = tpu.vector_load %arg10[%get3A_750, %get3A_751] {strides = array<i32>} : memref<64x128xf32, #tpu.memory_space<vmem>>, vector<1x16xf32>,
      %get3A_753 = vector.shape_cast %get3A_752 : vector<1x16xf32> to vector<16xf32>
      %get3A_754 = arith.index_cast %scan3A_686 : i32 to index
      %get3A_755 = arith.constant 32 : index
      %get3A_756 = tpu.vector_load %arg11[%get3A_754, %get3A_755] {strides = array<i32>} : memref<64x128xf32, #tpu.memory_space<vmem>>, vector<1x16xf32>,
      %get3A_757 = vector.shape_cast %get3A_756 : vector<1x16xf32> to vector<16xf32>
      %get3A_758 = arith.index_cast %scan3A_686 : i32 to index
      %get3A_759 = arith.constant 32 : index
      %get3A_760 = tpu.vector_load %arg12[%get3A_758, %get3A_759] {strides = array<i32>} : memref<64x128xf32, #tpu.memory_space<vmem>>, vector<1x16xf32>,
      %get3A_761 = vector.shape_cast %get3A_760 : vector<1x16xf32> to vector<16xf32>
      %sub3A_762 = arith.subf %get3A_745, %get3A_749 : vector<16xf32>
      %mul3A_763 = arith.mulf %sub3A_762, %get3A_753 : vector<16xf32>
      %add3A_764 = arith.addf %get3A_745, %get3A_749 : vector<16xf32>
      %mul3A_765 = arith.mulf %add3A_764, %get3A_757 : vector<16xf32>
      %add3A_766 = arith.addf %mul3A_763, %mul3A_765 : vector<16xf32>
      %mul3A_767 = arith.mulf %get3A_761, %add3A_766 : vector<16xf32>
      %add3A_768 = arith.addf %add3A_714, %mul3A_767 : vector<16xf32>
      %get3A_769 = arith.index_cast %scan3A_686 : i32 to index
      %get3A_770 = arith.constant 48 : index
      %get3A_771 = tpu.vector_load %arg8[%get3A_769, %get3A_770] {strides = array<i32>} : memref<64x128xf32, #tpu.memory_space<vmem>>, vector<1x16xf32>,
      %get3A_772 = vector.shape_cast %get3A_771 : vector<1x16xf32> to vector<16xf32>
      %get3A_773 = arith.index_cast %scan3A_686 : i32 to index
      %get3A_774 = arith.constant 48 : index
      %get3A_775 = tpu.vector_load %arg9[%get3A_773, %get3A_774] {strides = array<i32>} : memref<64x128xf32, #tpu.memory_space<vmem>>, vector<1x16xf32>,
      %get3A_776 = vector.shape_cast %get3A_775 : vector<1x16xf32> to vector<16xf32>
      %get3A_777 = arith.index_cast %scan3A_686 : i32 to index
      %get3A_778 = arith.constant 48 : index
      %get3A_779 = tpu.vector_load %arg10[%get3A_777, %get3A_778] {strides = array<i32>} : memref<64x128xf32, #tpu.memory_space<vmem>>, vector<1x16xf32>,
      %get3A_780 = vector.shape_cast %get3A_779 : vector<1x16xf32> to vector<16xf32>
      %get3A_781 = arith.index_cast %scan3A_686 : i32 to index
      %get3A_782 = arith.constant 48 : index
      %get3A_783 = tpu.vector_load %arg11[%get3A_781, %get3A_782] {strides = array<i32>} : memref<64x128xf32, #tpu.memory_space<vmem>>, vector<1x16xf32>,
      %get3A_784 = vector.shape_cast %get3A_783 : vector<1x16xf32> to vector<16xf32>
      %get3A_785 = arith.index_cast %scan3A_686 : i32 to index
      %get3A_786 = arith.constant 48 : index
      %get3A_787 = tpu.vector_load %arg12[%get3A_785, %get3A_786] {strides = array<i32>} : memref<64x128xf32, #tpu.memory_space<vmem>>, vector<1x16xf32>,
      %get3A_788 = vector.shape_cast %get3A_787 : vector<1x16xf32> to vector<16xf32>
      %sub3A_789 = arith.subf %get3A_772, %get3A_776 : vector<16xf32>
      %mul3A_790 = arith.mulf %sub3A_789, %get3A_780 : vector<16xf32>
      %add3A_791 = arith.addf %get3A_772, %get3A_776 : vector<16xf32>
      %mul3A_792 = arith.mulf %add3A_791, %get3A_784 : vector<16xf32>
      %add3A_793 = arith.addf %mul3A_790, %mul3A_792 : vector<16xf32>
      %mul3A_794 = arith.mulf %get3A_788, %add3A_793 : vector<16xf32>
      %add3A_795 = arith.addf %add3A_741, %mul3A_794 : vector<16xf32>
      %get3A_796 = arith.index_cast %scan3A_686 : i32 to index
      %get3A_797 = arith.constant 64 : index
      %get3A_798 = tpu.vector_load %arg8[%get3A_796, %get3A_797] {strides = array<i32>} : memref<64x128xf32, #tpu.memory_space<vmem>>, vector<1x16xf32>,
      %get3A_799 = vector.shape_cast %get3A_798 : vector<1x16xf32> to vector<16xf32>
      %get3A_800 = arith.index_cast %scan3A_686 : i32 to index
      %get3A_801 = arith.constant 64 : index
      %get3A_802 = tpu.vector_load %arg9[%get3A_800, %get3A_801] {strides = array<i32>} : memref<64x128xf32, #tpu.memory_space<vmem>>, vector<1x16xf32>,
      %get3A_803 = vector.shape_cast %get3A_802 : vector<1x16xf32> to vector<16xf32>
      %get3A_804 = arith.index_cast %scan3A_686 : i32 to index
      %get3A_805 = arith.constant 64 : index
      %get3A_806 = tpu.vector_load %arg10[%get3A_804, %get3A_805] {strides = array<i32>} : memref<64x128xf32, #tpu.memory_space<vmem>>, vector<1x16xf32>,
      %get3A_807 = vector.shape_cast %get3A_806 : vector<1x16xf32> to vector<16xf32>
      %get3A_808 = arith.index_cast %scan3A_686 : i32 to index
      %get3A_809 = arith.constant 64 : index
      %get3A_810 = tpu.vector_load %arg11[%get3A_808, %get3A_809] {strides = array<i32>} : memref<64x128xf32, #tpu.memory_space<vmem>>, vector<1x16xf32>,
      %get3A_811 = vector.shape_cast %get3A_810 : vector<1x16xf32> to vector<16xf32>
      %get3A_812 = arith.index_cast %scan3A_686 : i32 to index
      %get3A_813 = arith.constant 64 : index
      %get3A_814 = tpu.vector_load %arg12[%get3A_812, %get3A_813] {strides = array<i32>} : memref<64x128xf32, #tpu.memory_space<vmem>>, vector<1x16xf32>,
      %get3A_815 = vector.shape_cast %get3A_814 : vector<1x16xf32> to vector<16xf32>
      %sub3A_816 = arith.subf %get3A_799, %get3A_803 : vector<16xf32>
      %mul3A_817 = arith.mulf %sub3A_816, %get3A_807 : vector<16xf32>
      %add3A_818 = arith.addf %get3A_799, %get3A_803 : vector<16xf32>
      %mul3A_819 = arith.mulf %add3A_818, %get3A_811 : vector<16xf32>
      %add3A_820 = arith.addf %mul3A_817, %mul3A_819 : vector<16xf32>
      %mul3A_821 = arith.mulf %get3A_815, %add3A_820 : vector<16xf32>
      %add3A_822 = arith.addf %add3A_768, %mul3A_821 : vector<16xf32>
      %get3A_823 = arith.index_cast %scan3A_686 : i32 to index
      %get3A_824 = arith.constant 80 : index
      %get3A_825 = tpu.vector_load %arg8[%get3A_823, %get3A_824] {strides = array<i32>} : memref<64x128xf32, #tpu.memory_space<vmem>>, vector<1x16xf32>,
      %get3A_826 = vector.shape_cast %get3A_825 : vector<1x16xf32> to vector<16xf32>
      %get3A_827 = arith.index_cast %scan3A_686 : i32 to index
      %get3A_828 = arith.constant 80 : index
      %get3A_829 = tpu.vector_load %arg9[%get3A_827, %get3A_828] {strides = array<i32>} : memref<64x128xf32, #tpu.memory_space<vmem>>, vector<1x16xf32>,
      %get3A_830 = vector.shape_cast %get3A_829 : vector<1x16xf32> to vector<16xf32>
      %get3A_831 = arith.index_cast %scan3A_686 : i32 to index
      %get3A_832 = arith.constant 80 : index
      %get3A_833 = tpu.vector_load %arg10[%get3A_831, %get3A_832] {strides = array<i32>} : memref<64x128xf32, #tpu.memory_space<vmem>>, vector<1x16xf32>,
      %get3A_834 = vector.shape_cast %get3A_833 : vector<1x16xf32> to vector<16xf32>
      %get3A_835 = arith.index_cast %scan3A_686 : i32 to index
      %get3A_836 = arith.constant 80 : index
      %get3A_837 = tpu.vector_load %arg11[%get3A_835, %get3A_836] {strides = array<i32>} : memref<64x128xf32, #tpu.memory_space<vmem>>, vector<1x16xf32>,
      %get3A_838 = vector.shape_cast %get3A_837 : vector<1x16xf32> to vector<16xf32>
      %get3A_839 = arith.index_cast %scan3A_686 : i32 to index
      %get3A_840 = arith.constant 80 : index
      %get3A_841 = tpu.vector_load %arg12[%get3A_839, %get3A_840] {strides = array<i32>} : memref<64x128xf32, #tpu.memory_space<vmem>>, vector<1x16xf32>,
      %get3A_842 = vector.shape_cast %get3A_841 : vector<1x16xf32> to vector<16xf32>
      %sub3A_843 = arith.subf %get3A_826, %get3A_830 : vector<16xf32>
      %mul3A_844 = arith.mulf %sub3A_843, %get3A_834 : vector<16xf32>
      %add3A_845 = arith.addf %get3A_826, %get3A_830 : vector<16xf32>
      %mul3A_846 = arith.mulf %add3A_845, %get3A_838 : vector<16xf32>
      %add3A_847 = arith.addf %mul3A_844, %mul3A_846 : vector<16xf32>
      %mul3A_848 = arith.mulf %get3A_842, %add3A_847 : vector<16xf32>
      %add3A_849 = arith.addf %add3A_795, %mul3A_848 : vector<16xf32>
      %get3A_850 = arith.index_cast %scan3A_686 : i32 to index
      %get3A_851 = arith.constant 96 : index
      %get3A_852 = tpu.vector_load %arg8[%get3A_850, %get3A_851] {strides = array<i32>} : memref<64x128xf32, #tpu.memory_space<vmem>>, vector<1x16xf32>,
      %get3A_853 = vector.shape_cast %get3A_852 : vector<1x16xf32> to vector<16xf32>
      %get3A_854 = arith.index_cast %scan3A_686 : i32 to index
      %get3A_855 = arith.constant 96 : index
      %get3A_856 = tpu.vector_load %arg9[%get3A_854, %get3A_855] {strides = array<i32>} : memref<64x128xf32, #tpu.memory_space<vmem>>, vector<1x16xf32>,
      %get3A_857 = vector.shape_cast %get3A_856 : vector<1x16xf32> to vector<16xf32>
      %get3A_858 = arith.index_cast %scan3A_686 : i32 to index
      %get3A_859 = arith.constant 96 : index
      %get3A_860 = tpu.vector_load %arg10[%get3A_858, %get3A_859] {strides = array<i32>} : memref<64x128xf32, #tpu.memory_space<vmem>>, vector<1x16xf32>,
      %get3A_861 = vector.shape_cast %get3A_860 : vector<1x16xf32> to vector<16xf32>
      %get3A_862 = arith.index_cast %scan3A_686 : i32 to index
      %get3A_863 = arith.constant 96 : index
      %get3A_864 = tpu.vector_load %arg11[%get3A_862, %get3A_863] {strides = array<i32>} : memref<64x128xf32, #tpu.memory_space<vmem>>, vector<1x16xf32>,
      %get3A_865 = vector.shape_cast %get3A_864 : vector<1x16xf32> to vector<16xf32>
      %get3A_866 = arith.index_cast %scan3A_686 : i32 to index
      %get3A_867 = arith.constant 96 : index
      %get3A_868 = tpu.vector_load %arg12[%get3A_866, %get3A_867] {strides = array<i32>} : memref<64x128xf32, #tpu.memory_space<vmem>>, vector<1x16xf32>,
      %get3A_869 = vector.shape_cast %get3A_868 : vector<1x16xf32> to vector<16xf32>
      %sub3A_870 = arith.subf %get3A_853, %get3A_857 : vector<16xf32>
      %mul3A_871 = arith.mulf %sub3A_870, %get3A_861 : vector<16xf32>
      %add3A_872 = arith.addf %get3A_853, %get3A_857 : vector<16xf32>
      %mul3A_873 = arith.mulf %add3A_872, %get3A_865 : vector<16xf32>
      %add3A_874 = arith.addf %mul3A_871, %mul3A_873 : vector<16xf32>
      %mul3A_875 = arith.mulf %get3A_869, %add3A_874 : vector<16xf32>
      %add3A_876 = arith.addf %add3A_822, %mul3A_875 : vector<16xf32>
      %get3A_877 = arith.index_cast %scan3A_686 : i32 to index
      %get3A_878 = arith.constant 112 : index
      %get3A_879 = tpu.vector_load %arg8[%get3A_877, %get3A_878] {strides = array<i32>} : memref<64x128xf32, #tpu.memory_space<vmem>>, vector<1x16xf32>,
      %get3A_880 = vector.shape_cast %get3A_879 : vector<1x16xf32> to vector<16xf32>
      %get3A_881 = arith.index_cast %scan3A_686 : i32 to index
      %get3A_882 = arith.constant 112 : index
      %get3A_883 = tpu.vector_load %arg9[%get3A_881, %get3A_882] {strides = array<i32>} : memref<64x128xf32, #tpu.memory_space<vmem>>, vector<1x16xf32>,
      %get3A_884 = vector.shape_cast %get3A_883 : vector<1x16xf32> to vector<16xf32>
      %get3A_885 = arith.index_cast %scan3A_686 : i32 to index
      %get3A_886 = arith.constant 112 : index
      %get3A_887 = tpu.vector_load %arg10[%get3A_885, %get3A_886] {strides = array<i32>} : memref<64x128xf32, #tpu.memory_space<vmem>>, vector<1x16xf32>,
      %get3A_888 = vector.shape_cast %get3A_887 : vector<1x16xf32> to vector<16xf32>
      %get3A_889 = arith.index_cast %scan3A_686 : i32 to index
      %get3A_890 = arith.constant 112 : index
      %get3A_891 = tpu.vector_load %arg11[%get3A_889, %get3A_890] {strides = array<i32>} : memref<64x128xf32, #tpu.memory_space<vmem>>, vector<1x16xf32>,
      %get3A_892 = vector.shape_cast %get3A_891 : vector<1x16xf32> to vector<16xf32>
      %get3A_893 = arith.index_cast %scan3A_686 : i32 to index
      %get3A_894 = arith.constant 112 : index
      %get3A_895 = tpu.vector_load %arg12[%get3A_893, %get3A_894] {strides = array<i32>} : memref<64x128xf32, #tpu.memory_space<vmem>>, vector<1x16xf32>,
      %get3A_896 = vector.shape_cast %get3A_895 : vector<1x16xf32> to vector<16xf32>
      %sub3A_897 = arith.subf %get3A_880, %get3A_884 : vector<16xf32>
      %mul3A_898 = arith.mulf %sub3A_897, %get3A_888 : vector<16xf32>
      %add3A_899 = arith.addf %get3A_880, %get3A_884 : vector<16xf32>
      %mul3A_900 = arith.mulf %add3A_899, %get3A_892 : vector<16xf32>
      %add3A_901 = arith.addf %mul3A_898, %mul3A_900 : vector<16xf32>
      %mul3A_902 = arith.mulf %get3A_896, %add3A_901 : vector<16xf32>
      %add3A_903 = arith.addf %add3A_849, %mul3A_902 : vector<16xf32>
      %add3A_904 = arith.addf %add3A_876, %add3A_903 : vector<16xf32>
      %add3A_905 = arith.constant 384 : i32
      %add3A_906 = arith.addi %add3A_905, %scan3A_686 : i32
      %swap3A = arith.index_cast %add3A_906 : i32 to index
      %swap3A_907 = arith.constant 0 : index
      %swap3A_908 = tpu.vector_load %arg18[%swap3A, %swap3A_907] {strides = array<i32>} : memref<512x16xf32, #tpu.memory_space<vmem>>, vector<1x16xf32>,
      %swap3A_909 = vector.shape_cast %swap3A_908 : vector<1x16xf32> to vector<16xf32>
      %swap3A_910 = vector.shape_cast %add3A_904 : vector<16xf32> to vector<1x16xf32>
      tpu.vector_store %arg18[%swap3A, %swap3A_907], %swap3A_910 {strides = array<i32>} : memref<512x16xf32, #tpu.memory_space<vmem>>, vector<1x16xf32>,
    }
    %scan3A_639 = arith.constant 64 : i32
    %dma_wait3A_640 = arith.constant 0 : i32
    %dma_wait3A_641 = arith.constant 7 : i32
    %dma_wait3A_642 = arith.constant 0 : i32
    %dma_wait3A_643 = tpu.memref_slice %arg7[%dma_wait3A_640, %dma_wait3A_641, %dma_wait3A_642] : memref<3x8x64xi32, #tpu.memory_space<vmem>> -> memref<1x1x64xi32, #tpu.memory_space<vmem>>
    %dma_wait3A_644 = tpu.memref_squeeze %dma_wait3A_643 : memref<1x1x64xi32, #tpu.memory_space<vmem>> -> memref<64xi32, #tpu.memory_space<vmem>>
    %dma_wait3A_645 = arith.constant 0 : i32
    %dma_wait3A_646 = arith.constant 0 : i32
    %dma_wait3A_647 = tpu.memref_slice %arg3[%dma_wait3A_645, %dma_wait3A_646] : memref<100001x128xf32, #tpu.memory_space<hbm>> -> memref<100001x128xf32, #tpu.memory_space<hbm>>
    tpu.wait_indirect_dma semaphore(%arg20 : memref<!tpu.dma_semaphore, #tpu.memory_space<semaphore_mem>>) src(%dma_wait3A_647 : memref<100001x128xf32, #tpu.memory_space<hbm>>) dst(%arg13 : memref<64x128xf32, #tpu.memory_space<vmem>>)
    %dma_wait3A_648 = arith.constant 0 : i32
    %dma_wait3A_649 = arith.constant 7 : i32
    %dma_wait3A_650 = arith.constant 0 : i32
    %dma_wait3A_651 = tpu.memref_slice %arg7[%dma_wait3A_648, %dma_wait3A_649, %dma_wait3A_650] : memref<3x8x64xi32, #tpu.memory_space<vmem>> -> memref<1x1x64xi32, #tpu.memory_space<vmem>>
    %dma_wait3A_652 = tpu.memref_squeeze %dma_wait3A_651 : memref<1x1x64xi32, #tpu.memory_space<vmem>> -> memref<64xi32, #tpu.memory_space<vmem>>
    %dma_wait3A_653 = arith.constant 0 : i32
    %dma_wait3A_654 = arith.constant 0 : i32
    %dma_wait3A_655 = tpu.memref_slice %arg4[%dma_wait3A_653, %dma_wait3A_654] : memref<100001x128xf32, #tpu.memory_space<hbm>> -> memref<100001x128xf32, #tpu.memory_space<hbm>>
    tpu.wait_indirect_dma semaphore(%arg20 : memref<!tpu.dma_semaphore, #tpu.memory_space<semaphore_mem>>) src(%dma_wait3A_655 : memref<100001x128xf32, #tpu.memory_space<hbm>>) dst(%arg14 : memref<64x128xf32, #tpu.memory_space<vmem>>)
    %dma_wait3A_656 = arith.constant 2 : i32
    %dma_wait3A_657 = arith.constant 7 : i32
    %dma_wait3A_658 = arith.constant 0 : i32
    %dma_wait3A_659 = tpu.memref_slice %arg7[%dma_wait3A_656, %dma_wait3A_657, %dma_wait3A_658] : memref<3x8x64xi32, #tpu.memory_space<vmem>> -> memref<1x1x64xi32, #tpu.memory_space<vmem>>
    %dma_wait3A_660 = tpu.memref_squeeze %dma_wait3A_659 : memref<1x1x64xi32, #tpu.memory_space<vmem>> -> memref<64xi32, #tpu.memory_space<vmem>>
    %dma_wait3A_661 = arith.constant 0 : i32
    %dma_wait3A_662 = arith.constant 0 : i32
    %dma_wait3A_663 = tpu.memref_slice %arg3[%dma_wait3A_661, %dma_wait3A_662] : memref<100001x128xf32, #tpu.memory_space<hbm>> -> memref<100001x128xf32, #tpu.memory_space<hbm>>
    tpu.wait_indirect_dma semaphore(%arg20 : memref<!tpu.dma_semaphore, #tpu.memory_space<semaphore_mem>>) src(%dma_wait3A_663 : memref<100001x128xf32, #tpu.memory_space<hbm>>) dst(%arg15 : memref<64x128xf32, #tpu.memory_space<vmem>>)
    %dma_wait3A_664 = arith.constant 2 : i32
    %dma_wait3A_665 = arith.constant 7 : i32
    %dma_wait3A_666 = arith.constant 0 : i32
    %dma_wait3A_667 = tpu.memref_slice %arg7[%dma_wait3A_664, %dma_wait3A_665, %dma_wait3A_666] : memref<3x8x64xi32, #tpu.memory_space<vmem>> -> memref<1x1x64xi32, #tpu.memory_space<vmem>>
    %dma_wait3A_668 = tpu.memref_squeeze %dma_wait3A_667 : memref<1x1x64xi32, #tpu.memory_space<vmem>> -> memref<64xi32, #tpu.memory_space<vmem>>
    %dma_wait3A_669 = arith.constant 0 : i32
    %dma_wait3A_670 = arith.constant 0 : i32
    %dma_wait3A_671 = tpu.memref_slice %arg4[%dma_wait3A_669, %dma_wait3A_670] : memref<100001x128xf32, #tpu.memory_space<hbm>> -> memref<100001x128xf32, #tpu.memory_space<hbm>>
    tpu.wait_indirect_dma semaphore(%arg20 : memref<!tpu.dma_semaphore, #tpu.memory_space<semaphore_mem>>) src(%dma_wait3A_671 : memref<100001x128xf32, #tpu.memory_space<hbm>>) dst(%arg16 : memref<64x128xf32, #tpu.memory_space<vmem>>)
    %dma_wait3A_672 = arith.constant 1 : i32
    %dma_wait3A_673 = arith.constant 7 : i32
    %dma_wait3A_674 = arith.constant 0 : i32
    %dma_wait3A_675 = tpu.memref_slice %arg7[%dma_wait3A_672, %dma_wait3A_673, %dma_wait3A_674] : memref<3x8x64xi32, #tpu.memory_space<vmem>> -> memref<1x1x64xi32, #tpu.memory_space<vmem>>
    %dma_wait3A_676 = tpu.memref_squeeze %dma_wait3A_675 : memref<1x1x64xi32, #tpu.memory_space<vmem>> -> memref<64xi32, #tpu.memory_space<vmem>>
    %dma_wait3A_677 = arith.constant 0 : i32
    %dma_wait3A_678 = arith.constant 0 : i32
    %dma_wait3A_679 = tpu.memref_slice %arg5[%dma_wait3A_677, %dma_wait3A_678] : memref<1001x128xf32, #tpu.memory_space<hbm>> -> memref<1001x128xf32, #tpu.memory_space<hbm>>
    tpu.wait_indirect_dma semaphore(%arg20 : memref<!tpu.dma_semaphore, #tpu.memory_space<semaphore_mem>>) src(%dma_wait3A_679 : memref<1001x128xf32, #tpu.memory_space<hbm>>) dst(%arg17 : memref<64x128xf32, #tpu.memory_space<vmem>>)
    %scan3A_680 = arith.constant 0 : i32
    %scan3A_681 = arith.constant 0 : i32
    %scan3A_682 = arith.constant 64 : i32
    %scan3A_683 = arith.addi %scan3A_681, %scan3A_682 : i32
    %scan3A_684 = arith.constant 1 : i32
    scf.for %scan3A_686 = %scan3A_681 to %scan3A_683 step %scan3A_684  : i32 {
      %broadcast_in_dim3A = arith.constant 0.000000e+00 : f32
      %broadcast_in_dim3A_687 = vector.broadcast %broadcast_in_dim3A : f32 to vector<16xf32>
      %broadcast_in_dim3A_688 = arith.constant 0.000000e+00 : f32
      %broadcast_in_dim3A_689 = vector.broadcast %broadcast_in_dim3A_688 : f32 to vector<16xf32>
      %get3A = arith.index_cast %scan3A_686 : i32 to index
      %get3A_690 = arith.constant 0 : index
      %get3A_691 = tpu.vector_load %arg13[%get3A, %get3A_690] {strides = array<i32>} : memref<64x128xf32, #tpu.memory_space<vmem>>, vector<1x16xf32>,
      %get3A_692 = vector.shape_cast %get3A_691 : vector<1x16xf32> to vector<16xf32>
      %get3A_693 = arith.index_cast %scan3A_686 : i32 to index
      %get3A_694 = arith.constant 0 : index
      %get3A_695 = tpu.vector_load %arg14[%get3A_693, %get3A_694] {strides = array<i32>} : memref<64x128xf32, #tpu.memory_space<vmem>>, vector<1x16xf32>,
      %get3A_696 = vector.shape_cast %get3A_695 : vector<1x16xf32> to vector<16xf32>
      %get3A_697 = arith.index_cast %scan3A_686 : i32 to index
      %get3A_698 = arith.constant 0 : index
      %get3A_699 = tpu.vector_load %arg15[%get3A_697, %get3A_698] {strides = array<i32>} : memref<64x128xf32, #tpu.memory_space<vmem>>, vector<1x16xf32>,
      %get3A_700 = vector.shape_cast %get3A_699 : vector<1x16xf32> to vector<16xf32>
      %get3A_701 = arith.index_cast %scan3A_686 : i32 to index
      %get3A_702 = arith.constant 0 : index
      %get3A_703 = tpu.vector_load %arg16[%get3A_701, %get3A_702] {strides = array<i32>} : memref<64x128xf32, #tpu.memory_space<vmem>>, vector<1x16xf32>,
      %get3A_704 = vector.shape_cast %get3A_703 : vector<1x16xf32> to vector<16xf32>
      %get3A_705 = arith.index_cast %scan3A_686 : i32 to index
      %get3A_706 = arith.constant 0 : index
      %get3A_707 = tpu.vector_load %arg17[%get3A_705, %get3A_706] {strides = array<i32>} : memref<64x128xf32, #tpu.memory_space<vmem>>, vector<1x16xf32>,
      %get3A_708 = vector.shape_cast %get3A_707 : vector<1x16xf32> to vector<16xf32>
      %sub3A = arith.subf %get3A_692, %get3A_696 : vector<16xf32>
      %mul3A_709 = arith.mulf %sub3A, %get3A_700 : vector<16xf32>
      %add3A_710 = arith.addf %get3A_692, %get3A_696 : vector<16xf32>
      %mul3A_711 = arith.mulf %add3A_710, %get3A_704 : vector<16xf32>
      %add3A_712 = arith.addf %mul3A_709, %mul3A_711 : vector<16xf32>
      %mul3A_713 = arith.mulf %get3A_708, %add3A_712 : vector<16xf32>
      %add3A_714 = arith.addf %broadcast_in_dim3A_687, %mul3A_713 : vector<16xf32>
      %get3A_715 = arith.index_cast %scan3A_686 : i32 to index
      %get3A_716 = arith.constant 16 : index
      %get3A_717 = tpu.vector_load %arg13[%get3A_715, %get3A_716] {strides = array<i32>} : memref<64x128xf32, #tpu.memory_space<vmem>>, vector<1x16xf32>,
      %get3A_718 = vector.shape_cast %get3A_717 : vector<1x16xf32> to vector<16xf32>
      %get3A_719 = arith.index_cast %scan3A_686 : i32 to index
      %get3A_720 = arith.constant 16 : index
      %get3A_721 = tpu.vector_load %arg14[%get3A_719, %get3A_720] {strides = array<i32>} : memref<64x128xf32, #tpu.memory_space<vmem>>, vector<1x16xf32>,
      %get3A_722 = vector.shape_cast %get3A_721 : vector<1x16xf32> to vector<16xf32>
      %get3A_723 = arith.index_cast %scan3A_686 : i32 to index
      %get3A_724 = arith.constant 16 : index
      %get3A_725 = tpu.vector_load %arg15[%get3A_723, %get3A_724] {strides = array<i32>} : memref<64x128xf32, #tpu.memory_space<vmem>>, vector<1x16xf32>,
      %get3A_726 = vector.shape_cast %get3A_725 : vector<1x16xf32> to vector<16xf32>
      %get3A_727 = arith.index_cast %scan3A_686 : i32 to index
      %get3A_728 = arith.constant 16 : index
      %get3A_729 = tpu.vector_load %arg16[%get3A_727, %get3A_728] {strides = array<i32>} : memref<64x128xf32, #tpu.memory_space<vmem>>, vector<1x16xf32>,
      %get3A_730 = vector.shape_cast %get3A_729 : vector<1x16xf32> to vector<16xf32>
      %get3A_731 = arith.index_cast %scan3A_686 : i32 to index
      %get3A_732 = arith.constant 16 : index
      %get3A_733 = tpu.vector_load %arg17[%get3A_731, %get3A_732] {strides = array<i32>} : memref<64x128xf32, #tpu.memory_space<vmem>>, vector<1x16xf32>,
      %get3A_734 = vector.shape_cast %get3A_733 : vector<1x16xf32> to vector<16xf32>
      %sub3A_735 = arith.subf %get3A_718, %get3A_722 : vector<16xf32>
      %mul3A_736 = arith.mulf %sub3A_735, %get3A_726 : vector<16xf32>
      %add3A_737 = arith.addf %get3A_718, %get3A_722 : vector<16xf32>
      %mul3A_738 = arith.mulf %add3A_737, %get3A_730 : vector<16xf32>
      %add3A_739 = arith.addf %mul3A_736, %mul3A_738 : vector<16xf32>
      %mul3A_740 = arith.mulf %get3A_734, %add3A_739 : vector<16xf32>
      %add3A_741 = arith.addf %broadcast_in_dim3A_689, %mul3A_740 : vector<16xf32>
      %get3A_742 = arith.index_cast %scan3A_686 : i32 to index
      %get3A_743 = arith.constant 32 : index
      %get3A_744 = tpu.vector_load %arg13[%get3A_742, %get3A_743] {strides = array<i32>} : memref<64x128xf32, #tpu.memory_space<vmem>>, vector<1x16xf32>,
      %get3A_745 = vector.shape_cast %get3A_744 : vector<1x16xf32> to vector<16xf32>
      %get3A_746 = arith.index_cast %scan3A_686 : i32 to index
      %get3A_747 = arith.constant 32 : index
      %get3A_748 = tpu.vector_load %arg14[%get3A_746, %get3A_747] {strides = array<i32>} : memref<64x128xf32, #tpu.memory_space<vmem>>, vector<1x16xf32>,
      %get3A_749 = vector.shape_cast %get3A_748 : vector<1x16xf32> to vector<16xf32>
      %get3A_750 = arith.index_cast %scan3A_686 : i32 to index
      %get3A_751 = arith.constant 32 : index
      %get3A_752 = tpu.vector_load %arg15[%get3A_750, %get3A_751] {strides = array<i32>} : memref<64x128xf32, #tpu.memory_space<vmem>>, vector<1x16xf32>,
      %get3A_753 = vector.shape_cast %get3A_752 : vector<1x16xf32> to vector<16xf32>
      %get3A_754 = arith.index_cast %scan3A_686 : i32 to index
      %get3A_755 = arith.constant 32 : index
      %get3A_756 = tpu.vector_load %arg16[%get3A_754, %get3A_755] {strides = array<i32>} : memref<64x128xf32, #tpu.memory_space<vmem>>, vector<1x16xf32>,
      %get3A_757 = vector.shape_cast %get3A_756 : vector<1x16xf32> to vector<16xf32>
      %get3A_758 = arith.index_cast %scan3A_686 : i32 to index
      %get3A_759 = arith.constant 32 : index
      %get3A_760 = tpu.vector_load %arg17[%get3A_758, %get3A_759] {strides = array<i32>} : memref<64x128xf32, #tpu.memory_space<vmem>>, vector<1x16xf32>,
      %get3A_761 = vector.shape_cast %get3A_760 : vector<1x16xf32> to vector<16xf32>
      %sub3A_762 = arith.subf %get3A_745, %get3A_749 : vector<16xf32>
      %mul3A_763 = arith.mulf %sub3A_762, %get3A_753 : vector<16xf32>
      %add3A_764 = arith.addf %get3A_745, %get3A_749 : vector<16xf32>
      %mul3A_765 = arith.mulf %add3A_764, %get3A_757 : vector<16xf32>
      %add3A_766 = arith.addf %mul3A_763, %mul3A_765 : vector<16xf32>
      %mul3A_767 = arith.mulf %get3A_761, %add3A_766 : vector<16xf32>
      %add3A_768 = arith.addf %add3A_714, %mul3A_767 : vector<16xf32>
      %get3A_769 = arith.index_cast %scan3A_686 : i32 to index
      %get3A_770 = arith.constant 48 : index
      %get3A_771 = tpu.vector_load %arg13[%get3A_769, %get3A_770] {strides = array<i32>} : memref<64x128xf32, #tpu.memory_space<vmem>>, vector<1x16xf32>,
      %get3A_772 = vector.shape_cast %get3A_771 : vector<1x16xf32> to vector<16xf32>
      %get3A_773 = arith.index_cast %scan3A_686 : i32 to index
      %get3A_774 = arith.constant 48 : index
      %get3A_775 = tpu.vector_load %arg14[%get3A_773, %get3A_774] {strides = array<i32>} : memref<64x128xf32, #tpu.memory_space<vmem>>, vector<1x16xf32>,
      %get3A_776 = vector.shape_cast %get3A_775 : vector<1x16xf32> to vector<16xf32>
      %get3A_777 = arith.index_cast %scan3A_686 : i32 to index
      %get3A_778 = arith.constant 48 : index
      %get3A_779 = tpu.vector_load %arg15[%get3A_777, %get3A_778] {strides = array<i32>} : memref<64x128xf32, #tpu.memory_space<vmem>>, vector<1x16xf32>,
      %get3A_780 = vector.shape_cast %get3A_779 : vector<1x16xf32> to vector<16xf32>
      %get3A_781 = arith.index_cast %scan3A_686 : i32 to index
      %get3A_782 = arith.constant 48 : index
      %get3A_783 = tpu.vector_load %arg16[%get3A_781, %get3A_782] {strides = array<i32>} : memref<64x128xf32, #tpu.memory_space<vmem>>, vector<1x16xf32>,
      %get3A_784 = vector.shape_cast %get3A_783 : vector<1x16xf32> to vector<16xf32>
      %get3A_785 = arith.index_cast %scan3A_686 : i32 to index
      %get3A_786 = arith.constant 48 : index
      %get3A_787 = tpu.vector_load %arg17[%get3A_785, %get3A_786] {strides = array<i32>} : memref<64x128xf32, #tpu.memory_space<vmem>>, vector<1x16xf32>,
      %get3A_788 = vector.shape_cast %get3A_787 : vector<1x16xf32> to vector<16xf32>
      %sub3A_789 = arith.subf %get3A_772, %get3A_776 : vector<16xf32>
      %mul3A_790 = arith.mulf %sub3A_789, %get3A_780 : vector<16xf32>
      %add3A_791 = arith.addf %get3A_772, %get3A_776 : vector<16xf32>
      %mul3A_792 = arith.mulf %add3A_791, %get3A_784 : vector<16xf32>
      %add3A_793 = arith.addf %mul3A_790, %mul3A_792 : vector<16xf32>
      %mul3A_794 = arith.mulf %get3A_788, %add3A_793 : vector<16xf32>
      %add3A_795 = arith.addf %add3A_741, %mul3A_794 : vector<16xf32>
      %get3A_796 = arith.index_cast %scan3A_686 : i32 to index
      %get3A_797 = arith.constant 64 : index
      %get3A_798 = tpu.vector_load %arg13[%get3A_796, %get3A_797] {strides = array<i32>} : memref<64x128xf32, #tpu.memory_space<vmem>>, vector<1x16xf32>,
      %get3A_799 = vector.shape_cast %get3A_798 : vector<1x16xf32> to vector<16xf32>
      %get3A_800 = arith.index_cast %scan3A_686 : i32 to index
      %get3A_801 = arith.constant 64 : index
      %get3A_802 = tpu.vector_load %arg14[%get3A_800, %get3A_801] {strides = array<i32>} : memref<64x128xf32, #tpu.memory_space<vmem>>, vector<1x16xf32>,
      %get3A_803 = vector.shape_cast %get3A_802 : vector<1x16xf32> to vector<16xf32>
      %get3A_804 = arith.index_cast %scan3A_686 : i32 to index
      %get3A_805 = arith.constant 64 : index
      %get3A_806 = tpu.vector_load %arg15[%get3A_804, %get3A_805] {strides = array<i32>} : memref<64x128xf32, #tpu.memory_space<vmem>>, vector<1x16xf32>,
      %get3A_807 = vector.shape_cast %get3A_806 : vector<1x16xf32> to vector<16xf32>
      %get3A_808 = arith.index_cast %scan3A_686 : i32 to index
      %get3A_809 = arith.constant 64 : index
      %get3A_810 = tpu.vector_load %arg16[%get3A_808, %get3A_809] {strides = array<i32>} : memref<64x128xf32, #tpu.memory_space<vmem>>, vector<1x16xf32>,
      %get3A_811 = vector.shape_cast %get3A_810 : vector<1x16xf32> to vector<16xf32>
      %get3A_812 = arith.index_cast %scan3A_686 : i32 to index
      %get3A_813 = arith.constant 64 : index
      %get3A_814 = tpu.vector_load %arg17[%get3A_812, %get3A_813] {strides = array<i32>} : memref<64x128xf32, #tpu.memory_space<vmem>>, vector<1x16xf32>,
      %get3A_815 = vector.shape_cast %get3A_814 : vector<1x16xf32> to vector<16xf32>
      %sub3A_816 = arith.subf %get3A_799, %get3A_803 : vector<16xf32>
      %mul3A_817 = arith.mulf %sub3A_816, %get3A_807 : vector<16xf32>
      %add3A_818 = arith.addf %get3A_799, %get3A_803 : vector<16xf32>
      %mul3A_819 = arith.mulf %add3A_818, %get3A_811 : vector<16xf32>
      %add3A_820 = arith.addf %mul3A_817, %mul3A_819 : vector<16xf32>
      %mul3A_821 = arith.mulf %get3A_815, %add3A_820 : vector<16xf32>
      %add3A_822 = arith.addf %add3A_768, %mul3A_821 : vector<16xf32>
      %get3A_823 = arith.index_cast %scan3A_686 : i32 to index
      %get3A_824 = arith.constant 80 : index
      %get3A_825 = tpu.vector_load %arg13[%get3A_823, %get3A_824] {strides = array<i32>} : memref<64x128xf32, #tpu.memory_space<vmem>>, vector<1x16xf32>,
      %get3A_826 = vector.shape_cast %get3A_825 : vector<1x16xf32> to vector<16xf32>
      %get3A_827 = arith.index_cast %scan3A_686 : i32 to index
      %get3A_828 = arith.constant 80 : index
      %get3A_829 = tpu.vector_load %arg14[%get3A_827, %get3A_828] {strides = array<i32>} : memref<64x128xf32, #tpu.memory_space<vmem>>, vector<1x16xf32>,
      %get3A_830 = vector.shape_cast %get3A_829 : vector<1x16xf32> to vector<16xf32>
      %get3A_831 = arith.index_cast %scan3A_686 : i32 to index
      %get3A_832 = arith.constant 80 : index
      %get3A_833 = tpu.vector_load %arg15[%get3A_831, %get3A_832] {strides = array<i32>} : memref<64x128xf32, #tpu.memory_space<vmem>>, vector<1x16xf32>,
      %get3A_834 = vector.shape_cast %get3A_833 : vector<1x16xf32> to vector<16xf32>
      %get3A_835 = arith.index_cast %scan3A_686 : i32 to index
      %get3A_836 = arith.constant 80 : index
      %get3A_837 = tpu.vector_load %arg16[%get3A_835, %get3A_836] {strides = array<i32>} : memref<64x128xf32, #tpu.memory_space<vmem>>, vector<1x16xf32>,
      %get3A_838 = vector.shape_cast %get3A_837 : vector<1x16xf32> to vector<16xf32>
      %get3A_839 = arith.index_cast %scan3A_686 : i32 to index
      %get3A_840 = arith.constant 80 : index
      %get3A_841 = tpu.vector_load %arg17[%get3A_839, %get3A_840] {strides = array<i32>} : memref<64x128xf32, #tpu.memory_space<vmem>>, vector<1x16xf32>,
      %get3A_842 = vector.shape_cast %get3A_841 : vector<1x16xf32> to vector<16xf32>
      %sub3A_843 = arith.subf %get3A_826, %get3A_830 : vector<16xf32>
      %mul3A_844 = arith.mulf %sub3A_843, %get3A_834 : vector<16xf32>
      %add3A_845 = arith.addf %get3A_826, %get3A_830 : vector<16xf32>
      %mul3A_846 = arith.mulf %add3A_845, %get3A_838 : vector<16xf32>
      %add3A_847 = arith.addf %mul3A_844, %mul3A_846 : vector<16xf32>
      %mul3A_848 = arith.mulf %get3A_842, %add3A_847 : vector<16xf32>
      %add3A_849 = arith.addf %add3A_795, %mul3A_848 : vector<16xf32>
      %get3A_850 = arith.index_cast %scan3A_686 : i32 to index
      %get3A_851 = arith.constant 96 : index
      %get3A_852 = tpu.vector_load %arg13[%get3A_850, %get3A_851] {strides = array<i32>} : memref<64x128xf32, #tpu.memory_space<vmem>>, vector<1x16xf32>,
      %get3A_853 = vector.shape_cast %get3A_852 : vector<1x16xf32> to vector<16xf32>
      %get3A_854 = arith.index_cast %scan3A_686 : i32 to index
      %get3A_855 = arith.constant 96 : index
      %get3A_856 = tpu.vector_load %arg14[%get3A_854, %get3A_855] {strides = array<i32>} : memref<64x128xf32, #tpu.memory_space<vmem>>, vector<1x16xf32>,
      %get3A_857 = vector.shape_cast %get3A_856 : vector<1x16xf32> to vector<16xf32>
      %get3A_858 = arith.index_cast %scan3A_686 : i32 to index
      %get3A_859 = arith.constant 96 : index
      %get3A_860 = tpu.vector_load %arg15[%get3A_858, %get3A_859] {strides = array<i32>} : memref<64x128xf32, #tpu.memory_space<vmem>>, vector<1x16xf32>,
      %get3A_861 = vector.shape_cast %get3A_860 : vector<1x16xf32> to vector<16xf32>
      %get3A_862 = arith.index_cast %scan3A_686 : i32 to index
      %get3A_863 = arith.constant 96 : index
      %get3A_864 = tpu.vector_load %arg16[%get3A_862, %get3A_863] {strides = array<i32>} : memref<64x128xf32, #tpu.memory_space<vmem>>, vector<1x16xf32>,
      %get3A_865 = vector.shape_cast %get3A_864 : vector<1x16xf32> to vector<16xf32>
      %get3A_866 = arith.index_cast %scan3A_686 : i32 to index
      %get3A_867 = arith.constant 96 : index
      %get3A_868 = tpu.vector_load %arg17[%get3A_866, %get3A_867] {strides = array<i32>} : memref<64x128xf32, #tpu.memory_space<vmem>>, vector<1x16xf32>,
      %get3A_869 = vector.shape_cast %get3A_868 : vector<1x16xf32> to vector<16xf32>
      %sub3A_870 = arith.subf %get3A_853, %get3A_857 : vector<16xf32>
      %mul3A_871 = arith.mulf %sub3A_870, %get3A_861 : vector<16xf32>
      %add3A_872 = arith.addf %get3A_853, %get3A_857 : vector<16xf32>
      %mul3A_873 = arith.mulf %add3A_872, %get3A_865 : vector<16xf32>
      %add3A_874 = arith.addf %mul3A_871, %mul3A_873 : vector<16xf32>
      %mul3A_875 = arith.mulf %get3A_869, %add3A_874 : vector<16xf32>
      %add3A_876 = arith.addf %add3A_822, %mul3A_875 : vector<16xf32>
      %get3A_877 = arith.index_cast %scan3A_686 : i32 to index
      %get3A_878 = arith.constant 112 : index
      %get3A_879 = tpu.vector_load %arg13[%get3A_877, %get3A_878] {strides = array<i32>} : memref<64x128xf32, #tpu.memory_space<vmem>>, vector<1x16xf32>,
      %get3A_880 = vector.shape_cast %get3A_879 : vector<1x16xf32> to vector<16xf32>
      %get3A_881 = arith.index_cast %scan3A_686 : i32 to index
      %get3A_882 = arith.constant 112 : index
      %get3A_883 = tpu.vector_load %arg14[%get3A_881, %get3A_882] {strides = array<i32>} : memref<64x128xf32, #tpu.memory_space<vmem>>, vector<1x16xf32>,
      %get3A_884 = vector.shape_cast %get3A_883 : vector<1x16xf32> to vector<16xf32>
      %get3A_885 = arith.index_cast %scan3A_686 : i32 to index
      %get3A_886 = arith.constant 112 : index
      %get3A_887 = tpu.vector_load %arg15[%get3A_885, %get3A_886] {strides = array<i32>} : memref<64x128xf32, #tpu.memory_space<vmem>>, vector<1x16xf32>,
      %get3A_888 = vector.shape_cast %get3A_887 : vector<1x16xf32> to vector<16xf32>
      %get3A_889 = arith.index_cast %scan3A_686 : i32 to index
      %get3A_890 = arith.constant 112 : index
      %get3A_891 = tpu.vector_load %arg16[%get3A_889, %get3A_890] {strides = array<i32>} : memref<64x128xf32, #tpu.memory_space<vmem>>, vector<1x16xf32>,
      %get3A_892 = vector.shape_cast %get3A_891 : vector<1x16xf32> to vector<16xf32>
      %get3A_893 = arith.index_cast %scan3A_686 : i32 to index
      %get3A_894 = arith.constant 112 : index
      %get3A_895 = tpu.vector_load %arg17[%get3A_893, %get3A_894] {strides = array<i32>} : memref<64x128xf32, #tpu.memory_space<vmem>>, vector<1x16xf32>,
      %get3A_896 = vector.shape_cast %get3A_895 : vector<1x16xf32> to vector<16xf32>
      %sub3A_897 = arith.subf %get3A_880, %get3A_884 : vector<16xf32>
      %mul3A_898 = arith.mulf %sub3A_897, %get3A_888 : vector<16xf32>
      %add3A_899 = arith.addf %get3A_880, %get3A_884 : vector<16xf32>
      %mul3A_900 = arith.mulf %add3A_899, %get3A_892 : vector<16xf32>
      %add3A_901 = arith.addf %mul3A_898, %mul3A_900 : vector<16xf32>
      %mul3A_902 = arith.mulf %get3A_896, %add3A_901 : vector<16xf32>
      %add3A_903 = arith.addf %add3A_849, %mul3A_902 : vector<16xf32>
      %add3A_904 = arith.addf %add3A_876, %add3A_903 : vector<16xf32>
      %add3A_905 = arith.constant 448 : i32
      %add3A_906 = arith.addi %add3A_905, %scan3A_686 : i32
      %swap3A = arith.index_cast %add3A_906 : i32 to index
      %swap3A_907 = arith.constant 0 : index
      %swap3A_908 = tpu.vector_load %arg18[%swap3A, %swap3A_907] {strides = array<i32>} : memref<512x16xf32, #tpu.memory_space<vmem>>, vector<1x16xf32>,
      %swap3A_909 = vector.shape_cast %swap3A_908 : vector<1x16xf32> to vector<16xf32>
      %swap3A_910 = vector.shape_cast %add3A_904 : vector<16xf32> to vector<1x16xf32>
      tpu.vector_store %arg18[%swap3A, %swap3A_907], %swap3A_910 {strides = array<i32>} : memref<512x16xf32, #tpu.memory_space<vmem>>, vector<1x16xf32>,
    }
    %scan3A_685 = arith.constant 64 : i32
    "tpu.region"() ({
      %run_scoped3A = tpu.sem_alloc : memref<!tpu.dma_semaphore, #tpu.memory_space<semaphore_mem>>
      %dma_start3A_686 = arith.constant 0 : i32
      %dma_start3A_687 = arith.constant 0 : i32
      %dma_start3A_688 = tpu.memref_slice %arg6[%add3A, %dma_start3A_686, %dma_start3A_687] : memref<32x512x16xf32, #tpu.memory_space<hbm>> -> memref<1x512x16xf32, #tpu.memory_space<hbm>>
      %dma_start3A_689 = tpu.memref_squeeze %dma_start3A_688 : memref<1x512x16xf32, #tpu.memory_space<hbm>> -> memref<512x16xf32, #tpu.memory_space<hbm>>
      %dma_start3A_690 = arith.constant 0 : i32
      %dma_start3A_691 = arith.constant 0 : i32
      %dma_start3A_692 = tpu.memref_slice %arg6[%add3A, %dma_start3A_690, %dma_start3A_691] : memref<32x512x16xf32, #tpu.memory_space<hbm>> -> memref<1x512x16xf32, #tpu.memory_space<hbm>>
      %dma_start3A_693 = tpu.memref_squeeze %dma_start3A_692 : memref<1x512x16xf32, #tpu.memory_space<hbm>> -> memref<512x16xf32, #tpu.memory_space<hbm>>
      tpu.enqueue_dma source(%arg18 : memref<512x16xf32, #tpu.memory_space<vmem>>) target(%dma_start3A_693 : memref<512x16xf32, #tpu.memory_space<hbm>>) target_semaphore(%run_scoped3A : memref<!tpu.dma_semaphore, #tpu.memory_space<semaphore_mem>>)
      %dma_wait3A_694 = arith.constant 0 : i32
      %dma_wait3A_695 = arith.constant 0 : i32
      %dma_wait3A_696 = tpu.memref_slice %arg6[%add3A, %dma_wait3A_694, %dma_wait3A_695] : memref<32x512x16xf32, #tpu.memory_space<hbm>> -> memref<1x512x16xf32, #tpu.memory_space<hbm>>
      %dma_wait3A_697 = tpu.memref_squeeze %dma_wait3A_696 : memref<1x512x16xf32, #tpu.memory_space<hbm>> -> memref<512x16xf32, #tpu.memory_space<hbm>>
      %dma_wait3A_698 = arith.constant 0 : i32
      %dma_wait3A_699 = arith.constant 0 : i32
      %dma_wait3A_700 = tpu.memref_slice %arg6[%add3A, %dma_wait3A_698, %dma_wait3A_699] : memref<32x512x16xf32, #tpu.memory_space<hbm>> -> memref<1x512x16xf32, #tpu.memory_space<hbm>>
      %dma_wait3A_701 = tpu.memref_squeeze %dma_wait3A_700 : memref<1x512x16xf32, #tpu.memory_space<hbm>> -> memref<512x16xf32, #tpu.memory_space<hbm>>
      tpu.wait_dma2 semaphore(%run_scoped3A : memref<!tpu.dma_semaphore, #tpu.memory_space<semaphore_mem>>) src(%arg18 : memref<512x16xf32, #tpu.memory_space<vmem>>) dst(%dma_wait3A_701 : memref<512x16xf32, #tpu.memory_space<hbm>>)
      tpu.yield
    }) : () -> ()
    return
  }
}

module attributes {stable_mosaic.version = 14 : i64} {
  func.func @_bce_body(%arg0: memref<2048x128xf32, #tpu.memory_space<vmem>>, %arg1: memref<2048x8xf32, #tpu.memory_space<vmem>>, %arg2: memref<1x1xf32, #tpu.memory_space<smem>>) attributes {dimension_semantics = [], scalar_prefetch = 0 : i64, scratch_operands = 0 : i64, tpu.core_type = #tpu.core_type<tc>} {
    %get3A = arith.constant 0 : index
    %get3A_0 = arith.constant 0 : index
    %get3A_1 = vector.load %arg0[%get3A, %get3A_0] : memref<2048x128xf32, #tpu.memory_space<vmem>>, vector<2048x128xf32>
    %iota3A = tpu.iota {dimensions = array<i32: 0>} : vector<128x8xi32>
    %jit3A = arith.constant 16 : i32
    %div3A = vector.broadcast %jit3A : i32 to vector<128x8xi32>
    %div3A_2 = arith.divsi %iota3A, %div3A : vector<128x8xi32>
    %sign3A = arith.constant 0 : i32
    %sign3A_3 = vector.broadcast %sign3A : i32 to vector<128x8xi32>
    %sign3A_4 = arith.cmpi sgt, %iota3A, %sign3A_3 : vector<128x8xi32>
    %sign3A_5 = arith.extui %sign3A_4 : vector<128x8xi1> to vector<128x8xi32>
    %sign3A_6 = arith.constant 0 : i32
    %sign3A_7 = vector.broadcast %sign3A_6 : i32 to vector<128x8xi32>
    %sign3A_8 = arith.cmpi slt, %iota3A, %sign3A_7 : vector<128x8xi32>
    %sign3A_9 = arith.extui %sign3A_8 : vector<128x8xi1> to vector<128x8xi32>
    %sign3A_10 = arith.subi %sign3A_5, %sign3A_9 : vector<128x8xi32>
    %sign3A_11 = arith.constant 0 : i32
    %sign3A_12 = arith.cmpi sgt, %jit3A, %sign3A_11 : i32
    %sign3A_13 = arith.extui %sign3A_12 : i1 to i32
    %sign3A_14 = arith.constant 0 : i32
    %sign3A_15 = arith.cmpi slt, %jit3A, %sign3A_14 : i32
    %sign3A_16 = arith.extui %sign3A_15 : i1 to i32
    %sign3A_17 = arith.subi %sign3A_13, %sign3A_16 : i32
    %ne3A = vector.broadcast %sign3A_17 : i32 to vector<128x8xi32>
    %ne3A_18 = arith.cmpi ne, %sign3A_10, %ne3A : vector<128x8xi32>
    %rem3A = vector.broadcast %jit3A : i32 to vector<128x8xi32>
    %rem3A_19 = arith.remsi %iota3A, %rem3A : vector<128x8xi32>
    %ne3A_20 = arith.constant 0 : i32
    %ne3A_21 = vector.broadcast %ne3A_20 : i32 to vector<128x8xi32>
    %ne3A_22 = arith.cmpi ne, %rem3A_19, %ne3A_21 : vector<128x8xi32>
    %and3A = arith.andi %ne3A_18, %ne3A_22 : vector<128x8xi1>
    %sub3A = arith.constant 1 : i32
    %sub3A_23 = vector.broadcast %sub3A : i32 to vector<128x8xi32>
    %sub3A_24 = arith.subi %div3A_2, %sub3A_23 : vector<128x8xi32>
    %select_n3A = arith.select %and3A, %sub3A_24, %div3A_2 : vector<128x8xi1>, vector<128x8xi32>
    %iota3A_25 = tpu.iota {dimensions = array<i32: 1>} : vector<128x8xi32>
    %eq3A = arith.cmpi eq, %select_n3A, %iota3A_25 : vector<128x8xi32>
    %convert_element_type3A = arith.extui %eq3A : vector<128x8xi1> to vector<128x8xi32>
    %convert_element_type3A_26 = arith.sitofp %convert_element_type3A : vector<128x8xi32> to vector<128x8xf32>
    %dot_general3A = arith.constant dense<0.000000e+00> : vector<2048x8xf32>
    %dot_general3A_27 = tpu.matmul %get3A_1, %convert_element_type3A_26, %dot_general3A {dimension_numbers = #tpu.dot_dimension_numbers<[1], [0], [0], [1], [0, 0, 1, 1], [], []>, transpose_lhs_hint = false} : vector<2048x128xf32>, vector<128x8xf32>, vector<2048x8xf32> -> vector<2048x8xf32>
    %neg3A = arith.constant 0.000000e+00 : f32
    %neg3A_28 = vector.broadcast %neg3A : f32 to vector<2048x8xf32>
    %neg3A_29 = arith.subf %neg3A_28, %dot_general3A_27 : vector<2048x8xf32>
    %jit3A_30 = arith.constant 0.000000e+00 : f32
    %jit3A_31 = arith.constant 1.000000e+00 : f32
    %max3A = vector.broadcast %jit3A_30 : f32 to vector<2048x8xf32>
    %max3A_32 = arith.maximumf %max3A, %neg3A_29 : vector<2048x8xf32>
    %min3A = vector.broadcast %jit3A_31 : f32 to vector<2048x8xf32>
    %min3A_33 = arith.minimumf %min3A, %max3A_32 : vector<2048x8xf32>
    %max3A_34 = arith.constant 0.000000e+00 : f32
    %max3A_35 = vector.broadcast %max3A_34 : f32 to vector<2048x8xf32>
    %max3A_36 = arith.maximumf %min3A_33, %max3A_35 : vector<2048x8xf32>
    %get3A_37 = arith.constant 0 : index
    %get3A_38 = arith.constant 0 : index
    %get3A_39 = vector.load %arg1[%get3A_37, %get3A_38] : memref<2048x8xf32, #tpu.memory_space<vmem>>, vector<2048x8xf32>
    %mul3A = arith.mulf %min3A_33, %get3A_39 : vector<2048x8xf32>
    %sub3A_40 = arith.subf %max3A_36, %mul3A : vector<2048x8xf32>
    %abs3A = math.absf %min3A_33 : vector<2048x8xf32>
    %neg3A_41 = arith.constant 0.000000e+00 : f32
    %neg3A_42 = vector.broadcast %neg3A_41 : f32 to vector<2048x8xf32>
    %neg3A_43 = arith.subf %neg3A_42, %abs3A : vector<2048x8xf32>
    %exp3A = math.exp %neg3A_43 : vector<2048x8xf32>
    %log1p3A = math.log1p %exp3A : vector<2048x8xf32>
    %add3A = arith.addf %sub3A_40, %log1p3A : vector<2048x8xf32>
    %reduce_sum3A = vector.shape_cast %add3A : vector<2048x8xf32> to vector<1x2048x8xf32>
    %reduce_sum3A_44 = arith.constant dense<0.000000e+00> : vector<1xf32>
    %reduce_sum3A_45 = vector.multi_reduction <add>, %reduce_sum3A, %reduce_sum3A_44 [1, 2] : vector<1x2048x8xf32> to vector<1xf32>
    %reduce_sum3A_46 = vector.shape_cast %reduce_sum3A_45 : vector<1xf32> to vector<1x1x1xf32>
    %reduce_sum3A_47 = vector.extract %reduce_sum3A_46[0, 0, 0] : f32 from vector<1x1x1xf32>
    %mul3A_48 = arith.constant 6.10351563E-5 : f32
    %mul3A_49 = arith.mulf %reduce_sum3A_47, %mul3A_48 : f32
    %swap3A = arith.constant 0 : index
    %swap3A_50 = arith.constant 0 : index
    %swap3A_51 = memref.load %arg2[%swap3A, %swap3A_50] : memref<1x1xf32, #tpu.memory_space<smem>>
    memref.store %mul3A_49, %arg2[%swap3A, %swap3A_50] : memref<1x1xf32, #tpu.memory_space<smem>>
    return
  }
}

</mosaic_0001>

<sc_bundles>
// kernel: kernel.4.cloned.1.call-start
scs
__scs_entry_jumppad:
0x0: {  	(pc) =	sbr.rel $0x88, $3  }
0x1: {  	(tag) =	ssettag $0x0;
	lr =	simm.s32 $0x1  }
0x2: {  	[smem:$0x3F9D] =	sst lr;
	_ =	strace $0xD0000000  }
0x3: {  	_ = 	snop  }
0x4: {  	_ = 	snop  }
0x5: {  	_ = 	snop  }
0x6: {  	_ = 	snop  }
0x7: {  	_ = 	snop  }
__scs_overlays_trampoline_lowered:
0x8: {  	[smem:$0x3FAC] =	sst s0  }
0x9: {  	[smem:$0x3FAD] =	sst s1  }
0xa: {  	[smem:$0x3FAE] =	sst s2  }
0xb: {  	[smem:$0x3FAF] =	sst s3  }
0xc: {  	[smem:$0x3FB0] =	sst s4  }
0xd: {  	[smem:$0x3FB1] =	sst s5  }
0xe: {  	[smem:$0x3FB2] =	sst s6  }
0xf: {  	[smem:$0x3FB3] =	sst s7  }
0x10: {  	[smem:$0x3FB4] =	sst s8  }
0x11: {  	[smem:$0x3FB5] =	sst s9;
	s0 =	simm.s32 @!p0 $0x0  }
0x12: {  	s1 =	sld [smem:$0x3F9B];
	s0 =	simm.s32 @p0 $0x1  }
0x13: {  	[smem:$0x3FB6] =	sst s0;
	s0 =	simm.s32 @!p1 $0x0  }
0x14: {  	s2 =	sld [smem:$0x3F9A];
	s0 =	simm.s32 @p1 $0x1  }
0x15: {  	[smem:$0x3FB7] =	sst s0;
	s0 =	simm.s32 @!p2 $0x0  }
0x16: {  	s3 =	sld [smem:$0x3FDB];
	s0 =	simm.s32 @p2 $0x1  }
0x17: {  	s4 =	simm.s32 $0x1BF5;
	[smem:$0x3FB9] =	sst s0  }
0x18: {  	s0 =	sld [smem:$0x3F9C];
	_ =	swait.ge [sflag:s4], $0x0  }
0x19: {  	s7 =	sld [smem:$0x3F9D]  }
0x1a: {  	s8 =	sadd.s32 $0xFFFFE003, lr  }
0x1b: {  	s9 =	sadd.s32 $0xFFFFFEF7, lr;
	s5 =	simm.s32 $0xFFFFFFFF;
	p2 =	slt.u32 s8, $0xFFFFF086  }
0x1c: {  	p1 =	slt.u32 s9, $0xF7A;
	s5 =	simm.s32 @!p2 $0x0  }
0x1d: {  	s5 =	simm.s32 @p1 $0x1;
	p0 =	seq.s32 s7, s2  }
0x1e: {  	s7 =	smul.u32 @!p0 $0xF7A, s2;
	p2 =	seq.s32 @!p0 s5, $0x0  }
0x1f: {  	s9 =	smul.u32 $0xF7A, s1;
	s8 =	simm.s32 @!p0 $0x1BF5;
	p2 =	por !p2, p0  }
0x20: {  	[sflag:s8] =	ssyncset.s32 @!p0 $0xFFFFF086;
	s6 =	sadd.s32 @!p0 s3, s7;
	s7 =	simm.s32 @!p0 $0x108  }
0x21: {  	s3 =	sadd.s32 s3, s9;
	s6 =	sadd.s32 @!p0 $0x88, s6;
	s7 =	simm.s32 @p2 $0x1082  }
0x22: {  	[simem:s7], [sflag:s8] =	dma.local @!p0 [hbm:s6], $0xF7A  }
0x23: {  	s9 =	sor.u32 $0xD0000000, s2;
	s6 =	simm.s32 $0x108;
	_ =	swait.ge @!p0 [sflag:s8], $0x0  }
0x24: {  	s3 =	sadd.s32 $0x88, s3;
	s6 =	simm.s32 @!p1 $0x1082;
	[sflag:s4] =	ssyncset.s32 $0xFFFFF086  }
0x25: {  	[simem:s6], [sflag:s4] =	dma.local [hbm:s3], $0xF7A  }
0x26: {  	[smem:$0x3F9D] =	sst s1;
	(tag) =	ssettag s2;
	_ =	strace s9  }
0x27: {  	s1 =	sld [smem:$0x3FAD]  }
0x28: {  	s2 =	sld [smem:$0x3FAE]  }
0x29: {  	s4 =	sld [smem:$0x3FB0]  }
0x2a: {  	p0 =	seq.s32 s5, $0x0;
	s5 =	sld [smem:$0x3FB1]  }
0x2b: {  	s6 =	sld [smem:$0x3FB2]  }
0x2c: {  	s7 =	sld [smem:$0x3FB3]  }
0x2d: {  	s3 =	simm.s32 $0x108;
	s8 =	sld [smem:$0x3FB4]  }
0x2e: {  	s3 =	simm.s32 @!p0 $0x1082;
	s9 =	sld [smem:$0x3FB5]  }
0x2f: {  	lr =	sadd.s32 s0, s3;
	s0 =	sld [smem:$0x3FAC]  }
0x30: {  	s3 =	sld [smem:$0x3FAF]  }
0x31: {  	[smem:$0x3FB8] =	sst s10  }
0x32: {  	s10 =	sld [smem:$0x3FB6];
	_ =	sdelay $0x3  }
0x33: {  	p0 =	seq.s32 s10, $0x1;
	s10 =	sld [smem:$0x3FB8];
	_ =	sdelay $0x3  }
0x34: {  	[smem:$0x3FB8] =	sst s10  }
0x35: {  	s10 =	sld [smem:$0x3FB7];
	_ =	sdelay $0x3  }
0x36: {  	p1 =	seq.s32 s10, $0x1;
	s10 =	sld [smem:$0x3FB8];
	_ =	sdelay $0x3  }
0x37: {  	[smem:$0x3FB8] =	sst s10  }
0x38: {  	s10 =	sld [smem:$0x3FB9]  }
0x39: {  	_ = 	snop;
	(pc) =	sbr.ind lr, $3  }
0x3a: {  	_ = 	snop  }
0x3b: {  	_ = 	snop  }
0x3c: {  	p2 =	seq.s32 s10, $0x1;
	s10 =	sld [smem:$0x3FB8]  }
0x3d: {  	_ =	shalt  }
0x3e: {  	_ =	shalt  }
0x3f: {  	_ =	shalt  }
0x40: {  	_ =	shalt  }
0x41: {  	_ =	shalt  }
0x42: {  	_ =	shalt  }
0x43: {  	_ =	shalt  }
0x44: {  	_ =	shalt  }
0x45: {  	_ =	shalt  }
0x46: {  	_ =	shalt  }
0x47: {  	_ =	shalt  }
0x48: {  	_ =	shalt  }
0x49: {  	_ =	shalt  }
0x4a: {  	_ =	shalt  }
0x4b: {  	_ =	shalt  }
0x4c: {  	_ =	shalt  }
0x4d: {  	_ =	shalt  }
0x4e: {  	_ =	shalt  }
0x4f: {  	_ =	shalt  }
0x50: {  	_ =	shalt  }
0x51: {  	_ =	shalt  }
0x52: {  	_ =	shalt  }
0x53: {  	_ =	shalt  }
0x54: {  	_ =	shalt  }
0x55: {  	_ =	shalt  }
0x56: {  	_ =	shalt  }
0x57: {  	_ =	shalt  }
0x58: {  	_ =	shalt  }
0x59: {  	_ =	shalt  }
0x5a: {  	_ =	shalt  }
0x5b: {  	_ =	shalt  }
0x5c: {  	_ =	shalt  }
0x5d: {  	_ =	shalt  }
0x5e: {  	_ =	shalt  }
0x5f: {  	_ =	shalt  }
0x60: {  	_ =	shalt  }
0x61: {  	_ =	shalt  }
0x62: {  	_ =	shalt  }
0x63: {  	_ =	shalt  }
0x64: {  	_ =	shalt  }
0x65: {  	_ =	shalt  }
0x66: {  	_ =	shalt  }
0x67: {  	_ =	shalt  }
0x68: {  	_ =	shalt  }
0x69: {  	_ =	shalt  }
0x6a: {  	_ =	shalt  }
0x6b: {  	_ =	shalt  }
0x6c: {  	_ =	shalt  }
0x6d: {  	_ =	shalt  }
0x6e: {  	_ =	shalt  }
0x6f: {  	_ =	shalt  }
0x70: {  	_ =	shalt  }
0x71: {  	_ =	shalt  }
0x72: {  	_ =	shalt  }
0x73: {  	_ =	shalt  }
0x74: {  	_ =	shalt  }
0x75: {  	_ =	shalt  }
0x76: {  	_ =	shalt  }
0x77: {  	_ =	shalt  }
0x78: {  	_ =	shalt  }
0x79: {  	_ =	shalt  }
0x7a: {  	_ =	shalt  }
0x7b: {  	_ =	shalt  }
0x7c: {  	_ =	shalt  }
0x7d: {  	_ =	shalt  }
0x7e: {  	_ =	shalt  }
0x7f: {  	_ =	shalt  }
0x80: {  	_ =	shalt  }
0x81: {  	_ =	shalt  }
0x82: {  	_ =	shalt  }
0x83: {  	_ =	shalt  }
0x84: {  	_ =	shalt  }
0x85: {  	_ =	shalt  }
0x86: {  	_ =	shalt  }
0x87: {  	_ =	shalt  }
.Lfunc_end0:
.L_simem_size_0:
called_computation_lowered:
.L_overlay_start_0:
0x88: {  	s2 =	sld [smem:$0x3FD9]  }
0x89: {  	s3 =	sld [smem:$0x3FFE];
	_ =	sdelay $0x1  }
0x8a: {  	s1 =	srdreg.scid  }
0x8b: {  	s0 =	sand.u32 $0x1, s1  }
0x8c: {  	s17 =	sshll.u32 s0, $0xA;
	s2 =	sadd.s32 s3, s2  }
0x8d: {  	s2 =	sadd.s32 s2, s17  }
0x8e: {  	[smem:$0x3FC4] =	sst s2  }
0x8f: {  	_ = 	snop  }
0x90: {  	s2 =	sld [smem:$0x3FC8]  }
0x91: {  	s18 =	sld [smem:$0x3FC7]  }
0x92: {  	s4 =	sld [smem:$0x3FC6];
	(tm) =	ssettm $0x1  }
0x93: {  	s5 =	sld [smem:$0x3FFB];
	_ =	sdelay $0x3  }
0x94: {  	_ =	strace s5  }
0x95: {  	s5 =	sld [smem:$0x3FFC];
	_ =	sdelay $0x3  }
0x96: {  	_ =	strace s5  }
0x97: {  	s5 =	sld [smem:$0x3FFD];
	_ =	sdelay $0x3  }
0x98: {  	_ =	strace s5  }
0x99: {  	_ =	strace $0x8FFFFFFF  }
0x9a: {  	s19 =	sld [smem:$0x3FDB];
	_ =	sdelay $0x1  }
0x9b: {  	s6 =	simm.s32 $_scs_section_size  }
0x9c: {  	s7 =	simm.s32 $_size__tile_overlayer_lowered;
	s8 =	simm.s32 $_tile_overlayer_lowered  }
0x9d: {  	s22 =	simm.s32 $0x1BFF;
	s21 =	sshll.u32 s8, $0x1;
	s5 =	sadd.s32 s6, s19  }
0x9e: {  	s9 =	simm.s32 $0x0;
	s20 =	sshll.u32 s7, $0x1;
	s7 =	sadd.s32 s21, s5  }
0x9f: {  	[timem:s9], [sflag:s22] =	dma.local [hbm:s7], s20  }
0xa0: {  	_ =	swait.ge [sflag:s22], s20  }
0xa1: {  	s6 =	ssub.s32 $0x0, s20;
	[sflag:s22] =	ssyncset.done $0x0  }
0xa2: {  	[sflag:s22] =	ssyncadd.s32 s6;
	_ =	sdelay $0x1  }
0xa3: {  	s23 =	simm.s32 $0x1B8B  }
0xa4: {  	_ =	swait.ge [sflag:s23], $0x1  }
0xa5: {  	[sflag:s23] =	ssyncset.done $0x0  }
0xa6: {  	s25 =	simm.s32 $0x1B8E;
	s24 =	sld [smem:$0x3FFE];
	[sflag:s23] =	ssyncadd.s32 $0xFFFFFFFF  }
0xa7: {  	s26 =	simm.s32 $execute0_lowered;
	[smem:$0x3FD2] =	sst s25  }
0xa8: {  	s7 =	sshll.u32 s26, $0x1;
	_ =	strace $0x80000046;
	[dreg:$0x1] =	wrdreg $0xFFFFFFFF  }
0xa9: {  	s28 =	simm.s32 $_size_execute0_lowered;
	s5 =	sadd.s32 s5, s7;
	[dreg:$0x0] =	wrdreg $0x0  }
0xaa: {  	s7 =	sshll.u32 s28, $0x1;
	[dreg:$0x2] =	wrdreg s5  }
0xab: {  	[dreg:$0x3] =	wrdreg s7  }
0xac: {  	[dreg:$0x4] =	wrdreg $0xC0  }
0xad: {  	_ =	task [dreg:s9], $0x5FFFF  }
0xae: {  	[dreg:$0x1] =	wrdreg $0xFFFFFFFF  }
0xaf: {  	[dreg:$0x0] =	wrdreg $0x60  }
0xb0: {  	[dreg:$0x2] =	wrdreg s24  }
0xb1: {  	[dreg:$0x3] =	wrdreg s2  }
0xb2: {  	[dreg:$0x4] =	wrdreg s18  }
0xb3: {  	[dreg:$0x5] =	wrdreg s4  }
0xb4: {  	[dreg:$0x6] =	wrdreg $0x9  }
0xb5: {  	_ =	task.clear_ibuf [dreg:s9], $0x7FFFF;
	_ =	strace $0x90000046  }
0xb6: {  	s29 =	simm.s32 $0x9;
	_ =	strace $0x80000048  }
0xb7: {  	_ =	swait.ge [sflag:s29], $0x1  }
0xb8: {  	[sflag:s29] =	ssyncadd.s32 $0xFFFFFFFF  }
0xb9: {  	_ =	strace $0x90000048  }
0xba: {  	_ =	sfence  }
0xbb: {  	s30 =	sld [smem:$0x0];
	_ =	sdelay $0x2  }
0xbc: {  	s31 =	sshll.u32 s1, $0xD;
	s1 =	sshrl.u32 s1, $0x2  }
0xbd: {  	s3 =	sand.u32 $0x4000, s31;
	s1 =	sadd.s32 s1, s30  }
0xbe: {  	s0 =	sor.u32 s3, s0;
	s1 =	sshll.u32 s1, $0x11  }
0xbf: {  	s0 =	sor.u32 s1, s0  }
0xc0: {  	s0 =	sadd.s32 $0x8F2B, s0  }
0xc1: {  	[sflag:s0] =	ssyncadd.remote.s32 $0x1  }
0xc2: {  	_ =	sfence.sel $0xFFFF  }
0xc3: {  	[dreg:$0x0] =	wrdreg $0xFFFFFFFF;
	(pc) =	sbr.abs _section_cstart, $3  }
0xc4: {  	[dreg:$0x1] =	wrdreg $0xFFFFFFFF  }
0xc5: {  	_ =	task.clear_ibuf [dreg:s9], $0x2FFFF;
	_ =	strace $0x9FFFFFFF  }
0xc6: {  	(tm) =	ssettm $0x7FFFFFFF  }
0xc7: {  	_ =	shalt  }
tec
execute0_lowered:
.L_overlay_start_1:
0x0: {  	(tag) =	ssettag $0x1  }
0x1: {  	s0 =	rddreg [dreg:$0x0]  }
0x2: {  	s1 =	rddreg [dreg:$0x1]  }
0x3: {  	s3 =	rddreg [dreg:$0x2];
	s2 =	srdreg.scid  }
0x4: {  	s5 =	stileid.u32;
	s4 =	rddreg [dreg:$0x3];
	s9 =	simm.s32 $0x3  }
0x5: {  	s10 =	simm.s32 $0x40;
	s11 =	simm.s32 $0x600;
	s12 =	simm.s32 $0x2600  }
0x6: {  	s14 =	simm.s32 $0x4600;
	s15 =	simm.s32 $0x6600;
	s17 =	simm.s32 $0x8600  }
0x7: {  	s18 =	simm.s32 $0xA600;
	s19 =	simm.s32 $0xC600;
	s21 =	simm.s32 $0xE600  }
0x8: {  	s22 =	simm.s32 $0x10600;
	s24 =	simm.s32 $0x12600;
	s25 =	simm.s32 $0x1  }
0x9: {  	s30 =	simm.s32 $0x2;
	s29 =	simm.s32 $0x540;
	s13 =	simm.s32 $0x180  }
0xa: {  	s20 =	simm.s32 $0x580;
	s28 =	simm.s32 $0x5C0;
	s31 =	simm.s32 $0x14600  }
0xb: {  	s2 =	sand.u32 $0x1, s2;
	s6 =	sshll.u32 s5, $0x1;
	s5 =	simm.s32 $0x0  }
0xc: {  	s6 =	sor.u32 s2, s6;
	[smem:$0x7FF] =	sst s5;
	s2 =	ssub.s32 $0x2, s2  }
0xd: {  	s7 =	smul.u32 $0xC0, s6;
	_ =	strace $0x80000047;
	s26 =	sshrl.u32 s2, $0x1  }
0xe: {  	s6 =	sshll.u32 s6, $0xA;
	s2 =	ssub.s32 s2, s26;
	s26 =	simm.s32 $0x1C0  }
0xf: {  	s7 =	sadd.s32 s7, s0;
	s0 =	sadd.s32 s6, s0;
	s8 =	smax.u32 s2, $0x1  }
0x10: {  	s2 =	simm.s32 $0x0;
	s6 =	sadd.s32 $0x200, s7;
	s7 =	sadd.s32 $0x1A00, s0  }
.LBB2_1:
0x11: {  	[tilespmem:s5], [sflag:$0x3] =	stream.linear.gather [hbm4b:s6+s5], $0x600, $0x38;
	[tilespmem:$0x16600] =	vst v63  }
0x12: {  	_ =	swait.ge [sflag:s9], $0x600  }
0x13: {  	[sflag:s9] =	ssyncset.done $0x0  }
0x14: {  	[sflag:s9] =	ssyncadd.s32 $0xFFFFFA00  }
0x15: {  	[tilespmem:s11], [sflag:$0x1] =	stream.indirect.gather [hbm4b:s1+s10], $0x80, s5, s10, $0xb8;
	[tilespmem:$0x16600] =	vst v63  }
0x16: {  	_ = 	snop  }
0x17: {  	[tilespmem:s12], [sflag:$0x1] =	stream.indirect.gather [hbm4b:s3+s10], $0x80, s5, s10, $0xb8;
	[tilespmem:$0x16600] =	vst v63  }
0x18: {  	s0 =	simm.s32 $0x400  }
0x19: {  	[tilespmem:s14], [sflag:$0x1] =	stream.indirect.gather [hbm4b:s1+s10], $0x80, s0, s10, $0xb8;
	[tilespmem:$0x16600] =	vst v63  }
0x1a: {  	_ = 	snop  }
0x1b: {  	[tilespmem:s15], [sflag:$0x1] =	stream.indirect.gather [hbm4b:s3+s10], $0x80, s0, s10, $0xb8;
	[tilespmem:$0x16600] =	vst v63  }
0x1c: {  	s16 =	simm.s32 $0x200  }
0x1d: {  	[tilespmem:s17], [sflag:$0x1] =	stream.indirect.gather [hbm4b:s4+s10], $0x80, s16, s10, $0xb8;
	[tilespmem:$0x16600] =	vst v63  }
0x1e: {  	_ = 	snop  }
0x1f: {  	[tilespmem:s18], [sflag:$0x2] =	stream.indirect.gather [hbm4b:s1+s10], $0x80, s10, s10, $0xb8;
	[tilespmem:$0x16600] =	vst v63  }
0x20: {  	_ = 	snop  }
0x21: {  	[tilespmem:s19], [sflag:$0x2] =	stream.indirect.gather [hbm4b:s3+s10], $0x80, s10, s10, $0xb8;
	[tilespmem:$0x16600] =	vst v63  }
0x22: {  	s23 =	simm.s32 $0x440  }
0x23: {  	[tilespmem:s21], [sflag:$0x2] =	stream.indirect.gather [hbm4b:s1+s10], $0x80, s23, s10, $0xb8;
	[tilespmem:$0x16600] =	vst v63  }
0x24: {  	_ = 	snop  }
0x25: {  	[tilespmem:s22], [sflag:$0x2] =	stream.indirect.gather [hbm4b:s3+s10], $0x80, s23, s10, $0xb8;
	[tilespmem:$0x16600] =	vst v63  }
0x26: {  	s16 =	simm.s32 $0x240  }
0x27: {  	[tilespmem:s24], [sflag:$0x2] =	stream.indirect.gather [hbm4b:s4+s10], $0x80, s16, s10, $0xb8;
	[tilespmem:$0x16600] =	vst v63  }
0x28: {  	_ =	swait.ge [sflag:s25], $0x2000  }
0x29: {  	[sflag:s25] =	ssyncset.done $0x0  }
0x2a: {  	[sflag:s25] =	ssyncadd.s32 $0xFFFFE000  }
0x2b: {  	_ =	swait.ge [sflag:s25], $0x2000  }
0x2c: {  	[sflag:s25] =	ssyncset.done $0x0  }
0x2d: {  	[sflag:s25] =	ssyncadd.s32 $0xFFFFE000  }
0x2e: {  	_ =	swait.ge [sflag:s25], $0x2000  }
0x2f: {  	[sflag:s25] =	ssyncset.done $0x0  }
0x30: {  	[sflag:s25] =	ssyncadd.s32 $0xFFFFE000  }
0x31: {  	_ =	swait.ge [sflag:s25], $0x2000  }
0x32: {  	[sflag:s25] =	ssyncset.done $0x0  }
0x33: {  	[sflag:s25] =	ssyncadd.s32 $0xFFFFE000  }
0x34: {  	_ =	swait.ge [sflag:s25], $0x2000  }
0x35: {  	[sflag:s25] =	ssyncset.done $0x0  }
0x36: {  	s23 =	simm.s32 $0x0;
	[sflag:s25] =	ssyncadd.s32 $0xFFFFE000  }
0x37: {  	v0 =	vld [tilespmem:s23+$0x4660]  }
0x38: {  	v1 =	vld [tilespmem:s23+$0x6660]  }
0x39: {  	v2 =	vld [tilespmem:s23+$0x4670]  }
0x3a: {  	v3 =	vld [tilespmem:s23+$0x6670]  }
0x3b: {  	v4 =	vld [tilespmem:s23+$0x8600]  }
0x3c: {  	v5 =	vld [tilespmem:s23+$0x4640]  }
0x3d: {  	v6 =	vld [tilespmem:s23+$0x6640]  }
0x3e: {  	v7 =	vld [tilespmem:s23+$0x4650]  }
0x3f: {  	v8 =	vld [tilespmem:s23+$0x4620]  }
0x40: {  	v9 =	vld [tilespmem:s23+$0x6620]  }
0x41: {  	v10 =	vld [tilespmem:s23+$0x4600]  }
0x42: {  	v11 =	vld [tilespmem:s23+$0x6600]  }
0x43: {  	v12 =	vld [tilespmem:s23+$0x2660]  }
0x44: {  	v13 =	vld [tilespmem:s23+$0x660]  }
0x45: {  	v14 =	vld [tilespmem:s23+$0x4610]  }
0x46: {  	v15 =	vld [tilespmem:s23+$0x2670]  }
0x47: {  	v16 =	vld [tilespmem:s23+$0x670]  }
0x48: {  	v17 =	vld [tilespmem:s23+$0x2640]  }
0x49: {  	v18 =	vld [tilespmem:s23+$0x640]  }
0x4a: {  	v19 =	vld [tilespmem:s23+$0x2650]  }
0x4b: {  	v20 =	vld [tilespmem:s23+$0x650]  }
0x4c: {  	v21 =	vld [tilespmem:s23+$0x2620]  }
0x4d: {  	v22 =	vld [tilespmem:s23+$0x620]  }
0x4e: {  	v24 =	vld [tilespmem:s23+$0x2600]  }
0x4f: {  	v25 =	vld [tilespmem:s23+$0x600];
	v26 =	vsub.f32 v13, v12  }
0x50: {  	v27 =	vld [tilespmem:s23+$0x2610];
	v12 =	vadd.f32 v12, v13;
	v13 =	vsub.f32 v16, v15  }
0x51: {  	v28 =	vld [tilespmem:s23+$0x610];
	v15 =	vadd.f32 v15, v16;
	v0 =	vmul.f32 v0, v26  }
0x52: {  	v23 =	vld [tilespmem:s23+$0x2630];
	v26 =	vsub.f32 v18, v17;
	v2 =	vmul.f32 v2, v13;
	v13 =	vadd.f32 v17, v18  }
0x53: {  	v16 =	vld [tilespmem:s23+$0x630];
	v17 =	vsub.f32 v20, v19;
	v3 =	vmul.f32 v3, v15;
	v15 =	vsub.f32 v22, v21  }
0x54: {  	v1 =	vmul.f32 v1, v12;
	v12 =	vld [tilespmem:s23+$0x6610];
	v18 =	vadd.f32 v21, v22;
	v22 =	vsub.f32 v25, v24  }
0x55: {  	v21 =	vld [tilespmem:s23+$0x4630];
	v24 =	vadd.f32 v24, v25;
	v19 =	vadd.f32 v19, v20  }
0x56: {  	v25 =	vld [tilespmem:s23+$0x6630];
	v5 =	vmul.f32 v5, v26;
	v6 =	vmul.f32 v6, v13;
	v13 =	vsub.f32 v28, v27  }
0x57: {  	v26 =	vadd.f32 v27, v28;
	v8 =	vmul.f32 v8, v15;
	v15 =	vld [tilespmem:s23+$0x6650];
	v10 =	vmul.f32 v10, v22  }
0x58: {  	v11 =	vmul.f32 v11, v24;
	v22 =	vld [tilespmem:s23+$0x8610];
	v9 =	vmul.f32 v9, v18;
	v24 =	vsub.f32 v16, v23  }
0x59: {  	v16 =	vadd.f32 v23, v16;
	v13 =	vmul.f32 v14, v13;
	v14 =	vld [tilespmem:s23+$0x8620];
	v12 =	vmul.f32 v12, v26  }
0x5a: {  	v18 =	vld [tilespmem:s23+$0x8630];
	v7 =	vmul.f32 v7, v17;
	v10 =	vadd.f32 v11, v10;
	v8 =	vadd.f32 v9, v8  }
0x5b: {  	v9 =	vld [tilespmem:s23+$0x8650];
	v21 =	vmul.f32 v21, v24;
	v11 =	vadd.f32 v12, v13;
	v12 =	vmul.f32 v25, v16  }
0x5c: {  	v4 =	vmul.f32 v10, v4;
	v13 =	vld [tilespmem:s23+$0x8640];
	v15 =	vmul.f32 v15, v19  }
0x5d: {  	v5 =	vadd.f32 v6, v5;
	v10 =	vmul.f32 v11, v22;
	v11 =	vadd.f32 v12, v21;
	v12 =	vld [tilespmem:s23+$0x8660]  }
0x5e: {  	v4 =	vadd.f32 $0.0e+00, v4;
	v8 =	vmul.f32 v8, v14;
	v6 =	vadd.f32 v15, v7;
	v7 =	vld [tilespmem:s23+$0x8670]  }
0x5f: {  	v0 =	vadd.f32 v1, v0;
	v10 =	vadd.f32 $0.0e+00, v10;
	v11 =	vmul.f32 v11, v18  }
0x60: {  	v1 =	vadd.f32 v3, v2;
	v2 =	vadd.f32 v8, v4  }
0x61: {  	v4 =	vmul.f32 v6, v9;
	v5 =	vmul.f32 v5, v13;
	v3 =	vadd.f32 v11, v10  }
0x62: {  	v0 =	vmul.f32 v0, v12  }
0x63: {  	v2 =	vadd.f32 v5, v2;
	v1 =	vmul.f32 v1, v7;
	v3 =	vadd.f32 v4, v3;
	_ =	sdelay $0x1  }
0x64: {  	v0 =	vadd.f32 v0, v2;
	v1 =	vadd.f32 v1, v3;
	_ =	sdelay $0x1  }
0x65: {  	v0 =	vadd.f32 v1, v0;
	_ =	sdelay $0x1  }
0x66: {  	s23 =	simm.s32 $0x80;
	[tilespmem:s31+$0x0] =	vst v0  }
0x67: {  	v14 =	vld [tilespmem:s23+$0x4660]  }
0x68: {  	v12 =	vld [tilespmem:s23+$0x6660]  }
0x69: {  	v13 =	vld [tilespmem:s23+$0x4670]  }
0x6a: {  	v11 =	vld [tilespmem:s23+$0x6670]  }
0x6b: {  	v0 =	vld [tilespmem:s23+$0x8600]  }
0x6c: {  	v10 =	vld [tilespmem:s23+$0x4640]  }
0x6d: {  	v4 =	vld [tilespmem:s23+$0x6640]  }
0x6e: {  	v1 =	vld [tilespmem:s23+$0x4650]  }
0x6f: {  	v3 =	vld [tilespmem:s23+$0x4620]  }
0x70: {  	v2 =	vld [tilespmem:s23+$0x6620]  }
0x71: {  	v5 =	vld [tilespmem:s23+$0x4600]  }
0x72: {  	v6 =	vld [tilespmem:s23+$0x6600]  }
0x73: {  	v25 =	vld [tilespmem:s23+$0x2660]  }
0x74: {  	v26 =	vld [tilespmem:s23+$0x660]  }
0x75: {  	v8 =	vld [tilespmem:s23+$0x4610]  }
0x76: {  	v23 =	vld [tilespmem:s23+$0x2670]  }
0x77: {  	v24 =	vld [tilespmem:s23+$0x670]  }
0x78: {  	v16 =	vld [tilespmem:s23+$0x2640]  }
0x79: {  	v18 =	vld [tilespmem:s23+$0x640]  }
0x7a: {  	v7 =	vld [tilespmem:s23+$0x2650]  }
0x7b: {  	v9 =	vld [tilespmem:s23+$0x650]  }
0x7c: {  	v19 =	vld [tilespmem:s23+$0x2620]  }
0x7d: {  	v21 =	vld [tilespmem:s23+$0x620]  }
0x7e: {  	v15 =	vld [tilespmem:s23+$0x2630]  }
0x7f: {  	v20 =	vld [tilespmem:s23+$0x2600]  }
0x80: {  	v22 =	vld [tilespmem:s23+$0x600];
	v27 =	vsub.f32 v26, v25  }
0x81: {  	s0 =	simm.s32 $0x400;
	s16 =	simm.s32 $0x14600;
	v17 =	vld [tilespmem:s23+$0x2610];
	v25 =	vadd.f32 v25, v26;
	v26 =	vsub.f32 v24, v23  }
.LBB2_2:
0x82: {  	p0 =	sne.s32 s0, $0x7E00;
	v28 =	vld [tilespmem:s23+$0x610];
	v14 =	vmul.f32 v14, v27;
	v23 =	vadd.f32 v23, v24  }
0x83: {  	v27 =	vsub.f32 v18, v16;
	v24 =	vld [tilespmem:s23+$0x630];
	v12 =	vmul.f32 v12, v25;
	v13 =	vmul.f32 v13, v26  }
0x84: {  	v16 =	vadd.f32 v16, v18;
	v18 =	vsub.f32 v9, v7;
	v25 =	vld [tilespmem:s23+$0x6610];
	v11 =	vmul.f32 v11, v23  }
0x85: {  	v23 =	vsub.f32 v21, v19;
	v19 =	vadd.f32 v19, v21;
	v10 =	vmul.f32 v10, v27;
	v21 =	vld [tilespmem:s23+$0x4630]  }
0x86: {  	v4 =	vmul.f32 v4, v16;
	v26 =	vsub.f32 v22, v20;
	v20 =	vadd.f32 v20, v22;
	v22 =	vld [tilespmem:s23+$0x6630]  }
0x87: {  	v3 =	vmul.f32 v3, v23;
	v16 =	vsub.f32 v28, v17;
	v17 =	vadd.f32 v17, v28;
	v23 =	vld [tilespmem:s23+$0x6650]  }
0x88: {  	v5 =	vmul.f32 v5, v26;
	v6 =	vmul.f32 v6, v20;
	v20 =	vld [tilespmem:s23+$0x8610];
	v26 =	vsub.f32 v24, v15  }
0x89: {  	v15 =	vadd.f32 v15, v24;
	v8 =	vmul.f32 v8, v16;
	v16 =	vmul.f32 v25, v17;
	v17 =	vld [tilespmem:s23+$0x8620]  }
0x8a: {  	v7 =	vadd.f32 v7, v9;
	v2 =	vmul.f32 v2, v19;
	v19 =	vld [tilespmem:s23+$0x8630];
	v21 =	vmul.f32 v21, v26  }
0x8b: {  	v5 =	vadd.f32 v6, v5;
	v6 =	vadd.f32 v16, v8;
	v8 =	vmul.f32 v22, v15;
	v9 =	vld [tilespmem:s23+$0x8640]  }
0x8c: {  	v1 =	vmul.f32 v1, v18;
	v2 =	vadd.f32 v2, v3;
	v3 =	vld [tilespmem:s23+$0x8650];
	v7 =	vmul.f32 v23, v7  }
0x8d: {  	v0 =	vmul.f32 v5, v0;
	v5 =	vmul.f32 v6, v20;
	v6 =	vadd.f32 v8, v21;
	v8 =	vld [tilespmem:s23+$0x8660]  }
0x8e: {  	v4 =	vadd.f32 v4, v10;
	v2 =	vmul.f32 v2, v17;
	v1 =	vadd.f32 v7, v1;
	v7 =	vld [tilespmem:s23+$0x8670]  }
0x8f: {  	v0 =	vadd.f32 $0.0e+00, v0;
	v5 =	vadd.f32 $0.0e+00, v5;
	v6 =	vmul.f32 v6, v19  }
0x90: {  	v10 =	vadd.f32 v11, v13;
	v4 =	vmul.f32 v4, v9;
	v9 =	vadd.f32 v12, v14  }
0x91: {  	v0 =	vadd.f32 v2, v0;
	v2 =	vadd.f32 v6, v5;
	v1 =	vmul.f32 v1, v3  }
0x92: {  	v3 =	vmul.f32 v9, v8  }
0x93: {  	v0 =	vadd.f32 v4, v0;
	v1 =	vadd.f32 v1, v2;
	v2 =	vmul.f32 v10, v7;
	_ =	sdelay $0x1  }
0x94: {  	v0 =	vadd.f32 v3, v0;
	v1 =	vadd.f32 v2, v1;
	_ =	sdelay $0x1  }
0x95: {  	v0 =	vadd.f32 v1, v0  }
0x96: {  	s16 =	sadd.s32 $0x10, s16  }
0x97: {  	s23 =	sshra.s32 s0, $0x2;
	[tilespmem:s16+$0x0] =	vst v0  }
0x98: {  	v14 =	vld [tilespmem:s23+$0x4660]  }
0x99: {  	v12 =	vld [tilespmem:s23+$0x6660]  }
0x9a: {  	v13 =	vld [tilespmem:s23+$0x4670]  }
0x9b: {  	v11 =	vld [tilespmem:s23+$0x6670]  }
0x9c: {  	v0 =	vld [tilespmem:s23+$0x8600]  }
0x9d: {  	v10 =	vld [tilespmem:s23+$0x4640]  }
0x9e: {  	v4 =	vld [tilespmem:s23+$0x6640]  }
0x9f: {  	v1 =	vld [tilespmem:s23+$0x4650]  }
0xa0: {  	v3 =	vld [tilespmem:s23+$0x4620]  }
0xa1: {  	v2 =	vld [tilespmem:s23+$0x6620]  }
0xa2: {  	v5 =	vld [tilespmem:s23+$0x4600]  }
0xa3: {  	v6 =	vld [tilespmem:s23+$0x6600]  }
0xa4: {  	v25 =	vld [tilespmem:s23+$0x2660]  }
0xa5: {  	v26 =	vld [tilespmem:s23+$0x660]  }
0xa6: {  	v8 =	vld [tilespmem:s23+$0x4610]  }
0xa7: {  	v23 =	vld [tilespmem:s23+$0x2670]  }
0xa8: {  	v24 =	vld [tilespmem:s23+$0x670]  }
0xa9: {  	v16 =	vld [tilespmem:s23+$0x2640]  }
0xaa: {  	v18 =	vld [tilespmem:s23+$0x640]  }
0xab: {  	v7 =	vld [tilespmem:s23+$0x2650]  }
0xac: {  	v9 =	vld [tilespmem:s23+$0x650]  }
0xad: {  	v19 =	vld [tilespmem:s23+$0x2620]  }
.Ltmp0:
0xae: {  	v21 =	vld [tilespmem:s23+$0x620];
	(pc) =	sbr.rel @p0 .LBB2_2-.Ltmp0, $4  }
0xaf: {  	v15 =	vld [tilespmem:s23+$0x2630]  }
0xb0: {  	v20 =	vld [tilespmem:s23+$0x2600]  }
0xb1: {  	v27 =	vsub.f32 v26, v25;
	v22 =	vld [tilespmem:s23+$0x600]  }
0xb2: {  	s0 =	sadd.s32 $0x200, s0;
	v25 =	vadd.f32 v25, v26;
	v26 =	vsub.f32 v24, v23;
	v17 =	vld [tilespmem:s23+$0x2610]  }
0xb3: {  	v23 =	vadd.f32 v23, v24  }
0xb4: {  	v28 =	vld [tilespmem:s23+$0x610];
	v14 =	vmul.f32 v14, v27;
	v27 =	vsub.f32 v18, v16;
	v16 =	vadd.f32 v16, v18  }
0xb5: {  	v24 =	vld [tilespmem:s23+$0x630];
	v18 =	vsub.f32 v9, v7;
	v7 =	vadd.f32 v7, v9  }
0xb6: {  	v12 =	vmul.f32 v12, v25;
	v25 =	vld [tilespmem:s23+$0x6610];
	v11 =	vmul.f32 v11, v23;
	v23 =	vsub.f32 v21, v19  }
0xb7: {  	v13 =	vmul.f32 v13, v26;
	v19 =	vadd.f32 v19, v21;
	v21 =	vld [tilespmem:s23+$0x4630];
	v4 =	vmul.f32 v4, v16  }
0xb8: {  	v26 =	vsub.f32 v22, v20;
	v20 =	vadd.f32 v20, v22;
	v22 =	vld [tilespmem:s23+$0x6630];
	v3 =	vmul.f32 v3, v23  }
0xb9: {  	v23 =	vld [tilespmem:s23+$0x6650];
	v2 =	vmul.f32 v2, v19;
	v16 =	vsub.f32 v28, v17;
	v17 =	vadd.f32 v17, v28  }
0xba: {  	v5 =	vmul.f32 v5, v26;
	v6 =	vmul.f32 v6, v20;
	v20 =	vld [tilespmem:s23+$0x8610];
	v26 =	vsub.f32 v24, v15  }
0xbb: {  	v19 =	vld [tilespmem:s23+$0x8630];
	v15 =	vadd.f32 v15, v24;
	v8 =	vmul.f32 v8, v16;
	v16 =	vmul.f32 v25, v17  }
0xbc: {  	v10 =	vmul.f32 v10, v27;
	v1 =	vmul.f32 v1, v18;
	v17 =	vld [tilespmem:s23+$0x8620];
	v5 =	vadd.f32 v6, v5  }
0xbd: {  	v9 =	vld [tilespmem:s23+$0x8640];
	v21 =	vmul.f32 v21, v26;
	v6 =	vadd.f32 v16, v8;
	v8 =	vmul.f32 v22, v15  }
0xbe: {  	v2 =	vadd.f32 v2, v3;
	v3 =	vld [tilespmem:s23+$0x8650];
	v7 =	vmul.f32 v23, v7;
	v0 =	vmul.f32 v5, v0  }
0xbf: {  	v4 =	vadd.f32 v4, v10;
	v5 =	vmul.f32 v6, v20;
	v6 =	vadd.f32 v8, v21;
	v8 =	vld [tilespmem:s23+$0x8660]  }
0xc0: {  	v1 =	vadd.f32 v7, v1;
	v7 =	vld [tilespmem:s23+$0x8670];
	v0 =	vadd.f32 $0.0e+00, v0  }
0xc1: {  	v2 =	vmul.f32 v2, v17;
	v5 =	vadd.f32 $0.0e+00, v5;
	v6 =	vmul.f32 v6, v19  }
0xc2: {  	v10 =	vadd.f32 v11, v13;
	v4 =	vmul.f32 v4, v9;
	v9 =	vadd.f32 v12, v14  }
0xc3: {  	v1 =	vmul.f32 v1, v3;
	v0 =	vadd.f32 v2, v0;
	v2 =	vadd.f32 v6, v5  }
0xc4: {  	v3 =	vmul.f32 v9, v8  }
0xc5: {  	v0 =	vadd.f32 v4, v0;
	v1 =	vadd.f32 v1, v2;
	v2 =	vmul.f32 v10, v7;
	_ =	sdelay $0x1  }
0xc6: {  	v0 =	vadd.f32 v3, v0;
	v1 =	vadd.f32 v2, v1;
	_ =	sdelay $0x1  }
0xc7: {  	v0 =	vadd.f32 v1, v0  }
0xc8: {  	s0 =	sadd.s32 $0x10, s16  }
0xc9: {  	s16 =	simm.s32 $0x80;
	[tilespmem:s0+$0x0] =	vst v0  }
0xca: {  	[tilespmem:s11], [sflag:$0x1] =	stream.indirect.gather [hbm4b:s1+s10], $0x80, s16, s10, $0xb8;
	[tilespmem:$0x16600] =	vst v63  }
0xcb: {  	_ = 	snop  }
0xcc: {  	[tilespmem:s12], [sflag:$0x1] =	stream.indirect.gather [hbm4b:s3+s10], $0x80, s16, s10, $0xb8;
	[tilespmem:$0x16600] =	vst v63  }
0xcd: {  	s23 =	simm.s32 $0x480  }
0xce: {  	[tilespmem:s14], [sflag:$0x1] =	stream.indirect.gather [hbm4b:s1+s10], $0x80, s23, s10, $0xb8;
	[tilespmem:$0x16600] =	vst v63  }
0xcf: {  	_ = 	snop  }
0xd0: {  	[tilespmem:s15], [sflag:$0x1] =	stream.indirect.gather [hbm4b:s3+s10], $0x80, s23, s10, $0xb8;
	[tilespmem:$0x16600] =	vst v63  }
0xd1: {  	s16 =	simm.s32 $0x280  }
0xd2: {  	[tilespmem:s17], [sflag:$0x1] =	stream.indirect.gather [hbm4b:s4+s10], $0x80, s16, s10, $0xb8;
	[tilespmem:$0x16600] =	vst v63  }
0xd3: {  	_ =	swait.ge [sflag:s30], $0x2000  }
0xd4: {  	[sflag:s30] =	ssyncset.done $0x0  }
0xd5: {  	[sflag:s30] =	ssyncadd.s32 $0xFFFFE000  }
0xd6: {  	_ =	swait.ge [sflag:s30], $0x2000  }
0xd7: {  	[sflag:s30] =	ssyncset.done $0x0  }
0xd8: {  	[sflag:s30] =	ssyncadd.s32 $0xFFFFE000  }
0xd9: {  	_ =	swait.ge [sflag:s30], $0x2000  }
0xda: {  	[sflag:s30] =	ssyncset.done $0x0  }
0xdb: {  	[sflag:s30] =	ssyncadd.s32 $0xFFFFE000  }
0xdc: {  	_ =	swait.ge [sflag:s30], $0x2000  }
0xdd: {  	[sflag:s30] =	ssyncset.done $0x0  }
0xde: {  	[sflag:s30] =	ssyncadd.s32 $0xFFFFE000  }
0xdf: {  	_ =	swait.ge [sflag:s30], $0x2000  }
0xe0: {  	[sflag:s30] =	ssyncset.done $0x0  }
0xe1: {  	s23 =	simm.s32 $0x0;
	[sflag:s30] =	ssyncadd.s32 $0xFFFFE000  }
0xe2: {  	v0 =	vld [tilespmem:s23+$0xE660]  }
0xe3: {  	v1 =	vld [tilespmem:s23+$0x10660]  }
0xe4: {  	v2 =	vld [tilespmem:s23+$0xE670]  }
0xe5: {  	v3 =	vld [tilespmem:s23+$0x10670]  }
0xe6: {  	v4 =	vld [tilespmem:s23+$0x12600]  }
0xe7: {  	v5 =	vld [tilespmem:s23+$0xE640]  }
0xe8: {  	v6 =	vld [tilespmem:s23+$0x10640]  }
0xe9: {  	v7 =	vld [tilespmem:s23+$0xE650]  }
0xea: {  	v8 =	vld [tilespmem:s23+$0xE620]  }
0xeb: {  	v9 =	vld [tilespmem:s23+$0x10620]  }
0xec: {  	v10 =	vld [tilespmem:s23+$0xE600]  }
0xed: {  	v11 =	vld [tilespmem:s23+$0x10600]  }
0xee: {  	v12 =	vld [tilespmem:s23+$0xC660]  }
0xef: {  	v13 =	vld [tilespmem:s23+$0xA660]  }
0xf0: {  	v14 =	vld [tilespmem:s23+$0xE610]  }
0xf1: {  	v15 =	vld [tilespmem:s23+$0xC670]  }
0xf2: {  	v16 =	vld [tilespmem:s23+$0xA670]  }
0xf3: {  	v17 =	vld [tilespmem:s23+$0xC640]  }
0xf4: {  	v18 =	vld [tilespmem:s23+$0xA640]  }
0xf5: {  	v19 =	vld [tilespmem:s23+$0xC650]  }
0xf6: {  	v20 =	vld [tilespmem:s23+$0xA650]  }
0xf7: {  	v21 =	vld [tilespmem:s23+$0xC620]  }
0xf8: {  	v22 =	vld [tilespmem:s23+$0xA620]  }
0xf9: {  	v24 =	vld [tilespmem:s23+$0xC600]  }
0xfa: {  	v25 =	vld [tilespmem:s23+$0xA600];
	v26 =	vsub.f32 v13, v12  }
0xfb: {  	v27 =	vld [tilespmem:s23+$0xC610];
	v12 =	vadd.f32 v12, v13;
	v13 =	vsub.f32 v16, v15  }
0xfc: {  	v28 =	vld [tilespmem:s23+$0xA610];
	v15 =	vadd.f32 v15, v16;
	v0 =	vmul.f32 v0, v26  }
0xfd: {  	v23 =	vld [tilespmem:s23+$0xC630];
	v26 =	vsub.f32 v18, v17;
	v2 =	vmul.f32 v2, v13;
	v13 =	vadd.f32 v17, v18  }
0xfe: {  	v16 =	vld [tilespmem:s23+$0xA630];
	v17 =	vsub.f32 v20, v19;
	v3 =	vmul.f32 v3, v15;
	v15 =	vsub.f32 v22, v21  }
0xff: {  	v1 =	vmul.f32 v1, v12;
	v12 =	vld [tilespmem:s23+$0x10610];
	v18 =	vadd.f32 v21, v22;
	v22 =	vsub.f32 v25, v24  }
0x100: {  	v21 =	vld [tilespmem:s23+$0xE630];
	v24 =	vadd.f32 v24, v25;
	v19 =	vadd.f32 v19, v20  }
0x101: {  	v25 =	vld [tilespmem:s23+$0x10630];
	v5 =	vmul.f32 v5, v26;
	v6 =	vmul.f32 v6, v13;
	v13 =	vsub.f32 v28, v27  }
0x102: {  	v26 =	vadd.f32 v27, v28;
	v8 =	vmul.f32 v8, v15;
	v15 =	vld [tilespmem:s23+$0x10650];
	v10 =	vmul.f32 v10, v22  }
0x103: {  	v11 =	vmul.f32 v11, v24;
	v22 =	vld [tilespmem:s23+$0x12610];
	v9 =	vmul.f32 v9, v18;
	v24 =	vsub.f32 v16, v23  }
0x104: {  	v16 =	vadd.f32 v23, v16;
	v13 =	vmul.f32 v14, v13;
	v14 =	vld [tilespmem:s23+$0x12620];
	v12 =	vmul.f32 v12, v26  }
0x105: {  	v18 =	vld [tilespmem:s23+$0x12630];
	v7 =	vmul.f32 v7, v17;
	v10 =	vadd.f32 v11, v10;
	v8 =	vadd.f32 v9, v8  }
0x106: {  	v9 =	vld [tilespmem:s23+$0x12650];
	v21 =	vmul.f32 v21, v24;
	v11 =	vadd.f32 v12, v13;
	v12 =	vmul.f32 v25, v16  }
0x107: {  	v4 =	vmul.f32 v10, v4;
	v13 =	vld [tilespmem:s23+$0x12640];
	v15 =	vmul.f32 v15, v19  }
0x108: {  	v5 =	vadd.f32 v6, v5;
	v10 =	vmul.f32 v11, v22;
	v11 =	vadd.f32 v12, v21;
	v12 =	vld [tilespmem:s23+$0x12660]  }
0x109: {  	v4 =	vadd.f32 $0.0e+00, v4;
	v8 =	vmul.f32 v8, v14;
	v6 =	vadd.f32 v15, v7;
	v7 =	vld [tilespmem:s23+$0x12670]  }
0x10a: {  	v0 =	vadd.f32 v1, v0;
	v10 =	vadd.f32 $0.0e+00, v10;
	v11 =	vmul.f32 v11, v18  }
0x10b: {  	v1 =	vadd.f32 v3, v2;
	v2 =	vadd.f32 v8, v4  }
0x10c: {  	v4 =	vmul.f32 v6, v9;
	v5 =	vmul.f32 v5, v13;
	v3 =	vadd.f32 v11, v10  }
0x10d: {  	v0 =	vmul.f32 v0, v12  }
0x10e: {  	v2 =	vadd.f32 v5, v2;
	v1 =	vmul.f32 v1, v7;
	v3 =	vadd.f32 v4, v3;
	_ =	sdelay $0x1  }
0x10f: {  	v0 =	vadd.f32 v0, v2;
	v1 =	vadd.f32 v1, v3;
	_ =	sdelay $0x1  }
0x110: {  	v0 =	vadd.f32 v1, v0  }
0x111: {  	s16 =	simm.s32 $0x14A00  }
0x112: {  	s23 =	simm.s32 $0x80;
	[tilespmem:s16+$0x0] =	vst v0  }
0x113: {  	v14 =	vld [tilespmem:s23+$0xE660]  }
0x114: {  	v12 =	vld [tilespmem:s23+$0x10660]  }
0x115: {  	v13 =	vld [tilespmem:s23+$0xE670]  }
0x116: {  	v11 =	vld [tilespmem:s23+$0x10670]  }
0x117: {  	v0 =	vld [tilespmem:s23+$0x12600]  }
0x118: {  	v10 =	vld [tilespmem:s23+$0xE640]  }
0x119: {  	v4 =	vld [tilespmem:s23+$0x10640]  }
0x11a: {  	v1 =	vld [tilespmem:s23+$0xE650]  }
0x11b: {  	v3 =	vld [tilespmem:s23+$0xE620]  }
0x11c: {  	v2 =	vld [tilespmem:s23+$0x10620]  }
0x11d: {  	v5 =	vld [tilespmem:s23+$0xE600]  }
0x11e: {  	v6 =	vld [tilespmem:s23+$0x10600]  }
0x11f: {  	v25 =	vld [tilespmem:s23+$0xC660]  }
0x120: {  	v26 =	vld [tilespmem:s23+$0xA660]  }
0x121: {  	v8 =	vld [tilespmem:s23+$0xE610]  }
0x122: {  	v23 =	vld [tilespmem:s23+$0xC670]  }
0x123: {  	v24 =	vld [tilespmem:s23+$0xA670]  }
0x124: {  	v16 =	vld [tilespmem:s23+$0xC640]  }
0x125: {  	v18 =	vld [tilespmem:s23+$0xA640]  }
0x126: {  	v7 =	vld [tilespmem:s23+$0xC650]  }
0x127: {  	v9 =	vld [tilespmem:s23+$0xA650]  }
0x128: {  	v19 =	vld [tilespmem:s23+$0xC620]  }
0x129: {  	v21 =	vld [tilespmem:s23+$0xA620]  }
0x12a: {  	v15 =	vld [tilespmem:s23+$0xC630]  }
0x12b: {  	v20 =	vld [tilespmem:s23+$0xC600]  }
0x12c: {  	v22 =	vld [tilespmem:s23+$0xA600];
	v27 =	vsub.f32 v26, v25  }
0x12d: {  	s0 =	simm.s32 $0x400;
	v17 =	vld [tilespmem:s23+$0xC610];
	v25 =	vadd.f32 v25, v26;
	v26 =	vsub.f32 v24, v23  }
.LBB2_4:
0x12e: {  	p0 =	sne.s32 s0, $0x7E00;
	v28 =	vld [tilespmem:s23+$0xA610];
	v14 =	vmul.f32 v14, v27;
	v23 =	vadd.f32 v23, v24  }
0x12f: {  	v27 =	vsub.f32 v18, v16;
	v24 =	vld [tilespmem:s23+$0xA630];
	v12 =	vmul.f32 v12, v25;
	v13 =	vmul.f32 v13, v26  }
0x130: {  	v16 =	vadd.f32 v16, v18;
	v18 =	vsub.f32 v9, v7;
	v25 =	vld [tilespmem:s23+$0x10610];
	v11 =	vmul.f32 v11, v23  }
0x131: {  	v23 =	vsub.f32 v21, v19;
	v19 =	vadd.f32 v19, v21;
	v10 =	vmul.f32 v10, v27;
	v21 =	vld [tilespmem:s23+$0xE630]  }
0x132: {  	v4 =	vmul.f32 v4, v16;
	v26 =	vsub.f32 v22, v20;
	v20 =	vadd.f32 v20, v22;
	v22 =	vld [tilespmem:s23+$0x10630]  }
0x133: {  	v3 =	vmul.f32 v3, v23;
	v16 =	vsub.f32 v28, v17;
	v17 =	vadd.f32 v17, v28;
	v23 =	vld [tilespmem:s23+$0x10650]  }
0x134: {  	v5 =	vmul.f32 v5, v26;
	v6 =	vmul.f32 v6, v20;
	v20 =	vld [tilespmem:s23+$0x12610];
	v26 =	vsub.f32 v24, v15  }
0x135: {  	v15 =	vadd.f32 v15, v24;
	v8 =	vmul.f32 v8, v16;
	v16 =	vmul.f32 v25, v17;
	v17 =	vld [tilespmem:s23+$0x12620]  }
0x136: {  	v7 =	vadd.f32 v7, v9;
	v2 =	vmul.f32 v2, v19;
	v19 =	vld [tilespmem:s23+$0x12630];
	v21 =	vmul.f32 v21, v26  }
0x137: {  	v5 =	vadd.f32 v6, v5;
	v6 =	vadd.f32 v16, v8;
	v8 =	vmul.f32 v22, v15;
	v9 =	vld [tilespmem:s23+$0x12640]  }
0x138: {  	v1 =	vmul.f32 v1, v18;
	v2 =	vadd.f32 v2, v3;
	v3 =	vld [tilespmem:s23+$0x12650];
	v7 =	vmul.f32 v23, v7  }
0x139: {  	v0 =	vmul.f32 v5, v0;
	v5 =	vmul.f32 v6, v20;
	v6 =	vadd.f32 v8, v21;
	v8 =	vld [tilespmem:s23+$0x12660]  }
0x13a: {  	v4 =	vadd.f32 v4, v10;
	v2 =	vmul.f32 v2, v17;
	v1 =	vadd.f32 v7, v1;
	v7 =	vld [tilespmem:s23+$0x12670]  }
0x13b: {  	v0 =	vadd.f32 $0.0e+00, v0;
	v5 =	vadd.f32 $0.0e+00, v5;
	v6 =	vmul.f32 v6, v19  }
0x13c: {  	v10 =	vadd.f32 v11, v13;
	v4 =	vmul.f32 v4, v9;
	v9 =	vadd.f32 v12, v14  }
0x13d: {  	v0 =	vadd.f32 v2, v0;
	v2 =	vadd.f32 v6, v5;
	v1 =	vmul.f32 v1, v3  }
0x13e: {  	v3 =	vmul.f32 v9, v8  }
0x13f: {  	v0 =	vadd.f32 v4, v0;
	v1 =	vadd.f32 v1, v2;
	v2 =	vmul.f32 v10, v7;
	_ =	sdelay $0x1  }
0x140: {  	v0 =	vadd.f32 v3, v0;
	v1 =	vadd.f32 v2, v1;
	_ =	sdelay $0x1  }
0x141: {  	v0 =	vadd.f32 v1, v0  }
0x142: {  	s16 =	sadd.s32 $0x10, s16  }
0x143: {  	s23 =	sshra.s32 s0, $0x2;
	[tilespmem:s16+$0x0] =	vst v0  }
0x144: {  	v14 =	vld [tilespmem:s23+$0xE660]  }
0x145: {  	v12 =	vld [tilespmem:s23+$0x10660]  }
0x146: {  	v13 =	vld [tilespmem:s23+$0xE670]  }
0x147: {  	v11 =	vld [tilespmem:s23+$0x10670]  }
0x148: {  	v0 =	vld [tilespmem:s23+$0x12600]  }
0x149: {  	v10 =	vld [tilespmem:s23+$0xE640]  }
0x14a: {  	v4 =	vld [tilespmem:s23+$0x10640]  }
0x14b: {  	v1 =	vld [tilespmem:s23+$0xE650]  }
0x14c: {  	v3 =	vld [tilespmem:s23+$0xE620]  }
0x14d: {  	v2 =	vld [tilespmem:s23+$0x10620]  }
0x14e: {  	v5 =	vld [tilespmem:s23+$0xE600]  }
0x14f: {  	v6 =	vld [tilespmem:s23+$0x10600]  }
0x150: {  	v25 =	vld [tilespmem:s23+$0xC660]  }
0x151: {  	v26 =	vld [tilespmem:s23+$0xA660]  }
0x152: {  	v8 =	vld [tilespmem:s23+$0xE610]  }
0x153: {  	v23 =	vld [tilespmem:s23+$0xC670]  }
0x154: {  	v24 =	vld [tilespmem:s23+$0xA670]  }
0x155: {  	v16 =	vld [tilespmem:s23+$0xC640]  }
0x156: {  	v18 =	vld [tilespmem:s23+$0xA640]  }
0x157: {  	v7 =	vld [tilespmem:s23+$0xC650]  }
0x158: {  	v9 =	vld [tilespmem:s23+$0xA650]  }
0x159: {  	v19 =	vld [tilespmem:s23+$0xC620]  }
.Ltmp1:
0x15a: {  	v21 =	vld [tilespmem:s23+$0xA620];
	(pc) =	sbr.rel @p0 .LBB2_4-.Ltmp1, $4  }
0x15b: {  	v15 =	vld [tilespmem:s23+$0xC630]  }
0x15c: {  	v20 =	vld [tilespmem:s23+$0xC600]  }
0x15d: {  	v27 =	vsub.f32 v26, v25;
	v22 =	vld [tilespmem:s23+$0xA600]  }
0x15e: {  	s0 =	sadd.s32 $0x200, s0;
	v25 =	vadd.f32 v25, v26;
	v26 =	vsub.f32 v24, v23;
	v17 =	vld [tilespmem:s23+$0xC610]  }
0x15f: {  	v23 =	vadd.f32 v23, v24  }
0x160: {  	v28 =	vld [tilespmem:s23+$0xA610];
	v14 =	vmul.f32 v14, v27;
	v27 =	vsub.f32 v18, v16;
	v16 =	vadd.f32 v16, v18  }
0x161: {  	v24 =	vld [tilespmem:s23+$0xA630];
	v18 =	vsub.f32 v9, v7;
	v7 =	vadd.f32 v7, v9  }
0x162: {  	v12 =	vmul.f32 v12, v25;
	v25 =	vld [tilespmem:s23+$0x10610];
	v11 =	vmul.f32 v11, v23;
	v23 =	vsub.f32 v21, v19  }
0x163: {  	v13 =	vmul.f32 v13, v26;
	v19 =	vadd.f32 v19, v21;
	v21 =	vld [tilespmem:s23+$0xE630];
	v4 =	vmul.f32 v4, v16  }
0x164: {  	v26 =	vsub.f32 v22, v20;
	v20 =	vadd.f32 v20, v22;
	v22 =	vld [tilespmem:s23+$0x10630];
	v3 =	vmul.f32 v3, v23  }
0x165: {  	v23 =	vld [tilespmem:s23+$0x10650];
	v2 =	vmul.f32 v2, v19;
	v16 =	vsub.f32 v28, v17;
	v17 =	vadd.f32 v17, v28  }
0x166: {  	v5 =	vmul.f32 v5, v26;
	v6 =	vmul.f32 v6, v20;
	v20 =	vld [tilespmem:s23+$0x12610];
	v26 =	vsub.f32 v24, v15  }
0x167: {  	v19 =	vld [tilespmem:s23+$0x12630];
	v15 =	vadd.f32 v15, v24;
	v8 =	vmul.f32 v8, v16;
	v16 =	vmul.f32 v25, v17  }
0x168: {  	v10 =	vmul.f32 v10, v27;
	v1 =	vmul.f32 v1, v18;
	v17 =	vld [tilespmem:s23+$0x12620];
	v5 =	vadd.f32 v6, v5  }
0x169: {  	v9 =	vld [tilespmem:s23+$0x12640];
	v21 =	vmul.f32 v21, v26;
	v6 =	vadd.f32 v16, v8;
	v8 =	vmul.f32 v22, v15  }
0x16a: {  	v2 =	vadd.f32 v2, v3;
	v3 =	vld [tilespmem:s23+$0x12650];
	v7 =	vmul.f32 v23, v7;
	v0 =	vmul.f32 v5, v0  }
0x16b: {  	v4 =	vadd.f32 v4, v10;
	v5 =	vmul.f32 v6, v20;
	v6 =	vadd.f32 v8, v21;
	v8 =	vld [tilespmem:s23+$0x12660]  }
0x16c: {  	v1 =	vadd.f32 v7, v1;
	v7 =	vld [tilespmem:s23+$0x12670];
	v0 =	vadd.f32 $0.0e+00, v0  }
0x16d: {  	v2 =	vmul.f32 v2, v17;
	v5 =	vadd.f32 $0.0e+00, v5;
	v6 =	vmul.f32 v6, v19  }
0x16e: {  	v10 =	vadd.f32 v11, v13;
	v4 =	vmul.f32 v4, v9;
	v9 =	vadd.f32 v12, v14  }
0x16f: {  	v1 =	vmul.f32 v1, v3;
	v0 =	vadd.f32 v2, v0;
	v2 =	vadd.f32 v6, v5  }
0x170: {  	v3 =	vmul.f32 v9, v8  }
0x171: {  	v0 =	vadd.f32 v4, v0;
	v1 =	vadd.f32 v1, v2;
	v2 =	vmul.f32 v10, v7;
	_ =	sdelay $0x1  }
0x172: {  	v0 =	vadd.f32 v3, v0;
	v1 =	vadd.f32 v2, v1;
	_ =	sdelay $0x1  }
0x173: {  	v0 =	vadd.f32 v1, v0  }
0x174: {  	s0 =	sadd.s32 $0x10, s16  }
0x175: {  	s16 =	simm.s32 $0xC0;
	[tilespmem:s0+$0x0] =	vst v0  }
0x176: {  	[tilespmem:s18], [sflag:$0x2] =	stream.indirect.gather [hbm4b:s1+s10], $0x80, s16, s10, $0xb8;
	[tilespmem:$0x16600] =	vst v63  }
0x177: {  	_ = 	snop  }
0x178: {  	[tilespmem:s19], [sflag:$0x2] =	stream.indirect.gather [hbm4b:s3+s10], $0x80, s16, s10, $0xb8;
	[tilespmem:$0x16600] =	vst v63  }
0x179: {  	s23 =	simm.s32 $0x4C0  }
0x17a: {  	[tilespmem:s21], [sflag:$0x2] =	stream.indirect.gather [hbm4b:s1+s10], $0x80, s23, s10, $0xb8;
	[tilespmem:$0x16600] =	vst v63  }
0x17b: {  	_ = 	snop  }
0x17c: {  	[tilespmem:s22], [sflag:$0x2] =	stream.indirect.gather [hbm4b:s3+s10], $0x80, s23, s10, $0xb8;
	[tilespmem:$0x16600] =	vst v63  }
0x17d: {  	s16 =	simm.s32 $0x2C0  }
0x17e: {  	[tilespmem:s24], [sflag:$0x2] =	stream.indirect.gather [hbm4b:s4+s10], $0x80, s16, s10, $0xb8;
	[tilespmem:$0x16600] =	vst v63  }
0x17f: {  	_ =	swait.ge [sflag:s25], $0x2000  }
0x180: {  	[sflag:s25] =	ssyncset.done $0x0  }
0x181: {  	[sflag:s25] =	ssyncadd.s32 $0xFFFFE000  }
0x182: {  	_ =	swait.ge [sflag:s25], $0x2000  }
0x183: {  	[sflag:s25] =	ssyncset.done $0x0  }
0x184: {  	[sflag:s25] =	ssyncadd.s32 $0xFFFFE000  }
0x185: {  	_ =	swait.ge [sflag:s25], $0x2000  }
0x186: {  	[sflag:s25] =	ssyncset.done $0x0  }
0x187: {  	[sflag:s25] =	ssyncadd.s32 $0xFFFFE000  }
0x188: {  	_ =	swait.ge [sflag:s25], $0x2000  }
0x189: {  	[sflag:s25] =	ssyncset.done $0x0  }
0x18a: {  	[sflag:s25] =	ssyncadd.s32 $0xFFFFE000  }
0x18b: {  	_ =	swait.ge [sflag:s25], $0x2000  }
0x18c: {  	[sflag:s25] =	ssyncset.done $0x0  }
0x18d: {  	s23 =	simm.s32 $0x0;
	[sflag:s25] =	ssyncadd.s32 $0xFFFFE000  }
0x18e: {  	v0 =	vld [tilespmem:s23+$0x4660]  }
0x18f: {  	v1 =	vld [tilespmem:s23+$0x6660]  }
0x190: {  	v2 =	vld [tilespmem:s23+$0x4670]  }
0x191: {  	v3 =	vld [tilespmem:s23+$0x6670]  }
0x192: {  	v4 =	vld [tilespmem:s23+$0x8600]  }
0x193: {  	v5 =	vld [tilespmem:s23+$0x4640]  }
0x194: {  	v6 =	vld [tilespmem:s23+$0x6640]  }
0x195: {  	v7 =	vld [tilespmem:s23+$0x4650]  }
0x196: {  	v8 =	vld [tilespmem:s23+$0x4620]  }
0x197: {  	v9 =	vld [tilespmem:s23+$0x6620]  }
0x198: {  	v10 =	vld [tilespmem:s23+$0x4600]  }
0x199: {  	v11 =	vld [tilespmem:s23+$0x6600]  }
0x19a: {  	v12 =	vld [tilespmem:s23+$0x2660]  }
0x19b: {  	v13 =	vld [tilespmem:s23+$0x660]  }
0x19c: {  	v14 =	vld [tilespmem:s23+$0x4610]  }
0x19d: {  	v15 =	vld [tilespmem:s23+$0x2670]  }
0x19e: {  	v16 =	vld [tilespmem:s23+$0x670]  }
0x19f: {  	v17 =	vld [tilespmem:s23+$0x2640]  }
0x1a0: {  	v18 =	vld [tilespmem:s23+$0x640]  }
0x1a1: {  	v19 =	vld [tilespmem:s23+$0x2650]  }
0x1a2: {  	v20 =	vld [tilespmem:s23+$0x650]  }
0x1a3: {  	v21 =	vld [tilespmem:s23+$0x2620]  }
0x1a4: {  	v22 =	vld [tilespmem:s23+$0x620]  }
0x1a5: {  	v24 =	vld [tilespmem:s23+$0x2600]  }
0x1a6: {  	v25 =	vld [tilespmem:s23+$0x600];
	v26 =	vsub.f32 v13, v12  }
0x1a7: {  	v27 =	vld [tilespmem:s23+$0x2610];
	v12 =	vadd.f32 v12, v13;
	v13 =	vsub.f32 v16, v15  }
0x1a8: {  	v28 =	vld [tilespmem:s23+$0x610];
	v15 =	vadd.f32 v15, v16;
	v0 =	vmul.f32 v0, v26  }
0x1a9: {  	v23 =	vld [tilespmem:s23+$0x2630];
	v26 =	vsub.f32 v18, v17;
	v2 =	vmul.f32 v2, v13;
	v13 =	vadd.f32 v17, v18  }
0x1aa: {  	v16 =	vld [tilespmem:s23+$0x630];
	v17 =	vsub.f32 v20, v19;
	v3 =	vmul.f32 v3, v15;
	v15 =	vsub.f32 v22, v21  }
0x1ab: {  	v1 =	vmul.f32 v1, v12;
	v12 =	vld [tilespmem:s23+$0x6610];
	v18 =	vadd.f32 v21, v22;
	v22 =	vsub.f32 v25, v24  }
0x1ac: {  	v21 =	vld [tilespmem:s23+$0x4630];
	v24 =	vadd.f32 v24, v25;
	v19 =	vadd.f32 v19, v20  }
0x1ad: {  	v25 =	vld [tilespmem:s23+$0x6630];
	v5 =	vmul.f32 v5, v26;
	v6 =	vmul.f32 v6, v13;
	v13 =	vsub.f32 v28, v27  }
0x1ae: {  	v26 =	vadd.f32 v27, v28;
	v8 =	vmul.f32 v8, v15;
	v15 =	vld [tilespmem:s23+$0x6650];
	v10 =	vmul.f32 v10, v22  }
0x1af: {  	v11 =	vmul.f32 v11, v24;
	v22 =	vld [tilespmem:s23+$0x8610];
	v9 =	vmul.f32 v9, v18;
	v24 =	vsub.f32 v16, v23  }
0x1b0: {  	v16 =	vadd.f32 v23, v16;
	v13 =	vmul.f32 v14, v13;
	v14 =	vld [tilespmem:s23+$0x8620];
	v12 =	vmul.f32 v12, v26  }
0x1b1: {  	v18 =	vld [tilespmem:s23+$0x8630];
	v7 =	vmul.f32 v7, v17;
	v10 =	vadd.f32 v11, v10;
	v8 =	vadd.f32 v9, v8  }
0x1b2: {  	v9 =	vld [tilespmem:s23+$0x8650];
	v21 =	vmul.f32 v21, v24;
	v11 =	vadd.f32 v12, v13;
	v12 =	vmul.f32 v25, v16  }
0x1b3: {  	v4 =	vmul.f32 v10, v4;
	v13 =	vld [tilespmem:s23+$0x8640];
	v15 =	vmul.f32 v15, v19  }
0x1b4: {  	v5 =	vadd.f32 v6, v5;
	v10 =	vmul.f32 v11, v22;
	v11 =	vadd.f32 v12, v21;
	v12 =	vld [tilespmem:s23+$0x8660]  }
0x1b5: {  	v4 =	vadd.f32 $0.0e+00, v4;
	v8 =	vmul.f32 v8, v14;
	v6 =	vadd.f32 v15, v7;
	v7 =	vld [tilespmem:s23+$0x8670]  }
0x1b6: {  	v0 =	vadd.f32 v1, v0;
	v10 =	vadd.f32 $0.0e+00, v10;
	v11 =	vmul.f32 v11, v18  }
0x1b7: {  	v1 =	vadd.f32 v3, v2;
	v2 =	vadd.f32 v8, v4  }
0x1b8: {  	v4 =	vmul.f32 v6, v9;
	v5 =	vmul.f32 v5, v13;
	v3 =	vadd.f32 v11, v10  }
0x1b9: {  	v0 =	vmul.f32 v0, v12  }
0x1ba: {  	v2 =	vadd.f32 v5, v2;
	v1 =	vmul.f32 v1, v7;
	v3 =	vadd.f32 v4, v3;
	_ =	sdelay $0x1  }
0x1bb: {  	v0 =	vadd.f32 v0, v2;
	v1 =	vadd.f32 v1, v3;
	_ =	sdelay $0x1  }
0x1bc: {  	v0 =	vadd.f32 v1, v0  }
0x1bd: {  	s16 =	simm.s32 $0x14E00  }
0x1be: {  	s23 =	simm.s32 $0x80;
	[tilespmem:s16+$0x0] =	vst v0  }
0x1bf: {  	v14 =	vld [tilespmem:s23+$0x4660]  }
0x1c0: {  	v12 =	vld [tilespmem:s23+$0x6660]  }
0x1c1: {  	v13 =	vld [tilespmem:s23+$0x4670]  }
0x1c2: {  	v11 =	vld [tilespmem:s23+$0x6670]  }
0x1c3: {  	v0 =	vld [tilespmem:s23+$0x8600]  }
0x1c4: {  	v10 =	vld [tilespmem:s23+$0x4640]  }
0x1c5: {  	v4 =	vld [tilespmem:s23+$0x6640]  }
0x1c6: {  	v1 =	vld [tilespmem:s23+$0x4650]  }
0x1c7: {  	v3 =	vld [tilespmem:s23+$0x4620]  }
0x1c8: {  	v2 =	vld [tilespmem:s23+$0x6620]  }
0x1c9: {  	v5 =	vld [tilespmem:s23+$0x4600]  }
0x1ca: {  	v6 =	vld [tilespmem:s23+$0x6600]  }
0x1cb: {  	v25 =	vld [tilespmem:s23+$0x2660]  }
0x1cc: {  	v26 =	vld [tilespmem:s23+$0x660]  }
0x1cd: {  	v8 =	vld [tilespmem:s23+$0x4610]  }
0x1ce: {  	v23 =	vld [tilespmem:s23+$0x2670]  }
0x1cf: {  	v24 =	vld [tilespmem:s23+$0x670]  }
0x1d0: {  	v16 =	vld [tilespmem:s23+$0x2640]  }
0x1d1: {  	v18 =	vld [tilespmem:s23+$0x640]  }
0x1d2: {  	v7 =	vld [tilespmem:s23+$0x2650]  }
0x1d3: {  	v9 =	vld [tilespmem:s23+$0x650]  }
0x1d4: {  	v19 =	vld [tilespmem:s23+$0x2620]  }
0x1d5: {  	v21 =	vld [tilespmem:s23+$0x620]  }
0x1d6: {  	v15 =	vld [tilespmem:s23+$0x2630]  }
0x1d7: {  	v20 =	vld [tilespmem:s23+$0x2600]  }
0x1d8: {  	v22 =	vld [tilespmem:s23+$0x600];
	v27 =	vsub.f32 v26, v25  }
0x1d9: {  	s0 =	simm.s32 $0x400;
	v17 =	vld [tilespmem:s23+$0x2610];
	v25 =	vadd.f32 v25, v26;
	v26 =	vsub.f32 v24, v23  }
.LBB2_6:
0x1da: {  	p0 =	sne.s32 s0, $0x7E00;
	v28 =	vld [tilespmem:s23+$0x610];
	v14 =	vmul.f32 v14, v27;
	v23 =	vadd.f32 v23, v24  }
0x1db: {  	v27 =	vsub.f32 v18, v16;
	v24 =	vld [tilespmem:s23+$0x630];
	v12 =	vmul.f32 v12, v25;
	v13 =	vmul.f32 v13, v26  }
0x1dc: {  	v16 =	vadd.f32 v16, v18;
	v18 =	vsub.f32 v9, v7;
	v25 =	vld [tilespmem:s23+$0x6610];
	v11 =	vmul.f32 v11, v23  }
0x1dd: {  	v23 =	vsub.f32 v21, v19;
	v19 =	vadd.f32 v19, v21;
	v10 =	vmul.f32 v10, v27;
	v21 =	vld [tilespmem:s23+$0x4630]  }
0x1de: {  	v4 =	vmul.f32 v4, v16;
	v26 =	vsub.f32 v22, v20;
	v20 =	vadd.f32 v20, v22;
	v22 =	vld [tilespmem:s23+$0x6630]  }
0x1df: {  	v3 =	vmul.f32 v3, v23;
	v16 =	vsub.f32 v28, v17;
	v17 =	vadd.f32 v17, v28;
	v23 =	vld [tilespmem:s23+$0x6650]  }
0x1e0: {  	v5 =	vmul.f32 v5, v26;
	v6 =	vmul.f32 v6, v20;
	v20 =	vld [tilespmem:s23+$0x8610];
	v26 =	vsub.f32 v24, v15  }
0x1e1: {  	v15 =	vadd.f32 v15, v24;
	v8 =	vmul.f32 v8, v16;
	v16 =	vmul.f32 v25, v17;
	v17 =	vld [tilespmem:s23+$0x8620]  }
0x1e2: {  	v7 =	vadd.f32 v7, v9;
	v2 =	vmul.f32 v2, v19;
	v19 =	vld [tilespmem:s23+$0x8630];
	v21 =	vmul.f32 v21, v26  }
0x1e3: {  	v5 =	vadd.f32 v6, v5;
	v6 =	vadd.f32 v16, v8;
	v8 =	vmul.f32 v22, v15;
	v9 =	vld [tilespmem:s23+$0x8640]  }
0x1e4: {  	v1 =	vmul.f32 v1, v18;
	v2 =	vadd.f32 v2, v3;
	v3 =	vld [tilespmem:s23+$0x8650];
	v7 =	vmul.f32 v23, v7  }
0x1e5: {  	v0 =	vmul.f32 v5, v0;
	v5 =	vmul.f32 v6, v20;
	v6 =	vadd.f32 v8, v21;
	v8 =	vld [tilespmem:s23+$0x8660]  }
0x1e6: {  	v4 =	vadd.f32 v4, v10;
	v2 =	vmul.f32 v2, v17;
	v1 =	vadd.f32 v7, v1;
	v7 =	vld [tilespmem:s23+$0x8670]  }
0x1e7: {  	v0 =	vadd.f32 $0.0e+00, v0;
	v5 =	vadd.f32 $0.0e+00, v5;
	v6 =	vmul.f32 v6, v19  }
0x1e8: {  	v10 =	vadd.f32 v11, v13;
	v4 =	vmul.f32 v4, v9;
	v9 =	vadd.f32 v12, v14  }
0x1e9: {  	v0 =	vadd.f32 v2, v0;
	v2 =	vadd.f32 v6, v5;
	v1 =	vmul.f32 v1, v3  }
0x1ea: {  	v3 =	vmul.f32 v9, v8  }
0x1eb: {  	v0 =	vadd.f32 v4, v0;
	v1 =	vadd.f32 v1, v2;
	v2 =	vmul.f32 v10, v7;
	_ =	sdelay $0x1  }
0x1ec: {  	v0 =	vadd.f32 v3, v0;
	v1 =	vadd.f32 v2, v1;
	_ =	sdelay $0x1  }
0x1ed: {  	v0 =	vadd.f32 v1, v0  }
0x1ee: {  	s16 =	sadd.s32 $0x10, s16  }
0x1ef: {  	s23 =	sshra.s32 s0, $0x2;
	[tilespmem:s16+$0x0] =	vst v0  }
0x1f0: {  	v14 =	vld [tilespmem:s23+$0x4660]  }
0x1f1: {  	v12 =	vld [tilespmem:s23+$0x6660]  }
0x1f2: {  	v13 =	vld [tilespmem:s23+$0x4670]  }
0x1f3: {  	v11 =	vld [tilespmem:s23+$0x6670]  }
0x1f4: {  	v0 =	vld [tilespmem:s23+$0x8600]  }
0x1f5: {  	v10 =	vld [tilespmem:s23+$0x4640]  }
0x1f6: {  	v4 =	vld [tilespmem:s23+$0x6640]  }
0x1f7: {  	v1 =	vld [tilespmem:s23+$0x4650]  }
0x1f8: {  	v3 =	vld [tilespmem:s23+$0x4620]  }
0x1f9: {  	v2 =	vld [tilespmem:s23+$0x6620]  }
0x1fa: {  	v5 =	vld [tilespmem:s23+$0x4600]  }
0x1fb: {  	v6 =	vld [tilespmem:s23+$0x6600]  }
0x1fc: {  	v25 =	vld [tilespmem:s23+$0x2660]  }
0x1fd: {  	v26 =	vld [tilespmem:s23+$0x660]  }
0x1fe: {  	v8 =	vld [tilespmem:s23+$0x4610]  }
0x1ff: {  	v23 =	vld [tilespmem:s23+$0x2670]  }
0x200: {  	v24 =	vld [tilespmem:s23+$0x670]  }
0x201: {  	v16 =	vld [tilespmem:s23+$0x2640]  }
0x202: {  	v18 =	vld [tilespmem:s23+$0x640]  }
0x203: {  	v7 =	vld [tilespmem:s23+$0x2650]  }
0x204: {  	v9 =	vld [tilespmem:s23+$0x650]  }
0x205: {  	v19 =	vld [tilespmem:s23+$0x2620]  }
.Ltmp2:
0x206: {  	v21 =	vld [tilespmem:s23+$0x620];
	(pc) =	sbr.rel @p0 .LBB2_6-.Ltmp2, $4  }
0x207: {  	v15 =	vld [tilespmem:s23+$0x2630]  }
0x208: {  	v20 =	vld [tilespmem:s23+$0x2600]  }
0x209: {  	v27 =	vsub.f32 v26, v25;
	v22 =	vld [tilespmem:s23+$0x600]  }
0x20a: {  	s0 =	sadd.s32 $0x200, s0;
	v25 =	vadd.f32 v25, v26;
	v26 =	vsub.f32 v24, v23;
	v17 =	vld [tilespmem:s23+$0x2610]  }
0x20b: {  	v23 =	vadd.f32 v23, v24  }
0x20c: {  	v28 =	vld [tilespmem:s23+$0x610];
	v14 =	vmul.f32 v14, v27;
	v27 =	vsub.f32 v18, v16;
	v16 =	vadd.f32 v16, v18  }
0x20d: {  	v24 =	vld [tilespmem:s23+$0x630];
	v18 =	vsub.f32 v9, v7;
	v7 =	vadd.f32 v7, v9  }
0x20e: {  	v12 =	vmul.f32 v12, v25;
	v25 =	vld [tilespmem:s23+$0x6610];
	v11 =	vmul.f32 v11, v23;
	v23 =	vsub.f32 v21, v19  }
0x20f: {  	v13 =	vmul.f32 v13, v26;
	v19 =	vadd.f32 v19, v21;
	v21 =	vld [tilespmem:s23+$0x4630];
	v4 =	vmul.f32 v4, v16  }
0x210: {  	v26 =	vsub.f32 v22, v20;
	v20 =	vadd.f32 v20, v22;
	v22 =	vld [tilespmem:s23+$0x6630];
	v3 =	vmul.f32 v3, v23  }
0x211: {  	v23 =	vld [tilespmem:s23+$0x6650];
	v2 =	vmul.f32 v2, v19;
	v16 =	vsub.f32 v28, v17;
	v17 =	vadd.f32 v17, v28  }
0x212: {  	v5 =	vmul.f32 v5, v26;
	v6 =	vmul.f32 v6, v20;
	v20 =	vld [tilespmem:s23+$0x8610];
	v26 =	vsub.f32 v24, v15  }
0x213: {  	v19 =	vld [tilespmem:s23+$0x8630];
	v15 =	vadd.f32 v15, v24;
	v8 =	vmul.f32 v8, v16;
	v16 =	vmul.f32 v25, v17  }
0x214: {  	v10 =	vmul.f32 v10, v27;
	v1 =	vmul.f32 v1, v18;
	v17 =	vld [tilespmem:s23+$0x8620];
	v5 =	vadd.f32 v6, v5  }
0x215: {  	v9 =	vld [tilespmem:s23+$0x8640];
	v21 =	vmul.f32 v21, v26;
	v6 =	vadd.f32 v16, v8;
	v8 =	vmul.f32 v22, v15  }
0x216: {  	v2 =	vadd.f32 v2, v3;
	v3 =	vld [tilespmem:s23+$0x8650];
	v7 =	vmul.f32 v23, v7;
	v0 =	vmul.f32 v5, v0  }
0x217: {  	v4 =	vadd.f32 v4, v10;
	v5 =	vmul.f32 v6, v20;
	v6 =	vadd.f32 v8, v21;
	v8 =	vld [tilespmem:s23+$0x8660]  }
0x218: {  	v1 =	vadd.f32 v7, v1;
	v7 =	vld [tilespmem:s23+$0x8670];
	v0 =	vadd.f32 $0.0e+00, v0  }
0x219: {  	v2 =	vmul.f32 v2, v17;
	v5 =	vadd.f32 $0.0e+00, v5;
	v6 =	vmul.f32 v6, v19  }
0x21a: {  	v10 =	vadd.f32 v11, v13;
	v4 =	vmul.f32 v4, v9;
	v9 =	vadd.f32 v12, v14  }
0x21b: {  	v1 =	vmul.f32 v1, v3;
	v0 =	vadd.f32 v2, v0;
	v2 =	vadd.f32 v6, v5  }
0x21c: {  	v3 =	vmul.f32 v9, v8  }
0x21d: {  	v0 =	vadd.f32 v4, v0;
	v1 =	vadd.f32 v1, v2;
	v2 =	vmul.f32 v10, v7;
	_ =	sdelay $0x1  }
0x21e: {  	v0 =	vadd.f32 v3, v0;
	v1 =	vadd.f32 v2, v1;
	_ =	sdelay $0x1  }
0x21f: {  	v0 =	vadd.f32 v1, v0  }
0x220: {  	s0 =	sadd.s32 $0x10, s16  }
0x221: {  	s16 =	simm.s32 $0x100;
	[tilespmem:s0+$0x0] =	vst v0  }
0x222: {  	[tilespmem:s11], [sflag:$0x1] =	stream.indirect.gather [hbm4b:s1+s10], $0x80, s16, s10, $0xb8;
	[tilespmem:$0x16600] =	vst v63  }
0x223: {  	_ = 	snop  }
0x224: {  	[tilespmem:s12], [sflag:$0x1] =	stream.indirect.gather [hbm4b:s3+s10], $0x80, s16, s10, $0xb8;
	[tilespmem:$0x16600] =	vst v63  }
0x225: {  	s23 =	simm.s32 $0x500  }
0x226: {  	[tilespmem:s14], [sflag:$0x1] =	stream.indirect.gather [hbm4b:s1+s10], $0x80, s23, s10, $0xb8;
	[tilespmem:$0x16600] =	vst v63  }
0x227: {  	_ = 	snop  }
0x228: {  	[tilespmem:s15], [sflag:$0x1] =	stream.indirect.gather [hbm4b:s3+s10], $0x80, s23, s10, $0xb8;
	[tilespmem:$0x16600] =	vst v63  }
0x229: {  	s16 =	simm.s32 $0x300  }
0x22a: {  	[tilespmem:s17], [sflag:$0x1] =	stream.indirect.gather [hbm4b:s4+s10], $0x80, s16, s10, $0xb8;
	[tilespmem:$0x16600] =	vst v63  }
0x22b: {  	_ =	swait.ge [sflag:s30], $0x2000  }
0x22c: {  	[sflag:s30] =	ssyncset.done $0x0  }
0x22d: {  	[sflag:s30] =	ssyncadd.s32 $0xFFFFE000  }
0x22e: {  	_ =	swait.ge [sflag:s30], $0x2000  }
0x22f: {  	[sflag:s30] =	ssyncset.done $0x0  }
0x230: {  	[sflag:s30] =	ssyncadd.s32 $0xFFFFE000  }
0x231: {  	_ =	swait.ge [sflag:s30], $0x2000  }
0x232: {  	[sflag:s30] =	ssyncset.done $0x0  }
0x233: {  	[sflag:s30] =	ssyncadd.s32 $0xFFFFE000  }
0x234: {  	_ =	swait.ge [sflag:s30], $0x2000  }
0x235: {  	[sflag:s30] =	ssyncset.done $0x0  }
0x236: {  	[sflag:s30] =	ssyncadd.s32 $0xFFFFE000  }
0x237: {  	_ =	swait.ge [sflag:s30], $0x2000  }
0x238: {  	[sflag:s30] =	ssyncset.done $0x0  }
0x239: {  	s23 =	simm.s32 $0x0;
	[sflag:s30] =	ssyncadd.s32 $0xFFFFE000  }
0x23a: {  	v0 =	vld [tilespmem:s23+$0xE660]  }
0x23b: {  	v1 =	vld [tilespmem:s23+$0x10660]  }
0x23c: {  	v2 =	vld [tilespmem:s23+$0xE670]  }
0x23d: {  	v3 =	vld [tilespmem:s23+$0x10670]  }
0x23e: {  	v4 =	vld [tilespmem:s23+$0x12600]  }
0x23f: {  	v5 =	vld [tilespmem:s23+$0xE640]  }
0x240: {  	v6 =	vld [tilespmem:s23+$0x10640]  }
0x241: {  	v7 =	vld [tilespmem:s23+$0xE650]  }
0x242: {  	v8 =	vld [tilespmem:s23+$0xE620]  }
0x243: {  	v9 =	vld [tilespmem:s23+$0x10620]  }
0x244: {  	v10 =	vld [tilespmem:s23+$0xE600]  }
0x245: {  	v11 =	vld [tilespmem:s23+$0x10600]  }
0x246: {  	v12 =	vld [tilespmem:s23+$0xC660]  }
0x247: {  	v13 =	vld [tilespmem:s23+$0xA660]  }
0x248: {  	v14 =	vld [tilespmem:s23+$0xE610]  }
0x249: {  	v15 =	vld [tilespmem:s23+$0xC670]  }
0x24a: {  	v16 =	vld [tilespmem:s23+$0xA670]  }
0x24b: {  	v17 =	vld [tilespmem:s23+$0xC640]  }
0x24c: {  	v18 =	vld [tilespmem:s23+$0xA640]  }
0x24d: {  	v19 =	vld [tilespmem:s23+$0xC650]  }
0x24e: {  	v20 =	vld [tilespmem:s23+$0xA650]  }
0x24f: {  	v21 =	vld [tilespmem:s23+$0xC620]  }
0x250: {  	v22 =	vld [tilespmem:s23+$0xA620]  }
0x251: {  	v24 =	vld [tilespmem:s23+$0xC600]  }
0x252: {  	v25 =	vld [tilespmem:s23+$0xA600];
	v26 =	vsub.f32 v13, v12  }
0x253: {  	v27 =	vld [tilespmem:s23+$0xC610];
	v12 =	vadd.f32 v12, v13;
	v13 =	vsub.f32 v16, v15  }
0x254: {  	v28 =	vld [tilespmem:s23+$0xA610];
	v15 =	vadd.f32 v15, v16;
	v0 =	vmul.f32 v0, v26  }
0x255: {  	v23 =	vld [tilespmem:s23+$0xC630];
	v26 =	vsub.f32 v18, v17;
	v2 =	vmul.f32 v2, v13;
	v13 =	vadd.f32 v17, v18  }
0x256: {  	v16 =	vld [tilespmem:s23+$0xA630];
	v17 =	vsub.f32 v20, v19;
	v3 =	vmul.f32 v3, v15;
	v15 =	vsub.f32 v22, v21  }
0x257: {  	v1 =	vmul.f32 v1, v12;
	v12 =	vld [tilespmem:s23+$0x10610];
	v18 =	vadd.f32 v21, v22;
	v22 =	vsub.f32 v25, v24  }
0x258: {  	v21 =	vld [tilespmem:s23+$0xE630];
	v24 =	vadd.f32 v24, v25;
	v19 =	vadd.f32 v19, v20  }
0x259: {  	v25 =	vld [tilespmem:s23+$0x10630];
	v5 =	vmul.f32 v5, v26;
	v6 =	vmul.f32 v6, v13;
	v13 =	vsub.f32 v28, v27  }
0x25a: {  	v26 =	vadd.f32 v27, v28;
	v8 =	vmul.f32 v8, v15;
	v15 =	vld [tilespmem:s23+$0x10650];
	v10 =	vmul.f32 v10, v22  }
0x25b: {  	v11 =	vmul.f32 v11, v24;
	v22 =	vld [tilespmem:s23+$0x12610];
	v9 =	vmul.f32 v9, v18;
	v24 =	vsub.f32 v16, v23  }
0x25c: {  	v16 =	vadd.f32 v23, v16;
	v13 =	vmul.f32 v14, v13;
	v14 =	vld [tilespmem:s23+$0x12620];
	v12 =	vmul.f32 v12, v26  }
0x25d: {  	v18 =	vld [tilespmem:s23+$0x12630];
	v7 =	vmul.f32 v7, v17;
	v10 =	vadd.f32 v11, v10;
	v8 =	vadd.f32 v9, v8  }
0x25e: {  	v9 =	vld [tilespmem:s23+$0x12650];
	v21 =	vmul.f32 v21, v24;
	v11 =	vadd.f32 v12, v13;
	v12 =	vmul.f32 v25, v16  }
0x25f: {  	v4 =	vmul.f32 v10, v4;
	v13 =	vld [tilespmem:s23+$0x12640];
	v15 =	vmul.f32 v15, v19  }
0x260: {  	v5 =	vadd.f32 v6, v5;
	v10 =	vmul.f32 v11, v22;
	v11 =	vadd.f32 v12, v21;
	v12 =	vld [tilespmem:s23+$0x12660]  }
0x261: {  	v4 =	vadd.f32 $0.0e+00, v4;
	v8 =	vmul.f32 v8, v14;
	v6 =	vadd.f32 v15, v7;
	v7 =	vld [tilespmem:s23+$0x12670]  }
0x262: {  	v0 =	vadd.f32 v1, v0;
	v10 =	vadd.f32 $0.0e+00, v10;
	v11 =	vmul.f32 v11, v18  }
0x263: {  	v1 =	vadd.f32 v3, v2;
	v2 =	vadd.f32 v8, v4  }
0x264: {  	v4 =	vmul.f32 v6, v9;
	v5 =	vmul.f32 v5, v13;
	v3 =	vadd.f32 v11, v10  }
0x265: {  	v0 =	vmul.f32 v0, v12  }
0x266: {  	v2 =	vadd.f32 v5, v2;
	v1 =	vmul.f32 v1, v7;
	v3 =	vadd.f32 v4, v3;
	_ =	sdelay $0x1  }
0x267: {  	v0 =	vadd.f32 v0, v2;
	v1 =	vadd.f32 v1, v3;
	_ =	sdelay $0x1  }
0x268: {  	v0 =	vadd.f32 v1, v0  }
0x269: {  	s16 =	simm.s32 $0x15200  }
0x26a: {  	s23 =	simm.s32 $0x80;
	[tilespmem:s16+$0x0] =	vst v0  }
0x26b: {  	v14 =	vld [tilespmem:s23+$0xE660]  }
0x26c: {  	v12 =	vld [tilespmem:s23+$0x10660]  }
0x26d: {  	v13 =	vld [tilespmem:s23+$0xE670]  }
0x26e: {  	v11 =	vld [tilespmem:s23+$0x10670]  }
0x26f: {  	v0 =	vld [tilespmem:s23+$0x12600]  }
0x270: {  	v10 =	vld [tilespmem:s23+$0xE640]  }
0x271: {  	v4 =	vld [tilespmem:s23+$0x10640]  }
0x272: {  	v1 =	vld [tilespmem:s23+$0xE650]  }
0x273: {  	v3 =	vld [tilespmem:s23+$0xE620]  }
0x274: {  	v2 =	vld [tilespmem:s23+$0x10620]  }
0x275: {  	v5 =	vld [tilespmem:s23+$0xE600]  }
0x276: {  	v6 =	vld [tilespmem:s23+$0x10600]  }
0x277: {  	v25 =	vld [tilespmem:s23+$0xC660]  }
0x278: {  	v26 =	vld [tilespmem:s23+$0xA660]  }
0x279: {  	v8 =	vld [tilespmem:s23+$0xE610]  }
0x27a: {  	v23 =	vld [tilespmem:s23+$0xC670]  }
0x27b: {  	v24 =	vld [tilespmem:s23+$0xA670]  }
0x27c: {  	v16 =	vld [tilespmem:s23+$0xC640]  }
0x27d: {  	v18 =	vld [tilespmem:s23+$0xA640]  }
0x27e: {  	v7 =	vld [tilespmem:s23+$0xC650]  }
0x27f: {  	v9 =	vld [tilespmem:s23+$0xA650]  }
0x280: {  	v19 =	vld [tilespmem:s23+$0xC620]  }
0x281: {  	v21 =	vld [tilespmem:s23+$0xA620]  }
0x282: {  	v15 =	vld [tilespmem:s23+$0xC630]  }
0x283: {  	v20 =	vld [tilespmem:s23+$0xC600]  }
0x284: {  	v22 =	vld [tilespmem:s23+$0xA600];
	v27 =	vsub.f32 v26, v25  }
0x285: {  	s0 =	simm.s32 $0x400;
	v17 =	vld [tilespmem:s23+$0xC610];
	v25 =	vadd.f32 v25, v26;
	v26 =	vsub.f32 v24, v23  }
.LBB2_8:
0x286: {  	p0 =	sne.s32 s0, $0x7E00;
	v28 =	vld [tilespmem:s23+$0xA610];
	v14 =	vmul.f32 v14, v27;
	v23 =	vadd.f32 v23, v24  }
0x287: {  	v27 =	vsub.f32 v18, v16;
	v24 =	vld [tilespmem:s23+$0xA630];
	v12 =	vmul.f32 v12, v25;
	v13 =	vmul.f32 v13, v26  }
0x288: {  	v16 =	vadd.f32 v16, v18;
	v18 =	vsub.f32 v9, v7;
	v25 =	vld [tilespmem:s23+$0x10610];
	v11 =	vmul.f32 v11, v23  }
0x289: {  	v23 =	vsub.f32 v21, v19;
	v19 =	vadd.f32 v19, v21;
	v10 =	vmul.f32 v10, v27;
	v21 =	vld [tilespmem:s23+$0xE630]  }
0x28a: {  	v4 =	vmul.f32 v4, v16;
	v26 =	vsub.f32 v22, v20;
	v20 =	vadd.f32 v20, v22;
	v22 =	vld [tilespmem:s23+$0x10630]  }
0x28b: {  	v3 =	vmul.f32 v3, v23;
	v16 =	vsub.f32 v28, v17;
	v17 =	vadd.f32 v17, v28;
	v23 =	vld [tilespmem:s23+$0x10650]  }
0x28c: {  	v5 =	vmul.f32 v5, v26;
	v6 =	vmul.f32 v6, v20;
	v20 =	vld [tilespmem:s23+$0x12610];
	v26 =	vsub.f32 v24, v15  }
0x28d: {  	v15 =	vadd.f32 v15, v24;
	v8 =	vmul.f32 v8, v16;
	v16 =	vmul.f32 v25, v17;
	v17 =	vld [tilespmem:s23+$0x12620]  }
0x28e: {  	v7 =	vadd.f32 v7, v9;
	v2 =	vmul.f32 v2, v19;
	v19 =	vld [tilespmem:s23+$0x12630];
	v21 =	vmul.f32 v21, v26  }
0x28f: {  	v5 =	vadd.f32 v6, v5;
	v6 =	vadd.f32 v16, v8;
	v8 =	vmul.f32 v22, v15;
	v9 =	vld [tilespmem:s23+$0x12640]  }
0x290: {  	v1 =	vmul.f32 v1, v18;
	v2 =	vadd.f32 v2, v3;
	v3 =	vld [tilespmem:s23+$0x12650];
	v7 =	vmul.f32 v23, v7  }
0x291: {  	v0 =	vmul.f32 v5, v0;
	v5 =	vmul.f32 v6, v20;
	v6 =	vadd.f32 v8, v21;
	v8 =	vld [tilespmem:s23+$0x12660]  }
0x292: {  	v4 =	vadd.f32 v4, v10;
	v2 =	vmul.f32 v2, v17;
	v1 =	vadd.f32 v7, v1;
	v7 =	vld [tilespmem:s23+$0x12670]  }
0x293: {  	v0 =	vadd.f32 $0.0e+00, v0;
	v5 =	vadd.f32 $0.0e+00, v5;
	v6 =	vmul.f32 v6, v19  }
0x294: {  	v10 =	vadd.f32 v11, v13;
	v4 =	vmul.f32 v4, v9;
	v9 =	vadd.f32 v12, v14  }
0x295: {  	v0 =	vadd.f32 v2, v0;
	v2 =	vadd.f32 v6, v5;
	v1 =	vmul.f32 v1, v3  }
0x296: {  	v3 =	vmul.f32 v9, v8  }
0x297: {  	v0 =	vadd.f32 v4, v0;
	v1 =	vadd.f32 v1, v2;
	v2 =	vmul.f32 v10, v7;
	_ =	sdelay $0x1  }
0x298: {  	v0 =	vadd.f32 v3, v0;
	v1 =	vadd.f32 v2, v1;
	_ =	sdelay $0x1  }
0x299: {  	v0 =	vadd.f32 v1, v0  }
0x29a: {  	s16 =	sadd.s32 $0x10, s16  }
0x29b: {  	s23 =	sshra.s32 s0, $0x2;
	[tilespmem:s16+$0x0] =	vst v0  }
0x29c: {  	v14 =	vld [tilespmem:s23+$0xE660]  }
0x29d: {  	v12 =	vld [tilespmem:s23+$0x10660]  }
0x29e: {  	v13 =	vld [tilespmem:s23+$0xE670]  }
0x29f: {  	v11 =	vld [tilespmem:s23+$0x10670]  }
0x2a0: {  	v0 =	vld [tilespmem:s23+$0x12600]  }
0x2a1: {  	v10 =	vld [tilespmem:s23+$0xE640]  }
0x2a2: {  	v4 =	vld [tilespmem:s23+$0x10640]  }
0x2a3: {  	v1 =	vld [tilespmem:s23+$0xE650]  }
0x2a4: {  	v3 =	vld [tilespmem:s23+$0xE620]  }
0x2a5: {  	v2 =	vld [tilespmem:s23+$0x10620]  }
0x2a6: {  	v5 =	vld [tilespmem:s23+$0xE600]  }
0x2a7: {  	v6 =	vld [tilespmem:s23+$0x10600]  }
0x2a8: {  	v25 =	vld [tilespmem:s23+$0xC660]  }
0x2a9: {  	v26 =	vld [tilespmem:s23+$0xA660]  }
0x2aa: {  	v8 =	vld [tilespmem:s23+$0xE610]  }
0x2ab: {  	v23 =	vld [tilespmem:s23+$0xC670]  }
0x2ac: {  	v24 =	vld [tilespmem:s23+$0xA670]  }
0x2ad: {  	v16 =	vld [tilespmem:s23+$0xC640]  }
0x2ae: {  	v18 =	vld [tilespmem:s23+$0xA640]  }
0x2af: {  	v7 =	vld [tilespmem:s23+$0xC650]  }
0x2b0: {  	v9 =	vld [tilespmem:s23+$0xA650]  }
0x2b1: {  	v19 =	vld [tilespmem:s23+$0xC620]  }
.Ltmp3:
0x2b2: {  	v21 =	vld [tilespmem:s23+$0xA620];
	(pc) =	sbr.rel @p0 .LBB2_8-.Ltmp3, $4  }
0x2b3: {  	v15 =	vld [tilespmem:s23+$0xC630]  }
0x2b4: {  	v20 =	vld [tilespmem:s23+$0xC600]  }
0x2b5: {  	v27 =	vsub.f32 v26, v25;
	v22 =	vld [tilespmem:s23+$0xA600]  }
0x2b6: {  	s0 =	sadd.s32 $0x200, s0;
	v25 =	vadd.f32 v25, v26;
	v26 =	vsub.f32 v24, v23;
	v17 =	vld [tilespmem:s23+$0xC610]  }
0x2b7: {  	v23 =	vadd.f32 v23, v24  }
0x2b8: {  	v28 =	vld [tilespmem:s23+$0xA610];
	v14 =	vmul.f32 v14, v27;
	v27 =	vsub.f32 v18, v16;
	v16 =	vadd.f32 v16, v18  }
0x2b9: {  	v24 =	vld [tilespmem:s23+$0xA630];
	v18 =	vsub.f32 v9, v7;
	v7 =	vadd.f32 v7, v9  }
0x2ba: {  	v12 =	vmul.f32 v12, v25;
	v25 =	vld [tilespmem:s23+$0x10610];
	v11 =	vmul.f32 v11, v23;
	v23 =	vsub.f32 v21, v19  }
0x2bb: {  	v13 =	vmul.f32 v13, v26;
	v19 =	vadd.f32 v19, v21;
	v21 =	vld [tilespmem:s23+$0xE630];
	v4 =	vmul.f32 v4, v16  }
0x2bc: {  	v26 =	vsub.f32 v22, v20;
	v20 =	vadd.f32 v20, v22;
	v22 =	vld [tilespmem:s23+$0x10630];
	v3 =	vmul.f32 v3, v23  }
0x2bd: {  	v23 =	vld [tilespmem:s23+$0x10650];
	v2 =	vmul.f32 v2, v19;
	v16 =	vsub.f32 v28, v17;
	v17 =	vadd.f32 v17, v28  }
0x2be: {  	v5 =	vmul.f32 v5, v26;
	v6 =	vmul.f32 v6, v20;
	v20 =	vld [tilespmem:s23+$0x12610];
	v26 =	vsub.f32 v24, v15  }
0x2bf: {  	v19 =	vld [tilespmem:s23+$0x12630];
	v15 =	vadd.f32 v15, v24;
	v8 =	vmul.f32 v8, v16;
	v16 =	vmul.f32 v25, v17  }
0x2c0: {  	v10 =	vmul.f32 v10, v27;
	v1 =	vmul.f32 v1, v18;
	v17 =	vld [tilespmem:s23+$0x12620];
	v5 =	vadd.f32 v6, v5  }
0x2c1: {  	v9 =	vld [tilespmem:s23+$0x12640];
	v21 =	vmul.f32 v21, v26;
	v6 =	vadd.f32 v16, v8;
	v8 =	vmul.f32 v22, v15  }
0x2c2: {  	v2 =	vadd.f32 v2, v3;
	v3 =	vld [tilespmem:s23+$0x12650];
	v7 =	vmul.f32 v23, v7;
	v0 =	vmul.f32 v5, v0  }
0x2c3: {  	v4 =	vadd.f32 v4, v10;
	v5 =	vmul.f32 v6, v20;
	v6 =	vadd.f32 v8, v21;
	v8 =	vld [tilespmem:s23+$0x12660]  }
0x2c4: {  	v1 =	vadd.f32 v7, v1;
	v7 =	vld [tilespmem:s23+$0x12670];
	v0 =	vadd.f32 $0.0e+00, v0  }
0x2c5: {  	v2 =	vmul.f32 v2, v17;
	v5 =	vadd.f32 $0.0e+00, v5;
	v6 =	vmul.f32 v6, v19  }
0x2c6: {  	v10 =	vadd.f32 v11, v13;
	v4 =	vmul.f32 v4, v9;
	v9 =	vadd.f32 v12, v14  }
0x2c7: {  	v1 =	vmul.f32 v1, v3;
	v0 =	vadd.f32 v2, v0;
	v2 =	vadd.f32 v6, v5  }
0x2c8: {  	v3 =	vmul.f32 v9, v8  }
0x2c9: {  	v0 =	vadd.f32 v4, v0;
	v1 =	vadd.f32 v1, v2;
	v2 =	vmul.f32 v10, v7;
	_ =	sdelay $0x1  }
0x2ca: {  	v0 =	vadd.f32 v3, v0;
	v1 =	vadd.f32 v2, v1;
	_ =	sdelay $0x1  }
0x2cb: {  	v0 =	vadd.f32 v1, v0  }
0x2cc: {  	s0 =	sadd.s32 $0x10, s16  }
0x2cd: {  	s23 =	simm.s32 $0x140;
	[tilespmem:s0+$0x0] =	vst v0  }
0x2ce: {  	[tilespmem:s18], [sflag:$0x2] =	stream.indirect.gather [hbm4b:s1+s10], $0x80, s23, s10, $0xb8;
	[tilespmem:$0x16600] =	vst v63  }
0x2cf: {  	_ = 	snop  }
0x2d0: {  	[tilespmem:s19], [sflag:$0x2] =	stream.indirect.gather [hbm4b:s3+s10], $0x80, s23, s10, $0xb8;
	[tilespmem:$0x16600] =	vst v63  }
0x2d1: {  	_ = 	snop  }
0x2d2: {  	[tilespmem:s21], [sflag:$0x2] =	stream.indirect.gather [hbm4b:s1+s10], $0x80, s29, s10, $0xb8;
	[tilespmem:$0x16600] =	vst v63  }
0x2d3: {  	_ = 	snop  }
0x2d4: {  	[tilespmem:s22], [sflag:$0x2] =	stream.indirect.gather [hbm4b:s3+s10], $0x80, s29, s10, $0xb8;
	[tilespmem:$0x16600] =	vst v63  }
0x2d5: {  	s16 =	simm.s32 $0x340  }
0x2d6: {  	[tilespmem:s24], [sflag:$0x2] =	stream.indirect.gather [hbm4b:s4+s10], $0x80, s16, s10, $0xb8;
	[tilespmem:$0x16600] =	vst v63  }
0x2d7: {  	_ =	swait.ge [sflag:s25], $0x2000  }
0x2d8: {  	[sflag:s25] =	ssyncset.done $0x0  }
0x2d9: {  	[sflag:s25] =	ssyncadd.s32 $0xFFFFE000  }
0x2da: {  	_ =	swait.ge [sflag:s25], $0x2000  }
0x2db: {  	[sflag:s25] =	ssyncset.done $0x0  }
0x2dc: {  	[sflag:s25] =	ssyncadd.s32 $0xFFFFE000  }
0x2dd: {  	_ =	swait.ge [sflag:s25], $0x2000  }
0x2de: {  	[sflag:s25] =	ssyncset.done $0x0  }
0x2df: {  	[sflag:s25] =	ssyncadd.s32 $0xFFFFE000  }
0x2e0: {  	_ =	swait.ge [sflag:s25], $0x2000  }
0x2e1: {  	[sflag:s25] =	ssyncset.done $0x0  }
0x2e2: {  	[sflag:s25] =	ssyncadd.s32 $0xFFFFE000  }
0x2e3: {  	_ =	swait.ge [sflag:s25], $0x2000  }
0x2e4: {  	[sflag:s25] =	ssyncset.done $0x0  }
0x2e5: {  	s23 =	simm.s32 $0x0;
	[sflag:s25] =	ssyncadd.s32 $0xFFFFE000  }
0x2e6: {  	v0 =	vld [tilespmem:s23+$0x4660]  }
0x2e7: {  	v1 =	vld [tilespmem:s23+$0x6660]  }
0x2e8: {  	v2 =	vld [tilespmem:s23+$0x4670]  }
0x2e9: {  	v3 =	vld [tilespmem:s23+$0x6670]  }
0x2ea: {  	v4 =	vld [tilespmem:s23+$0x8600]  }
0x2eb: {  	v5 =	vld [tilespmem:s23+$0x4640]  }
0x2ec: {  	v6 =	vld [tilespmem:s23+$0x6640]  }
0x2ed: {  	v7 =	vld [tilespmem:s23+$0x4650]  }
0x2ee: {  	v8 =	vld [tilespmem:s23+$0x4620]  }
0x2ef: {  	v9 =	vld [tilespmem:s23+$0x6620]  }
0x2f0: {  	v10 =	vld [tilespmem:s23+$0x4600]  }
0x2f1: {  	v11 =	vld [tilespmem:s23+$0x6600]  }
0x2f2: {  	v12 =	vld [tilespmem:s23+$0x2660]  }
0x2f3: {  	v13 =	vld [tilespmem:s23+$0x660]  }
0x2f4: {  	v14 =	vld [tilespmem:s23+$0x4610]  }
0x2f5: {  	v15 =	vld [tilespmem:s23+$0x2670]  }
0x2f6: {  	v16 =	vld [tilespmem:s23+$0x670]  }
0x2f7: {  	v17 =	vld [tilespmem:s23+$0x2640]  }
0x2f8: {  	v18 =	vld [tilespmem:s23+$0x640]  }
0x2f9: {  	v19 =	vld [tilespmem:s23+$0x2650]  }
0x2fa: {  	v20 =	vld [tilespmem:s23+$0x650]  }
0x2fb: {  	v21 =	vld [tilespmem:s23+$0x2620]  }
0x2fc: {  	v22 =	vld [tilespmem:s23+$0x620]  }
0x2fd: {  	v24 =	vld [tilespmem:s23+$0x2600]  }
0x2fe: {  	v25 =	vld [tilespmem:s23+$0x600];
	v26 =	vsub.f32 v13, v12  }
0x2ff: {  	v27 =	vld [tilespmem:s23+$0x2610];
	v12 =	vadd.f32 v12, v13;
	v13 =	vsub.f32 v16, v15  }
0x300: {  	v28 =	vld [tilespmem:s23+$0x610];
	v15 =	vadd.f32 v15, v16;
	v0 =	vmul.f32 v0, v26  }
0x301: {  	v23 =	vld [tilespmem:s23+$0x2630];
	v26 =	vsub.f32 v18, v17;
	v2 =	vmul.f32 v2, v13;
	v13 =	vadd.f32 v17, v18  }
0x302: {  	v16 =	vld [tilespmem:s23+$0x630];
	v17 =	vsub.f32 v20, v19;
	v3 =	vmul.f32 v3, v15;
	v15 =	vsub.f32 v22, v21  }
0x303: {  	v1 =	vmul.f32 v1, v12;
	v12 =	vld [tilespmem:s23+$0x6610];
	v18 =	vadd.f32 v21, v22;
	v22 =	vsub.f32 v25, v24  }
0x304: {  	v21 =	vld [tilespmem:s23+$0x4630];
	v24 =	vadd.f32 v24, v25;
	v19 =	vadd.f32 v19, v20  }
0x305: {  	v25 =	vld [tilespmem:s23+$0x6630];
	v5 =	vmul.f32 v5, v26;
	v6 =	vmul.f32 v6, v13;
	v13 =	vsub.f32 v28, v27  }
0x306: {  	v26 =	vadd.f32 v27, v28;
	v8 =	vmul.f32 v8, v15;
	v15 =	vld [tilespmem:s23+$0x6650];
	v10 =	vmul.f32 v10, v22  }
0x307: {  	v11 =	vmul.f32 v11, v24;
	v22 =	vld [tilespmem:s23+$0x8610];
	v9 =	vmul.f32 v9, v18;
	v24 =	vsub.f32 v16, v23  }
0x308: {  	v16 =	vadd.f32 v23, v16;
	v13 =	vmul.f32 v14, v13;
	v14 =	vld [tilespmem:s23+$0x8620];
	v12 =	vmul.f32 v12, v26  }
0x309: {  	v18 =	vld [tilespmem:s23+$0x8630];
	v7 =	vmul.f32 v7, v17;
	v10 =	vadd.f32 v11, v10;
	v8 =	vadd.f32 v9, v8  }
0x30a: {  	v9 =	vld [tilespmem:s23+$0x8650];
	v21 =	vmul.f32 v21, v24;
	v11 =	vadd.f32 v12, v13;
	v12 =	vmul.f32 v25, v16  }
0x30b: {  	v4 =	vmul.f32 v10, v4;
	v13 =	vld [tilespmem:s23+$0x8640];
	v15 =	vmul.f32 v15, v19  }
0x30c: {  	v5 =	vadd.f32 v6, v5;
	v10 =	vmul.f32 v11, v22;
	v11 =	vadd.f32 v12, v21;
	v12 =	vld [tilespmem:s23+$0x8660]  }
0x30d: {  	v4 =	vadd.f32 $0.0e+00, v4;
	v8 =	vmul.f32 v8, v14;
	v6 =	vadd.f32 v15, v7;
	v7 =	vld [tilespmem:s23+$0x8670]  }
0x30e: {  	v0 =	vadd.f32 v1, v0;
	v10 =	vadd.f32 $0.0e+00, v10;
	v11 =	vmul.f32 v11, v18  }
0x30f: {  	v1 =	vadd.f32 v3, v2;
	v2 =	vadd.f32 v8, v4  }
0x310: {  	v4 =	vmul.f32 v6, v9;
	v5 =	vmul.f32 v5, v13;
	v3 =	vadd.f32 v11, v10  }
0x311: {  	v0 =	vmul.f32 v0, v12  }
0x312: {  	v2 =	vadd.f32 v5, v2;
	v1 =	vmul.f32 v1, v7;
	v3 =	vadd.f32 v4, v3;
	_ =	sdelay $0x1  }
0x313: {  	v0 =	vadd.f32 v0, v2;
	v1 =	vadd.f32 v1, v3;
	_ =	sdelay $0x1  }
0x314: {  	v0 =	vadd.f32 v1, v0  }
0x315: {  	s16 =	simm.s32 $0x15600  }
0x316: {  	s23 =	simm.s32 $0x80;
	[tilespmem:s16+$0x0] =	vst v0  }
0x317: {  	v14 =	vld [tilespmem:s23+$0x4660]  }
0x318: {  	v12 =	vld [tilespmem:s23+$0x6660]  }
0x319: {  	v13 =	vld [tilespmem:s23+$0x4670]  }
0x31a: {  	v11 =	vld [tilespmem:s23+$0x6670]  }
0x31b: {  	v0 =	vld [tilespmem:s23+$0x8600]  }
0x31c: {  	v10 =	vld [tilespmem:s23+$0x4640]  }
0x31d: {  	v4 =	vld [tilespmem:s23+$0x6640]  }
0x31e: {  	v1 =	vld [tilespmem:s23+$0x4650]  }
0x31f: {  	v3 =	vld [tilespmem:s23+$0x4620]  }
0x320: {  	v2 =	vld [tilespmem:s23+$0x6620]  }
0x321: {  	v5 =	vld [tilespmem:s23+$0x4600]  }
0x322: {  	v6 =	vld [tilespmem:s23+$0x6600]  }
0x323: {  	v25 =	vld [tilespmem:s23+$0x2660]  }
0x324: {  	v26 =	vld [tilespmem:s23+$0x660]  }
0x325: {  	v8 =	vld [tilespmem:s23+$0x4610]  }
0x326: {  	v23 =	vld [tilespmem:s23+$0x2670]  }
0x327: {  	v24 =	vld [tilespmem:s23+$0x670]  }
0x328: {  	v16 =	vld [tilespmem:s23+$0x2640]  }
0x329: {  	v18 =	vld [tilespmem:s23+$0x640]  }
0x32a: {  	v7 =	vld [tilespmem:s23+$0x2650]  }
0x32b: {  	v9 =	vld [tilespmem:s23+$0x650]  }
0x32c: {  	v19 =	vld [tilespmem:s23+$0x2620]  }
0x32d: {  	v21 =	vld [tilespmem:s23+$0x620]  }
0x32e: {  	v15 =	vld [tilespmem:s23+$0x2630]  }
0x32f: {  	v20 =	vld [tilespmem:s23+$0x2600]  }
0x330: {  	v22 =	vld [tilespmem:s23+$0x600];
	v27 =	vsub.f32 v26, v25  }
0x331: {  	s0 =	simm.s32 $0x400;
	v17 =	vld [tilespmem:s23+$0x2610];
	v25 =	vadd.f32 v25, v26;
	v26 =	vsub.f32 v24, v23  }
.LBB2_10:
0x332: {  	p0 =	sne.s32 s0, $0x7E00;
	v28 =	vld [tilespmem:s23+$0x610];
	v14 =	vmul.f32 v14, v27;
	v23 =	vadd.f32 v23, v24  }
0x333: {  	v27 =	vsub.f32 v18, v16;
	v24 =	vld [tilespmem:s23+$0x630];
	v12 =	vmul.f32 v12, v25;
	v13 =	vmul.f32 v13, v26  }
0x334: {  	v16 =	vadd.f32 v16, v18;
	v18 =	vsub.f32 v9, v7;
	v25 =	vld [tilespmem:s23+$0x6610];
	v11 =	vmul.f32 v11, v23  }
0x335: {  	v23 =	vsub.f32 v21, v19;
	v19 =	vadd.f32 v19, v21;
	v10 =	vmul.f32 v10, v27;
	v21 =	vld [tilespmem:s23+$0x4630]  }
0x336: {  	v4 =	vmul.f32 v4, v16;
	v26 =	vsub.f32 v22, v20;
	v20 =	vadd.f32 v20, v22;
	v22 =	vld [tilespmem:s23+$0x6630]  }
0x337: {  	v3 =	vmul.f32 v3, v23;
	v16 =	vsub.f32 v28, v17;
	v17 =	vadd.f32 v17, v28;
	v23 =	vld [tilespmem:s23+$0x6650]  }
0x338: {  	v5 =	vmul.f32 v5, v26;
	v6 =	vmul.f32 v6, v20;
	v20 =	vld [tilespmem:s23+$0x8610];
	v26 =	vsub.f32 v24, v15  }
0x339: {  	v15 =	vadd.f32 v15, v24;
	v8 =	vmul.f32 v8, v16;
	v16 =	vmul.f32 v25, v17;
	v17 =	vld [tilespmem:s23+$0x8620]  }
0x33a: {  	v7 =	vadd.f32 v7, v9;
	v2 =	vmul.f32 v2, v19;
	v19 =	vld [tilespmem:s23+$0x8630];
	v21 =	vmul.f32 v21, v26  }
0x33b: {  	v5 =	vadd.f32 v6, v5;
	v6 =	vadd.f32 v16, v8;
	v8 =	vmul.f32 v22, v15;
	v9 =	vld [tilespmem:s23+$0x8640]  }
0x33c: {  	v1 =	vmul.f32 v1, v18;
	v2 =	vadd.f32 v2, v3;
	v3 =	vld [tilespmem:s23+$0x8650];
	v7 =	vmul.f32 v23, v7  }
0x33d: {  	v0 =	vmul.f32 v5, v0;
	v5 =	vmul.f32 v6, v20;
	v6 =	vadd.f32 v8, v21;
	v8 =	vld [tilespmem:s23+$0x8660]  }
0x33e: {  	v4 =	vadd.f32 v4, v10;
	v2 =	vmul.f32 v2, v17;
	v1 =	vadd.f32 v7, v1;
	v7 =	vld [tilespmem:s23+$0x8670]  }
0x33f: {  	v0 =	vadd.f32 $0.0e+00, v0;
	v5 =	vadd.f32 $0.0e+00, v5;
	v6 =	vmul.f32 v6, v19  }
0x340: {  	v10 =	vadd.f32 v11, v13;
	v4 =	vmul.f32 v4, v9;
	v9 =	vadd.f32 v12, v14  }
0x341: {  	v0 =	vadd.f32 v2, v0;
	v2 =	vadd.f32 v6, v5;
	v1 =	vmul.f32 v1, v3  }
0x342: {  	v3 =	vmul.f32 v9, v8  }
0x343: {  	v0 =	vadd.f32 v4, v0;
	v1 =	vadd.f32 v1, v2;
	v2 =	vmul.f32 v10, v7;
	_ =	sdelay $0x1  }
0x344: {  	v0 =	vadd.f32 v3, v0;
	v1 =	vadd.f32 v2, v1;
	_ =	sdelay $0x1  }
0x345: {  	v0 =	vadd.f32 v1, v0  }
0x346: {  	s16 =	sadd.s32 $0x10, s16  }
0x347: {  	s23 =	sshra.s32 s0, $0x2;
	[tilespmem:s16+$0x0] =	vst v0  }
0x348: {  	v14 =	vld [tilespmem:s23+$0x4660]  }
0x349: {  	v12 =	vld [tilespmem:s23+$0x6660]  }
0x34a: {  	v13 =	vld [tilespmem:s23+$0x4670]  }
0x34b: {  	v11 =	vld [tilespmem:s23+$0x6670]  }
0x34c: {  	v0 =	vld [tilespmem:s23+$0x8600]  }
0x34d: {  	v10 =	vld [tilespmem:s23+$0x4640]  }
0x34e: {  	v4 =	vld [tilespmem:s23+$0x6640]  }
0x34f: {  	v1 =	vld [tilespmem:s23+$0x4650]  }
0x350: {  	v3 =	vld [tilespmem:s23+$0x4620]  }
0x351: {  	v2 =	vld [tilespmem:s23+$0x6620]  }
0x352: {  	v5 =	vld [tilespmem:s23+$0x4600]  }
0x353: {  	v6 =	vld [tilespmem:s23+$0x6600]  }
0x354: {  	v25 =	vld [tilespmem:s23+$0x2660]  }
0x355: {  	v26 =	vld [tilespmem:s23+$0x660]  }
0x356: {  	v8 =	vld [tilespmem:s23+$0x4610]  }
0x357: {  	v23 =	vld [tilespmem:s23+$0x2670]  }
0x358: {  	v24 =	vld [tilespmem:s23+$0x670]  }
0x359: {  	v16 =	vld [tilespmem:s23+$0x2640]  }
0x35a: {  	v18 =	vld [tilespmem:s23+$0x640]  }
0x35b: {  	v7 =	vld [tilespmem:s23+$0x2650]  }
0x35c: {  	v9 =	vld [tilespmem:s23+$0x650]  }
0x35d: {  	v19 =	vld [tilespmem:s23+$0x2620]  }
.Ltmp4:
0x35e: {  	v21 =	vld [tilespmem:s23+$0x620];
	(pc) =	sbr.rel @p0 .LBB2_10-.Ltmp4, $4  }
0x35f: {  	v15 =	vld [tilespmem:s23+$0x2630]  }
0x360: {  	v20 =	vld [tilespmem:s23+$0x2600]  }
0x361: {  	v27 =	vsub.f32 v26, v25;
	v22 =	vld [tilespmem:s23+$0x600]  }
0x362: {  	s0 =	sadd.s32 $0x200, s0;
	v25 =	vadd.f32 v25, v26;
	v26 =	vsub.f32 v24, v23;
	v17 =	vld [tilespmem:s23+$0x2610]  }
0x363: {  	v23 =	vadd.f32 v23, v24  }
0x364: {  	v28 =	vld [tilespmem:s23+$0x610];
	v14 =	vmul.f32 v14, v27;
	v27 =	vsub.f32 v18, v16;
	v16 =	vadd.f32 v16, v18  }
0x365: {  	v24 =	vld [tilespmem:s23+$0x630];
	v18 =	vsub.f32 v9, v7;
	v7 =	vadd.f32 v7, v9  }
0x366: {  	v12 =	vmul.f32 v12, v25;
	v25 =	vld [tilespmem:s23+$0x6610];
	v11 =	vmul.f32 v11, v23;
	v23 =	vsub.f32 v21, v19  }
0x367: {  	v13 =	vmul.f32 v13, v26;
	v19 =	vadd.f32 v19, v21;
	v21 =	vld [tilespmem:s23+$0x4630];
	v4 =	vmul.f32 v4, v16  }
0x368: {  	v26 =	vsub.f32 v22, v20;
	v20 =	vadd.f32 v20, v22;
	v22 =	vld [tilespmem:s23+$0x6630];
	v3 =	vmul.f32 v3, v23  }
0x369: {  	v23 =	vld [tilespmem:s23+$0x6650];
	v2 =	vmul.f32 v2, v19;
	v16 =	vsub.f32 v28, v17;
	v17 =	vadd.f32 v17, v28  }
0x36a: {  	v5 =	vmul.f32 v5, v26;
	v6 =	vmul.f32 v6, v20;
	v20 =	vld [tilespmem:s23+$0x8610];
	v26 =	vsub.f32 v24, v15  }
0x36b: {  	v19 =	vld [tilespmem:s23+$0x8630];
	v15 =	vadd.f32 v15, v24;
	v8 =	vmul.f32 v8, v16;
	v16 =	vmul.f32 v25, v17  }
0x36c: {  	v10 =	vmul.f32 v10, v27;
	v1 =	vmul.f32 v1, v18;
	v17 =	vld [tilespmem:s23+$0x8620];
	v5 =	vadd.f32 v6, v5  }
0x36d: {  	v9 =	vld [tilespmem:s23+$0x8640];
	v21 =	vmul.f32 v21, v26;
	v6 =	vadd.f32 v16, v8;
	v8 =	vmul.f32 v22, v15  }
0x36e: {  	v2 =	vadd.f32 v2, v3;
	v3 =	vld [tilespmem:s23+$0x8650];
	v7 =	vmul.f32 v23, v7;
	v0 =	vmul.f32 v5, v0  }
0x36f: {  	v4 =	vadd.f32 v4, v10;
	v5 =	vmul.f32 v6, v20;
	v6 =	vadd.f32 v8, v21;
	v8 =	vld [tilespmem:s23+$0x8660]  }
0x370: {  	v1 =	vadd.f32 v7, v1;
	v7 =	vld [tilespmem:s23+$0x8670];
	v0 =	vadd.f32 $0.0e+00, v0  }
0x371: {  	v2 =	vmul.f32 v2, v17;
	v5 =	vadd.f32 $0.0e+00, v5;
	v6 =	vmul.f32 v6, v19  }
0x372: {  	v10 =	vadd.f32 v11, v13;
	v4 =	vmul.f32 v4, v9;
	v9 =	vadd.f32 v12, v14  }
0x373: {  	v1 =	vmul.f32 v1, v3;
	v0 =	vadd.f32 v2, v0;
	v2 =	vadd.f32 v6, v5  }
0x374: {  	v3 =	vmul.f32 v9, v8  }
0x375: {  	v0 =	vadd.f32 v4, v0;
	v1 =	vadd.f32 v1, v2;
	v2 =	vmul.f32 v10, v7;
	_ =	sdelay $0x1  }
0x376: {  	v0 =	vadd.f32 v3, v0;
	v1 =	vadd.f32 v2, v1;
	_ =	sdelay $0x1  }
0x377: {  	v0 =	vadd.f32 v1, v0  }
0x378: {  	s0 =	sadd.s32 $0x10, s16  }
0x379: {  	[tilespmem:s0+$0x0] =	vst v0  }
0x37a: {  	[tilespmem:s11], [sflag:$0x1] =	stream.indirect.gather [hbm4b:s1+s10], $0x80, s13, s10, $0xb8;
	[tilespmem:$0x16600] =	vst v63  }
0x37b: {  	_ = 	snop  }
0x37c: {  	[tilespmem:s12], [sflag:$0x1] =	stream.indirect.gather [hbm4b:s3+s10], $0x80, s13, s10, $0xb8;
	[tilespmem:$0x16600] =	vst v63  }
0x37d: {  	_ = 	snop  }
0x37e: {  	[tilespmem:s14], [sflag:$0x1] =	stream.indirect.gather [hbm4b:s1+s10], $0x80, s20, s10, $0xb8;
	[tilespmem:$0x16600] =	vst v63  }
0x37f: {  	_ = 	snop  }
0x380: {  	[tilespmem:s15], [sflag:$0x1] =	stream.indirect.gather [hbm4b:s3+s10], $0x80, s20, s10, $0xb8;
	[tilespmem:$0x16600] =	vst v63  }
0x381: {  	s16 =	simm.s32 $0x380  }
0x382: {  	[tilespmem:s17], [sflag:$0x1] =	stream.indirect.gather [hbm4b:s4+s10], $0x80, s16, s10, $0xb8;
	[tilespmem:$0x16600] =	vst v63  }
0x383: {  	_ =	swait.ge [sflag:s30], $0x2000  }
0x384: {  	[sflag:s30] =	ssyncset.done $0x0  }
0x385: {  	[sflag:s30] =	ssyncadd.s32 $0xFFFFE000  }
0x386: {  	_ =	swait.ge [sflag:s30], $0x2000  }
0x387: {  	[sflag:s30] =	ssyncset.done $0x0  }
0x388: {  	[sflag:s30] =	ssyncadd.s32 $0xFFFFE000  }
0x389: {  	_ =	swait.ge [sflag:s30], $0x2000  }
0x38a: {  	[sflag:s30] =	ssyncset.done $0x0  }
0x38b: {  	[sflag:s30] =	ssyncadd.s32 $0xFFFFE000  }
0x38c: {  	_ =	swait.ge [sflag:s30], $0x2000  }
0x38d: {  	[sflag:s30] =	ssyncset.done $0x0  }
0x38e: {  	[sflag:s30] =	ssyncadd.s32 $0xFFFFE000  }
0x38f: {  	_ =	swait.ge [sflag:s30], $0x2000  }
0x390: {  	[sflag:s30] =	ssyncset.done $0x0  }
0x391: {  	s23 =	simm.s32 $0x0;
	[sflag:s30] =	ssyncadd.s32 $0xFFFFE000  }
0x392: {  	v0 =	vld [tilespmem:s23+$0xE660]  }
0x393: {  	v1 =	vld [tilespmem:s23+$0x10660]  }
0x394: {  	v2 =	vld [tilespmem:s23+$0xE670]  }
0x395: {  	v3 =	vld [tilespmem:s23+$0x10670]  }
0x396: {  	v4 =	vld [tilespmem:s23+$0x12600]  }
0x397: {  	v5 =	vld [tilespmem:s23+$0xE640]  }
0x398: {  	v6 =	vld [tilespmem:s23+$0x10640]  }
0x399: {  	v7 =	vld [tilespmem:s23+$0xE650]  }
0x39a: {  	v8 =	vld [tilespmem:s23+$0xE620]  }
0x39b: {  	v9 =	vld [tilespmem:s23+$0x10620]  }
0x39c: {  	v10 =	vld [tilespmem:s23+$0xE600]  }
0x39d: {  	v11 =	vld [tilespmem:s23+$0x10600]  }
0x39e: {  	v12 =	vld [tilespmem:s23+$0xC660]  }
0x39f: {  	v13 =	vld [tilespmem:s23+$0xA660]  }
0x3a0: {  	v14 =	vld [tilespmem:s23+$0xE610]  }
0x3a1: {  	v15 =	vld [tilespmem:s23+$0xC670]  }
0x3a2: {  	v16 =	vld [tilespmem:s23+$0xA670]  }
0x3a3: {  	v17 =	vld [tilespmem:s23+$0xC640]  }
0x3a4: {  	v18 =	vld [tilespmem:s23+$0xA640]  }
0x3a5: {  	v19 =	vld [tilespmem:s23+$0xC650]  }
0x3a6: {  	v20 =	vld [tilespmem:s23+$0xA650]  }
0x3a7: {  	v21 =	vld [tilespmem:s23+$0xC620]  }
0x3a8: {  	v22 =	vld [tilespmem:s23+$0xA620]  }
0x3a9: {  	v24 =	vld [tilespmem:s23+$0xC600]  }
0x3aa: {  	v25 =	vld [tilespmem:s23+$0xA600];
	v26 =	vsub.f32 v13, v12  }
0x3ab: {  	v27 =	vld [tilespmem:s23+$0xC610];
	v12 =	vadd.f32 v12, v13;
	v13 =	vsub.f32 v16, v15  }
0x3ac: {  	v28 =	vld [tilespmem:s23+$0xA610];
	v15 =	vadd.f32 v15, v16;
	v0 =	vmul.f32 v0, v26  }
0x3ad: {  	v23 =	vld [tilespmem:s23+$0xC630];
	v26 =	vsub.f32 v18, v17;
	v2 =	vmul.f32 v2, v13;
	v13 =	vadd.f32 v17, v18  }
0x3ae: {  	v16 =	vld [tilespmem:s23+$0xA630];
	v17 =	vsub.f32 v20, v19;
	v3 =	vmul.f32 v3, v15;
	v15 =	vsub.f32 v22, v21  }
0x3af: {  	v1 =	vmul.f32 v1, v12;
	v12 =	vld [tilespmem:s23+$0x10610];
	v18 =	vadd.f32 v21, v22;
	v22 =	vsub.f32 v25, v24  }
0x3b0: {  	v21 =	vld [tilespmem:s23+$0xE630];
	v24 =	vadd.f32 v24, v25;
	v19 =	vadd.f32 v19, v20  }
0x3b1: {  	v25 =	vld [tilespmem:s23+$0x10630];
	v5 =	vmul.f32 v5, v26;
	v6 =	vmul.f32 v6, v13;
	v13 =	vsub.f32 v28, v27  }
0x3b2: {  	v26 =	vadd.f32 v27, v28;
	v8 =	vmul.f32 v8, v15;
	v15 =	vld [tilespmem:s23+$0x10650];
	v10 =	vmul.f32 v10, v22  }
0x3b3: {  	v11 =	vmul.f32 v11, v24;
	v22 =	vld [tilespmem:s23+$0x12610];
	v9 =	vmul.f32 v9, v18;
	v24 =	vsub.f32 v16, v23  }
0x3b4: {  	v16 =	vadd.f32 v23, v16;
	v13 =	vmul.f32 v14, v13;
	v14 =	vld [tilespmem:s23+$0x12620];
	v12 =	vmul.f32 v12, v26  }
0x3b5: {  	v18 =	vld [tilespmem:s23+$0x12630];
	v7 =	vmul.f32 v7, v17;
	v10 =	vadd.f32 v11, v10;
	v8 =	vadd.f32 v9, v8  }
0x3b6: {  	v9 =	vld [tilespmem:s23+$0x12650];
	v21 =	vmul.f32 v21, v24;
	v11 =	vadd.f32 v12, v13;
	v12 =	vmul.f32 v25, v16  }
0x3b7: {  	v4 =	vmul.f32 v10, v4;
	v13 =	vld [tilespmem:s23+$0x12640];
	v15 =	vmul.f32 v15, v19  }
0x3b8: {  	v5 =	vadd.f32 v6, v5;
	v10 =	vmul.f32 v11, v22;
	v11 =	vadd.f32 v12, v21;
	v12 =	vld [tilespmem:s23+$0x12660]  }
0x3b9: {  	v4 =	vadd.f32 $0.0e+00, v4;
	v8 =	vmul.f32 v8, v14;
	v6 =	vadd.f32 v15, v7;
	v7 =	vld [tilespmem:s23+$0x12670]  }
0x3ba: {  	v0 =	vadd.f32 v1, v0;
	v10 =	vadd.f32 $0.0e+00, v10;
	v11 =	vmul.f32 v11, v18  }
0x3bb: {  	v1 =	vadd.f32 v3, v2;
	v2 =	vadd.f32 v8, v4  }
0x3bc: {  	v4 =	vmul.f32 v6, v9;
	v5 =	vmul.f32 v5, v13;
	v3 =	vadd.f32 v11, v10  }
0x3bd: {  	v0 =	vmul.f32 v0, v12  }
0x3be: {  	v2 =	vadd.f32 v5, v2;
	v1 =	vmul.f32 v1, v7;
	v3 =	vadd.f32 v4, v3;
	_ =	sdelay $0x1  }
0x3bf: {  	v0 =	vadd.f32 v0, v2;
	v1 =	vadd.f32 v1, v3;
	_ =	sdelay $0x1  }
0x3c0: {  	v0 =	vadd.f32 v1, v0  }
0x3c1: {  	s16 =	simm.s32 $0x15A00  }
0x3c2: {  	s23 =	simm.s32 $0x80;
	[tilespmem:s16+$0x0] =	vst v0  }
0x3c3: {  	v14 =	vld [tilespmem:s23+$0xE660]  }
0x3c4: {  	v12 =	vld [tilespmem:s23+$0x10660]  }
0x3c5: {  	v13 =	vld [tilespmem:s23+$0xE670]  }
0x3c6: {  	v11 =	vld [tilespmem:s23+$0x10670]  }
0x3c7: {  	v0 =	vld [tilespmem:s23+$0x12600]  }
0x3c8: {  	v10 =	vld [tilespmem:s23+$0xE640]  }
0x3c9: {  	v4 =	vld [tilespmem:s23+$0x10640]  }
0x3ca: {  	v1 =	vld [tilespmem:s23+$0xE650]  }
0x3cb: {  	v3 =	vld [tilespmem:s23+$0xE620]  }
0x3cc: {  	v2 =	vld [tilespmem:s23+$0x10620]  }
0x3cd: {  	v5 =	vld [tilespmem:s23+$0xE600]  }
0x3ce: {  	v6 =	vld [tilespmem:s23+$0x10600]  }
0x3cf: {  	v25 =	vld [tilespmem:s23+$0xC660]  }
0x3d0: {  	v26 =	vld [tilespmem:s23+$0xA660]  }
0x3d1: {  	v8 =	vld [tilespmem:s23+$0xE610]  }
0x3d2: {  	v23 =	vld [tilespmem:s23+$0xC670]  }
0x3d3: {  	v24 =	vld [tilespmem:s23+$0xA670]  }
0x3d4: {  	v16 =	vld [tilespmem:s23+$0xC640]  }
0x3d5: {  	v18 =	vld [tilespmem:s23+$0xA640]  }
0x3d6: {  	v7 =	vld [tilespmem:s23+$0xC650]  }
0x3d7: {  	v9 =	vld [tilespmem:s23+$0xA650]  }
0x3d8: {  	v19 =	vld [tilespmem:s23+$0xC620]  }
0x3d9: {  	v21 =	vld [tilespmem:s23+$0xA620]  }
0x3da: {  	v15 =	vld [tilespmem:s23+$0xC630]  }
0x3db: {  	v20 =	vld [tilespmem:s23+$0xC600]  }
0x3dc: {  	v22 =	vld [tilespmem:s23+$0xA600];
	v27 =	vsub.f32 v26, v25  }
0x3dd: {  	s0 =	simm.s32 $0x400;
	v17 =	vld [tilespmem:s23+$0xC610];
	v25 =	vadd.f32 v25, v26;
	v26 =	vsub.f32 v24, v23  }
.LBB2_12:
0x3de: {  	p0 =	sne.s32 s0, $0x7E00;
	v28 =	vld [tilespmem:s23+$0xA610];
	v14 =	vmul.f32 v14, v27;
	v23 =	vadd.f32 v23, v24  }
0x3df: {  	v27 =	vsub.f32 v18, v16;
	v24 =	vld [tilespmem:s23+$0xA630];
	v12 =	vmul.f32 v12, v25;
	v13 =	vmul.f32 v13, v26  }
0x3e0: {  	v16 =	vadd.f32 v16, v18;
	v18 =	vsub.f32 v9, v7;
	v25 =	vld [tilespmem:s23+$0x10610];
	v11 =	vmul.f32 v11, v23  }
0x3e1: {  	v23 =	vsub.f32 v21, v19;
	v19 =	vadd.f32 v19, v21;
	v10 =	vmul.f32 v10, v27;
	v21 =	vld [tilespmem:s23+$0xE630]  }
0x3e2: {  	v4 =	vmul.f32 v4, v16;
	v26 =	vsub.f32 v22, v20;
	v20 =	vadd.f32 v20, v22;
	v22 =	vld [tilespmem:s23+$0x10630]  }
0x3e3: {  	v3 =	vmul.f32 v3, v23;
	v16 =	vsub.f32 v28, v17;
	v17 =	vadd.f32 v17, v28;
	v23 =	vld [tilespmem:s23+$0x10650]  }
0x3e4: {  	v5 =	vmul.f32 v5, v26;
	v6 =	vmul.f32 v6, v20;
	v20 =	vld [tilespmem:s23+$0x12610];
	v26 =	vsub.f32 v24, v15  }
0x3e5: {  	v15 =	vadd.f32 v15, v24;
	v8 =	vmul.f32 v8, v16;
	v16 =	vmul.f32 v25, v17;
	v17 =	vld [tilespmem:s23+$0x12620]  }
0x3e6: {  	v7 =	vadd.f32 v7, v9;
	v2 =	vmul.f32 v2, v19;
	v19 =	vld [tilespmem:s23+$0x12630];
	v21 =	vmul.f32 v21, v26  }
0x3e7: {  	v5 =	vadd.f32 v6, v5;
	v6 =	vadd.f32 v16, v8;
	v8 =	vmul.f32 v22, v15;
	v9 =	vld [tilespmem:s23+$0x12640]  }
0x3e8: {  	v1 =	vmul.f32 v1, v18;
	v2 =	vadd.f32 v2, v3;
	v3 =	vld [tilespmem:s23+$0x12650];
	v7 =	vmul.f32 v23, v7  }
0x3e9: {  	v0 =	vmul.f32 v5, v0;
	v5 =	vmul.f32 v6, v20;
	v6 =	vadd.f32 v8, v21;
	v8 =	vld [tilespmem:s23+$0x12660]  }
0x3ea: {  	v4 =	vadd.f32 v4, v10;
	v2 =	vmul.f32 v2, v17;
	v1 =	vadd.f32 v7, v1;
	v7 =	vld [tilespmem:s23+$0x12670]  }
0x3eb: {  	v0 =	vadd.f32 $0.0e+00, v0;
	v5 =	vadd.f32 $0.0e+00, v5;
	v6 =	vmul.f32 v6, v19  }
0x3ec: {  	v10 =	vadd.f32 v11, v13;
	v4 =	vmul.f32 v4, v9;
	v9 =	vadd.f32 v12, v14  }
0x3ed: {  	v0 =	vadd.f32 v2, v0;
	v2 =	vadd.f32 v6, v5;
	v1 =	vmul.f32 v1, v3  }
0x3ee: {  	v3 =	vmul.f32 v9, v8  }
0x3ef: {  	v0 =	vadd.f32 v4, v0;
	v1 =	vadd.f32 v1, v2;
	v2 =	vmul.f32 v10, v7;
	_ =	sdelay $0x1  }
0x3f0: {  	v0 =	vadd.f32 v3, v0;
	v1 =	vadd.f32 v2, v1;
	_ =	sdelay $0x1  }
0x3f1: {  	v0 =	vadd.f32 v1, v0  }
0x3f2: {  	s16 =	sadd.s32 $0x10, s16  }
0x3f3: {  	s23 =	sshra.s32 s0, $0x2;
	[tilespmem:s16+$0x0] =	vst v0  }
0x3f4: {  	v14 =	vld [tilespmem:s23+$0xE660]  }
0x3f5: {  	v12 =	vld [tilespmem:s23+$0x10660]  }
0x3f6: {  	v13 =	vld [tilespmem:s23+$0xE670]  }
0x3f7: {  	v11 =	vld [tilespmem:s23+$0x10670]  }
0x3f8: {  	v0 =	vld [tilespmem:s23+$0x12600]  }
0x3f9: {  	v10 =	vld [tilespmem:s23+$0xE640]  }
0x3fa: {  	v4 =	vld [tilespmem:s23+$0x10640]  }
0x3fb: {  	v1 =	vld [tilespmem:s23+$0xE650]  }
0x3fc: {  	v3 =	vld [tilespmem:s23+$0xE620]  }
0x3fd: {  	v2 =	vld [tilespmem:s23+$0x10620]  }
0x3fe: {  	v5 =	vld [tilespmem:s23+$0xE600]  }
0x3ff: {  	v6 =	vld [tilespmem:s23+$0x10600]  }
0x400: {  	v25 =	vld [tilespmem:s23+$0xC660]  }
0x401: {  	v26 =	vld [tilespmem:s23+$0xA660]  }
0x402: {  	v8 =	vld [tilespmem:s23+$0xE610]  }
0x403: {  	v23 =	vld [tilespmem:s23+$0xC670]  }
0x404: {  	v24 =	vld [tilespmem:s23+$0xA670]  }
0x405: {  	v16 =	vld [tilespmem:s23+$0xC640]  }
0x406: {  	v18 =	vld [tilespmem:s23+$0xA640]  }
0x407: {  	v7 =	vld [tilespmem:s23+$0xC650]  }
0x408: {  	v9 =	vld [tilespmem:s23+$0xA650]  }
0x409: {  	v19 =	vld [tilespmem:s23+$0xC620]  }
.Ltmp5:
0x40a: {  	v21 =	vld [tilespmem:s23+$0xA620];
	(pc) =	sbr.rel @p0 .LBB2_12-.Ltmp5, $4  }
0x40b: {  	v15 =	vld [tilespmem:s23+$0xC630]  }
0x40c: {  	v20 =	vld [tilespmem:s23+$0xC600]  }
0x40d: {  	v27 =	vsub.f32 v26, v25;
	v22 =	vld [tilespmem:s23+$0xA600]  }
0x40e: {  	s0 =	sadd.s32 $0x200, s0;
	v25 =	vadd.f32 v25, v26;
	v26 =	vsub.f32 v24, v23;
	v17 =	vld [tilespmem:s23+$0xC610]  }
0x40f: {  	v23 =	vadd.f32 v23, v24  }
0x410: {  	v28 =	vld [tilespmem:s23+$0xA610];
	v14 =	vmul.f32 v14, v27;
	v27 =	vsub.f32 v18, v16;
	v16 =	vadd.f32 v16, v18  }
0x411: {  	v24 =	vld [tilespmem:s23+$0xA630];
	v18 =	vsub.f32 v9, v7;
	v7 =	vadd.f32 v7, v9  }
0x412: {  	v12 =	vmul.f32 v12, v25;
	v25 =	vld [tilespmem:s23+$0x10610];
	v11 =	vmul.f32 v11, v23;
	v23 =	vsub.f32 v21, v19  }
0x413: {  	v13 =	vmul.f32 v13, v26;
	v19 =	vadd.f32 v19, v21;
	v21 =	vld [tilespmem:s23+$0xE630];
	v4 =	vmul.f32 v4, v16  }
0x414: {  	v26 =	vsub.f32 v22, v20;
	v20 =	vadd.f32 v20, v22;
	v22 =	vld [tilespmem:s23+$0x10630];
	v3 =	vmul.f32 v3, v23  }
0x415: {  	v23 =	vld [tilespmem:s23+$0x10650];
	v2 =	vmul.f32 v2, v19;
	v16 =	vsub.f32 v28, v17;
	v17 =	vadd.f32 v17, v28  }
0x416: {  	v5 =	vmul.f32 v5, v26;
	v6 =	vmul.f32 v6, v20;
	v20 =	vld [tilespmem:s23+$0x12610];
	v26 =	vsub.f32 v24, v15  }
0x417: {  	v19 =	vld [tilespmem:s23+$0x12630];
	v15 =	vadd.f32 v15, v24;
	v8 =	vmul.f32 v8, v16;
	v16 =	vmul.f32 v25, v17  }
0x418: {  	v10 =	vmul.f32 v10, v27;
	v1 =	vmul.f32 v1, v18;
	v17 =	vld [tilespmem:s23+$0x12620];
	v5 =	vadd.f32 v6, v5  }
0x419: {  	v9 =	vld [tilespmem:s23+$0x12640];
	v21 =	vmul.f32 v21, v26;
	v6 =	vadd.f32 v16, v8;
	v8 =	vmul.f32 v22, v15  }
0x41a: {  	v2 =	vadd.f32 v2, v3;
	v3 =	vld [tilespmem:s23+$0x12650];
	v7 =	vmul.f32 v23, v7;
	v0 =	vmul.f32 v5, v0  }
0x41b: {  	v4 =	vadd.f32 v4, v10;
	v5 =	vmul.f32 v6, v20;
	v6 =	vadd.f32 v8, v21;
	v8 =	vld [tilespmem:s23+$0x12660]  }
0x41c: {  	v1 =	vadd.f32 v7, v1;
	v7 =	vld [tilespmem:s23+$0x12670];
	v0 =	vadd.f32 $0.0e+00, v0  }
0x41d: {  	v2 =	vmul.f32 v2, v17;
	v5 =	vadd.f32 $0.0e+00, v5;
	v6 =	vmul.f32 v6, v19  }
0x41e: {  	v10 =	vadd.f32 v11, v13;
	v4 =	vmul.f32 v4, v9;
	v9 =	vadd.f32 v12, v14  }
0x41f: {  	v1 =	vmul.f32 v1, v3;
	v0 =	vadd.f32 v2, v0;
	v2 =	vadd.f32 v6, v5  }
0x420: {  	v3 =	vmul.f32 v9, v8  }
0x421: {  	v0 =	vadd.f32 v4, v0;
	v1 =	vadd.f32 v1, v2;
	v2 =	vmul.f32 v10, v7;
	_ =	sdelay $0x1  }
0x422: {  	v0 =	vadd.f32 v3, v0;
	v1 =	vadd.f32 v2, v1;
	_ =	sdelay $0x1  }
0x423: {  	v0 =	vadd.f32 v1, v0  }
0x424: {  	s0 =	sadd.s32 $0x10, s16  }
0x425: {  	[tilespmem:s0+$0x0] =	vst v0  }
0x426: {  	[tilespmem:s18], [sflag:$0x2] =	stream.indirect.gather [hbm4b:s1+s10], $0x80, s26, s10, $0xb8;
	[tilespmem:$0x16600] =	vst v63  }
0x427: {  	_ = 	snop  }
0x428: {  	[tilespmem:s19], [sflag:$0x2] =	stream.indirect.gather [hbm4b:s3+s10], $0x80, s26, s10, $0xb8;
	[tilespmem:$0x16600] =	vst v63  }
0x429: {  	_ = 	snop  }
0x42a: {  	[tilespmem:s21], [sflag:$0x2] =	stream.indirect.gather [hbm4b:s1+s10], $0x80, s28, s10, $0xb8;
	[tilespmem:$0x16600] =	vst v63  }
0x42b: {  	_ = 	snop  }
0x42c: {  	[tilespmem:s22], [sflag:$0x2] =	stream.indirect.gather [hbm4b:s3+s10], $0x80, s28, s10, $0xb8;
	[tilespmem:$0x16600] =	vst v63  }
0x42d: {  	s16 =	simm.s32 $0x3C0  }
0x42e: {  	[tilespmem:s24], [sflag:$0x2] =	stream.indirect.gather [hbm4b:s4+s10], $0x80, s16, s10, $0xb8;
	[tilespmem:$0x16600] =	vst v63  }
0x42f: {  	_ =	swait.ge [sflag:s25], $0x2000  }
0x430: {  	[sflag:s25] =	ssyncset.done $0x0  }
0x431: {  	[sflag:s25] =	ssyncadd.s32 $0xFFFFE000  }
0x432: {  	_ =	swait.ge [sflag:s25], $0x2000  }
0x433: {  	[sflag:s25] =	ssyncset.done $0x0  }
0x434: {  	[sflag:s25] =	ssyncadd.s32 $0xFFFFE000  }
0x435: {  	_ =	swait.ge [sflag:s25], $0x2000  }
0x436: {  	[sflag:s25] =	ssyncset.done $0x0  }
0x437: {  	[sflag:s25] =	ssyncadd.s32 $0xFFFFE000  }
0x438: {  	_ =	swait.ge [sflag:s25], $0x2000  }
0x439: {  	[sflag:s25] =	ssyncset.done $0x0  }
0x43a: {  	[sflag:s25] =	ssyncadd.s32 $0xFFFFE000  }
0x43b: {  	_ =	swait.ge [sflag:s25], $0x2000  }
0x43c: {  	[sflag:s25] =	ssyncset.done $0x0  }
0x43d: {  	s23 =	simm.s32 $0x0;
	[sflag:s25] =	ssyncadd.s32 $0xFFFFE000  }
0x43e: {  	v0 =	vld [tilespmem:s23+$0x4660]  }
0x43f: {  	v1 =	vld [tilespmem:s23+$0x6660]  }
0x440: {  	v2 =	vld [tilespmem:s23+$0x4670]  }
0x441: {  	v3 =	vld [tilespmem:s23+$0x6670]  }
0x442: {  	v4 =	vld [tilespmem:s23+$0x8600]  }
0x443: {  	v5 =	vld [tilespmem:s23+$0x4640]  }
0x444: {  	v6 =	vld [tilespmem:s23+$0x6640]  }
0x445: {  	v7 =	vld [tilespmem:s23+$0x4650]  }
0x446: {  	v8 =	vld [tilespmem:s23+$0x4620]  }
0x447: {  	v9 =	vld [tilespmem:s23+$0x6620]  }
0x448: {  	v10 =	vld [tilespmem:s23+$0x4600]  }
0x449: {  	v11 =	vld [tilespmem:s23+$0x6600]  }
0x44a: {  	v12 =	vld [tilespmem:s23+$0x2660]  }
0x44b: {  	v13 =	vld [tilespmem:s23+$0x660]  }
0x44c: {  	v14 =	vld [tilespmem:s23+$0x4610]  }
0x44d: {  	v15 =	vld [tilespmem:s23+$0x2670]  }
0x44e: {  	v16 =	vld [tilespmem:s23+$0x670]  }
0x44f: {  	v17 =	vld [tilespmem:s23+$0x2640]  }
0x450: {  	v18 =	vld [tilespmem:s23+$0x640]  }
0x451: {  	v19 =	vld [tilespmem:s23+$0x2650]  }
0x452: {  	v20 =	vld [tilespmem:s23+$0x650]  }
0x453: {  	v21 =	vld [tilespmem:s23+$0x2620]  }
0x454: {  	v22 =	vld [tilespmem:s23+$0x620]  }
0x455: {  	v24 =	vld [tilespmem:s23+$0x2600]  }
0x456: {  	v25 =	vld [tilespmem:s23+$0x600];
	v26 =	vsub.f32 v13, v12  }
0x457: {  	v27 =	vld [tilespmem:s23+$0x2610];
	v12 =	vadd.f32 v12, v13;
	v13 =	vsub.f32 v16, v15  }
0x458: {  	v28 =	vld [tilespmem:s23+$0x610];
	v15 =	vadd.f32 v15, v16;
	v0 =	vmul.f32 v0, v26  }
0x459: {  	v23 =	vld [tilespmem:s23+$0x2630];
	v26 =	vsub.f32 v18, v17;
	v2 =	vmul.f32 v2, v13;
	v13 =	vadd.f32 v17, v18  }
0x45a: {  	v16 =	vld [tilespmem:s23+$0x630];
	v17 =	vsub.f32 v20, v19;
	v3 =	vmul.f32 v3, v15;
	v15 =	vsub.f32 v22, v21  }
0x45b: {  	v1 =	vmul.f32 v1, v12;
	v12 =	vld [tilespmem:s23+$0x6610];
	v18 =	vadd.f32 v21, v22;
	v22 =	vsub.f32 v25, v24  }
0x45c: {  	v21 =	vld [tilespmem:s23+$0x4630];
	v24 =	vadd.f32 v24, v25;
	v19 =	vadd.f32 v19, v20  }
0x45d: {  	v25 =	vld [tilespmem:s23+$0x6630];
	v5 =	vmul.f32 v5, v26;
	v6 =	vmul.f32 v6, v13;
	v13 =	vsub.f32 v28, v27  }
0x45e: {  	v26 =	vadd.f32 v27, v28;
	v8 =	vmul.f32 v8, v15;
	v15 =	vld [tilespmem:s23+$0x6650];
	v10 =	vmul.f32 v10, v22  }
0x45f: {  	v11 =	vmul.f32 v11, v24;
	v22 =	vld [tilespmem:s23+$0x8610];
	v9 =	vmul.f32 v9, v18;
	v24 =	vsub.f32 v16, v23  }
0x460: {  	v16 =	vadd.f32 v23, v16;
	v13 =	vmul.f32 v14, v13;
	v14 =	vld [tilespmem:s23+$0x8620];
	v12 =	vmul.f32 v12, v26  }
0x461: {  	v18 =	vld [tilespmem:s23+$0x8630];
	v7 =	vmul.f32 v7, v17;
	v10 =	vadd.f32 v11, v10;
	v8 =	vadd.f32 v9, v8  }
0x462: {  	v9 =	vld [tilespmem:s23+$0x8650];
	v21 =	vmul.f32 v21, v24;
	v11 =	vadd.f32 v12, v13;
	v12 =	vmul.f32 v25, v16  }
0x463: {  	v4 =	vmul.f32 v10, v4;
	v13 =	vld [tilespmem:s23+$0x8640];
	v15 =	vmul.f32 v15, v19  }
0x464: {  	v5 =	vadd.f32 v6, v5;
	v10 =	vmul.f32 v11, v22;
	v11 =	vadd.f32 v12, v21;
	v12 =	vld [tilespmem:s23+$0x8660]  }
0x465: {  	v4 =	vadd.f32 $0.0e+00, v4;
	v8 =	vmul.f32 v8, v14;
	v6 =	vadd.f32 v15, v7;
	v7 =	vld [tilespmem:s23+$0x8670]  }
0x466: {  	v0 =	vadd.f32 v1, v0;
	v10 =	vadd.f32 $0.0e+00, v10;
	v11 =	vmul.f32 v11, v18  }
0x467: {  	v1 =	vadd.f32 v3, v2;
	v2 =	vadd.f32 v8, v4  }
0x468: {  	v4 =	vmul.f32 v6, v9;
	v5 =	vmul.f32 v5, v13;
	v3 =	vadd.f32 v11, v10  }
0x469: {  	v0 =	vmul.f32 v0, v12  }
0x46a: {  	v2 =	vadd.f32 v5, v2;
	v1 =	vmul.f32 v1, v7;
	v3 =	vadd.f32 v4, v3;
	_ =	sdelay $0x1  }
0x46b: {  	v0 =	vadd.f32 v0, v2;
	v1 =	vadd.f32 v1, v3;
	_ =	sdelay $0x1  }
0x46c: {  	v0 =	vadd.f32 v1, v0  }
0x46d: {  	s16 =	simm.s32 $0x15E00  }
0x46e: {  	s23 =	simm.s32 $0x80;
	[tilespmem:s16+$0x0] =	vst v0  }
0x46f: {  	v14 =	vld [tilespmem:s23+$0x4660]  }
0x470: {  	v12 =	vld [tilespmem:s23+$0x6660]  }
0x471: {  	v13 =	vld [tilespmem:s23+$0x4670]  }
0x472: {  	v11 =	vld [tilespmem:s23+$0x6670]  }
0x473: {  	v0 =	vld [tilespmem:s23+$0x8600]  }
0x474: {  	v10 =	vld [tilespmem:s23+$0x4640]  }
0x475: {  	v4 =	vld [tilespmem:s23+$0x6640]  }
0x476: {  	v1 =	vld [tilespmem:s23+$0x4650]  }
0x477: {  	v3 =	vld [tilespmem:s23+$0x4620]  }
0x478: {  	v2 =	vld [tilespmem:s23+$0x6620]  }
0x479: {  	v5 =	vld [tilespmem:s23+$0x4600]  }
0x47a: {  	v6 =	vld [tilespmem:s23+$0x6600]  }
0x47b: {  	v25 =	vld [tilespmem:s23+$0x2660]  }
0x47c: {  	v26 =	vld [tilespmem:s23+$0x660]  }
0x47d: {  	v8 =	vld [tilespmem:s23+$0x4610]  }
0x47e: {  	v23 =	vld [tilespmem:s23+$0x2670]  }
0x47f: {  	v24 =	vld [tilespmem:s23+$0x670]  }
0x480: {  	v16 =	vld [tilespmem:s23+$0x2640]  }
0x481: {  	v18 =	vld [tilespmem:s23+$0x640]  }
0x482: {  	v7 =	vld [tilespmem:s23+$0x2650]  }
0x483: {  	v9 =	vld [tilespmem:s23+$0x650]  }
0x484: {  	v19 =	vld [tilespmem:s23+$0x2620]  }
0x485: {  	v21 =	vld [tilespmem:s23+$0x620]  }
0x486: {  	v15 =	vld [tilespmem:s23+$0x2630]  }
0x487: {  	v20 =	vld [tilespmem:s23+$0x2600]  }
0x488: {  	v22 =	vld [tilespmem:s23+$0x600];
	v27 =	vsub.f32 v26, v25  }
0x489: {  	s0 =	simm.s32 $0x400;
	v17 =	vld [tilespmem:s23+$0x2610];
	v25 =	vadd.f32 v25, v26;
	v26 =	vsub.f32 v24, v23  }
.LBB2_14:
0x48a: {  	p0 =	sne.s32 s0, $0x7E00;
	v28 =	vld [tilespmem:s23+$0x610];
	v14 =	vmul.f32 v14, v27;
	v23 =	vadd.f32 v23, v24  }
0x48b: {  	v27 =	vsub.f32 v18, v16;
	v24 =	vld [tilespmem:s23+$0x630];
	v12 =	vmul.f32 v12, v25;
	v13 =	vmul.f32 v13, v26  }
0x48c: {  	v16 =	vadd.f32 v16, v18;
	v18 =	vsub.f32 v9, v7;
	v25 =	vld [tilespmem:s23+$0x6610];
	v11 =	vmul.f32 v11, v23  }
0x48d: {  	v23 =	vsub.f32 v21, v19;
	v19 =	vadd.f32 v19, v21;
	v10 =	vmul.f32 v10, v27;
	v21 =	vld [tilespmem:s23+$0x4630]  }
0x48e: {  	v4 =	vmul.f32 v4, v16;
	v26 =	vsub.f32 v22, v20;
	v20 =	vadd.f32 v20, v22;
	v22 =	vld [tilespmem:s23+$0x6630]  }
0x48f: {  	v3 =	vmul.f32 v3, v23;
	v16 =	vsub.f32 v28, v17;
	v17 =	vadd.f32 v17, v28;
	v23 =	vld [tilespmem:s23+$0x6650]  }
0x490: {  	v5 =	vmul.f32 v5, v26;
	v6 =	vmul.f32 v6, v20;
	v20 =	vld [tilespmem:s23+$0x8610];
	v26 =	vsub.f32 v24, v15  }
0x491: {  	v15 =	vadd.f32 v15, v24;
	v8 =	vmul.f32 v8, v16;
	v16 =	vmul.f32 v25, v17;
	v17 =	vld [tilespmem:s23+$0x8620]  }
0x492: {  	v7 =	vadd.f32 v7, v9;
	v2 =	vmul.f32 v2, v19;
	v19 =	vld [tilespmem:s23+$0x8630];
	v21 =	vmul.f32 v21, v26  }
0x493: {  	v5 =	vadd.f32 v6, v5;
	v6 =	vadd.f32 v16, v8;
	v8 =	vmul.f32 v22, v15;
	v9 =	vld [tilespmem:s23+$0x8640]  }
0x494: {  	v1 =	vmul.f32 v1, v18;
	v2 =	vadd.f32 v2, v3;
	v3 =	vld [tilespmem:s23+$0x8650];
	v7 =	vmul.f32 v23, v7  }
0x495: {  	v0 =	vmul.f32 v5, v0;
	v5 =	vmul.f32 v6, v20;
	v6 =	vadd.f32 v8, v21;
	v8 =	vld [tilespmem:s23+$0x8660]  }
0x496: {  	v4 =	vadd.f32 v4, v10;
	v2 =	vmul.f32 v2, v17;
	v1 =	vadd.f32 v7, v1;
	v7 =	vld [tilespmem:s23+$0x8670]  }
0x497: {  	v0 =	vadd.f32 $0.0e+00, v0;
	v5 =	vadd.f32 $0.0e+00, v5;
	v6 =	vmul.f32 v6, v19  }
0x498: {  	v10 =	vadd.f32 v11, v13;
	v4 =	vmul.f32 v4, v9;
	v9 =	vadd.f32 v12, v14  }
0x499: {  	v0 =	vadd.f32 v2, v0;
	v2 =	vadd.f32 v6, v5;
	v1 =	vmul.f32 v1, v3  }
0x49a: {  	v3 =	vmul.f32 v9, v8  }
0x49b: {  	v0 =	vadd.f32 v4, v0;
	v1 =	vadd.f32 v1, v2;
	v2 =	vmul.f32 v10, v7;
	_ =	sdelay $0x1  }
0x49c: {  	v0 =	vadd.f32 v3, v0;
	v1 =	vadd.f32 v2, v1;
	_ =	sdelay $0x1  }
0x49d: {  	v0 =	vadd.f32 v1, v0  }
0x49e: {  	s16 =	sadd.s32 $0x10, s16  }
0x49f: {  	s23 =	sshra.s32 s0, $0x2;
	[tilespmem:s16+$0x0] =	vst v0  }
0x4a0: {  	v14 =	vld [tilespmem:s23+$0x4660]  }
0x4a1: {  	v12 =	vld [tilespmem:s23+$0x6660]  }
0x4a2: {  	v13 =	vld [tilespmem:s23+$0x4670]  }
0x4a3: {  	v11 =	vld [tilespmem:s23+$0x6670]  }
0x4a4: {  	v0 =	vld [tilespmem:s23+$0x8600]  }
0x4a5: {  	v10 =	vld [tilespmem:s23+$0x4640]  }
0x4a6: {  	v4 =	vld [tilespmem:s23+$0x6640]  }
0x4a7: {  	v1 =	vld [tilespmem:s23+$0x4650]  }
0x4a8: {  	v3 =	vld [tilespmem:s23+$0x4620]  }
0x4a9: {  	v2 =	vld [tilespmem:s23+$0x6620]  }
0x4aa: {  	v5 =	vld [tilespmem:s23+$0x4600]  }
0x4ab: {  	v6 =	vld [tilespmem:s23+$0x6600]  }
0x4ac: {  	v25 =	vld [tilespmem:s23+$0x2660]  }
0x4ad: {  	v26 =	vld [tilespmem:s23+$0x660]  }
0x4ae: {  	v8 =	vld [tilespmem:s23+$0x4610]  }
0x4af: {  	v23 =	vld [tilespmem:s23+$0x2670]  }
0x4b0: {  	v24 =	vld [tilespmem:s23+$0x670]  }
0x4b1: {  	v16 =	vld [tilespmem:s23+$0x2640]  }
0x4b2: {  	v18 =	vld [tilespmem:s23+$0x640]  }
0x4b3: {  	v7 =	vld [tilespmem:s23+$0x2650]  }
0x4b4: {  	v9 =	vld [tilespmem:s23+$0x650]  }
0x4b5: {  	v19 =	vld [tilespmem:s23+$0x2620]  }
.Ltmp6:
0x4b6: {  	v21 =	vld [tilespmem:s23+$0x620];
	(pc) =	sbr.rel @p0 .LBB2_14-.Ltmp6, $4  }
0x4b7: {  	v15 =	vld [tilespmem:s23+$0x2630]  }
0x4b8: {  	v20 =	vld [tilespmem:s23+$0x2600]  }
0x4b9: {  	v27 =	vsub.f32 v26, v25;
	v22 =	vld [tilespmem:s23+$0x600]  }
0x4ba: {  	s0 =	sadd.s32 $0x200, s0;
	v25 =	vadd.f32 v25, v26;
	v26 =	vsub.f32 v24, v23;
	v17 =	vld [tilespmem:s23+$0x2610]  }
0x4bb: {  	v23 =	vadd.f32 v23, v24  }
0x4bc: {  	v28 =	vld [tilespmem:s23+$0x610];
	v14 =	vmul.f32 v14, v27;
	v27 =	vsub.f32 v18, v16;
	v16 =	vadd.f32 v16, v18  }
0x4bd: {  	v24 =	vld [tilespmem:s23+$0x630];
	v18 =	vsub.f32 v9, v7;
	v7 =	vadd.f32 v7, v9  }
0x4be: {  	v12 =	vmul.f32 v12, v25;
	v25 =	vld [tilespmem:s23+$0x6610];
	v11 =	vmul.f32 v11, v23;
	v23 =	vsub.f32 v21, v19  }
0x4bf: {  	v13 =	vmul.f32 v13, v26;
	v19 =	vadd.f32 v19, v21;
	v21 =	vld [tilespmem:s23+$0x4630];
	v4 =	vmul.f32 v4, v16  }
0x4c0: {  	v26 =	vsub.f32 v22, v20;
	v20 =	vadd.f32 v20, v22;
	v22 =	vld [tilespmem:s23+$0x6630];
	v3 =	vmul.f32 v3, v23  }
0x4c1: {  	v23 =	vld [tilespmem:s23+$0x6650];
	v2 =	vmul.f32 v2, v19;
	v16 =	vsub.f32 v28, v17;
	v17 =	vadd.f32 v17, v28  }
0x4c2: {  	v5 =	vmul.f32 v5, v26;
	v6 =	vmul.f32 v6, v20;
	v20 =	vld [tilespmem:s23+$0x8610];
	v26 =	vsub.f32 v24, v15  }
0x4c3: {  	v19 =	vld [tilespmem:s23+$0x8630];
	v15 =	vadd.f32 v15, v24;
	v8 =	vmul.f32 v8, v16;
	v16 =	vmul.f32 v25, v17  }
0x4c4: {  	v10 =	vmul.f32 v10, v27;
	v1 =	vmul.f32 v1, v18;
	v17 =	vld [tilespmem:s23+$0x8620];
	v5 =	vadd.f32 v6, v5  }
0x4c5: {  	v9 =	vld [tilespmem:s23+$0x8640];
	v21 =	vmul.f32 v21, v26;
	v6 =	vadd.f32 v16, v8;
	v8 =	vmul.f32 v22, v15  }
0x4c6: {  	v2 =	vadd.f32 v2, v3;
	v3 =	vld [tilespmem:s23+$0x8650];
	v7 =	vmul.f32 v23, v7;
	v0 =	vmul.f32 v5, v0  }
0x4c7: {  	v4 =	vadd.f32 v4, v10;
	v5 =	vmul.f32 v6, v20;
	v6 =	vadd.f32 v8, v21;
	v8 =	vld [tilespmem:s23+$0x8660]  }
0x4c8: {  	v1 =	vadd.f32 v7, v1;
	v7 =	vld [tilespmem:s23+$0x8670];
	v0 =	vadd.f32 $0.0e+00, v0  }
0x4c9: {  	v2 =	vmul.f32 v2, v17;
	v5 =	vadd.f32 $0.0e+00, v5;
	v6 =	vmul.f32 v6, v19  }
0x4ca: {  	v10 =	vadd.f32 v11, v13;
	v4 =	vmul.f32 v4, v9;
	v9 =	vadd.f32 v12, v14  }
0x4cb: {  	v1 =	vmul.f32 v1, v3;
	v0 =	vadd.f32 v2, v0;
	v2 =	vadd.f32 v6, v5  }
0x4cc: {  	v3 =	vmul.f32 v9, v8  }
0x4cd: {  	v0 =	vadd.f32 v4, v0;
	v1 =	vadd.f32 v1, v2;
	v2 =	vmul.f32 v10, v7;
	_ =	sdelay $0x1  }
0x4ce: {  	v0 =	vadd.f32 v3, v0;
	v1 =	vadd.f32 v2, v1;
	_ =	sdelay $0x1  }
0x4cf: {  	v0 =	vadd.f32 v1, v0  }
0x4d0: {  	s0 =	sadd.s32 $0x10, s16  }
0x4d1: {  	[tilespmem:s0+$0x0] =	vst v0  }
0x4d2: {  	_ =	swait.ge [sflag:s30], $0x2000  }
0x4d3: {  	[sflag:s30] =	ssyncset.done $0x0  }
0x4d4: {  	[sflag:s30] =	ssyncadd.s32 $0xFFFFE000  }
0x4d5: {  	_ =	swait.ge [sflag:s30], $0x2000  }
0x4d6: {  	[sflag:s30] =	ssyncset.done $0x0  }
0x4d7: {  	[sflag:s30] =	ssyncadd.s32 $0xFFFFE000  }
0x4d8: {  	_ =	swait.ge [sflag:s30], $0x2000  }
0x4d9: {  	[sflag:s30] =	ssyncset.done $0x0  }
0x4da: {  	[sflag:s30] =	ssyncadd.s32 $0xFFFFE000  }
0x4db: {  	_ =	swait.ge [sflag:s30], $0x2000  }
0x4dc: {  	[sflag:s30] =	ssyncset.done $0x0  }
0x4dd: {  	[sflag:s30] =	ssyncadd.s32 $0xFFFFE000  }
0x4de: {  	_ =	swait.ge [sflag:s30], $0x2000  }
0x4df: {  	[sflag:s30] =	ssyncset.done $0x0  }
0x4e0: {  	s23 =	simm.s32 $0x0;
	[sflag:s30] =	ssyncadd.s32 $0xFFFFE000  }
0x4e1: {  	v0 =	vld [tilespmem:s23+$0xE660]  }
0x4e2: {  	v1 =	vld [tilespmem:s23+$0x10660]  }
0x4e3: {  	v2 =	vld [tilespmem:s23+$0xE670]  }
0x4e4: {  	v3 =	vld [tilespmem:s23+$0x10670]  }
0x4e5: {  	v4 =	vld [tilespmem:s23+$0x12600]  }
0x4e6: {  	v5 =	vld [tilespmem:s23+$0xE640]  }
0x4e7: {  	v6 =	vld [tilespmem:s23+$0x10640]  }
0x4e8: {  	v7 =	vld [tilespmem:s23+$0xE650]  }
0x4e9: {  	v8 =	vld [tilespmem:s23+$0xE620]  }
0x4ea: {  	v9 =	vld [tilespmem:s23+$0x10620]  }
0x4eb: {  	v10 =	vld [tilespmem:s23+$0xE600]  }
0x4ec: {  	v11 =	vld [tilespmem:s23+$0x10600]  }
0x4ed: {  	v12 =	vld [tilespmem:s23+$0xC660]  }
0x4ee: {  	v13 =	vld [tilespmem:s23+$0xA660]  }
0x4ef: {  	v14 =	vld [tilespmem:s23+$0xE610]  }
0x4f0: {  	v15 =	vld [tilespmem:s23+$0xC670]  }
0x4f1: {  	v16 =	vld [tilespmem:s23+$0xA670]  }
0x4f2: {  	v17 =	vld [tilespmem:s23+$0xC640]  }
0x4f3: {  	v18 =	vld [tilespmem:s23+$0xA640]  }
0x4f4: {  	v19 =	vld [tilespmem:s23+$0xC650]  }
0x4f5: {  	v20 =	vld [tilespmem:s23+$0xA650]  }
0x4f6: {  	v21 =	vld [tilespmem:s23+$0xC620]  }
0x4f7: {  	v22 =	vld [tilespmem:s23+$0xA620]  }
0x4f8: {  	v24 =	vld [tilespmem:s23+$0xC600]  }
0x4f9: {  	v25 =	vld [tilespmem:s23+$0xA600];
	v26 =	vsub.f32 v13, v12  }
0x4fa: {  	v27 =	vld [tilespmem:s23+$0xC610];
	v12 =	vadd.f32 v12, v13;
	v13 =	vsub.f32 v16, v15  }
0x4fb: {  	v28 =	vld [tilespmem:s23+$0xA610];
	v15 =	vadd.f32 v15, v16;
	v0 =	vmul.f32 v0, v26  }
0x4fc: {  	v23 =	vld [tilespmem:s23+$0xC630];
	v26 =	vsub.f32 v18, v17;
	v2 =	vmul.f32 v2, v13;
	v13 =	vadd.f32 v17, v18  }
0x4fd: {  	v16 =	vld [tilespmem:s23+$0xA630];
	v17 =	vsub.f32 v20, v19;
	v3 =	vmul.f32 v3, v15;
	v15 =	vsub.f32 v22, v21  }
0x4fe: {  	v1 =	vmul.f32 v1, v12;
	v12 =	vld [tilespmem:s23+$0x10610];
	v18 =	vadd.f32 v21, v22;
	v22 =	vsub.f32 v25, v24  }
0x4ff: {  	v21 =	vld [tilespmem:s23+$0xE630];
	v24 =	vadd.f32 v24, v25;
	v19 =	vadd.f32 v19, v20  }
0x500: {  	v25 =	vld [tilespmem:s23+$0x10630];
	v5 =	vmul.f32 v5, v26;
	v6 =	vmul.f32 v6, v13;
	v13 =	vsub.f32 v28, v27  }
0x501: {  	v26 =	vadd.f32 v27, v28;
	v8 =	vmul.f32 v8, v15;
	v15 =	vld [tilespmem:s23+$0x10650];
	v10 =	vmul.f32 v10, v22  }
0x502: {  	v11 =	vmul.f32 v11, v24;
	v22 =	vld [tilespmem:s23+$0x12610];
	v9 =	vmul.f32 v9, v18;
	v24 =	vsub.f32 v16, v23  }
0x503: {  	v16 =	vadd.f32 v23, v16;
	v13 =	vmul.f32 v14, v13;
	v14 =	vld [tilespmem:s23+$0x12620];
	v12 =	vmul.f32 v12, v26  }
0x504: {  	v18 =	vld [tilespmem:s23+$0x12630];
	v7 =	vmul.f32 v7, v17;
	v10 =	vadd.f32 v11, v10;
	v8 =	vadd.f32 v9, v8  }
0x505: {  	v9 =	vld [tilespmem:s23+$0x12650];
	v21 =	vmul.f32 v21, v24;
	v11 =	vadd.f32 v12, v13;
	v12 =	vmul.f32 v25, v16  }
0x506: {  	v4 =	vmul.f32 v10, v4;
	v13 =	vld [tilespmem:s23+$0x12640];
	v15 =	vmul.f32 v15, v19  }
0x507: {  	v5 =	vadd.f32 v6, v5;
	v10 =	vmul.f32 v11, v22;
	v11 =	vadd.f32 v12, v21;
	v12 =	vld [tilespmem:s23+$0x12660]  }
0x508: {  	v4 =	vadd.f32 $0.0e+00, v4;
	v8 =	vmul.f32 v8, v14;
	v6 =	vadd.f32 v15, v7;
	v7 =	vld [tilespmem:s23+$0x12670]  }
0x509: {  	v0 =	vadd.f32 v1, v0;
	v10 =	vadd.f32 $0.0e+00, v10;
	v11 =	vmul.f32 v11, v18  }
0x50a: {  	v1 =	vadd.f32 v3, v2;
	v2 =	vadd.f32 v8, v4  }
0x50b: {  	v4 =	vmul.f32 v6, v9;
	v5 =	vmul.f32 v5, v13;
	v3 =	vadd.f32 v11, v10  }
0x50c: {  	v0 =	vmul.f32 v0, v12  }
0x50d: {  	v2 =	vadd.f32 v5, v2;
	v1 =	vmul.f32 v1, v7;
	v3 =	vadd.f32 v4, v3;
	_ =	sdelay $0x1  }
0x50e: {  	v0 =	vadd.f32 v0, v2;
	v1 =	vadd.f32 v1, v3;
	_ =	sdelay $0x1  }
0x50f: {  	v0 =	vadd.f32 v1, v0  }
0x510: {  	s16 =	simm.s32 $0x16200  }
0x511: {  	s23 =	simm.s32 $0x80;
	[tilespmem:s16+$0x0] =	vst v0  }
0x512: {  	v14 =	vld [tilespmem:s23+$0xE660]  }
0x513: {  	v12 =	vld [tilespmem:s23+$0x10660]  }
0x514: {  	v13 =	vld [tilespmem:s23+$0xE670]  }
0x515: {  	v11 =	vld [tilespmem:s23+$0x10670]  }
0x516: {  	v0 =	vld [tilespmem:s23+$0x12600]  }
0x517: {  	v10 =	vld [tilespmem:s23+$0xE640]  }
0x518: {  	v4 =	vld [tilespmem:s23+$0x10640]  }
0x519: {  	v1 =	vld [tilespmem:s23+$0xE650]  }
0x51a: {  	v3 =	vld [tilespmem:s23+$0xE620]  }
0x51b: {  	v2 =	vld [tilespmem:s23+$0x10620]  }
0x51c: {  	v5 =	vld [tilespmem:s23+$0xE600]  }
0x51d: {  	v6 =	vld [tilespmem:s23+$0x10600]  }
0x51e: {  	v25 =	vld [tilespmem:s23+$0xC660]  }
0x51f: {  	v26 =	vld [tilespmem:s23+$0xA660]  }
0x520: {  	v8 =	vld [tilespmem:s23+$0xE610]  }
0x521: {  	v23 =	vld [tilespmem:s23+$0xC670]  }
0x522: {  	v24 =	vld [tilespmem:s23+$0xA670]  }
0x523: {  	v16 =	vld [tilespmem:s23+$0xC640]  }
0x524: {  	v18 =	vld [tilespmem:s23+$0xA640]  }
0x525: {  	v7 =	vld [tilespmem:s23+$0xC650]  }
0x526: {  	v9 =	vld [tilespmem:s23+$0xA650]  }
0x527: {  	v19 =	vld [tilespmem:s23+$0xC620]  }
0x528: {  	v21 =	vld [tilespmem:s23+$0xA620]  }
0x529: {  	v15 =	vld [tilespmem:s23+$0xC630]  }
0x52a: {  	v20 =	vld [tilespmem:s23+$0xC600]  }
0x52b: {  	v22 =	vld [tilespmem:s23+$0xA600];
	v27 =	vsub.f32 v26, v25  }
0x52c: {  	s0 =	simm.s32 $0x400;
	v17 =	vld [tilespmem:s23+$0xC610];
	v25 =	vadd.f32 v25, v26;
	v26 =	vsub.f32 v24, v23  }
.LBB2_16:
0x52d: {  	p0 =	sne.s32 s0, $0x7E00;
	v28 =	vld [tilespmem:s23+$0xA610];
	v14 =	vmul.f32 v14, v27;
	v23 =	vadd.f32 v23, v24  }
0x52e: {  	v27 =	vsub.f32 v18, v16;
	v24 =	vld [tilespmem:s23+$0xA630];
	v12 =	vmul.f32 v12, v25;
	v13 =	vmul.f32 v13, v26  }
0x52f: {  	v16 =	vadd.f32 v16, v18;
	v18 =	vsub.f32 v9, v7;
	v25 =	vld [tilespmem:s23+$0x10610];
	v11 =	vmul.f32 v11, v23  }
0x530: {  	v23 =	vsub.f32 v21, v19;
	v19 =	vadd.f32 v19, v21;
	v10 =	vmul.f32 v10, v27;
	v21 =	vld [tilespmem:s23+$0xE630]  }
0x531: {  	v4 =	vmul.f32 v4, v16;
	v26 =	vsub.f32 v22, v20;
	v20 =	vadd.f32 v20, v22;
	v22 =	vld [tilespmem:s23+$0x10630]  }
0x532: {  	v3 =	vmul.f32 v3, v23;
	v16 =	vsub.f32 v28, v17;
	v17 =	vadd.f32 v17, v28;
	v23 =	vld [tilespmem:s23+$0x10650]  }
0x533: {  	v5 =	vmul.f32 v5, v26;
	v6 =	vmul.f32 v6, v20;
	v20 =	vld [tilespmem:s23+$0x12610];
	v26 =	vsub.f32 v24, v15  }
0x534: {  	v15 =	vadd.f32 v15, v24;
	v8 =	vmul.f32 v8, v16;
	v16 =	vmul.f32 v25, v17;
	v17 =	vld [tilespmem:s23+$0x12620]  }
0x535: {  	v7 =	vadd.f32 v7, v9;
	v2 =	vmul.f32 v2, v19;
	v19 =	vld [tilespmem:s23+$0x12630];
	v21 =	vmul.f32 v21, v26  }
0x536: {  	v5 =	vadd.f32 v6, v5;
	v6 =	vadd.f32 v16, v8;
	v8 =	vmul.f32 v22, v15;
	v9 =	vld [tilespmem:s23+$0x12640]  }
0x537: {  	v1 =	vmul.f32 v1, v18;
	v2 =	vadd.f32 v2, v3;
	v3 =	vld [tilespmem:s23+$0x12650];
	v7 =	vmul.f32 v23, v7  }
0x538: {  	v0 =	vmul.f32 v5, v0;
	v5 =	vmul.f32 v6, v20;
	v6 =	vadd.f32 v8, v21;
	v8 =	vld [tilespmem:s23+$0x12660]  }
0x539: {  	v4 =	vadd.f32 v4, v10;
	v2 =	vmul.f32 v2, v17;
	v1 =	vadd.f32 v7, v1;
	v7 =	vld [tilespmem:s23+$0x12670]  }
0x53a: {  	v0 =	vadd.f32 $0.0e+00, v0;
	v5 =	vadd.f32 $0.0e+00, v5;
	v6 =	vmul.f32 v6, v19  }
0x53b: {  	v10 =	vadd.f32 v11, v13;
	v4 =	vmul.f32 v4, v9;
	v9 =	vadd.f32 v12, v14  }
0x53c: {  	v0 =	vadd.f32 v2, v0;
	v2 =	vadd.f32 v6, v5;
	v1 =	vmul.f32 v1, v3  }
0x53d: {  	v3 =	vmul.f32 v9, v8  }
0x53e: {  	v0 =	vadd.f32 v4, v0;
	v1 =	vadd.f32 v1, v2;
	v2 =	vmul.f32 v10, v7;
	_ =	sdelay $0x1  }
0x53f: {  	v0 =	vadd.f32 v3, v0;
	v1 =	vadd.f32 v2, v1;
	_ =	sdelay $0x1  }
0x540: {  	v0 =	vadd.f32 v1, v0  }
0x541: {  	s16 =	sadd.s32 $0x10, s16  }
0x542: {  	s23 =	sshra.s32 s0, $0x2;
	[tilespmem:s16+$0x0] =	vst v0  }
0x543: {  	v14 =	vld [tilespmem:s23+$0xE660]  }
0x544: {  	v12 =	vld [tilespmem:s23+$0x10660]  }
0x545: {  	v13 =	vld [tilespmem:s23+$0xE670]  }
0x546: {  	v11 =	vld [tilespmem:s23+$0x10670]  }
0x547: {  	v0 =	vld [tilespmem:s23+$0x12600]  }
0x548: {  	v10 =	vld [tilespmem:s23+$0xE640]  }
0x549: {  	v4 =	vld [tilespmem:s23+$0x10640]  }
0x54a: {  	v1 =	vld [tilespmem:s23+$0xE650]  }
0x54b: {  	v3 =	vld [tilespmem:s23+$0xE620]  }
0x54c: {  	v2 =	vld [tilespmem:s23+$0x10620]  }
0x54d: {  	v5 =	vld [tilespmem:s23+$0xE600]  }
0x54e: {  	v6 =	vld [tilespmem:s23+$0x10600]  }
0x54f: {  	v25 =	vld [tilespmem:s23+$0xC660]  }
0x550: {  	v26 =	vld [tilespmem:s23+$0xA660]  }
0x551: {  	v8 =	vld [tilespmem:s23+$0xE610]  }
0x552: {  	v23 =	vld [tilespmem:s23+$0xC670]  }
0x553: {  	v24 =	vld [tilespmem:s23+$0xA670]  }
0x554: {  	v16 =	vld [tilespmem:s23+$0xC640]  }
0x555: {  	v18 =	vld [tilespmem:s23+$0xA640]  }
0x556: {  	v7 =	vld [tilespmem:s23+$0xC650]  }
0x557: {  	v9 =	vld [tilespmem:s23+$0xA650]  }
0x558: {  	v19 =	vld [tilespmem:s23+$0xC620]  }
.Ltmp7:
0x559: {  	v21 =	vld [tilespmem:s23+$0xA620];
	(pc) =	sbr.rel @p0 .LBB2_16-.Ltmp7, $4  }
0x55a: {  	v15 =	vld [tilespmem:s23+$0xC630]  }
0x55b: {  	v20 =	vld [tilespmem:s23+$0xC600]  }
0x55c: {  	v27 =	vsub.f32 v26, v25;
	v22 =	vld [tilespmem:s23+$0xA600]  }
0x55d: {  	s0 =	sadd.s32 $0x200, s0;
	v25 =	vadd.f32 v25, v26;
	v26 =	vsub.f32 v24, v23;
	v17 =	vld [tilespmem:s23+$0xC610]  }
0x55e: {  	v28 =	vld [tilespmem:s23+$0xA610];
	v23 =	vadd.f32 v23, v24;
	v31 =	vsub.f32 v18, v16  }
0x55f: {  	v14 =	vmul.f32 v14, v27;
	v30 =	vld [tilespmem:s23+$0xA630];
	v33 =	vadd.f32 v16, v18;
	v34 =	vsub.f32 v9, v7  }
0x560: {  	v32 =	vld [tilespmem:s23+$0x10610];
	v35 =	vsub.f32 v21, v19;
	v12 =	vmul.f32 v12, v25;
	v13 =	vmul.f32 v13, v26  }
0x561: {  	v36 =	vadd.f32 v19, v21;
	v37 =	vld [tilespmem:s23+$0xE630];
	v11 =	vmul.f32 v11, v23;
	v10 =	vmul.f32 v10, v31  }
0x562: {  	v40 =	vld [tilespmem:s23+$0x10630];
	v4 =	vmul.f32 v4, v33;
	v38 =	vsub.f32 v22, v20;
	v39 =	vadd.f32 v20, v22  }
0x563: {  	v43 =	vld [tilespmem:s23+$0x10650];
	v3 =	vmul.f32 v3, v35;
	v41 =	vsub.f32 v28, v17;
	v42 =	vadd.f32 v17, v28  }
0x564: {  	v44 =	vld [tilespmem:s23+$0x12610];
	v5 =	vmul.f32 v5, v38;
	v6 =	vmul.f32 v6, v39;
	v45 =	vsub.f32 v30, v15  }
0x565: {  	v47 =	vld [tilespmem:s23+$0x12620];
	v48 =	vadd.f32 v15, v30;
	v8 =	vmul.f32 v8, v41;
	v46 =	vmul.f32 v32, v42  }
0x566: {  	v49 =	vld [tilespmem:s23+$0x12630];
	v50 =	vadd.f32 v7, v9;
	v2 =	vmul.f32 v2, v36;
	v21 =	vmul.f32 v37, v45  }
0x567: {  	v53 =	vld [tilespmem:s23+$0x12640];
	v5 =	vadd.f32 v6, v5;
	v52 =	vmul.f32 v40, v48;
	v51 =	vadd.f32 v46, v8  }
0x568: {  	v54 =	vld [tilespmem:s23+$0x12650];
	v1 =	vmul.f32 v1, v34;
	v2 =	vadd.f32 v2, v3;
	v7 =	vmul.f32 v43, v50  }
0x569: {  	v57 =	vld [tilespmem:s23+$0x12660];
	v0 =	vmul.f32 v5, v0;
	v56 =	vadd.f32 v52, v21;
	v55 =	vmul.f32 v51, v44  }
0x56a: {  	v58 =	vld [tilespmem:s23+$0x12670];
	v4 =	vadd.f32 v4, v10;
	v2 =	vmul.f32 v2, v47;
	v1 =	vadd.f32 v7, v1  }
0x56b: {  	v0 =	vadd.f32 $0.0e+00, v0;
	v6 =	vmul.f32 v56, v49;
	v5 =	vadd.f32 $0.0e+00, v55  }
0x56c: {  	v59 =	vadd.f32 v12, v14;
	v60 =	vadd.f32 v11, v13;
	v4 =	vmul.f32 v4, v53  }
0x56d: {  	v1 =	vmul.f32 v1, v54;
	v0 =	vadd.f32 v2, v0;
	v61 =	vadd.f32 v6, v5  }
0x56e: {  	v62 =	vmul.f32 v59, v57  }
0x56f: {  	v63 =	vmul.f32 v60, v58;
	v0 =	vadd.f32 v4, v0;
	v1 =	vadd.f32 v1, v61;
	_ =	sdelay $0x1  }
0x570: {  	v0 =	vadd.f32 v62, v0;
	v1 =	vadd.f32 v63, v1;
	_ =	sdelay $0x1  }
0x571: {  	s2 =	sadd.s32 $0x1, s2;
	v0 =	vadd.f32 v1, v0  }
0x572: {  	s0 =	sadd.s32 $0x10, s16;
	p0 =	sne.s32 s2, s8  }
.Ltmp8:
0x573: {  	[tilespmem:s0+$0x0] =	vst v0;
	(pc) =	sbr.rel @p0 .LBB2_1-.Ltmp8, $4  }
0x574: {  	[hbm4b:s7+s5] =	stream.linear.scatter [tilespmem:s31], [sflag:$0x3], $0x2000, $0x38;
	[tilespmem:$0x16600] =	vst v63  }
0x575: {  	_ =	swait.ge [sflag:s9], $0x2000  }
0x576: {  	[sflag:s9] =	ssyncset.done $0x0  }
0x577: {  	[sflag:s9] =	ssyncadd.s32 $0xFFFFE000  }
0x578: {  	_ =	sfence.sel $0x180000  }
0x579: {  	[bflag:$0x0] =	sbarrier.arrive $0xFFFF  }
0x57a: {  	_ =	strace $0x90000047  }
0x57b: {  	s0 =	stileid.u32;
	[bflag:$0x2] =	sbarrier.arrive $0xFFFF  }
0x57c: {  	p0 =	sne.s32 s0, $0x0;
	s0 =	rddreg [dreg:$0x4]  }
0x57d: {  	s0 =	sadd.s32 @!p0 $0x100000, s0  }
0x57e: {  	[sflag:s0] =	ssyncadd.tile.s32 @!p0 $0x1;
	_ =	shalt  }
.Lfunc_end2:
_tile_overlayer_lowered:
.L_overlay_start_2:
0x57f: {  	(tag) =	ssettag $0x2  }
0x580: {  	s0 =	rddreg [dreg:$0x0];
	s2 =	stileid.u32  }
0x581: {  	s1 =	rddreg [dreg:$0x1];
	p0 =	sne.s32 s2, $0x0  }
0x582: {  	s3 =	rddreg [dreg:$0x2];
	[bflag:$0x3] =	sbarrier.arrive $0xFFFF;
	s2 =	simm.s32 @!p0 $0x1C03  }
0x583: {  	[timem:s3], [sflag:s2] =	dma.local @!p0 [hbm:s0], s1  }
0x584: {  	s0 =	simm.s32 @!p0 $0x3  }
0x585: {  	_ =	swait.ge @!p0 [sflag:s0], s1  }
0x586: {  	s1 =	ssub.s32 @!p0 $0x0, s1;
	[sflag:s0] =	ssyncset.done @!p0 $0x0  }
0x587: {  	[sflag:s0] =	ssyncadd.s32 @!p0 s1  }
0x588: {  	[bflag:$0x3] =	sbarrier.arrive $0xFFFF  }
0x589: {  	_ =	shalt  }

</sc_bundles>
